<compile_context>
chip_gen: v7x
topology: tpu7x:2x2x1
jax: 0.10.2.dev20260603
libtpu: 0.0.44.dev20260713+nightly
codegen_flags: <defaults>
</compile_context>

<pallas_src>
import functools

import numpy as np
import jax
import jax.numpy as jnp
from jax import lax
from jax.experimental import pallas as pl
from jax.experimental.pallas import tpu as pltpu
from jax.experimental.pallas import tpu_sc as plsc

_NUM_CORES = 2
_NUM_SUBCORES = 16
_LANES = 16
_NW = _NUM_CORES * _NUM_SUBCORES
_IL = 4
_SC_SLABS = 4
_TC_BM = 4096


def _u_thresholds(i_dim: int, m_dim: int) -> jax.Array:
    u = jax.random.uniform(jax.random.key(42), (i_dim, m_dim, 1),
                           dtype=jnp.float32)
    return u.reshape(i_dim, m_dim)


@functools.lru_cache(maxsize=2)
def _build_sc_call(i_dim: int, m_dim: int, np1: int, sc_slabs: int):
    wps = _NW // sc_slabs
    rows_per_w = m_dim // wps
    i0 = i_dim - sc_slabs
    chunk = 128
    assert rows_per_w % chunk == 0 and chunk % (_LANES * _IL) == 0
    n_chunks = rows_per_w // chunk
    assert n_chunks % 2 == 0
    groups_per_chunk = chunk // _LANES

    mesh = plsc.VectorSubcoreMesh(core_axis_name="c", subcore_axis_name="s")

    @functools.partial(
        pl.kernel,
        out_type=jax.ShapeDtypeStruct((sc_slabs, m_dim), jnp.int32),
        mesh=mesh,
        compiler_params=pltpu.CompilerParams(needs_layout_passes=False,
                                             use_tc_tiling_on_sc=True),
        scratch_types=[
            pltpu.VMEM((chunk, np1), jnp.float32),
            pltpu.VMEM((chunk, np1), jnp.float32),
            pltpu.VMEM((rows_per_w,), jnp.float32),
            pltpu.VMEM((rows_per_w,), jnp.int32),
            pltpu.SemaphoreType.DMA,
            pltpu.SemaphoreType.DMA,
        ],
    )
    def sc_count(pi_hbm, u_hbm, out_hbm, buf_a, buf_b, u_v, out_v,
                 sem_a, sem_b):
        wid = lax.axis_index("s") * _NUM_CORES + lax.axis_index("c")
        slab = wid // wps
        row0 = (wid % wps) * rows_per_w
        pltpu.sync_copy(u_hbm.at[i0 + slab, pl.ds(row0, rows_per_w)], u_v)

        bufs = (buf_a, buf_b)
        sems = (sem_a, sem_b)

        def chunk_src(ci):
            return pi_hbm.at[i0 + slab, pl.ds(row0 + ci * chunk, chunk), :]

        pltpu.async_copy(chunk_src(0), bufs[0], sems[0])

        lane = lax.iota(jnp.int32, _LANES)

        @pl.loop(0, n_chunks, step=2)
        def _chunk_loop(ci):
            for b in range(2):
                cur = ci + b

                @pl.when(cur + 1 < n_chunks)
                def _start_next():
                    pltpu.async_copy(chunk_src(cur + 1), bufs[1 - b],
                                     sems[1 - b])

                pltpu.make_async_copy(chunk_src(cur), bufs[b], sems[b]).wait()
                buf = bufs[b]

                @plsc.parallel_loop(0, groups_per_chunk, unroll=_IL)
                def _group_loop(g):
                    out_base = cur * chunk + g * _LANES
                    u_vec = u_v[pl.ds(out_base, _LANES)]
                    rows = g * _LANES + lane
                    acc = jnp.zeros((_LANES,), jnp.float32)
                    cnt = jnp.zeros((_LANES,), jnp.int32)
                    for k in range(np1):
                        col = jnp.full((_LANES,), k, jnp.int32)
                        v = plsc.load_gather(buf, [rows, col])
                        acc = acc + v
                        cnt = jnp.where(u_vec > acc, cnt + 1, cnt)
                    out_v[pl.ds(out_base, _LANES)] = cnt

        pltpu.sync_copy(out_v, out_hbm.at[slab, pl.ds(row0, rows_per_w)])

    return sc_count


def _tc_body(pi_ref, u_ref, out_ref):
    x = pi_ref[...]
    np1 = x.shape[-1]
    row = lax.broadcasted_iota(jnp.int32, (np1, np1), 0)
    col = lax.broadcasted_iota(jnp.int32, (np1, np1), 1)
    tri = (row <= col).astype(jnp.float32)
    cum = jnp.dot(x, tri, preferred_element_type=jnp.float32)
    u = u_ref[0, 0, :]
    sel = (u[:, None] > cum).astype(jnp.float32)
    ones = jnp.ones((1, np1), jnp.float32)
    cnt = lax.dot_general(ones, sel, (((1,), (1,)), ((), ())),
                          preferred_element_type=jnp.float32)
    out_ref[0, 0, :] = cnt[0, :].astype(jnp.int32)


@functools.lru_cache(maxsize=2)
def _build_tc_call(tc_rows: int, np1: int):
    assert tc_rows % _TC_BM == 0
    nb = tc_rows // _TC_BM
    return pl.pallas_call(
        _tc_body,
        grid=(nb,),
        in_specs=[
            pl.BlockSpec((_TC_BM, np1), lambda j: (j, 0)),
            pl.BlockSpec((1, 1, _TC_BM), lambda j: (j, 0, 0)),
        ],
        out_specs=pl.BlockSpec((1, 1, _TC_BM), lambda j: (j, 0, 0)),
        out_shape=jax.ShapeDtypeStruct((nb, 1, _TC_BM), jnp.int32),
    )


def kernel(pi_vectors):
    i_dim, m_dim, np1 = pi_vectors.shape
    u = _u_thresholds(i_dim, m_dim)
    i_tc = i_dim - _SC_SLABS
    tc_rows = i_tc * m_dim

    pi_flat = pi_vectors.reshape(i_dim * m_dim, np1)
    u_blk = u.reshape(i_dim * m_dim // _TC_BM, 1, _TC_BM)
    tc_out = _build_tc_call(tc_rows, np1)(pi_flat, u_blk)

    sc_out = _build_sc_call(i_dim, m_dim, np1, _SC_SLABS)(pi_vectors, u)

    return jnp.concatenate(
        [tc_out.reshape(i_tc, m_dim), sc_out], axis=0)

# --- scband reference (transcript-rebuilt; emitter-appended) ---
"""Pipeline reference for scband-swap-function-base-34668976013811 (READ-ONLY COPY).

The authoritative reference and input builder live on the scoring server;
editing this copy changes nothing except your own understanding.
"""

import jax, jax.numpy as jnp
import numpy as np

I, M, NP1 = 32, 16384, 65

def setup_inputs(seed: int = 0) -> dict:
    key = jax.random.key(seed)
    pi = jax.random.uniform(key, (I, M, NP1), dtype=jnp.float32)
    # normalize so pi_vectors is a valid categorical distribution over N+1 components
    pi = pi / jnp.sum(pi, axis=-1, keepdims=True)
    return {"pi_vectors": pi}

def reference(pi_vectors):
    # SwapFunctionBase.sample_betas
    # pi_vectors: [I, M, N+1]
    prob_cum = jnp.cumsum(pi_vectors, axis=-1)
    # torch.rand(*prob_cum.shape[:2], 1) -> fixed-key uniform for determinism
    u = jax.random.uniform(jax.random.key(42),
                           (pi_vectors.shape[0], pi_vectors.shape[1], 1),
                           dtype=pi_vectors.dtype)
    selected_components = jnp.sum((u > prob_cum).astype(jnp.int32), axis=-1)
    return selected_components

if __name__ == "__main__":
    import jax
    _d = setup_inputs()
    print(jax.jit(kernel)(*tuple(_d.values())))

</pallas_src>

<mosaic_0001>
#map = affine_map<(d0, d1) -> (0, 0, 0)>
#map1 = affine_map<(d0, d1) -> (0, 0)>
module attributes {stable_mosaic.version = 14 : i64} {
  func.func @sc_count(%arg0: i32, %arg1: i32, %arg2: memref<32x16384x65xf32, #tpu.memory_space<hbm>>, %arg3: memref<32x16384xf32, #tpu.memory_space<hbm>>, %arg4: memref<4x16384xi32, #tpu.memory_space<hbm>>, %arg5: memref<128x65xf32, #tpu.memory_space<vmem>>, %arg6: memref<128x65xf32, #tpu.memory_space<vmem>>, %arg7: memref<2048xf32, #tpu.memory_space<vmem>>, %arg8: memref<2048xi32, #tpu.memory_space<vmem>>, %arg9: memref<!tpu.dma_semaphore, #tpu.memory_space<semaphore_mem>>, %arg10: memref<!tpu.dma_semaphore, #tpu.memory_space<semaphore_mem>>) attributes {dimension_semantics = [#tpu.dimension_semantics<core_parallel>, #tpu.dimension_semantics<subcore_parallel>], iteration_bounds = array<i64: 2, 16>, scalar_prefetch = 0 : i64, scratch_operands = 6 : i64, tpu.core_type = #tpu.core_type<sc_vector_subcore>, window_params = [{transform_indices = #map}, {transform_indices = #map1}, {transform_indices = #map1}]} {
    %mul3A = arith.constant 2 : i32
    %mul3A_0 = arith.muli %arg1, %mul3A : i32
    %add3A = arith.addi %mul3A_0, %arg0 : i32
    %jit3A = arith.constant 8 : i32
    %div3A = arith.divsi %add3A, %jit3A : i32
    %sign3A = arith.constant 0 : i32
    %sign3A_1 = arith.cmpi sgt, %add3A, %sign3A : i32
    %sign3A_2 = arith.extui %sign3A_1 : i1 to i32
    %sign3A_3 = arith.constant 0 : i32
    %sign3A_4 = arith.cmpi slt, %add3A, %sign3A_3 : i32
    %sign3A_5 = arith.extui %sign3A_4 : i1 to i32
    %sign3A_6 = arith.subi %sign3A_2, %sign3A_5 : i32
    %sign3A_7 = arith.constant 0 : i32
    %sign3A_8 = arith.cmpi sgt, %jit3A, %sign3A_7 : i32
    %sign3A_9 = arith.extui %sign3A_8 : i1 to i32
    %sign3A_10 = arith.constant 0 : i32
    %sign3A_11 = arith.cmpi slt, %jit3A, %sign3A_10 : i32
    %sign3A_12 = arith.extui %sign3A_11 : i1 to i32
    %sign3A_13 = arith.subi %sign3A_9, %sign3A_12 : i32
    %ne3A = arith.cmpi ne, %sign3A_6, %sign3A_13 : i32
    %rem3A = arith.remsi %add3A, %jit3A : i32
    %ne3A_14 = arith.constant 0 : i32
    %ne3A_15 = arith.cmpi ne, %rem3A, %ne3A_14 : i32
    %and3A = arith.andi %ne3A, %ne3A_15 : i1
    %sub3A = arith.constant 1 : i32
    %sub3A_16 = arith.subi %div3A, %sub3A : i32
    %select_n3A = arith.select %and3A, %sub3A_16, %div3A : i32
    %jit3A_17 = arith.constant 8 : i32
    %eq3A = arith.constant 0 : i32
    %eq3A_18 = arith.cmpi eq, %jit3A_17, %eq3A : i32
    %jit3A_19 = arith.constant 1 : i32
    %select_n3A_20 = arith.select %eq3A_18, %jit3A_19, %jit3A_17 : i32
    %rem3A_21 = arith.remsi %add3A, %select_n3A_20 : i32
    %ne3A_22 = arith.constant 0 : i32
    %ne3A_23 = arith.cmpi ne, %rem3A_21, %ne3A_22 : i32
    %lt3A = arith.constant 0 : i32
    %lt3A_24 = arith.cmpi slt, %rem3A_21, %lt3A : i32
    %lt3A_25 = arith.constant 0 : i32
    %lt3A_26 = arith.cmpi slt, %select_n3A_20, %lt3A_25 : i32
    %ne3A_27 = arith.xori %lt3A_24, %lt3A_26 : i1
    %and3A_28 = arith.andi %ne3A_27, %ne3A_23 : i1
    %add3A_29 = arith.addi %rem3A_21, %select_n3A_20 : i32
    %select_n3A_30 = arith.select %and3A_28, %add3A_29, %rem3A_21 : i32
    %mul3A_31 = arith.constant 2048 : i32
    %mul3A_32 = arith.muli %select_n3A_30, %mul3A_31 : i32
    %add3A_33 = arith.constant 28 : i32
    %add3A_34 = arith.addi %add3A_33, %select_n3A : i32
    "tpu.region"() ({
      %run_scoped3A = tpu.sem_alloc : memref<!tpu.dma_semaphore, #tpu.memory_space<semaphore_mem>>
      %dma_start3A_48 = tpu.memref_slice %arg3[%add3A_34, %mul3A_32] : memref<32x16384xf32, #tpu.memory_space<hbm>> -> memref<1x2048xf32, #tpu.memory_space<hbm>>
      %dma_start3A_49 = tpu.memref_squeeze %dma_start3A_48 : memref<1x2048xf32, #tpu.memory_space<hbm>> -> memref<2048xf32, #tpu.memory_space<hbm>>
      %dma_start3A_50 = tpu.memref_slice %arg3[%add3A_34, %mul3A_32] : memref<32x16384xf32, #tpu.memory_space<hbm>> -> memref<1x2048xf32, #tpu.memory_space<hbm>>
      %dma_start3A_51 = tpu.memref_squeeze %dma_start3A_50 : memref<1x2048xf32, #tpu.memory_space<hbm>> -> memref<2048xf32, #tpu.memory_space<hbm>>
      tpu.enqueue_dma source(%dma_start3A_51 : memref<2048xf32, #tpu.memory_space<hbm>>) target(%arg7 : memref<2048xf32, #tpu.memory_space<vmem>>) target_semaphore(%run_scoped3A : memref<!tpu.dma_semaphore, #tpu.memory_space<semaphore_mem>>)
      %dma_wait3A = tpu.memref_slice %arg3[%add3A_34, %mul3A_32] : memref<32x16384xf32, #tpu.memory_space<hbm>> -> memref<1x2048xf32, #tpu.memory_space<hbm>>
      %dma_wait3A_52 = tpu.memref_squeeze %dma_wait3A : memref<1x2048xf32, #tpu.memory_space<hbm>> -> memref<2048xf32, #tpu.memory_space<hbm>>
      %dma_wait3A_53 = tpu.memref_slice %arg3[%add3A_34, %mul3A_32] : memref<32x16384xf32, #tpu.memory_space<hbm>> -> memref<1x2048xf32, #tpu.memory_space<hbm>>
      %dma_wait3A_54 = tpu.memref_squeeze %dma_wait3A_53 : memref<1x2048xf32, #tpu.memory_space<hbm>> -> memref<2048xf32, #tpu.memory_space<hbm>>
      tpu.wait_dma2 semaphore(%run_scoped3A : memref<!tpu.dma_semaphore, #tpu.memory_space<semaphore_mem>>) src(%dma_wait3A_54 : memref<2048xf32, #tpu.memory_space<hbm>>) dst(%arg7 : memref<2048xf32, #tpu.memory_space<vmem>>)
      tpu.yield
    }) : () -> ()
    %add3A_35 = arith.constant 28 : i32
    %add3A_36 = arith.addi %add3A_35, %select_n3A : i32
    %add3A_37 = arith.constant 0 : i32
    %add3A_38 = arith.addi %mul3A_32, %add3A_37 : i32
    %dma_start3A = arith.constant 0 : i32
    %dma_start3A_39 = tpu.memref_slice %arg2[%add3A_36, %add3A_38, %dma_start3A] : memref<32x16384x65xf32, #tpu.memory_space<hbm>> -> memref<1x128x65xf32, #tpu.memory_space<hbm>>
    %dma_start3A_40 = tpu.memref_squeeze %dma_start3A_39 : memref<1x128x65xf32, #tpu.memory_space<hbm>> -> memref<128x65xf32, #tpu.memory_space<hbm>>
    %dma_start3A_41 = arith.constant 0 : i32
    %dma_start3A_42 = tpu.memref_slice %arg2[%add3A_36, %add3A_38, %dma_start3A_41] : memref<32x16384x65xf32, #tpu.memory_space<hbm>> -> memref<1x128x65xf32, #tpu.memory_space<hbm>>
    %dma_start3A_43 = tpu.memref_squeeze %dma_start3A_42 : memref<1x128x65xf32, #tpu.memory_space<hbm>> -> memref<128x65xf32, #tpu.memory_space<hbm>>
    tpu.enqueue_dma source(%dma_start3A_43 : memref<128x65xf32, #tpu.memory_space<hbm>>) target(%arg5 : memref<128x65xf32, #tpu.memory_space<vmem>>) target_semaphore(%arg9 : memref<!tpu.dma_semaphore, #tpu.memory_space<semaphore_mem>>)
    %iota3A = tpu.iota {dimensions = array<i32: 0>} : vector<16xi32>
    %scan3A = arith.constant 0 : i32
    %scan3A_44 = arith.constant 8 : i32
    %scan3A_45 = arith.addi %scan3A, %scan3A_44 : i32
    %scan3A_46 = arith.constant 1 : i32
    scf.for %scan3A_48 = %scan3A to %scan3A_45 step %scan3A_46  : i32 {
      %mul3A_49 = arith.constant 2 : i32
      %mul3A_50 = arith.muli %scan3A_48, %mul3A_49 : i32
      %add3A_51 = arith.constant 0 : i32
      %add3A_52 = arith.addi %add3A_51, %mul3A_50 : i32
      %add3A_53 = arith.constant 0 : i32
      %add3A_54 = arith.addi %add3A_52, %add3A_53 : i32
      %add3A_55 = arith.constant 1 : i32
      %add3A_56 = arith.addi %add3A_54, %add3A_55 : i32
      %lt3A_57 = arith.constant 16 : i32
      %lt3A_58 = arith.cmpi slt, %add3A_56, %lt3A_57 : i32
      %convert_element_type3A = arith.extui %lt3A_58 : i1 to i32
      %cond3A = arith.constant 0 : i32
      %cond3A_59 = arith.cmpi ne, %convert_element_type3A, %cond3A : i32
      scf.if %cond3A_59 {
        %add3A_95 = arith.constant 1 : i32
        %add3A_96 = arith.addi %add3A_54, %add3A_95 : i32
        %add3A_97 = arith.constant 28 : i32
        %add3A_98 = arith.addi %add3A_97, %select_n3A : i32
        %mul3A_99 = arith.constant 128 : i32
        %mul3A_100 = arith.muli %add3A_96, %mul3A_99 : i32
        %add3A_101 = arith.addi %mul3A_32, %mul3A_100 : i32
        %dma_start3A_102 = arith.constant 0 : i32
        %dma_start3A_103 = tpu.memref_slice %arg2[%add3A_98, %add3A_101, %dma_start3A_102] : memref<32x16384x65xf32, #tpu.memory_space<hbm>> -> memref<1x128x65xf32, #tpu.memory_space<hbm>>
        %dma_start3A_104 = tpu.memref_squeeze %dma_start3A_103 : memref<1x128x65xf32, #tpu.memory_space<hbm>> -> memref<128x65xf32, #tpu.memory_space<hbm>>
        %dma_start3A_105 = arith.constant 0 : i32
        %dma_start3A_106 = tpu.memref_slice %arg2[%add3A_98, %add3A_101, %dma_start3A_105] : memref<32x16384x65xf32, #tpu.memory_space<hbm>> -> memref<1x128x65xf32, #tpu.memory_space<hbm>>
        %dma_start3A_107 = tpu.memref_squeeze %dma_start3A_106 : memref<1x128x65xf32, #tpu.memory_space<hbm>> -> memref<128x65xf32, #tpu.memory_space<hbm>>
        tpu.enqueue_dma source(%dma_start3A_107 : memref<128x65xf32, #tpu.memory_space<hbm>>) target(%arg6 : memref<128x65xf32, #tpu.memory_space<vmem>>) target_semaphore(%arg10 : memref<!tpu.dma_semaphore, #tpu.memory_space<semaphore_mem>>)
      } else {
      }
      %add3A_60 = arith.constant 28 : i32
      %add3A_61 = arith.addi %add3A_60, %select_n3A : i32
      %mul3A_62 = arith.constant 128 : i32
      %mul3A_63 = arith.muli %add3A_54, %mul3A_62 : i32
      %add3A_64 = arith.addi %mul3A_32, %mul3A_63 : i32
      %dma_wait3A = arith.constant 0 : i32
      %dma_wait3A_65 = tpu.memref_slice %arg2[%add3A_61, %add3A_64, %dma_wait3A] : memref<32x16384x65xf32, #tpu.memory_space<hbm>> -> memref<1x128x65xf32, #tpu.memory_space<hbm>>
      %dma_wait3A_66 = tpu.memref_squeeze %dma_wait3A_65 : memref<1x128x65xf32, #tpu.memory_space<hbm>> -> memref<128x65xf32, #tpu.memory_space<hbm>>
      %dma_wait3A_67 = arith.constant 0 : i32
      %dma_wait3A_68 = tpu.memref_slice %arg2[%add3A_61, %add3A_64, %dma_wait3A_67] : memref<32x16384x65xf32, #tpu.memory_space<hbm>> -> memref<1x128x65xf32, #tpu.memory_space<hbm>>
      %dma_wait3A_69 = tpu.memref_squeeze %dma_wait3A_68 : memref<1x128x65xf32, #tpu.memory_space<hbm>> -> memref<128x65xf32, #tpu.memory_space<hbm>>
      tpu.wait_dma2 semaphore(%arg9 : memref<!tpu.dma_semaphore, #tpu.memory_space<semaphore_mem>>) src(%dma_wait3A_69 : memref<128x65xf32, #tpu.memory_space<hbm>>) dst(%arg5 : memref<128x65xf32, #tpu.memory_space<vmem>>)
      %parallel_loop3A = arith.constant 0 : i32
      %parallel_loop3A_70 = arith.constant 8 : i32
      %parallel_loop3A_71 = arith.constant 1 : i32
      scf.for %parallel_loop3A_95 = %parallel_loop3A to %parallel_loop3A_70 step %parallel_loop3A_71  : i32 {
        %parallel_loop3A_96 = arith.constant 128 : i32
        %parallel_loop3A_97 = arith.muli %add3A_54, %parallel_loop3A_96 : i32
        %parallel_loop3A_98 = arith.constant 16 : i32
        %parallel_loop3A_99 = arith.muli %parallel_loop3A_95, %parallel_loop3A_98 : i32
        %parallel_loop3A_100 = arith.addi %parallel_loop3A_97, %parallel_loop3A_99 : i32
        %parallel_loop3A_101 = arith.index_cast %parallel_loop3A_100 : i32 to index
        %parallel_loop3A_102 = tpu.vector_load %arg7[%parallel_loop3A_101] {strides = array<i32>} : memref<2048xf32, #tpu.memory_space<vmem>>, vector<16xf32>,
        %parallel_loop3A_103 = arith.constant 16 : i32
        %parallel_loop3A_104 = arith.muli %parallel_loop3A_95, %parallel_loop3A_103 : i32
        %parallel_loop3A_105 = vector.broadcast %parallel_loop3A_104 : i32 to vector<16xi32>
        %parallel_loop3A_106 = arith.addi %parallel_loop3A_105, %iota3A : vector<16xi32>
        %parallel_loop3A_107 = arith.constant 0.000000e+00 : f32
        %parallel_loop3A_108 = vector.broadcast %parallel_loop3A_107 : f32 to vector<16xf32>
        %parallel_loop3A_109 = arith.constant 0 : i32
        %parallel_loop3A_110 = vector.broadcast %parallel_loop3A_109 : i32 to vector<16xi32>
        %parallel_loop3A_111 = arith.constant 0 : i32
        %parallel_loop3A_112 = vector.broadcast %parallel_loop3A_111 : i32 to vector<16xi32>
        %parallel_loop3A_113 = tpu.vector_load_idx %arg5[%parallel_loop3A_106, %parallel_loop3A_112] : memref<128x65xf32, #tpu.memory_space<vmem>>[vector<16xi32>, vector<16xi32>], vector<16xf32>,
        %parallel_loop3A_114 = arith.addf %parallel_loop3A_108, %parallel_loop3A_113 : vector<16xf32>
        %parallel_loop3A_115 = arith.cmpf ogt, %parallel_loop3A_102, %parallel_loop3A_114 : vector<16xf32>
        %parallel_loop3A_116 = arith.constant 1 : i32
        %parallel_loop3A_117 = vector.broadcast %parallel_loop3A_116 : i32 to vector<16xi32>
        %parallel_loop3A_118 = arith.addi %parallel_loop3A_110, %parallel_loop3A_117 : vector<16xi32>
        %parallel_loop3A_119 = arith.select %parallel_loop3A_115, %parallel_loop3A_118, %parallel_loop3A_110 : vector<16xi1>, vector<16xi32>
        %parallel_loop3A_120 = arith.constant 1 : i32
        %parallel_loop3A_121 = vector.broadcast %parallel_loop3A_120 : i32 to vector<16xi32>
        %parallel_loop3A_122 = tpu.vector_load_idx %arg5[%parallel_loop3A_106, %parallel_loop3A_121] : memref<128x65xf32, #tpu.memory_space<vmem>>[vector<16xi32>, vector<16xi32>], vector<16xf32>,
        %parallel_loop3A_123 = arith.addf %parallel_loop3A_114, %parallel_loop3A_122 : vector<16xf32>
        %parallel_loop3A_124 = arith.cmpf ogt, %parallel_loop3A_102, %parallel_loop3A_123 : vector<16xf32>
        %parallel_loop3A_125 = arith.constant 1 : i32
        %parallel_loop3A_126 = vector.broadcast %parallel_loop3A_125 : i32 to vector<16xi32>
        %parallel_loop3A_127 = arith.addi %parallel_loop3A_119, %parallel_loop3A_126 : vector<16xi32>
        %parallel_loop3A_128 = arith.select %parallel_loop3A_124, %parallel_loop3A_127, %parallel_loop3A_119 : vector<16xi1>, vector<16xi32>
        %parallel_loop3A_129 = arith.constant 2 : i32
        %parallel_loop3A_130 = vector.broadcast %parallel_loop3A_129 : i32 to vector<16xi32>
        %parallel_loop3A_131 = tpu.vector_load_idx %arg5[%parallel_loop3A_106, %parallel_loop3A_130] : memref<128x65xf32, #tpu.memory_space<vmem>>[vector<16xi32>, vector<16xi32>], vector<16xf32>,
        %parallel_loop3A_132 = arith.addf %parallel_loop3A_123, %parallel_loop3A_131 : vector<16xf32>
        %parallel_loop3A_133 = arith.cmpf ogt, %parallel_loop3A_102, %parallel_loop3A_132 : vector<16xf32>
        %parallel_loop3A_134 = arith.constant 1 : i32
        %parallel_loop3A_135 = vector.broadcast %parallel_loop3A_134 : i32 to vector<16xi32>
        %parallel_loop3A_136 = arith.addi %parallel_loop3A_128, %parallel_loop3A_135 : vector<16xi32>
        %parallel_loop3A_137 = arith.select %parallel_loop3A_133, %parallel_loop3A_136, %parallel_loop3A_128 : vector<16xi1>, vector<16xi32>
        %parallel_loop3A_138 = arith.constant 3 : i32
        %parallel_loop3A_139 = vector.broadcast %parallel_loop3A_138 : i32 to vector<16xi32>
        %parallel_loop3A_140 = tpu.vector_load_idx %arg5[%parallel_loop3A_106, %parallel_loop3A_139] : memref<128x65xf32, #tpu.memory_space<vmem>>[vector<16xi32>, vector<16xi32>], vector<16xf32>,
        %parallel_loop3A_141 = arith.addf %parallel_loop3A_132, %parallel_loop3A_140 : vector<16xf32>
        %parallel_loop3A_142 = arith.cmpf ogt, %parallel_loop3A_102, %parallel_loop3A_141 : vector<16xf32>
        %parallel_loop3A_143 = arith.constant 1 : i32
        %parallel_loop3A_144 = vector.broadcast %parallel_loop3A_143 : i32 to vector<16xi32>
        %parallel_loop3A_145 = arith.addi %parallel_loop3A_137, %parallel_loop3A_144 : vector<16xi32>
        %parallel_loop3A_146 = arith.select %parallel_loop3A_142, %parallel_loop3A_145, %parallel_loop3A_137 : vector<16xi1>, vector<16xi32>
        %parallel_loop3A_147 = arith.constant 4 : i32
        %parallel_loop3A_148 = vector.broadcast %parallel_loop3A_147 : i32 to vector<16xi32>
        %parallel_loop3A_149 = tpu.vector_load_idx %arg5[%parallel_loop3A_106, %parallel_loop3A_148] : memref<128x65xf32, #tpu.memory_space<vmem>>[vector<16xi32>, vector<16xi32>], vector<16xf32>,
        %parallel_loop3A_150 = arith.addf %parallel_loop3A_141, %parallel_loop3A_149 : vector<16xf32>
        %parallel_loop3A_151 = arith.cmpf ogt, %parallel_loop3A_102, %parallel_loop3A_150 : vector<16xf32>
        %parallel_loop3A_152 = arith.constant 1 : i32
        %parallel_loop3A_153 = vector.broadcast %parallel_loop3A_152 : i32 to vector<16xi32>
        %parallel_loop3A_154 = arith.addi %parallel_loop3A_146, %parallel_loop3A_153 : vector<16xi32>
        %parallel_loop3A_155 = arith.select %parallel_loop3A_151, %parallel_loop3A_154, %parallel_loop3A_146 : vector<16xi1>, vector<16xi32>
        %parallel_loop3A_156 = arith.constant 5 : i32
        %parallel_loop3A_157 = vector.broadcast %parallel_loop3A_156 : i32 to vector<16xi32>
        %parallel_loop3A_158 = tpu.vector_load_idx %arg5[%parallel_loop3A_106, %parallel_loop3A_157] : memref<128x65xf32, #tpu.memory_space<vmem>>[vector<16xi32>, vector<16xi32>], vector<16xf32>,
        %parallel_loop3A_159 = arith.addf %parallel_loop3A_150, %parallel_loop3A_158 : vector<16xf32>
        %parallel_loop3A_160 = arith.cmpf ogt, %parallel_loop3A_102, %parallel_loop3A_159 : vector<16xf32>
        %parallel_loop3A_161 = arith.constant 1 : i32
        %parallel_loop3A_162 = vector.broadcast %parallel_loop3A_161 : i32 to vector<16xi32>
        %parallel_loop3A_163 = arith.addi %parallel_loop3A_155, %parallel_loop3A_162 : vector<16xi32>
        %parallel_loop3A_164 = arith.select %parallel_loop3A_160, %parallel_loop3A_163, %parallel_loop3A_155 : vector<16xi1>, vector<16xi32>
        %parallel_loop3A_165 = arith.constant 6 : i32
        %parallel_loop3A_166 = vector.broadcast %parallel_loop3A_165 : i32 to vector<16xi32>
        %parallel_loop3A_167 = tpu.vector_load_idx %arg5[%parallel_loop3A_106, %parallel_loop3A_166] : memref<128x65xf32, #tpu.memory_space<vmem>>[vector<16xi32>, vector<16xi32>], vector<16xf32>,
        %parallel_loop3A_168 = arith.addf %parallel_loop3A_159, %parallel_loop3A_167 : vector<16xf32>
        %parallel_loop3A_169 = arith.cmpf ogt, %parallel_loop3A_102, %parallel_loop3A_168 : vector<16xf32>
        %parallel_loop3A_170 = arith.constant 1 : i32
        %parallel_loop3A_171 = vector.broadcast %parallel_loop3A_170 : i32 to vector<16xi32>
        %parallel_loop3A_172 = arith.addi %parallel_loop3A_164, %parallel_loop3A_171 : vector<16xi32>
        %parallel_loop3A_173 = arith.select %parallel_loop3A_169, %parallel_loop3A_172, %parallel_loop3A_164 : vector<16xi1>, vector<16xi32>
        %parallel_loop3A_174 = arith.constant 7 : i32
        %parallel_loop3A_175 = vector.broadcast %parallel_loop3A_174 : i32 to vector<16xi32>
        %parallel_loop3A_176 = tpu.vector_load_idx %arg5[%parallel_loop3A_106, %parallel_loop3A_175] : memref<128x65xf32, #tpu.memory_space<vmem>>[vector<16xi32>, vector<16xi32>], vector<16xf32>,
        %parallel_loop3A_177 = arith.addf %parallel_loop3A_168, %parallel_loop3A_176 : vector<16xf32>
        %parallel_loop3A_178 = arith.cmpf ogt, %parallel_loop3A_102, %parallel_loop3A_177 : vector<16xf32>
        %parallel_loop3A_179 = arith.constant 1 : i32
        %parallel_loop3A_180 = vector.broadcast %parallel_loop3A_179 : i32 to vector<16xi32>
        %parallel_loop3A_181 = arith.addi %parallel_loop3A_173, %parallel_loop3A_180 : vector<16xi32>
        %parallel_loop3A_182 = arith.select %parallel_loop3A_178, %parallel_loop3A_181, %parallel_loop3A_173 : vector<16xi1>, vector<16xi32>
        %parallel_loop3A_183 = arith.constant 8 : i32
        %parallel_loop3A_184 = vector.broadcast %parallel_loop3A_183 : i32 to vector<16xi32>
        %parallel_loop3A_185 = tpu.vector_load_idx %arg5[%parallel_loop3A_106, %parallel_loop3A_184] : memref<128x65xf32, #tpu.memory_space<vmem>>[vector<16xi32>, vector<16xi32>], vector<16xf32>,
        %parallel_loop3A_186 = arith.addf %parallel_loop3A_177, %parallel_loop3A_185 : vector<16xf32>
        %parallel_loop3A_187 = arith.cmpf ogt, %parallel_loop3A_102, %parallel_loop3A_186 : vector<16xf32>
        %parallel_loop3A_188 = arith.constant 1 : i32
        %parallel_loop3A_189 = vector.broadcast %parallel_loop3A_188 : i32 to vector<16xi32>
        %parallel_loop3A_190 = arith.addi %parallel_loop3A_182, %parallel_loop3A_189 : vector<16xi32>
        %parallel_loop3A_191 = arith.select %parallel_loop3A_187, %parallel_loop3A_190, %parallel_loop3A_182 : vector<16xi1>, vector<16xi32>
        %parallel_loop3A_192 = arith.constant 9 : i32
        %parallel_loop3A_193 = vector.broadcast %parallel_loop3A_192 : i32 to vector<16xi32>
        %parallel_loop3A_194 = tpu.vector_load_idx %arg5[%parallel_loop3A_106, %parallel_loop3A_193] : memref<128x65xf32, #tpu.memory_space<vmem>>[vector<16xi32>, vector<16xi32>], vector<16xf32>,
        %parallel_loop3A_195 = arith.addf %parallel_loop3A_186, %parallel_loop3A_194 : vector<16xf32>
        %parallel_loop3A_196 = arith.cmpf ogt, %parallel_loop3A_102, %parallel_loop3A_195 : vector<16xf32>
        %parallel_loop3A_197 = arith.constant 1 : i32
        %parallel_loop3A_198 = vector.broadcast %parallel_loop3A_197 : i32 to vector<16xi32>
        %parallel_loop3A_199 = arith.addi %parallel_loop3A_191, %parallel_loop3A_198 : vector<16xi32>
        %parallel_loop3A_200 = arith.select %parallel_loop3A_196, %parallel_loop3A_199, %parallel_loop3A_191 : vector<16xi1>, vector<16xi32>
        %parallel_loop3A_201 = arith.constant 10 : i32
        %parallel_loop3A_202 = vector.broadcast %parallel_loop3A_201 : i32 to vector<16xi32>
        %parallel_loop3A_203 = tpu.vector_load_idx %arg5[%parallel_loop3A_106, %parallel_loop3A_202] : memref<128x65xf32, #tpu.memory_space<vmem>>[vector<16xi32>, vector<16xi32>], vector<16xf32>,
        %parallel_loop3A_204 = arith.addf %parallel_loop3A_195, %parallel_loop3A_203 : vector<16xf32>
        %parallel_loop3A_205 = arith.cmpf ogt, %parallel_loop3A_102, %parallel_loop3A_204 : vector<16xf32>
        %parallel_loop3A_206 = arith.constant 1 : i32
        %parallel_loop3A_207 = vector.broadcast %parallel_loop3A_206 : i32 to vector<16xi32>
        %parallel_loop3A_208 = arith.addi %parallel_loop3A_200, %parallel_loop3A_207 : vector<16xi32>
        %parallel_loop3A_209 = arith.select %parallel_loop3A_205, %parallel_loop3A_208, %parallel_loop3A_200 : vector<16xi1>, vector<16xi32>
        %parallel_loop3A_210 = arith.constant 11 : i32
        %parallel_loop3A_211 = vector.broadcast %parallel_loop3A_210 : i32 to vector<16xi32>
        %parallel_loop3A_212 = tpu.vector_load_idx %arg5[%parallel_loop3A_106, %parallel_loop3A_211] : memref<128x65xf32, #tpu.memory_space<vmem>>[vector<16xi32>, vector<16xi32>], vector<16xf32>,
        %parallel_loop3A_213 = arith.addf %parallel_loop3A_204, %parallel_loop3A_212 : vector<16xf32>
        %parallel_loop3A_214 = arith.cmpf ogt, %parallel_loop3A_102, %parallel_loop3A_213 : vector<16xf32>
        %parallel_loop3A_215 = arith.constant 1 : i32
        %parallel_loop3A_216 = vector.broadcast %parallel_loop3A_215 : i32 to vector<16xi32>
        %parallel_loop3A_217 = arith.addi %parallel_loop3A_209, %parallel_loop3A_216 : vector<16xi32>
        %parallel_loop3A_218 = arith.select %parallel_loop3A_214, %parallel_loop3A_217, %parallel_loop3A_209 : vector<16xi1>, vector<16xi32>
        %parallel_loop3A_219 = arith.constant 12 : i32
        %parallel_loop3A_220 = vector.broadcast %parallel_loop3A_219 : i32 to vector<16xi32>
        %parallel_loop3A_221 = tpu.vector_load_idx %arg5[%parallel_loop3A_106, %parallel_loop3A_220] : memref<128x65xf32, #tpu.memory_space<vmem>>[vector<16xi32>, vector<16xi32>], vector<16xf32>,
        %parallel_loop3A_222 = arith.addf %parallel_loop3A_213, %parallel_loop3A_221 : vector<16xf32>
        %parallel_loop3A_223 = arith.cmpf ogt, %parallel_loop3A_102, %parallel_loop3A_222 : vector<16xf32>
        %parallel_loop3A_224 = arith.constant 1 : i32
        %parallel_loop3A_225 = vector.broadcast %parallel_loop3A_224 : i32 to vector<16xi32>
        %parallel_loop3A_226 = arith.addi %parallel_loop3A_218, %parallel_loop3A_225 : vector<16xi32>
        %parallel_loop3A_227 = arith.select %parallel_loop3A_223, %parallel_loop3A_226, %parallel_loop3A_218 : vector<16xi1>, vector<16xi32>
        %parallel_loop3A_228 = arith.constant 13 : i32
        %parallel_loop3A_229 = vector.broadcast %parallel_loop3A_228 : i32 to vector<16xi32>
        %parallel_loop3A_230 = tpu.vector_load_idx %arg5[%parallel_loop3A_106, %parallel_loop3A_229] : memref<128x65xf32, #tpu.memory_space<vmem>>[vector<16xi32>, vector<16xi32>], vector<16xf32>,
        %parallel_loop3A_231 = arith.addf %parallel_loop3A_222, %parallel_loop3A_230 : vector<16xf32>
        %parallel_loop3A_232 = arith.cmpf ogt, %parallel_loop3A_102, %parallel_loop3A_231 : vector<16xf32>
        %parallel_loop3A_233 = arith.constant 1 : i32
        %parallel_loop3A_234 = vector.broadcast %parallel_loop3A_233 : i32 to vector<16xi32>
        %parallel_loop3A_235 = arith.addi %parallel_loop3A_227, %parallel_loop3A_234 : vector<16xi32>
        %parallel_loop3A_236 = arith.select %parallel_loop3A_232, %parallel_loop3A_235, %parallel_loop3A_227 : vector<16xi1>, vector<16xi32>
        %parallel_loop3A_237 = arith.constant 14 : i32
        %parallel_loop3A_238 = vector.broadcast %parallel_loop3A_237 : i32 to vector<16xi32>
        %parallel_loop3A_239 = tpu.vector_load_idx %arg5[%parallel_loop3A_106, %parallel_loop3A_238] : memref<128x65xf32, #tpu.memory_space<vmem>>[vector<16xi32>, vector<16xi32>], vector<16xf32>,
        %parallel_loop3A_240 = arith.addf %parallel_loop3A_231, %parallel_loop3A_239 : vector<16xf32>
        %parallel_loop3A_241 = arith.cmpf ogt, %parallel_loop3A_102, %parallel_loop3A_240 : vector<16xf32>
        %parallel_loop3A_242 = arith.constant 1 : i32
        %parallel_loop3A_243 = vector.broadcast %parallel_loop3A_242 : i32 to vector<16xi32>
        %parallel_loop3A_244 = arith.addi %parallel_loop3A_236, %parallel_loop3A_243 : vector<16xi32>
        %parallel_loop3A_245 = arith.select %parallel_loop3A_241, %parallel_loop3A_244, %parallel_loop3A_236 : vector<16xi1>, vector<16xi32>
        %parallel_loop3A_246 = arith.constant 15 : i32
        %parallel_loop3A_247 = vector.broadcast %parallel_loop3A_246 : i32 to vector<16xi32>
        %parallel_loop3A_248 = tpu.vector_load_idx %arg5[%parallel_loop3A_106, %parallel_loop3A_247] : memref<128x65xf32, #tpu.memory_space<vmem>>[vector<16xi32>, vector<16xi32>], vector<16xf32>,
        %parallel_loop3A_249 = arith.addf %parallel_loop3A_240, %parallel_loop3A_248 : vector<16xf32>
        %parallel_loop3A_250 = arith.cmpf ogt, %parallel_loop3A_102, %parallel_loop3A_249 : vector<16xf32>
        %parallel_loop3A_251 = arith.constant 1 : i32
        %parallel_loop3A_252 = vector.broadcast %parallel_loop3A_251 : i32 to vector<16xi32>
        %parallel_loop3A_253 = arith.addi %parallel_loop3A_245, %parallel_loop3A_252 : vector<16xi32>
        %parallel_loop3A_254 = arith.select %parallel_loop3A_250, %parallel_loop3A_253, %parallel_loop3A_245 : vector<16xi1>, vector<16xi32>
        %parallel_loop3A_255 = arith.constant 16 : i32
        %parallel_loop3A_256 = vector.broadcast %parallel_loop3A_255 : i32 to vector<16xi32>
        %parallel_loop3A_257 = tpu.vector_load_idx %arg5[%parallel_loop3A_106, %parallel_loop3A_256] : memref<128x65xf32, #tpu.memory_space<vmem>>[vector<16xi32>, vector<16xi32>], vector<16xf32>,
        %parallel_loop3A_258 = arith.addf %parallel_loop3A_249, %parallel_loop3A_257 : vector<16xf32>
        %parallel_loop3A_259 = arith.cmpf ogt, %parallel_loop3A_102, %parallel_loop3A_258 : vector<16xf32>
        %parallel_loop3A_260 = arith.constant 1 : i32
        %parallel_loop3A_261 = vector.broadcast %parallel_loop3A_260 : i32 to vector<16xi32>
        %parallel_loop3A_262 = arith.addi %parallel_loop3A_254, %parallel_loop3A_261 : vector<16xi32>
        %parallel_loop3A_263 = arith.select %parallel_loop3A_259, %parallel_loop3A_262, %parallel_loop3A_254 : vector<16xi1>, vector<16xi32>
        %parallel_loop3A_264 = arith.constant 17 : i32
        %parallel_loop3A_265 = vector.broadcast %parallel_loop3A_264 : i32 to vector<16xi32>
        %parallel_loop3A_266 = tpu.vector_load_idx %arg5[%parallel_loop3A_106, %parallel_loop3A_265] : memref<128x65xf32, #tpu.memory_space<vmem>>[vector<16xi32>, vector<16xi32>], vector<16xf32>,
        %parallel_loop3A_267 = arith.addf %parallel_loop3A_258, %parallel_loop3A_266 : vector<16xf32>
        %parallel_loop3A_268 = arith.cmpf ogt, %parallel_loop3A_102, %parallel_loop3A_267 : vector<16xf32>
        %parallel_loop3A_269 = arith.constant 1 : i32
        %parallel_loop3A_270 = vector.broadcast %parallel_loop3A_269 : i32 to vector<16xi32>
        %parallel_loop3A_271 = arith.addi %parallel_loop3A_263, %parallel_loop3A_270 : vector<16xi32>
        %parallel_loop3A_272 = arith.select %parallel_loop3A_268, %parallel_loop3A_271, %parallel_loop3A_263 : vector<16xi1>, vector<16xi32>
        %parallel_loop3A_273 = arith.constant 18 : i32
        %parallel_loop3A_274 = vector.broadcast %parallel_loop3A_273 : i32 to vector<16xi32>
        %parallel_loop3A_275 = tpu.vector_load_idx %arg5[%parallel_loop3A_106, %parallel_loop3A_274] : memref<128x65xf32, #tpu.memory_space<vmem>>[vector<16xi32>, vector<16xi32>], vector<16xf32>,
        %parallel_loop3A_276 = arith.addf %parallel_loop3A_267, %parallel_loop3A_275 : vector<16xf32>
        %parallel_loop3A_277 = arith.cmpf ogt, %parallel_loop3A_102, %parallel_loop3A_276 : vector<16xf32>
        %parallel_loop3A_278 = arith.constant 1 : i32
        %parallel_loop3A_279 = vector.broadcast %parallel_loop3A_278 : i32 to vector<16xi32>
        %parallel_loop3A_280 = arith.addi %parallel_loop3A_272, %parallel_loop3A_279 : vector<16xi32>
        %parallel_loop3A_281 = arith.select %parallel_loop3A_277, %parallel_loop3A_280, %parallel_loop3A_272 : vector<16xi1>, vector<16xi32>
        %parallel_loop3A_282 = arith.constant 19 : i32
        %parallel_loop3A_283 = vector.broadcast %parallel_loop3A_282 : i32 to vector<16xi32>
        %parallel_loop3A_284 = tpu.vector_load_idx %arg5[%parallel_loop3A_106, %parallel_loop3A_283] : memref<128x65xf32, #tpu.memory_space<vmem>>[vector<16xi32>, vector<16xi32>], vector<16xf32>,
        %parallel_loop3A_285 = arith.addf %parallel_loop3A_276, %parallel_loop3A_284 : vector<16xf32>
        %parallel_loop3A_286 = arith.cmpf ogt, %parallel_loop3A_102, %parallel_loop3A_285 : vector<16xf32>
        %parallel_loop3A_287 = arith.constant 1 : i32
        %parallel_loop3A_288 = vector.broadcast %parallel_loop3A_287 : i32 to vector<16xi32>
        %parallel_loop3A_289 = arith.addi %parallel_loop3A_281, %parallel_loop3A_288 : vector<16xi32>
        %parallel_loop3A_290 = arith.select %parallel_loop3A_286, %parallel_loop3A_289, %parallel_loop3A_281 : vector<16xi1>, vector<16xi32>
        %parallel_loop3A_291 = arith.constant 20 : i32
        %parallel_loop3A_292 = vector.broadcast %parallel_loop3A_291 : i32 to vector<16xi32>
        %parallel_loop3A_293 = tpu.vector_load_idx %arg5[%parallel_loop3A_106, %parallel_loop3A_292] : memref<128x65xf32, #tpu.memory_space<vmem>>[vector<16xi32>, vector<16xi32>], vector<16xf32>,
        %parallel_loop3A_294 = arith.addf %parallel_loop3A_285, %parallel_loop3A_293 : vector<16xf32>
        %parallel_loop3A_295 = arith.cmpf ogt, %parallel_loop3A_102, %parallel_loop3A_294 : vector<16xf32>
        %parallel_loop3A_296 = arith.constant 1 : i32
        %parallel_loop3A_297 = vector.broadcast %parallel_loop3A_296 : i32 to vector<16xi32>
        %parallel_loop3A_298 = arith.addi %parallel_loop3A_290, %parallel_loop3A_297 : vector<16xi32>
        %parallel_loop3A_299 = arith.select %parallel_loop3A_295, %parallel_loop3A_298, %parallel_loop3A_290 : vector<16xi1>, vector<16xi32>
        %parallel_loop3A_300 = arith.constant 21 : i32
        %parallel_loop3A_301 = vector.broadcast %parallel_loop3A_300 : i32 to vector<16xi32>
        %parallel_loop3A_302 = tpu.vector_load_idx %arg5[%parallel_loop3A_106, %parallel_loop3A_301] : memref<128x65xf32, #tpu.memory_space<vmem>>[vector<16xi32>, vector<16xi32>], vector<16xf32>,
        %parallel_loop3A_303 = arith.addf %parallel_loop3A_294, %parallel_loop3A_302 : vector<16xf32>
        %parallel_loop3A_304 = arith.cmpf ogt, %parallel_loop3A_102, %parallel_loop3A_303 : vector<16xf32>
        %parallel_loop3A_305 = arith.constant 1 : i32
        %parallel_loop3A_306 = vector.broadcast %parallel_loop3A_305 : i32 to vector<16xi32>
        %parallel_loop3A_307 = arith.addi %parallel_loop3A_299, %parallel_loop3A_306 : vector<16xi32>
        %parallel_loop3A_308 = arith.select %parallel_loop3A_304, %parallel_loop3A_307, %parallel_loop3A_299 : vector<16xi1>, vector<16xi32>
        %parallel_loop3A_309 = arith.constant 22 : i32
        %parallel_loop3A_310 = vector.broadcast %parallel_loop3A_309 : i32 to vector<16xi32>
        %parallel_loop3A_311 = tpu.vector_load_idx %arg5[%parallel_loop3A_106, %parallel_loop3A_310] : memref<128x65xf32, #tpu.memory_space<vmem>>[vector<16xi32>, vector<16xi32>], vector<16xf32>,
        %parallel_loop3A_312 = arith.addf %parallel_loop3A_303, %parallel_loop3A_311 : vector<16xf32>
        %parallel_loop3A_313 = arith.cmpf ogt, %parallel_loop3A_102, %parallel_loop3A_312 : vector<16xf32>
        %parallel_loop3A_314 = arith.constant 1 : i32
        %parallel_loop3A_315 = vector.broadcast %parallel_loop3A_314 : i32 to vector<16xi32>
        %parallel_loop3A_316 = arith.addi %parallel_loop3A_308, %parallel_loop3A_315 : vector<16xi32>
        %parallel_loop3A_317 = arith.select %parallel_loop3A_313, %parallel_loop3A_316, %parallel_loop3A_308 : vector<16xi1>, vector<16xi32>
        %parallel_loop3A_318 = arith.constant 23 : i32
        %parallel_loop3A_319 = vector.broadcast %parallel_loop3A_318 : i32 to vector<16xi32>
        %parallel_loop3A_320 = tpu.vector_load_idx %arg5[%parallel_loop3A_106, %parallel_loop3A_319] : memref<128x65xf32, #tpu.memory_space<vmem>>[vector<16xi32>, vector<16xi32>], vector<16xf32>,
        %parallel_loop3A_321 = arith.addf %parallel_loop3A_312, %parallel_loop3A_320 : vector<16xf32>
        %parallel_loop3A_322 = arith.cmpf ogt, %parallel_loop3A_102, %parallel_loop3A_321 : vector<16xf32>
        %parallel_loop3A_323 = arith.constant 1 : i32
        %parallel_loop3A_324 = vector.broadcast %parallel_loop3A_323 : i32 to vector<16xi32>
        %parallel_loop3A_325 = arith.addi %parallel_loop3A_317, %parallel_loop3A_324 : vector<16xi32>
        %parallel_loop3A_326 = arith.select %parallel_loop3A_322, %parallel_loop3A_325, %parallel_loop3A_317 : vector<16xi1>, vector<16xi32>
        %parallel_loop3A_327 = arith.constant 24 : i32
        %parallel_loop3A_328 = vector.broadcast %parallel_loop3A_327 : i32 to vector<16xi32>
        %parallel_loop3A_329 = tpu.vector_load_idx %arg5[%parallel_loop3A_106, %parallel_loop3A_328] : memref<128x65xf32, #tpu.memory_space<vmem>>[vector<16xi32>, vector<16xi32>], vector<16xf32>,
        %parallel_loop3A_330 = arith.addf %parallel_loop3A_321, %parallel_loop3A_329 : vector<16xf32>
        %parallel_loop3A_331 = arith.cmpf ogt, %parallel_loop3A_102, %parallel_loop3A_330 : vector<16xf32>
        %parallel_loop3A_332 = arith.constant 1 : i32
        %parallel_loop3A_333 = vector.broadcast %parallel_loop3A_332 : i32 to vector<16xi32>
        %parallel_loop3A_334 = arith.addi %parallel_loop3A_326, %parallel_loop3A_333 : vector<16xi32>
        %parallel_loop3A_335 = arith.select %parallel_loop3A_331, %parallel_loop3A_334, %parallel_loop3A_326 : vector<16xi1>, vector<16xi32>
        %parallel_loop3A_336 = arith.constant 25 : i32
        %parallel_loop3A_337 = vector.broadcast %parallel_loop3A_336 : i32 to vector<16xi32>
        %parallel_loop3A_338 = tpu.vector_load_idx %arg5[%parallel_loop3A_106, %parallel_loop3A_337] : memref<128x65xf32, #tpu.memory_space<vmem>>[vector<16xi32>, vector<16xi32>], vector<16xf32>,
        %parallel_loop3A_339 = arith.addf %parallel_loop3A_330, %parallel_loop3A_338 : vector<16xf32>
        %parallel_loop3A_340 = arith.cmpf ogt, %parallel_loop3A_102, %parallel_loop3A_339 : vector<16xf32>
        %parallel_loop3A_341 = arith.constant 1 : i32
        %parallel_loop3A_342 = vector.broadcast %parallel_loop3A_341 : i32 to vector<16xi32>
        %parallel_loop3A_343 = arith.addi %parallel_loop3A_335, %parallel_loop3A_342 : vector<16xi32>
        %parallel_loop3A_344 = arith.select %parallel_loop3A_340, %parallel_loop3A_343, %parallel_loop3A_335 : vector<16xi1>, vector<16xi32>
        %parallel_loop3A_345 = arith.constant 26 : i32
        %parallel_loop3A_346 = vector.broadcast %parallel_loop3A_345 : i32 to vector<16xi32>
        %parallel_loop3A_347 = tpu.vector_load_idx %arg5[%parallel_loop3A_106, %parallel_loop3A_346] : memref<128x65xf32, #tpu.memory_space<vmem>>[vector<16xi32>, vector<16xi32>], vector<16xf32>,
        %parallel_loop3A_348 = arith.addf %parallel_loop3A_339, %parallel_loop3A_347 : vector<16xf32>
        %parallel_loop3A_349 = arith.cmpf ogt, %parallel_loop3A_102, %parallel_loop3A_348 : vector<16xf32>
        %parallel_loop3A_350 = arith.constant 1 : i32
        %parallel_loop3A_351 = vector.broadcast %parallel_loop3A_350 : i32 to vector<16xi32>
        %parallel_loop3A_352 = arith.addi %parallel_loop3A_344, %parallel_loop3A_351 : vector<16xi32>
        %parallel_loop3A_353 = arith.select %parallel_loop3A_349, %parallel_loop3A_352, %parallel_loop3A_344 : vector<16xi1>, vector<16xi32>
        %parallel_loop3A_354 = arith.constant 27 : i32
        %parallel_loop3A_355 = vector.broadcast %parallel_loop3A_354 : i32 to vector<16xi32>
        %parallel_loop3A_356 = tpu.vector_load_idx %arg5[%parallel_loop3A_106, %parallel_loop3A_355] : memref<128x65xf32, #tpu.memory_space<vmem>>[vector<16xi32>, vector<16xi32>], vector<16xf32>,
        %parallel_loop3A_357 = arith.addf %parallel_loop3A_348, %parallel_loop3A_356 : vector<16xf32>
        %parallel_loop3A_358 = arith.cmpf ogt, %parallel_loop3A_102, %parallel_loop3A_357 : vector<16xf32>
        %parallel_loop3A_359 = arith.constant 1 : i32
        %parallel_loop3A_360 = vector.broadcast %parallel_loop3A_359 : i32 to vector<16xi32>
        %parallel_loop3A_361 = arith.addi %parallel_loop3A_353, %parallel_loop3A_360 : vector<16xi32>
        %parallel_loop3A_362 = arith.select %parallel_loop3A_358, %parallel_loop3A_361, %parallel_loop3A_353 : vector<16xi1>, vector<16xi32>
        %parallel_loop3A_363 = arith.constant 28 : i32
        %parallel_loop3A_364 = vector.broadcast %parallel_loop3A_363 : i32 to vector<16xi32>
        %parallel_loop3A_365 = tpu.vector_load_idx %arg5[%parallel_loop3A_106, %parallel_loop3A_364] : memref<128x65xf32, #tpu.memory_space<vmem>>[vector<16xi32>, vector<16xi32>], vector<16xf32>,
        %parallel_loop3A_366 = arith.addf %parallel_loop3A_357, %parallel_loop3A_365 : vector<16xf32>
        %parallel_loop3A_367 = arith.cmpf ogt, %parallel_loop3A_102, %parallel_loop3A_366 : vector<16xf32>
        %parallel_loop3A_368 = arith.constant 1 : i32
        %parallel_loop3A_369 = vector.broadcast %parallel_loop3A_368 : i32 to vector<16xi32>
        %parallel_loop3A_370 = arith.addi %parallel_loop3A_362, %parallel_loop3A_369 : vector<16xi32>
        %parallel_loop3A_371 = arith.select %parallel_loop3A_367, %parallel_loop3A_370, %parallel_loop3A_362 : vector<16xi1>, vector<16xi32>
        %parallel_loop3A_372 = arith.constant 29 : i32
        %parallel_loop3A_373 = vector.broadcast %parallel_loop3A_372 : i32 to vector<16xi32>
        %parallel_loop3A_374 = tpu.vector_load_idx %arg5[%parallel_loop3A_106, %parallel_loop3A_373] : memref<128x65xf32, #tpu.memory_space<vmem>>[vector<16xi32>, vector<16xi32>], vector<16xf32>,
        %parallel_loop3A_375 = arith.addf %parallel_loop3A_366, %parallel_loop3A_374 : vector<16xf32>
        %parallel_loop3A_376 = arith.cmpf ogt, %parallel_loop3A_102, %parallel_loop3A_375 : vector<16xf32>
        %parallel_loop3A_377 = arith.constant 1 : i32
        %parallel_loop3A_378 = vector.broadcast %parallel_loop3A_377 : i32 to vector<16xi32>
        %parallel_loop3A_379 = arith.addi %parallel_loop3A_371, %parallel_loop3A_378 : vector<16xi32>
        %parallel_loop3A_380 = arith.select %parallel_loop3A_376, %parallel_loop3A_379, %parallel_loop3A_371 : vector<16xi1>, vector<16xi32>
        %parallel_loop3A_381 = arith.constant 30 : i32
        %parallel_loop3A_382 = vector.broadcast %parallel_loop3A_381 : i32 to vector<16xi32>
        %parallel_loop3A_383 = tpu.vector_load_idx %arg5[%parallel_loop3A_106, %parallel_loop3A_382] : memref<128x65xf32, #tpu.memory_space<vmem>>[vector<16xi32>, vector<16xi32>], vector<16xf32>,
        %parallel_loop3A_384 = arith.addf %parallel_loop3A_375, %parallel_loop3A_383 : vector<16xf32>
        %parallel_loop3A_385 = arith.cmpf ogt, %parallel_loop3A_102, %parallel_loop3A_384 : vector<16xf32>
        %parallel_loop3A_386 = arith.constant 1 : i32
        %parallel_loop3A_387 = vector.broadcast %parallel_loop3A_386 : i32 to vector<16xi32>
        %parallel_loop3A_388 = arith.addi %parallel_loop3A_380, %parallel_loop3A_387 : vector<16xi32>
        %parallel_loop3A_389 = arith.select %parallel_loop3A_385, %parallel_loop3A_388, %parallel_loop3A_380 : vector<16xi1>, vector<16xi32>
        %parallel_loop3A_390 = arith.constant 31 : i32
        %parallel_loop3A_391 = vector.broadcast %parallel_loop3A_390 : i32 to vector<16xi32>
        %parallel_loop3A_392 = tpu.vector_load_idx %arg5[%parallel_loop3A_106, %parallel_loop3A_391] : memref<128x65xf32, #tpu.memory_space<vmem>>[vector<16xi32>, vector<16xi32>], vector<16xf32>,
        %parallel_loop3A_393 = arith.addf %parallel_loop3A_384, %parallel_loop3A_392 : vector<16xf32>
        %parallel_loop3A_394 = arith.cmpf ogt, %parallel_loop3A_102, %parallel_loop3A_393 : vector<16xf32>
        %parallel_loop3A_395 = arith.constant 1 : i32
        %parallel_loop3A_396 = vector.broadcast %parallel_loop3A_395 : i32 to vector<16xi32>
        %parallel_loop3A_397 = arith.addi %parallel_loop3A_389, %parallel_loop3A_396 : vector<16xi32>
        %parallel_loop3A_398 = arith.select %parallel_loop3A_394, %parallel_loop3A_397, %parallel_loop3A_389 : vector<16xi1>, vector<16xi32>
        %parallel_loop3A_399 = arith.constant 32 : i32
        %parallel_loop3A_400 = vector.broadcast %parallel_loop3A_399 : i32 to vector<16xi32>
        %parallel_loop3A_401 = tpu.vector_load_idx %arg5[%parallel_loop3A_106, %parallel_loop3A_400] : memref<128x65xf32, #tpu.memory_space<vmem>>[vector<16xi32>, vector<16xi32>], vector<16xf32>,
        %parallel_loop3A_402 = arith.addf %parallel_loop3A_393, %parallel_loop3A_401 : vector<16xf32>
        %parallel_loop3A_403 = arith.cmpf ogt, %parallel_loop3A_102, %parallel_loop3A_402 : vector<16xf32>
        %parallel_loop3A_404 = arith.constant 1 : i32
        %parallel_loop3A_405 = vector.broadcast %parallel_loop3A_404 : i32 to vector<16xi32>
        %parallel_loop3A_406 = arith.addi %parallel_loop3A_398, %parallel_loop3A_405 : vector<16xi32>
        %parallel_loop3A_407 = arith.select %parallel_loop3A_403, %parallel_loop3A_406, %parallel_loop3A_398 : vector<16xi1>, vector<16xi32>
        %parallel_loop3A_408 = arith.constant 33 : i32
        %parallel_loop3A_409 = vector.broadcast %parallel_loop3A_408 : i32 to vector<16xi32>
        %parallel_loop3A_410 = tpu.vector_load_idx %arg5[%parallel_loop3A_106, %parallel_loop3A_409] : memref<128x65xf32, #tpu.memory_space<vmem>>[vector<16xi32>, vector<16xi32>], vector<16xf32>,
        %parallel_loop3A_411 = arith.addf %parallel_loop3A_402, %parallel_loop3A_410 : vector<16xf32>
        %parallel_loop3A_412 = arith.cmpf ogt, %parallel_loop3A_102, %parallel_loop3A_411 : vector<16xf32>
        %parallel_loop3A_413 = arith.constant 1 : i32
        %parallel_loop3A_414 = vector.broadcast %parallel_loop3A_413 : i32 to vector<16xi32>
        %parallel_loop3A_415 = arith.addi %parallel_loop3A_407, %parallel_loop3A_414 : vector<16xi32>
        %parallel_loop3A_416 = arith.select %parallel_loop3A_412, %parallel_loop3A_415, %parallel_loop3A_407 : vector<16xi1>, vector<16xi32>
        %parallel_loop3A_417 = arith.constant 34 : i32
        %parallel_loop3A_418 = vector.broadcast %parallel_loop3A_417 : i32 to vector<16xi32>
        %parallel_loop3A_419 = tpu.vector_load_idx %arg5[%parallel_loop3A_106, %parallel_loop3A_418] : memref<128x65xf32, #tpu.memory_space<vmem>>[vector<16xi32>, vector<16xi32>], vector<16xf32>,
        %parallel_loop3A_420 = arith.addf %parallel_loop3A_411, %parallel_loop3A_419 : vector<16xf32>
        %parallel_loop3A_421 = arith.cmpf ogt, %parallel_loop3A_102, %parallel_loop3A_420 : vector<16xf32>
        %parallel_loop3A_422 = arith.constant 1 : i32
        %parallel_loop3A_423 = vector.broadcast %parallel_loop3A_422 : i32 to vector<16xi32>
        %parallel_loop3A_424 = arith.addi %parallel_loop3A_416, %parallel_loop3A_423 : vector<16xi32>
        %parallel_loop3A_425 = arith.select %parallel_loop3A_421, %parallel_loop3A_424, %parallel_loop3A_416 : vector<16xi1>, vector<16xi32>
        %parallel_loop3A_426 = arith.constant 35 : i32
        %parallel_loop3A_427 = vector.broadcast %parallel_loop3A_426 : i32 to vector<16xi32>
        %parallel_loop3A_428 = tpu.vector_load_idx %arg5[%parallel_loop3A_106, %parallel_loop3A_427] : memref<128x65xf32, #tpu.memory_space<vmem>>[vector<16xi32>, vector<16xi32>], vector<16xf32>,
        %parallel_loop3A_429 = arith.addf %parallel_loop3A_420, %parallel_loop3A_428 : vector<16xf32>
        %parallel_loop3A_430 = arith.cmpf ogt, %parallel_loop3A_102, %parallel_loop3A_429 : vector<16xf32>
        %parallel_loop3A_431 = arith.constant 1 : i32
        %parallel_loop3A_432 = vector.broadcast %parallel_loop3A_431 : i32 to vector<16xi32>
        %parallel_loop3A_433 = arith.addi %parallel_loop3A_425, %parallel_loop3A_432 : vector<16xi32>
        %parallel_loop3A_434 = arith.select %parallel_loop3A_430, %parallel_loop3A_433, %parallel_loop3A_425 : vector<16xi1>, vector<16xi32>
        %parallel_loop3A_435 = arith.constant 36 : i32
        %parallel_loop3A_436 = vector.broadcast %parallel_loop3A_435 : i32 to vector<16xi32>
        %parallel_loop3A_437 = tpu.vector_load_idx %arg5[%parallel_loop3A_106, %parallel_loop3A_436] : memref<128x65xf32, #tpu.memory_space<vmem>>[vector<16xi32>, vector<16xi32>], vector<16xf32>,
        %parallel_loop3A_438 = arith.addf %parallel_loop3A_429, %parallel_loop3A_437 : vector<16xf32>
        %parallel_loop3A_439 = arith.cmpf ogt, %parallel_loop3A_102, %parallel_loop3A_438 : vector<16xf32>
        %parallel_loop3A_440 = arith.constant 1 : i32
        %parallel_loop3A_441 = vector.broadcast %parallel_loop3A_440 : i32 to vector<16xi32>
        %parallel_loop3A_442 = arith.addi %parallel_loop3A_434, %parallel_loop3A_441 : vector<16xi32>
        %parallel_loop3A_443 = arith.select %parallel_loop3A_439, %parallel_loop3A_442, %parallel_loop3A_434 : vector<16xi1>, vector<16xi32>
        %parallel_loop3A_444 = arith.constant 37 : i32
        %parallel_loop3A_445 = vector.broadcast %parallel_loop3A_444 : i32 to vector<16xi32>
        %parallel_loop3A_446 = tpu.vector_load_idx %arg5[%parallel_loop3A_106, %parallel_loop3A_445] : memref<128x65xf32, #tpu.memory_space<vmem>>[vector<16xi32>, vector<16xi32>], vector<16xf32>,
        %parallel_loop3A_447 = arith.addf %parallel_loop3A_438, %parallel_loop3A_446 : vector<16xf32>
        %parallel_loop3A_448 = arith.cmpf ogt, %parallel_loop3A_102, %parallel_loop3A_447 : vector<16xf32>
        %parallel_loop3A_449 = arith.constant 1 : i32
        %parallel_loop3A_450 = vector.broadcast %parallel_loop3A_449 : i32 to vector<16xi32>
        %parallel_loop3A_451 = arith.addi %parallel_loop3A_443, %parallel_loop3A_450 : vector<16xi32>
        %parallel_loop3A_452 = arith.select %parallel_loop3A_448, %parallel_loop3A_451, %parallel_loop3A_443 : vector<16xi1>, vector<16xi32>
        %parallel_loop3A_453 = arith.constant 38 : i32
        %parallel_loop3A_454 = vector.broadcast %parallel_loop3A_453 : i32 to vector<16xi32>
        %parallel_loop3A_455 = tpu.vector_load_idx %arg5[%parallel_loop3A_106, %parallel_loop3A_454] : memref<128x65xf32, #tpu.memory_space<vmem>>[vector<16xi32>, vector<16xi32>], vector<16xf32>,
        %parallel_loop3A_456 = arith.addf %parallel_loop3A_447, %parallel_loop3A_455 : vector<16xf32>
        %parallel_loop3A_457 = arith.cmpf ogt, %parallel_loop3A_102, %parallel_loop3A_456 : vector<16xf32>
        %parallel_loop3A_458 = arith.constant 1 : i32
        %parallel_loop3A_459 = vector.broadcast %parallel_loop3A_458 : i32 to vector<16xi32>
        %parallel_loop3A_460 = arith.addi %parallel_loop3A_452, %parallel_loop3A_459 : vector<16xi32>
        %parallel_loop3A_461 = arith.select %parallel_loop3A_457, %parallel_loop3A_460, %parallel_loop3A_452 : vector<16xi1>, vector<16xi32>
        %parallel_loop3A_462 = arith.constant 39 : i32
        %parallel_loop3A_463 = vector.broadcast %parallel_loop3A_462 : i32 to vector<16xi32>
        %parallel_loop3A_464 = tpu.vector_load_idx %arg5[%parallel_loop3A_106, %parallel_loop3A_463] : memref<128x65xf32, #tpu.memory_space<vmem>>[vector<16xi32>, vector<16xi32>], vector<16xf32>,
        %parallel_loop3A_465 = arith.addf %parallel_loop3A_456, %parallel_loop3A_464 : vector<16xf32>
        %parallel_loop3A_466 = arith.cmpf ogt, %parallel_loop3A_102, %parallel_loop3A_465 : vector<16xf32>
        %parallel_loop3A_467 = arith.constant 1 : i32
        %parallel_loop3A_468 = vector.broadcast %parallel_loop3A_467 : i32 to vector<16xi32>
        %parallel_loop3A_469 = arith.addi %parallel_loop3A_461, %parallel_loop3A_468 : vector<16xi32>
        %parallel_loop3A_470 = arith.select %parallel_loop3A_466, %parallel_loop3A_469, %parallel_loop3A_461 : vector<16xi1>, vector<16xi32>
        %parallel_loop3A_471 = arith.constant 40 : i32
        %parallel_loop3A_472 = vector.broadcast %parallel_loop3A_471 : i32 to vector<16xi32>
        %parallel_loop3A_473 = tpu.vector_load_idx %arg5[%parallel_loop3A_106, %parallel_loop3A_472] : memref<128x65xf32, #tpu.memory_space<vmem>>[vector<16xi32>, vector<16xi32>], vector<16xf32>,
        %parallel_loop3A_474 = arith.addf %parallel_loop3A_465, %parallel_loop3A_473 : vector<16xf32>
        %parallel_loop3A_475 = arith.cmpf ogt, %parallel_loop3A_102, %parallel_loop3A_474 : vector<16xf32>
        %parallel_loop3A_476 = arith.constant 1 : i32
        %parallel_loop3A_477 = vector.broadcast %parallel_loop3A_476 : i32 to vector<16xi32>
        %parallel_loop3A_478 = arith.addi %parallel_loop3A_470, %parallel_loop3A_477 : vector<16xi32>
        %parallel_loop3A_479 = arith.select %parallel_loop3A_475, %parallel_loop3A_478, %parallel_loop3A_470 : vector<16xi1>, vector<16xi32>
        %parallel_loop3A_480 = arith.constant 41 : i32
        %parallel_loop3A_481 = vector.broadcast %parallel_loop3A_480 : i32 to vector<16xi32>
        %parallel_loop3A_482 = tpu.vector_load_idx %arg5[%parallel_loop3A_106, %parallel_loop3A_481] : memref<128x65xf32, #tpu.memory_space<vmem>>[vector<16xi32>, vector<16xi32>], vector<16xf32>,
        %parallel_loop3A_483 = arith.addf %parallel_loop3A_474, %parallel_loop3A_482 : vector<16xf32>
        %parallel_loop3A_484 = arith.cmpf ogt, %parallel_loop3A_102, %parallel_loop3A_483 : vector<16xf32>
        %parallel_loop3A_485 = arith.constant 1 : i32
        %parallel_loop3A_486 = vector.broadcast %parallel_loop3A_485 : i32 to vector<16xi32>
        %parallel_loop3A_487 = arith.addi %parallel_loop3A_479, %parallel_loop3A_486 : vector<16xi32>
        %parallel_loop3A_488 = arith.select %parallel_loop3A_484, %parallel_loop3A_487, %parallel_loop3A_479 : vector<16xi1>, vector<16xi32>
        %parallel_loop3A_489 = arith.constant 42 : i32
        %parallel_loop3A_490 = vector.broadcast %parallel_loop3A_489 : i32 to vector<16xi32>
        %parallel_loop3A_491 = tpu.vector_load_idx %arg5[%parallel_loop3A_106, %parallel_loop3A_490] : memref<128x65xf32, #tpu.memory_space<vmem>>[vector<16xi32>, vector<16xi32>], vector<16xf32>,
        %parallel_loop3A_492 = arith.addf %parallel_loop3A_483, %parallel_loop3A_491 : vector<16xf32>
        %parallel_loop3A_493 = arith.cmpf ogt, %parallel_loop3A_102, %parallel_loop3A_492 : vector<16xf32>
        %parallel_loop3A_494 = arith.constant 1 : i32
        %parallel_loop3A_495 = vector.broadcast %parallel_loop3A_494 : i32 to vector<16xi32>
        %parallel_loop3A_496 = arith.addi %parallel_loop3A_488, %parallel_loop3A_495 : vector<16xi32>
        %parallel_loop3A_497 = arith.select %parallel_loop3A_493, %parallel_loop3A_496, %parallel_loop3A_488 : vector<16xi1>, vector<16xi32>
        %parallel_loop3A_498 = arith.constant 43 : i32
        %parallel_loop3A_499 = vector.broadcast %parallel_loop3A_498 : i32 to vector<16xi32>
        %parallel_loop3A_500 = tpu.vector_load_idx %arg5[%parallel_loop3A_106, %parallel_loop3A_499] : memref<128x65xf32, #tpu.memory_space<vmem>>[vector<16xi32>, vector<16xi32>], vector<16xf32>,
        %parallel_loop3A_501 = arith.addf %parallel_loop3A_492, %parallel_loop3A_500 : vector<16xf32>
        %parallel_loop3A_502 = arith.cmpf ogt, %parallel_loop3A_102, %parallel_loop3A_501 : vector<16xf32>
        %parallel_loop3A_503 = arith.constant 1 : i32
        %parallel_loop3A_504 = vector.broadcast %parallel_loop3A_503 : i32 to vector<16xi32>
        %parallel_loop3A_505 = arith.addi %parallel_loop3A_497, %parallel_loop3A_504 : vector<16xi32>
        %parallel_loop3A_506 = arith.select %parallel_loop3A_502, %parallel_loop3A_505, %parallel_loop3A_497 : vector<16xi1>, vector<16xi32>
        %parallel_loop3A_507 = arith.constant 44 : i32
        %parallel_loop3A_508 = vector.broadcast %parallel_loop3A_507 : i32 to vector<16xi32>
        %parallel_loop3A_509 = tpu.vector_load_idx %arg5[%parallel_loop3A_106, %parallel_loop3A_508] : memref<128x65xf32, #tpu.memory_space<vmem>>[vector<16xi32>, vector<16xi32>], vector<16xf32>,
        %parallel_loop3A_510 = arith.addf %parallel_loop3A_501, %parallel_loop3A_509 : vector<16xf32>
        %parallel_loop3A_511 = arith.cmpf ogt, %parallel_loop3A_102, %parallel_loop3A_510 : vector<16xf32>
        %parallel_loop3A_512 = arith.constant 1 : i32
        %parallel_loop3A_513 = vector.broadcast %parallel_loop3A_512 : i32 to vector<16xi32>
        %parallel_loop3A_514 = arith.addi %parallel_loop3A_506, %parallel_loop3A_513 : vector<16xi32>
        %parallel_loop3A_515 = arith.select %parallel_loop3A_511, %parallel_loop3A_514, %parallel_loop3A_506 : vector<16xi1>, vector<16xi32>
        %parallel_loop3A_516 = arith.constant 45 : i32
        %parallel_loop3A_517 = vector.broadcast %parallel_loop3A_516 : i32 to vector<16xi32>
        %parallel_loop3A_518 = tpu.vector_load_idx %arg5[%parallel_loop3A_106, %parallel_loop3A_517] : memref<128x65xf32, #tpu.memory_space<vmem>>[vector<16xi32>, vector<16xi32>], vector<16xf32>,
        %parallel_loop3A_519 = arith.addf %parallel_loop3A_510, %parallel_loop3A_518 : vector<16xf32>
        %parallel_loop3A_520 = arith.cmpf ogt, %parallel_loop3A_102, %parallel_loop3A_519 : vector<16xf32>
        %parallel_loop3A_521 = arith.constant 1 : i32
        %parallel_loop3A_522 = vector.broadcast %parallel_loop3A_521 : i32 to vector<16xi32>
        %parallel_loop3A_523 = arith.addi %parallel_loop3A_515, %parallel_loop3A_522 : vector<16xi32>
        %parallel_loop3A_524 = arith.select %parallel_loop3A_520, %parallel_loop3A_523, %parallel_loop3A_515 : vector<16xi1>, vector<16xi32>
        %parallel_loop3A_525 = arith.constant 46 : i32
        %parallel_loop3A_526 = vector.broadcast %parallel_loop3A_525 : i32 to vector<16xi32>
        %parallel_loop3A_527 = tpu.vector_load_idx %arg5[%parallel_loop3A_106, %parallel_loop3A_526] : memref<128x65xf32, #tpu.memory_space<vmem>>[vector<16xi32>, vector<16xi32>], vector<16xf32>,
        %parallel_loop3A_528 = arith.addf %parallel_loop3A_519, %parallel_loop3A_527 : vector<16xf32>
        %parallel_loop3A_529 = arith.cmpf ogt, %parallel_loop3A_102, %parallel_loop3A_528 : vector<16xf32>
        %parallel_loop3A_530 = arith.constant 1 : i32
        %parallel_loop3A_531 = vector.broadcast %parallel_loop3A_530 : i32 to vector<16xi32>
        %parallel_loop3A_532 = arith.addi %parallel_loop3A_524, %parallel_loop3A_531 : vector<16xi32>
        %parallel_loop3A_533 = arith.select %parallel_loop3A_529, %parallel_loop3A_532, %parallel_loop3A_524 : vector<16xi1>, vector<16xi32>
        %parallel_loop3A_534 = arith.constant 47 : i32
        %parallel_loop3A_535 = vector.broadcast %parallel_loop3A_534 : i32 to vector<16xi32>
        %parallel_loop3A_536 = tpu.vector_load_idx %arg5[%parallel_loop3A_106, %parallel_loop3A_535] : memref<128x65xf32, #tpu.memory_space<vmem>>[vector<16xi32>, vector<16xi32>], vector<16xf32>,
        %parallel_loop3A_537 = arith.addf %parallel_loop3A_528, %parallel_loop3A_536 : vector<16xf32>
        %parallel_loop3A_538 = arith.cmpf ogt, %parallel_loop3A_102, %parallel_loop3A_537 : vector<16xf32>
        %parallel_loop3A_539 = arith.constant 1 : i32
        %parallel_loop3A_540 = vector.broadcast %parallel_loop3A_539 : i32 to vector<16xi32>
        %parallel_loop3A_541 = arith.addi %parallel_loop3A_533, %parallel_loop3A_540 : vector<16xi32>
        %parallel_loop3A_542 = arith.select %parallel_loop3A_538, %parallel_loop3A_541, %parallel_loop3A_533 : vector<16xi1>, vector<16xi32>
        %parallel_loop3A_543 = arith.constant 48 : i32
        %parallel_loop3A_544 = vector.broadcast %parallel_loop3A_543 : i32 to vector<16xi32>
        %parallel_loop3A_545 = tpu.vector_load_idx %arg5[%parallel_loop3A_106, %parallel_loop3A_544] : memref<128x65xf32, #tpu.memory_space<vmem>>[vector<16xi32>, vector<16xi32>], vector<16xf32>,
        %parallel_loop3A_546 = arith.addf %parallel_loop3A_537, %parallel_loop3A_545 : vector<16xf32>
        %parallel_loop3A_547 = arith.cmpf ogt, %parallel_loop3A_102, %parallel_loop3A_546 : vector<16xf32>
        %parallel_loop3A_548 = arith.constant 1 : i32
        %parallel_loop3A_549 = vector.broadcast %parallel_loop3A_548 : i32 to vector<16xi32>
        %parallel_loop3A_550 = arith.addi %parallel_loop3A_542, %parallel_loop3A_549 : vector<16xi32>
        %parallel_loop3A_551 = arith.select %parallel_loop3A_547, %parallel_loop3A_550, %parallel_loop3A_542 : vector<16xi1>, vector<16xi32>
        %parallel_loop3A_552 = arith.constant 49 : i32
        %parallel_loop3A_553 = vector.broadcast %parallel_loop3A_552 : i32 to vector<16xi32>
        %parallel_loop3A_554 = tpu.vector_load_idx %arg5[%parallel_loop3A_106, %parallel_loop3A_553] : memref<128x65xf32, #tpu.memory_space<vmem>>[vector<16xi32>, vector<16xi32>], vector<16xf32>,
        %parallel_loop3A_555 = arith.addf %parallel_loop3A_546, %parallel_loop3A_554 : vector<16xf32>
        %parallel_loop3A_556 = arith.cmpf ogt, %parallel_loop3A_102, %parallel_loop3A_555 : vector<16xf32>
        %parallel_loop3A_557 = arith.constant 1 : i32
        %parallel_loop3A_558 = vector.broadcast %parallel_loop3A_557 : i32 to vector<16xi32>
        %parallel_loop3A_559 = arith.addi %parallel_loop3A_551, %parallel_loop3A_558 : vector<16xi32>
        %parallel_loop3A_560 = arith.select %parallel_loop3A_556, %parallel_loop3A_559, %parallel_loop3A_551 : vector<16xi1>, vector<16xi32>
        %parallel_loop3A_561 = arith.constant 50 : i32
        %parallel_loop3A_562 = vector.broadcast %parallel_loop3A_561 : i32 to vector<16xi32>
        %parallel_loop3A_563 = tpu.vector_load_idx %arg5[%parallel_loop3A_106, %parallel_loop3A_562] : memref<128x65xf32, #tpu.memory_space<vmem>>[vector<16xi32>, vector<16xi32>], vector<16xf32>,
        %parallel_loop3A_564 = arith.addf %parallel_loop3A_555, %parallel_loop3A_563 : vector<16xf32>
        %parallel_loop3A_565 = arith.cmpf ogt, %parallel_loop3A_102, %parallel_loop3A_564 : vector<16xf32>
        %parallel_loop3A_566 = arith.constant 1 : i32
        %parallel_loop3A_567 = vector.broadcast %parallel_loop3A_566 : i32 to vector<16xi32>
        %parallel_loop3A_568 = arith.addi %parallel_loop3A_560, %parallel_loop3A_567 : vector<16xi32>
        %parallel_loop3A_569 = arith.select %parallel_loop3A_565, %parallel_loop3A_568, %parallel_loop3A_560 : vector<16xi1>, vector<16xi32>
        %parallel_loop3A_570 = arith.constant 51 : i32
        %parallel_loop3A_571 = vector.broadcast %parallel_loop3A_570 : i32 to vector<16xi32>
        %parallel_loop3A_572 = tpu.vector_load_idx %arg5[%parallel_loop3A_106, %parallel_loop3A_571] : memref<128x65xf32, #tpu.memory_space<vmem>>[vector<16xi32>, vector<16xi32>], vector<16xf32>,
        %parallel_loop3A_573 = arith.addf %parallel_loop3A_564, %parallel_loop3A_572 : vector<16xf32>
        %parallel_loop3A_574 = arith.cmpf ogt, %parallel_loop3A_102, %parallel_loop3A_573 : vector<16xf32>
        %parallel_loop3A_575 = arith.constant 1 : i32
        %parallel_loop3A_576 = vector.broadcast %parallel_loop3A_575 : i32 to vector<16xi32>
        %parallel_loop3A_577 = arith.addi %parallel_loop3A_569, %parallel_loop3A_576 : vector<16xi32>
        %parallel_loop3A_578 = arith.select %parallel_loop3A_574, %parallel_loop3A_577, %parallel_loop3A_569 : vector<16xi1>, vector<16xi32>
        %parallel_loop3A_579 = arith.constant 52 : i32
        %parallel_loop3A_580 = vector.broadcast %parallel_loop3A_579 : i32 to vector<16xi32>
        %parallel_loop3A_581 = tpu.vector_load_idx %arg5[%parallel_loop3A_106, %parallel_loop3A_580] : memref<128x65xf32, #tpu.memory_space<vmem>>[vector<16xi32>, vector<16xi32>], vector<16xf32>,
        %parallel_loop3A_582 = arith.addf %parallel_loop3A_573, %parallel_loop3A_581 : vector<16xf32>
        %parallel_loop3A_583 = arith.cmpf ogt, %parallel_loop3A_102, %parallel_loop3A_582 : vector<16xf32>
        %parallel_loop3A_584 = arith.constant 1 : i32
        %parallel_loop3A_585 = vector.broadcast %parallel_loop3A_584 : i32 to vector<16xi32>
        %parallel_loop3A_586 = arith.addi %parallel_loop3A_578, %parallel_loop3A_585 : vector<16xi32>
        %parallel_loop3A_587 = arith.select %parallel_loop3A_583, %parallel_loop3A_586, %parallel_loop3A_578 : vector<16xi1>, vector<16xi32>
        %parallel_loop3A_588 = arith.constant 53 : i32
        %parallel_loop3A_589 = vector.broadcast %parallel_loop3A_588 : i32 to vector<16xi32>
        %parallel_loop3A_590 = tpu.vector_load_idx %arg5[%parallel_loop3A_106, %parallel_loop3A_589] : memref<128x65xf32, #tpu.memory_space<vmem>>[vector<16xi32>, vector<16xi32>], vector<16xf32>,
        %parallel_loop3A_591 = arith.addf %parallel_loop3A_582, %parallel_loop3A_590 : vector<16xf32>
        %parallel_loop3A_592 = arith.cmpf ogt, %parallel_loop3A_102, %parallel_loop3A_591 : vector<16xf32>
        %parallel_loop3A_593 = arith.constant 1 : i32
        %parallel_loop3A_594 = vector.broadcast %parallel_loop3A_593 : i32 to vector<16xi32>
        %parallel_loop3A_595 = arith.addi %parallel_loop3A_587, %parallel_loop3A_594 : vector<16xi32>
        %parallel_loop3A_596 = arith.select %parallel_loop3A_592, %parallel_loop3A_595, %parallel_loop3A_587 : vector<16xi1>, vector<16xi32>
        %parallel_loop3A_597 = arith.constant 54 : i32
        %parallel_loop3A_598 = vector.broadcast %parallel_loop3A_597 : i32 to vector<16xi32>
        %parallel_loop3A_599 = tpu.vector_load_idx %arg5[%parallel_loop3A_106, %parallel_loop3A_598] : memref<128x65xf32, #tpu.memory_space<vmem>>[vector<16xi32>, vector<16xi32>], vector<16xf32>,
        %parallel_loop3A_600 = arith.addf %parallel_loop3A_591, %parallel_loop3A_599 : vector<16xf32>
        %parallel_loop3A_601 = arith.cmpf ogt, %parallel_loop3A_102, %parallel_loop3A_600 : vector<16xf32>
        %parallel_loop3A_602 = arith.constant 1 : i32
        %parallel_loop3A_603 = vector.broadcast %parallel_loop3A_602 : i32 to vector<16xi32>
        %parallel_loop3A_604 = arith.addi %parallel_loop3A_596, %parallel_loop3A_603 : vector<16xi32>
        %parallel_loop3A_605 = arith.select %parallel_loop3A_601, %parallel_loop3A_604, %parallel_loop3A_596 : vector<16xi1>, vector<16xi32>
        %parallel_loop3A_606 = arith.constant 55 : i32
        %parallel_loop3A_607 = vector.broadcast %parallel_loop3A_606 : i32 to vector<16xi32>
        %parallel_loop3A_608 = tpu.vector_load_idx %arg5[%parallel_loop3A_106, %parallel_loop3A_607] : memref<128x65xf32, #tpu.memory_space<vmem>>[vector<16xi32>, vector<16xi32>], vector<16xf32>,
        %parallel_loop3A_609 = arith.addf %parallel_loop3A_600, %parallel_loop3A_608 : vector<16xf32>
        %parallel_loop3A_610 = arith.cmpf ogt, %parallel_loop3A_102, %parallel_loop3A_609 : vector<16xf32>
        %parallel_loop3A_611 = arith.constant 1 : i32
        %parallel_loop3A_612 = vector.broadcast %parallel_loop3A_611 : i32 to vector<16xi32>
        %parallel_loop3A_613 = arith.addi %parallel_loop3A_605, %parallel_loop3A_612 : vector<16xi32>
        %parallel_loop3A_614 = arith.select %parallel_loop3A_610, %parallel_loop3A_613, %parallel_loop3A_605 : vector<16xi1>, vector<16xi32>
        %parallel_loop3A_615 = arith.constant 56 : i32
        %parallel_loop3A_616 = vector.broadcast %parallel_loop3A_615 : i32 to vector<16xi32>
        %parallel_loop3A_617 = tpu.vector_load_idx %arg5[%parallel_loop3A_106, %parallel_loop3A_616] : memref<128x65xf32, #tpu.memory_space<vmem>>[vector<16xi32>, vector<16xi32>], vector<16xf32>,
        %parallel_loop3A_618 = arith.addf %parallel_loop3A_609, %parallel_loop3A_617 : vector<16xf32>
        %parallel_loop3A_619 = arith.cmpf ogt, %parallel_loop3A_102, %parallel_loop3A_618 : vector<16xf32>
        %parallel_loop3A_620 = arith.constant 1 : i32
        %parallel_loop3A_621 = vector.broadcast %parallel_loop3A_620 : i32 to vector<16xi32>
        %parallel_loop3A_622 = arith.addi %parallel_loop3A_614, %parallel_loop3A_621 : vector<16xi32>
        %parallel_loop3A_623 = arith.select %parallel_loop3A_619, %parallel_loop3A_622, %parallel_loop3A_614 : vector<16xi1>, vector<16xi32>
        %parallel_loop3A_624 = arith.constant 57 : i32
        %parallel_loop3A_625 = vector.broadcast %parallel_loop3A_624 : i32 to vector<16xi32>
        %parallel_loop3A_626 = tpu.vector_load_idx %arg5[%parallel_loop3A_106, %parallel_loop3A_625] : memref<128x65xf32, #tpu.memory_space<vmem>>[vector<16xi32>, vector<16xi32>], vector<16xf32>,
        %parallel_loop3A_627 = arith.addf %parallel_loop3A_618, %parallel_loop3A_626 : vector<16xf32>
        %parallel_loop3A_628 = arith.cmpf ogt, %parallel_loop3A_102, %parallel_loop3A_627 : vector<16xf32>
        %parallel_loop3A_629 = arith.constant 1 : i32
        %parallel_loop3A_630 = vector.broadcast %parallel_loop3A_629 : i32 to vector<16xi32>
        %parallel_loop3A_631 = arith.addi %parallel_loop3A_623, %parallel_loop3A_630 : vector<16xi32>
        %parallel_loop3A_632 = arith.select %parallel_loop3A_628, %parallel_loop3A_631, %parallel_loop3A_623 : vector<16xi1>, vector<16xi32>
        %parallel_loop3A_633 = arith.constant 58 : i32
        %parallel_loop3A_634 = vector.broadcast %parallel_loop3A_633 : i32 to vector<16xi32>
        %parallel_loop3A_635 = tpu.vector_load_idx %arg5[%parallel_loop3A_106, %parallel_loop3A_634] : memref<128x65xf32, #tpu.memory_space<vmem>>[vector<16xi32>, vector<16xi32>], vector<16xf32>,
        %parallel_loop3A_636 = arith.addf %parallel_loop3A_627, %parallel_loop3A_635 : vector<16xf32>
        %parallel_loop3A_637 = arith.cmpf ogt, %parallel_loop3A_102, %parallel_loop3A_636 : vector<16xf32>
        %parallel_loop3A_638 = arith.constant 1 : i32
        %parallel_loop3A_639 = vector.broadcast %parallel_loop3A_638 : i32 to vector<16xi32>
        %parallel_loop3A_640 = arith.addi %parallel_loop3A_632, %parallel_loop3A_639 : vector<16xi32>
        %parallel_loop3A_641 = arith.select %parallel_loop3A_637, %parallel_loop3A_640, %parallel_loop3A_632 : vector<16xi1>, vector<16xi32>
        %parallel_loop3A_642 = arith.constant 59 : i32
        %parallel_loop3A_643 = vector.broadcast %parallel_loop3A_642 : i32 to vector<16xi32>
        %parallel_loop3A_644 = tpu.vector_load_idx %arg5[%parallel_loop3A_106, %parallel_loop3A_643] : memref<128x65xf32, #tpu.memory_space<vmem>>[vector<16xi32>, vector<16xi32>], vector<16xf32>,
        %parallel_loop3A_645 = arith.addf %parallel_loop3A_636, %parallel_loop3A_644 : vector<16xf32>
        %parallel_loop3A_646 = arith.cmpf ogt, %parallel_loop3A_102, %parallel_loop3A_645 : vector<16xf32>
        %parallel_loop3A_647 = arith.constant 1 : i32
        %parallel_loop3A_648 = vector.broadcast %parallel_loop3A_647 : i32 to vector<16xi32>
        %parallel_loop3A_649 = arith.addi %parallel_loop3A_641, %parallel_loop3A_648 : vector<16xi32>
        %parallel_loop3A_650 = arith.select %parallel_loop3A_646, %parallel_loop3A_649, %parallel_loop3A_641 : vector<16xi1>, vector<16xi32>
        %parallel_loop3A_651 = arith.constant 60 : i32
        %parallel_loop3A_652 = vector.broadcast %parallel_loop3A_651 : i32 to vector<16xi32>
        %parallel_loop3A_653 = tpu.vector_load_idx %arg5[%parallel_loop3A_106, %parallel_loop3A_652] : memref<128x65xf32, #tpu.memory_space<vmem>>[vector<16xi32>, vector<16xi32>], vector<16xf32>,
        %parallel_loop3A_654 = arith.addf %parallel_loop3A_645, %parallel_loop3A_653 : vector<16xf32>
        %parallel_loop3A_655 = arith.cmpf ogt, %parallel_loop3A_102, %parallel_loop3A_654 : vector<16xf32>
        %parallel_loop3A_656 = arith.constant 1 : i32
        %parallel_loop3A_657 = vector.broadcast %parallel_loop3A_656 : i32 to vector<16xi32>
        %parallel_loop3A_658 = arith.addi %parallel_loop3A_650, %parallel_loop3A_657 : vector<16xi32>
        %parallel_loop3A_659 = arith.select %parallel_loop3A_655, %parallel_loop3A_658, %parallel_loop3A_650 : vector<16xi1>, vector<16xi32>
        %parallel_loop3A_660 = arith.constant 61 : i32
        %parallel_loop3A_661 = vector.broadcast %parallel_loop3A_660 : i32 to vector<16xi32>
        %parallel_loop3A_662 = tpu.vector_load_idx %arg5[%parallel_loop3A_106, %parallel_loop3A_661] : memref<128x65xf32, #tpu.memory_space<vmem>>[vector<16xi32>, vector<16xi32>], vector<16xf32>,
        %parallel_loop3A_663 = arith.addf %parallel_loop3A_654, %parallel_loop3A_662 : vector<16xf32>
        %parallel_loop3A_664 = arith.cmpf ogt, %parallel_loop3A_102, %parallel_loop3A_663 : vector<16xf32>
        %parallel_loop3A_665 = arith.constant 1 : i32
        %parallel_loop3A_666 = vector.broadcast %parallel_loop3A_665 : i32 to vector<16xi32>
        %parallel_loop3A_667 = arith.addi %parallel_loop3A_659, %parallel_loop3A_666 : vector<16xi32>
        %parallel_loop3A_668 = arith.select %parallel_loop3A_664, %parallel_loop3A_667, %parallel_loop3A_659 : vector<16xi1>, vector<16xi32>
        %parallel_loop3A_669 = arith.constant 62 : i32
        %parallel_loop3A_670 = vector.broadcast %parallel_loop3A_669 : i32 to vector<16xi32>
        %parallel_loop3A_671 = tpu.vector_load_idx %arg5[%parallel_loop3A_106, %parallel_loop3A_670] : memref<128x65xf32, #tpu.memory_space<vmem>>[vector<16xi32>, vector<16xi32>], vector<16xf32>,
        %parallel_loop3A_672 = arith.addf %parallel_loop3A_663, %parallel_loop3A_671 : vector<16xf32>
        %parallel_loop3A_673 = arith.cmpf ogt, %parallel_loop3A_102, %parallel_loop3A_672 : vector<16xf32>
        %parallel_loop3A_674 = arith.constant 1 : i32
        %parallel_loop3A_675 = vector.broadcast %parallel_loop3A_674 : i32 to vector<16xi32>
        %parallel_loop3A_676 = arith.addi %parallel_loop3A_668, %parallel_loop3A_675 : vector<16xi32>
        %parallel_loop3A_677 = arith.select %parallel_loop3A_673, %parallel_loop3A_676, %parallel_loop3A_668 : vector<16xi1>, vector<16xi32>
        %parallel_loop3A_678 = arith.constant 63 : i32
        %parallel_loop3A_679 = vector.broadcast %parallel_loop3A_678 : i32 to vector<16xi32>
        %parallel_loop3A_680 = tpu.vector_load_idx %arg5[%parallel_loop3A_106, %parallel_loop3A_679] : memref<128x65xf32, #tpu.memory_space<vmem>>[vector<16xi32>, vector<16xi32>], vector<16xf32>,
        %parallel_loop3A_681 = arith.addf %parallel_loop3A_672, %parallel_loop3A_680 : vector<16xf32>
        %parallel_loop3A_682 = arith.cmpf ogt, %parallel_loop3A_102, %parallel_loop3A_681 : vector<16xf32>
        %parallel_loop3A_683 = arith.constant 1 : i32
        %parallel_loop3A_684 = vector.broadcast %parallel_loop3A_683 : i32 to vector<16xi32>
        %parallel_loop3A_685 = arith.addi %parallel_loop3A_677, %parallel_loop3A_684 : vector<16xi32>
        %parallel_loop3A_686 = arith.select %parallel_loop3A_682, %parallel_loop3A_685, %parallel_loop3A_677 : vector<16xi1>, vector<16xi32>
        %parallel_loop3A_687 = arith.constant 64 : i32
        %parallel_loop3A_688 = vector.broadcast %parallel_loop3A_687 : i32 to vector<16xi32>
        %parallel_loop3A_689 = tpu.vector_load_idx %arg5[%parallel_loop3A_106, %parallel_loop3A_688] : memref<128x65xf32, #tpu.memory_space<vmem>>[vector<16xi32>, vector<16xi32>], vector<16xf32>,
        %parallel_loop3A_690 = arith.addf %parallel_loop3A_681, %parallel_loop3A_689 : vector<16xf32>
        %parallel_loop3A_691 = arith.cmpf ogt, %parallel_loop3A_102, %parallel_loop3A_690 : vector<16xf32>
        %parallel_loop3A_692 = arith.constant 1 : i32
        %parallel_loop3A_693 = vector.broadcast %parallel_loop3A_692 : i32 to vector<16xi32>
        %parallel_loop3A_694 = arith.addi %parallel_loop3A_686, %parallel_loop3A_693 : vector<16xi32>
        %parallel_loop3A_695 = arith.select %parallel_loop3A_691, %parallel_loop3A_694, %parallel_loop3A_686 : vector<16xi1>, vector<16xi32>
        %parallel_loop3A_696 = arith.index_cast %parallel_loop3A_100 : i32 to index
        %parallel_loop3A_697 = tpu.vector_load %arg8[%parallel_loop3A_696] {strides = array<i32>} : memref<2048xi32, #tpu.memory_space<vmem>>, vector<16xi32>,
        tpu.vector_store %arg8[%parallel_loop3A_696], %parallel_loop3A_695 {strides = array<i32>} : memref<2048xi32, #tpu.memory_space<vmem>>, vector<16xi32>,
      } {sc.loop_unroll_factor = 4 : i64, sc.parallel_access}
      %add3A_72 = arith.constant 1 : i32
      %add3A_73 = arith.addi %add3A_52, %add3A_72 : i32
      %add3A_74 = arith.constant 1 : i32
      %add3A_75 = arith.addi %add3A_73, %add3A_74 : i32
      %lt3A_76 = arith.constant 16 : i32
      %lt3A_77 = arith.cmpi slt, %add3A_75, %lt3A_76 : i32
      %convert_element_type3A_78 = arith.extui %lt3A_77 : i1 to i32
      %cond3A_79 = arith.constant 0 : i32
      %cond3A_80 = arith.cmpi ne, %convert_element_type3A_78, %cond3A_79 : i32
      scf.if %cond3A_80 {
        %add3A_95 = arith.constant 1 : i32
        %add3A_96 = arith.addi %add3A_73, %add3A_95 : i32
        %add3A_97 = arith.constant 28 : i32
        %add3A_98 = arith.addi %add3A_97, %select_n3A : i32
        %mul3A_99 = arith.constant 128 : i32
        %mul3A_100 = arith.muli %add3A_96, %mul3A_99 : i32
        %add3A_101 = arith.addi %mul3A_32, %mul3A_100 : i32
        %dma_start3A_102 = arith.constant 0 : i32
        %dma_start3A_103 = tpu.memref_slice %arg2[%add3A_98, %add3A_101, %dma_start3A_102] : memref<32x16384x65xf32, #tpu.memory_space<hbm>> -> memref<1x128x65xf32, #tpu.memory_space<hbm>>
        %dma_start3A_104 = tpu.memref_squeeze %dma_start3A_103 : memref<1x128x65xf32, #tpu.memory_space<hbm>> -> memref<128x65xf32, #tpu.memory_space<hbm>>
        %dma_start3A_105 = arith.constant 0 : i32
        %dma_start3A_106 = tpu.memref_slice %arg2[%add3A_98, %add3A_101, %dma_start3A_105] : memref<32x16384x65xf32, #tpu.memory_space<hbm>> -> memref<1x128x65xf32, #tpu.memory_space<hbm>>
        %dma_start3A_107 = tpu.memref_squeeze %dma_start3A_106 : memref<1x128x65xf32, #tpu.memory_space<hbm>> -> memref<128x65xf32, #tpu.memory_space<hbm>>
        tpu.enqueue_dma source(%dma_start3A_107 : memref<128x65xf32, #tpu.memory_space<hbm>>) target(%arg5 : memref<128x65xf32, #tpu.memory_space<vmem>>) target_semaphore(%arg9 : memref<!tpu.dma_semaphore, #tpu.memory_space<semaphore_mem>>)
      } else {
      }
      %add3A_81 = arith.constant 28 : i32
      %add3A_82 = arith.addi %add3A_81, %select_n3A : i32
      %mul3A_83 = arith.constant 128 : i32
      %mul3A_84 = arith.muli %add3A_73, %mul3A_83 : i32
      %add3A_85 = arith.addi %mul3A_32, %mul3A_84 : i32
      %dma_wait3A_86 = arith.constant 0 : i32
      %dma_wait3A_87 = tpu.memref_slice %arg2[%add3A_82, %add3A_85, %dma_wait3A_86] : memref<32x16384x65xf32, #tpu.memory_space<hbm>> -> memref<1x128x65xf32, #tpu.memory_space<hbm>>
      %dma_wait3A_88 = tpu.memref_squeeze %dma_wait3A_87 : memref<1x128x65xf32, #tpu.memory_space<hbm>> -> memref<128x65xf32, #tpu.memory_space<hbm>>
      %dma_wait3A_89 = arith.constant 0 : i32
      %dma_wait3A_90 = tpu.memref_slice %arg2[%add3A_82, %add3A_85, %dma_wait3A_89] : memref<32x16384x65xf32, #tpu.memory_space<hbm>> -> memref<1x128x65xf32, #tpu.memory_space<hbm>>
      %dma_wait3A_91 = tpu.memref_squeeze %dma_wait3A_90 : memref<1x128x65xf32, #tpu.memory_space<hbm>> -> memref<128x65xf32, #tpu.memory_space<hbm>>
      tpu.wait_dma2 semaphore(%arg10 : memref<!tpu.dma_semaphore, #tpu.memory_space<semaphore_mem>>) src(%dma_wait3A_91 : memref<128x65xf32, #tpu.memory_space<hbm>>) dst(%arg6 : memref<128x65xf32, #tpu.memory_space<vmem>>)
      %parallel_loop3A_92 = arith.constant 0 : i32
      %parallel_loop3A_93 = arith.constant 8 : i32
      %parallel_loop3A_94 = arith.constant 1 : i32
      scf.for %parallel_loop3A_95 = %parallel_loop3A_92 to %parallel_loop3A_93 step %parallel_loop3A_94  : i32 {
        %parallel_loop3A_96 = arith.constant 128 : i32
        %parallel_loop3A_97 = arith.muli %add3A_73, %parallel_loop3A_96 : i32
        %parallel_loop3A_98 = arith.constant 16 : i32
        %parallel_loop3A_99 = arith.muli %parallel_loop3A_95, %parallel_loop3A_98 : i32
        %parallel_loop3A_100 = arith.addi %parallel_loop3A_97, %parallel_loop3A_99 : i32
        %parallel_loop3A_101 = arith.index_cast %parallel_loop3A_100 : i32 to index
        %parallel_loop3A_102 = tpu.vector_load %arg7[%parallel_loop3A_101] {strides = array<i32>} : memref<2048xf32, #tpu.memory_space<vmem>>, vector<16xf32>,
        %parallel_loop3A_103 = arith.constant 16 : i32
        %parallel_loop3A_104 = arith.muli %parallel_loop3A_95, %parallel_loop3A_103 : i32
        %parallel_loop3A_105 = vector.broadcast %parallel_loop3A_104 : i32 to vector<16xi32>
        %parallel_loop3A_106 = arith.addi %parallel_loop3A_105, %iota3A : vector<16xi32>
        %parallel_loop3A_107 = arith.constant 0.000000e+00 : f32
        %parallel_loop3A_108 = vector.broadcast %parallel_loop3A_107 : f32 to vector<16xf32>
        %parallel_loop3A_109 = arith.constant 0 : i32
        %parallel_loop3A_110 = vector.broadcast %parallel_loop3A_109 : i32 to vector<16xi32>
        %parallel_loop3A_111 = arith.constant 0 : i32
        %parallel_loop3A_112 = vector.broadcast %parallel_loop3A_111 : i32 to vector<16xi32>
        %parallel_loop3A_113 = tpu.vector_load_idx %arg6[%parallel_loop3A_106, %parallel_loop3A_112] : memref<128x65xf32, #tpu.memory_space<vmem>>[vector<16xi32>, vector<16xi32>], vector<16xf32>,
        %parallel_loop3A_114 = arith.addf %parallel_loop3A_108, %parallel_loop3A_113 : vector<16xf32>
        %parallel_loop3A_115 = arith.cmpf ogt, %parallel_loop3A_102, %parallel_loop3A_114 : vector<16xf32>
        %parallel_loop3A_116 = arith.constant 1 : i32
        %parallel_loop3A_117 = vector.broadcast %parallel_loop3A_116 : i32 to vector<16xi32>
        %parallel_loop3A_118 = arith.addi %parallel_loop3A_110, %parallel_loop3A_117 : vector<16xi32>
        %parallel_loop3A_119 = arith.select %parallel_loop3A_115, %parallel_loop3A_118, %parallel_loop3A_110 : vector<16xi1>, vector<16xi32>
        %parallel_loop3A_120 = arith.constant 1 : i32
        %parallel_loop3A_121 = vector.broadcast %parallel_loop3A_120 : i32 to vector<16xi32>
        %parallel_loop3A_122 = tpu.vector_load_idx %arg6[%parallel_loop3A_106, %parallel_loop3A_121] : memref<128x65xf32, #tpu.memory_space<vmem>>[vector<16xi32>, vector<16xi32>], vector<16xf32>,
        %parallel_loop3A_123 = arith.addf %parallel_loop3A_114, %parallel_loop3A_122 : vector<16xf32>
        %parallel_loop3A_124 = arith.cmpf ogt, %parallel_loop3A_102, %parallel_loop3A_123 : vector<16xf32>
        %parallel_loop3A_125 = arith.constant 1 : i32
        %parallel_loop3A_126 = vector.broadcast %parallel_loop3A_125 : i32 to vector<16xi32>
        %parallel_loop3A_127 = arith.addi %parallel_loop3A_119, %parallel_loop3A_126 : vector<16xi32>
        %parallel_loop3A_128 = arith.select %parallel_loop3A_124, %parallel_loop3A_127, %parallel_loop3A_119 : vector<16xi1>, vector<16xi32>
        %parallel_loop3A_129 = arith.constant 2 : i32
        %parallel_loop3A_130 = vector.broadcast %parallel_loop3A_129 : i32 to vector<16xi32>
        %parallel_loop3A_131 = tpu.vector_load_idx %arg6[%parallel_loop3A_106, %parallel_loop3A_130] : memref<128x65xf32, #tpu.memory_space<vmem>>[vector<16xi32>, vector<16xi32>], vector<16xf32>,
        %parallel_loop3A_132 = arith.addf %parallel_loop3A_123, %parallel_loop3A_131 : vector<16xf32>
        %parallel_loop3A_133 = arith.cmpf ogt, %parallel_loop3A_102, %parallel_loop3A_132 : vector<16xf32>
        %parallel_loop3A_134 = arith.constant 1 : i32
        %parallel_loop3A_135 = vector.broadcast %parallel_loop3A_134 : i32 to vector<16xi32>
        %parallel_loop3A_136 = arith.addi %parallel_loop3A_128, %parallel_loop3A_135 : vector<16xi32>
        %parallel_loop3A_137 = arith.select %parallel_loop3A_133, %parallel_loop3A_136, %parallel_loop3A_128 : vector<16xi1>, vector<16xi32>
        %parallel_loop3A_138 = arith.constant 3 : i32
        %parallel_loop3A_139 = vector.broadcast %parallel_loop3A_138 : i32 to vector<16xi32>
        %parallel_loop3A_140 = tpu.vector_load_idx %arg6[%parallel_loop3A_106, %parallel_loop3A_139] : memref<128x65xf32, #tpu.memory_space<vmem>>[vector<16xi32>, vector<16xi32>], vector<16xf32>,
        %parallel_loop3A_141 = arith.addf %parallel_loop3A_132, %parallel_loop3A_140 : vector<16xf32>
        %parallel_loop3A_142 = arith.cmpf ogt, %parallel_loop3A_102, %parallel_loop3A_141 : vector<16xf32>
        %parallel_loop3A_143 = arith.constant 1 : i32
        %parallel_loop3A_144 = vector.broadcast %parallel_loop3A_143 : i32 to vector<16xi32>
        %parallel_loop3A_145 = arith.addi %parallel_loop3A_137, %parallel_loop3A_144 : vector<16xi32>
        %parallel_loop3A_146 = arith.select %parallel_loop3A_142, %parallel_loop3A_145, %parallel_loop3A_137 : vector<16xi1>, vector<16xi32>
        %parallel_loop3A_147 = arith.constant 4 : i32
        %parallel_loop3A_148 = vector.broadcast %parallel_loop3A_147 : i32 to vector<16xi32>
        %parallel_loop3A_149 = tpu.vector_load_idx %arg6[%parallel_loop3A_106, %parallel_loop3A_148] : memref<128x65xf32, #tpu.memory_space<vmem>>[vector<16xi32>, vector<16xi32>], vector<16xf32>,
        %parallel_loop3A_150 = arith.addf %parallel_loop3A_141, %parallel_loop3A_149 : vector<16xf32>
        %parallel_loop3A_151 = arith.cmpf ogt, %parallel_loop3A_102, %parallel_loop3A_150 : vector<16xf32>
        %parallel_loop3A_152 = arith.constant 1 : i32
        %parallel_loop3A_153 = vector.broadcast %parallel_loop3A_152 : i32 to vector<16xi32>
        %parallel_loop3A_154 = arith.addi %parallel_loop3A_146, %parallel_loop3A_153 : vector<16xi32>
        %parallel_loop3A_155 = arith.select %parallel_loop3A_151, %parallel_loop3A_154, %parallel_loop3A_146 : vector<16xi1>, vector<16xi32>
        %parallel_loop3A_156 = arith.constant 5 : i32
        %parallel_loop3A_157 = vector.broadcast %parallel_loop3A_156 : i32 to vector<16xi32>
        %parallel_loop3A_158 = tpu.vector_load_idx %arg6[%parallel_loop3A_106, %parallel_loop3A_157] : memref<128x65xf32, #tpu.memory_space<vmem>>[vector<16xi32>, vector<16xi32>], vector<16xf32>,
        %parallel_loop3A_159 = arith.addf %parallel_loop3A_150, %parallel_loop3A_158 : vector<16xf32>
        %parallel_loop3A_160 = arith.cmpf ogt, %parallel_loop3A_102, %parallel_loop3A_159 : vector<16xf32>
        %parallel_loop3A_161 = arith.constant 1 : i32
        %parallel_loop3A_162 = vector.broadcast %parallel_loop3A_161 : i32 to vector<16xi32>
        %parallel_loop3A_163 = arith.addi %parallel_loop3A_155, %parallel_loop3A_162 : vector<16xi32>
        %parallel_loop3A_164 = arith.select %parallel_loop3A_160, %parallel_loop3A_163, %parallel_loop3A_155 : vector<16xi1>, vector<16xi32>
        %parallel_loop3A_165 = arith.constant 6 : i32
        %parallel_loop3A_166 = vector.broadcast %parallel_loop3A_165 : i32 to vector<16xi32>
        %parallel_loop3A_167 = tpu.vector_load_idx %arg6[%parallel_loop3A_106, %parallel_loop3A_166] : memref<128x65xf32, #tpu.memory_space<vmem>>[vector<16xi32>, vector<16xi32>], vector<16xf32>,
        %parallel_loop3A_168 = arith.addf %parallel_loop3A_159, %parallel_loop3A_167 : vector<16xf32>
        %parallel_loop3A_169 = arith.cmpf ogt, %parallel_loop3A_102, %parallel_loop3A_168 : vector<16xf32>
        %parallel_loop3A_170 = arith.constant 1 : i32
        %parallel_loop3A_171 = vector.broadcast %parallel_loop3A_170 : i32 to vector<16xi32>
        %parallel_loop3A_172 = arith.addi %parallel_loop3A_164, %parallel_loop3A_171 : vector<16xi32>
        %parallel_loop3A_173 = arith.select %parallel_loop3A_169, %parallel_loop3A_172, %parallel_loop3A_164 : vector<16xi1>, vector<16xi32>
        %parallel_loop3A_174 = arith.constant 7 : i32
        %parallel_loop3A_175 = vector.broadcast %parallel_loop3A_174 : i32 to vector<16xi32>
        %parallel_loop3A_176 = tpu.vector_load_idx %arg6[%parallel_loop3A_106, %parallel_loop3A_175] : memref<128x65xf32, #tpu.memory_space<vmem>>[vector<16xi32>, vector<16xi32>], vector<16xf32>,
        %parallel_loop3A_177 = arith.addf %parallel_loop3A_168, %parallel_loop3A_176 : vector<16xf32>
        %parallel_loop3A_178 = arith.cmpf ogt, %parallel_loop3A_102, %parallel_loop3A_177 : vector<16xf32>
        %parallel_loop3A_179 = arith.constant 1 : i32
        %parallel_loop3A_180 = vector.broadcast %parallel_loop3A_179 : i32 to vector<16xi32>
        %parallel_loop3A_181 = arith.addi %parallel_loop3A_173, %parallel_loop3A_180 : vector<16xi32>
        %parallel_loop3A_182 = arith.select %parallel_loop3A_178, %parallel_loop3A_181, %parallel_loop3A_173 : vector<16xi1>, vector<16xi32>
        %parallel_loop3A_183 = arith.constant 8 : i32
        %parallel_loop3A_184 = vector.broadcast %parallel_loop3A_183 : i32 to vector<16xi32>
        %parallel_loop3A_185 = tpu.vector_load_idx %arg6[%parallel_loop3A_106, %parallel_loop3A_184] : memref<128x65xf32, #tpu.memory_space<vmem>>[vector<16xi32>, vector<16xi32>], vector<16xf32>,
        %parallel_loop3A_186 = arith.addf %parallel_loop3A_177, %parallel_loop3A_185 : vector<16xf32>
        %parallel_loop3A_187 = arith.cmpf ogt, %parallel_loop3A_102, %parallel_loop3A_186 : vector<16xf32>
        %parallel_loop3A_188 = arith.constant 1 : i32
        %parallel_loop3A_189 = vector.broadcast %parallel_loop3A_188 : i32 to vector<16xi32>
        %parallel_loop3A_190 = arith.addi %parallel_loop3A_182, %parallel_loop3A_189 : vector<16xi32>
        %parallel_loop3A_191 = arith.select %parallel_loop3A_187, %parallel_loop3A_190, %parallel_loop3A_182 : vector<16xi1>, vector<16xi32>
        %parallel_loop3A_192 = arith.constant 9 : i32
        %parallel_loop3A_193 = vector.broadcast %parallel_loop3A_192 : i32 to vector<16xi32>
        %parallel_loop3A_194 = tpu.vector_load_idx %arg6[%parallel_loop3A_106, %parallel_loop3A_193] : memref<128x65xf32, #tpu.memory_space<vmem>>[vector<16xi32>, vector<16xi32>], vector<16xf32>,
        %parallel_loop3A_195 = arith.addf %parallel_loop3A_186, %parallel_loop3A_194 : vector<16xf32>
        %parallel_loop3A_196 = arith.cmpf ogt, %parallel_loop3A_102, %parallel_loop3A_195 : vector<16xf32>
        %parallel_loop3A_197 = arith.constant 1 : i32
        %parallel_loop3A_198 = vector.broadcast %parallel_loop3A_197 : i32 to vector<16xi32>
        %parallel_loop3A_199 = arith.addi %parallel_loop3A_191, %parallel_loop3A_198 : vector<16xi32>
        %parallel_loop3A_200 = arith.select %parallel_loop3A_196, %parallel_loop3A_199, %parallel_loop3A_191 : vector<16xi1>, vector<16xi32>
        %parallel_loop3A_201 = arith.constant 10 : i32
        %parallel_loop3A_202 = vector.broadcast %parallel_loop3A_201 : i32 to vector<16xi32>
        %parallel_loop3A_203 = tpu.vector_load_idx %arg6[%parallel_loop3A_106, %parallel_loop3A_202] : memref<128x65xf32, #tpu.memory_space<vmem>>[vector<16xi32>, vector<16xi32>], vector<16xf32>,
        %parallel_loop3A_204 = arith.addf %parallel_loop3A_195, %parallel_loop3A_203 : vector<16xf32>
        %parallel_loop3A_205 = arith.cmpf ogt, %parallel_loop3A_102, %parallel_loop3A_204 : vector<16xf32>
        %parallel_loop3A_206 = arith.constant 1 : i32
        %parallel_loop3A_207 = vector.broadcast %parallel_loop3A_206 : i32 to vector<16xi32>
        %parallel_loop3A_208 = arith.addi %parallel_loop3A_200, %parallel_loop3A_207 : vector<16xi32>
        %parallel_loop3A_209 = arith.select %parallel_loop3A_205, %parallel_loop3A_208, %parallel_loop3A_200 : vector<16xi1>, vector<16xi32>
        %parallel_loop3A_210 = arith.constant 11 : i32
        %parallel_loop3A_211 = vector.broadcast %parallel_loop3A_210 : i32 to vector<16xi32>
        %parallel_loop3A_212 = tpu.vector_load_idx %arg6[%parallel_loop3A_106, %parallel_loop3A_211] : memref<128x65xf32, #tpu.memory_space<vmem>>[vector<16xi32>, vector<16xi32>], vector<16xf32>,
        %parallel_loop3A_213 = arith.addf %parallel_loop3A_204, %parallel_loop3A_212 : vector<16xf32>
        %parallel_loop3A_214 = arith.cmpf ogt, %parallel_loop3A_102, %parallel_loop3A_213 : vector<16xf32>
        %parallel_loop3A_215 = arith.constant 1 : i32
        %parallel_loop3A_216 = vector.broadcast %parallel_loop3A_215 : i32 to vector<16xi32>
        %parallel_loop3A_217 = arith.addi %parallel_loop3A_209, %parallel_loop3A_216 : vector<16xi32>
        %parallel_loop3A_218 = arith.select %parallel_loop3A_214, %parallel_loop3A_217, %parallel_loop3A_209 : vector<16xi1>, vector<16xi32>
        %parallel_loop3A_219 = arith.constant 12 : i32
        %parallel_loop3A_220 = vector.broadcast %parallel_loop3A_219 : i32 to vector<16xi32>
        %parallel_loop3A_221 = tpu.vector_load_idx %arg6[%parallel_loop3A_106, %parallel_loop3A_220] : memref<128x65xf32, #tpu.memory_space<vmem>>[vector<16xi32>, vector<16xi32>], vector<16xf32>,
        %parallel_loop3A_222 = arith.addf %parallel_loop3A_213, %parallel_loop3A_221 : vector<16xf32>
        %parallel_loop3A_223 = arith.cmpf ogt, %parallel_loop3A_102, %parallel_loop3A_222 : vector<16xf32>
        %parallel_loop3A_224 = arith.constant 1 : i32
        %parallel_loop3A_225 = vector.broadcast %parallel_loop3A_224 : i32 to vector<16xi32>
        %parallel_loop3A_226 = arith.addi %parallel_loop3A_218, %parallel_loop3A_225 : vector<16xi32>
        %parallel_loop3A_227 = arith.select %parallel_loop3A_223, %parallel_loop3A_226, %parallel_loop3A_218 : vector<16xi1>, vector<16xi32>
        %parallel_loop3A_228 = arith.constant 13 : i32
        %parallel_loop3A_229 = vector.broadcast %parallel_loop3A_228 : i32 to vector<16xi32>
        %parallel_loop3A_230 = tpu.vector_load_idx %arg6[%parallel_loop3A_106, %parallel_loop3A_229] : memref<128x65xf32, #tpu.memory_space<vmem>>[vector<16xi32>, vector<16xi32>], vector<16xf32>,
        %parallel_loop3A_231 = arith.addf %parallel_loop3A_222, %parallel_loop3A_230 : vector<16xf32>
        %parallel_loop3A_232 = arith.cmpf ogt, %parallel_loop3A_102, %parallel_loop3A_231 : vector<16xf32>
        %parallel_loop3A_233 = arith.constant 1 : i32
        %parallel_loop3A_234 = vector.broadcast %parallel_loop3A_233 : i32 to vector<16xi32>
        %parallel_loop3A_235 = arith.addi %parallel_loop3A_227, %parallel_loop3A_234 : vector<16xi32>
        %parallel_loop3A_236 = arith.select %parallel_loop3A_232, %parallel_loop3A_235, %parallel_loop3A_227 : vector<16xi1>, vector<16xi32>
        %parallel_loop3A_237 = arith.constant 14 : i32
        %parallel_loop3A_238 = vector.broadcast %parallel_loop3A_237 : i32 to vector<16xi32>
        %parallel_loop3A_239 = tpu.vector_load_idx %arg6[%parallel_loop3A_106, %parallel_loop3A_238] : memref<128x65xf32, #tpu.memory_space<vmem>>[vector<16xi32>, vector<16xi32>], vector<16xf32>,
        %parallel_loop3A_240 = arith.addf %parallel_loop3A_231, %parallel_loop3A_239 : vector<16xf32>
        %parallel_loop3A_241 = arith.cmpf ogt, %parallel_loop3A_102, %parallel_loop3A_240 : vector<16xf32>
        %parallel_loop3A_242 = arith.constant 1 : i32
        %parallel_loop3A_243 = vector.broadcast %parallel_loop3A_242 : i32 to vector<16xi32>
        %parallel_loop3A_244 = arith.addi %parallel_loop3A_236, %parallel_loop3A_243 : vector<16xi32>
        %parallel_loop3A_245 = arith.select %parallel_loop3A_241, %parallel_loop3A_244, %parallel_loop3A_236 : vector<16xi1>, vector<16xi32>
        %parallel_loop3A_246 = arith.constant 15 : i32
        %parallel_loop3A_247 = vector.broadcast %parallel_loop3A_246 : i32 to vector<16xi32>
        %parallel_loop3A_248 = tpu.vector_load_idx %arg6[%parallel_loop3A_106, %parallel_loop3A_247] : memref<128x65xf32, #tpu.memory_space<vmem>>[vector<16xi32>, vector<16xi32>], vector<16xf32>,
        %parallel_loop3A_249 = arith.addf %parallel_loop3A_240, %parallel_loop3A_248 : vector<16xf32>
        %parallel_loop3A_250 = arith.cmpf ogt, %parallel_loop3A_102, %parallel_loop3A_249 : vector<16xf32>
        %parallel_loop3A_251 = arith.constant 1 : i32
        %parallel_loop3A_252 = vector.broadcast %parallel_loop3A_251 : i32 to vector<16xi32>
        %parallel_loop3A_253 = arith.addi %parallel_loop3A_245, %parallel_loop3A_252 : vector<16xi32>
        %parallel_loop3A_254 = arith.select %parallel_loop3A_250, %parallel_loop3A_253, %parallel_loop3A_245 : vector<16xi1>, vector<16xi32>
        %parallel_loop3A_255 = arith.constant 16 : i32
        %parallel_loop3A_256 = vector.broadcast %parallel_loop3A_255 : i32 to vector<16xi32>
        %parallel_loop3A_257 = tpu.vector_load_idx %arg6[%parallel_loop3A_106, %parallel_loop3A_256] : memref<128x65xf32, #tpu.memory_space<vmem>>[vector<16xi32>, vector<16xi32>], vector<16xf32>,
        %parallel_loop3A_258 = arith.addf %parallel_loop3A_249, %parallel_loop3A_257 : vector<16xf32>
        %parallel_loop3A_259 = arith.cmpf ogt, %parallel_loop3A_102, %parallel_loop3A_258 : vector<16xf32>
        %parallel_loop3A_260 = arith.constant 1 : i32
        %parallel_loop3A_261 = vector.broadcast %parallel_loop3A_260 : i32 to vector<16xi32>
        %parallel_loop3A_262 = arith.addi %parallel_loop3A_254, %parallel_loop3A_261 : vector<16xi32>
        %parallel_loop3A_263 = arith.select %parallel_loop3A_259, %parallel_loop3A_262, %parallel_loop3A_254 : vector<16xi1>, vector<16xi32>
        %parallel_loop3A_264 = arith.constant 17 : i32
        %parallel_loop3A_265 = vector.broadcast %parallel_loop3A_264 : i32 to vector<16xi32>
        %parallel_loop3A_266 = tpu.vector_load_idx %arg6[%parallel_loop3A_106, %parallel_loop3A_265] : memref<128x65xf32, #tpu.memory_space<vmem>>[vector<16xi32>, vector<16xi32>], vector<16xf32>,
        %parallel_loop3A_267 = arith.addf %parallel_loop3A_258, %parallel_loop3A_266 : vector<16xf32>
        %parallel_loop3A_268 = arith.cmpf ogt, %parallel_loop3A_102, %parallel_loop3A_267 : vector<16xf32>
        %parallel_loop3A_269 = arith.constant 1 : i32
        %parallel_loop3A_270 = vector.broadcast %parallel_loop3A_269 : i32 to vector<16xi32>
        %parallel_loop3A_271 = arith.addi %parallel_loop3A_263, %parallel_loop3A_270 : vector<16xi32>
        %parallel_loop3A_272 = arith.select %parallel_loop3A_268, %parallel_loop3A_271, %parallel_loop3A_263 : vector<16xi1>, vector<16xi32>
        %parallel_loop3A_273 = arith.constant 18 : i32
        %parallel_loop3A_274 = vector.broadcast %parallel_loop3A_273 : i32 to vector<16xi32>
        %parallel_loop3A_275 = tpu.vector_load_idx %arg6[%parallel_loop3A_106, %parallel_loop3A_274] : memref<128x65xf32, #tpu.memory_space<vmem>>[vector<16xi32>, vector<16xi32>], vector<16xf32>,
        %parallel_loop3A_276 = arith.addf %parallel_loop3A_267, %parallel_loop3A_275 : vector<16xf32>
        %parallel_loop3A_277 = arith.cmpf ogt, %parallel_loop3A_102, %parallel_loop3A_276 : vector<16xf32>
        %parallel_loop3A_278 = arith.constant 1 : i32
        %parallel_loop3A_279 = vector.broadcast %parallel_loop3A_278 : i32 to vector<16xi32>
        %parallel_loop3A_280 = arith.addi %parallel_loop3A_272, %parallel_loop3A_279 : vector<16xi32>
        %parallel_loop3A_281 = arith.select %parallel_loop3A_277, %parallel_loop3A_280, %parallel_loop3A_272 : vector<16xi1>, vector<16xi32>
        %parallel_loop3A_282 = arith.constant 19 : i32
        %parallel_loop3A_283 = vector.broadcast %parallel_loop3A_282 : i32 to vector<16xi32>
        %parallel_loop3A_284 = tpu.vector_load_idx %arg6[%parallel_loop3A_106, %parallel_loop3A_283] : memref<128x65xf32, #tpu.memory_space<vmem>>[vector<16xi32>, vector<16xi32>], vector<16xf32>,
        %parallel_loop3A_285 = arith.addf %parallel_loop3A_276, %parallel_loop3A_284 : vector<16xf32>
        %parallel_loop3A_286 = arith.cmpf ogt, %parallel_loop3A_102, %parallel_loop3A_285 : vector<16xf32>
        %parallel_loop3A_287 = arith.constant 1 : i32
        %parallel_loop3A_288 = vector.broadcast %parallel_loop3A_287 : i32 to vector<16xi32>
        %parallel_loop3A_289 = arith.addi %parallel_loop3A_281, %parallel_loop3A_288 : vector<16xi32>
        %parallel_loop3A_290 = arith.select %parallel_loop3A_286, %parallel_loop3A_289, %parallel_loop3A_281 : vector<16xi1>, vector<16xi32>
        %parallel_loop3A_291 = arith.constant 20 : i32
        %parallel_loop3A_292 = vector.broadcast %parallel_loop3A_291 : i32 to vector<16xi32>
        %parallel_loop3A_293 = tpu.vector_load_idx %arg6[%parallel_loop3A_106, %parallel_loop3A_292] : memref<128x65xf32, #tpu.memory_space<vmem>>[vector<16xi32>, vector<16xi32>], vector<16xf32>,
        %parallel_loop3A_294 = arith.addf %parallel_loop3A_285, %parallel_loop3A_293 : vector<16xf32>
        %parallel_loop3A_295 = arith.cmpf ogt, %parallel_loop3A_102, %parallel_loop3A_294 : vector<16xf32>
        %parallel_loop3A_296 = arith.constant 1 : i32
        %parallel_loop3A_297 = vector.broadcast %parallel_loop3A_296 : i32 to vector<16xi32>
        %parallel_loop3A_298 = arith.addi %parallel_loop3A_290, %parallel_loop3A_297 : vector<16xi32>
        %parallel_loop3A_299 = arith.select %parallel_loop3A_295, %parallel_loop3A_298, %parallel_loop3A_290 : vector<16xi1>, vector<16xi32>
        %parallel_loop3A_300 = arith.constant 21 : i32
        %parallel_loop3A_301 = vector.broadcast %parallel_loop3A_300 : i32 to vector<16xi32>
        %parallel_loop3A_302 = tpu.vector_load_idx %arg6[%parallel_loop3A_106, %parallel_loop3A_301] : memref<128x65xf32, #tpu.memory_space<vmem>>[vector<16xi32>, vector<16xi32>], vector<16xf32>,
        %parallel_loop3A_303 = arith.addf %parallel_loop3A_294, %parallel_loop3A_302 : vector<16xf32>
        %parallel_loop3A_304 = arith.cmpf ogt, %parallel_loop3A_102, %parallel_loop3A_303 : vector<16xf32>
        %parallel_loop3A_305 = arith.constant 1 : i32
        %parallel_loop3A_306 = vector.broadcast %parallel_loop3A_305 : i32 to vector<16xi32>
        %parallel_loop3A_307 = arith.addi %parallel_loop3A_299, %parallel_loop3A_306 : vector<16xi32>
        %parallel_loop3A_308 = arith.select %parallel_loop3A_304, %parallel_loop3A_307, %parallel_loop3A_299 : vector<16xi1>, vector<16xi32>
        %parallel_loop3A_309 = arith.constant 22 : i32
        %parallel_loop3A_310 = vector.broadcast %parallel_loop3A_309 : i32 to vector<16xi32>
        %parallel_loop3A_311 = tpu.vector_load_idx %arg6[%parallel_loop3A_106, %parallel_loop3A_310] : memref<128x65xf32, #tpu.memory_space<vmem>>[vector<16xi32>, vector<16xi32>], vector<16xf32>,
        %parallel_loop3A_312 = arith.addf %parallel_loop3A_303, %parallel_loop3A_311 : vector<16xf32>
        %parallel_loop3A_313 = arith.cmpf ogt, %parallel_loop3A_102, %parallel_loop3A_312 : vector<16xf32>
        %parallel_loop3A_314 = arith.constant 1 : i32
        %parallel_loop3A_315 = vector.broadcast %parallel_loop3A_314 : i32 to vector<16xi32>
        %parallel_loop3A_316 = arith.addi %parallel_loop3A_308, %parallel_loop3A_315 : vector<16xi32>
        %parallel_loop3A_317 = arith.select %parallel_loop3A_313, %parallel_loop3A_316, %parallel_loop3A_308 : vector<16xi1>, vector<16xi32>
        %parallel_loop3A_318 = arith.constant 23 : i32
        %parallel_loop3A_319 = vector.broadcast %parallel_loop3A_318 : i32 to vector<16xi32>
        %parallel_loop3A_320 = tpu.vector_load_idx %arg6[%parallel_loop3A_106, %parallel_loop3A_319] : memref<128x65xf32, #tpu.memory_space<vmem>>[vector<16xi32>, vector<16xi32>], vector<16xf32>,
        %parallel_loop3A_321 = arith.addf %parallel_loop3A_312, %parallel_loop3A_320 : vector<16xf32>
        %parallel_loop3A_322 = arith.cmpf ogt, %parallel_loop3A_102, %parallel_loop3A_321 : vector<16xf32>
        %parallel_loop3A_323 = arith.constant 1 : i32
        %parallel_loop3A_324 = vector.broadcast %parallel_loop3A_323 : i32 to vector<16xi32>
        %parallel_loop3A_325 = arith.addi %parallel_loop3A_317, %parallel_loop3A_324 : vector<16xi32>
        %parallel_loop3A_326 = arith.select %parallel_loop3A_322, %parallel_loop3A_325, %parallel_loop3A_317 : vector<16xi1>, vector<16xi32>
        %parallel_loop3A_327 = arith.constant 24 : i32
        %parallel_loop3A_328 = vector.broadcast %parallel_loop3A_327 : i32 to vector<16xi32>
        %parallel_loop3A_329 = tpu.vector_load_idx %arg6[%parallel_loop3A_106, %parallel_loop3A_328] : memref<128x65xf32, #tpu.memory_space<vmem>>[vector<16xi32>, vector<16xi32>], vector<16xf32>,
        %parallel_loop3A_330 = arith.addf %parallel_loop3A_321, %parallel_loop3A_329 : vector<16xf32>
        %parallel_loop3A_331 = arith.cmpf ogt, %parallel_loop3A_102, %parallel_loop3A_330 : vector<16xf32>
        %parallel_loop3A_332 = arith.constant 1 : i32
        %parallel_loop3A_333 = vector.broadcast %parallel_loop3A_332 : i32 to vector<16xi32>
        %parallel_loop3A_334 = arith.addi %parallel_loop3A_326, %parallel_loop3A_333 : vector<16xi32>
        %parallel_loop3A_335 = arith.select %parallel_loop3A_331, %parallel_loop3A_334, %parallel_loop3A_326 : vector<16xi1>, vector<16xi32>
        %parallel_loop3A_336 = arith.constant 25 : i32
        %parallel_loop3A_337 = vector.broadcast %parallel_loop3A_336 : i32 to vector<16xi32>
        %parallel_loop3A_338 = tpu.vector_load_idx %arg6[%parallel_loop3A_106, %parallel_loop3A_337] : memref<128x65xf32, #tpu.memory_space<vmem>>[vector<16xi32>, vector<16xi32>], vector<16xf32>,
        %parallel_loop3A_339 = arith.addf %parallel_loop3A_330, %parallel_loop3A_338 : vector<16xf32>
        %parallel_loop3A_340 = arith.cmpf ogt, %parallel_loop3A_102, %parallel_loop3A_339 : vector<16xf32>
        %parallel_loop3A_341 = arith.constant 1 : i32
        %parallel_loop3A_342 = vector.broadcast %parallel_loop3A_341 : i32 to vector<16xi32>
        %parallel_loop3A_343 = arith.addi %parallel_loop3A_335, %parallel_loop3A_342 : vector<16xi32>
        %parallel_loop3A_344 = arith.select %parallel_loop3A_340, %parallel_loop3A_343, %parallel_loop3A_335 : vector<16xi1>, vector<16xi32>
        %parallel_loop3A_345 = arith.constant 26 : i32
        %parallel_loop3A_346 = vector.broadcast %parallel_loop3A_345 : i32 to vector<16xi32>
        %parallel_loop3A_347 = tpu.vector_load_idx %arg6[%parallel_loop3A_106, %parallel_loop3A_346] : memref<128x65xf32, #tpu.memory_space<vmem>>[vector<16xi32>, vector<16xi32>], vector<16xf32>,
        %parallel_loop3A_348 = arith.addf %parallel_loop3A_339, %parallel_loop3A_347 : vector<16xf32>
        %parallel_loop3A_349 = arith.cmpf ogt, %parallel_loop3A_102, %parallel_loop3A_348 : vector<16xf32>
        %parallel_loop3A_350 = arith.constant 1 : i32
        %parallel_loop3A_351 = vector.broadcast %parallel_loop3A_350 : i32 to vector<16xi32>
        %parallel_loop3A_352 = arith.addi %parallel_loop3A_344, %parallel_loop3A_351 : vector<16xi32>
        %parallel_loop3A_353 = arith.select %parallel_loop3A_349, %parallel_loop3A_352, %parallel_loop3A_344 : vector<16xi1>, vector<16xi32>
        %parallel_loop3A_354 = arith.constant 27 : i32
        %parallel_loop3A_355 = vector.broadcast %parallel_loop3A_354 : i32 to vector<16xi32>
        %parallel_loop3A_356 = tpu.vector_load_idx %arg6[%parallel_loop3A_106, %parallel_loop3A_355] : memref<128x65xf32, #tpu.memory_space<vmem>>[vector<16xi32>, vector<16xi32>], vector<16xf32>,
        %parallel_loop3A_357 = arith.addf %parallel_loop3A_348, %parallel_loop3A_356 : vector<16xf32>
        %parallel_loop3A_358 = arith.cmpf ogt, %parallel_loop3A_102, %parallel_loop3A_357 : vector<16xf32>
        %parallel_loop3A_359 = arith.constant 1 : i32
        %parallel_loop3A_360 = vector.broadcast %parallel_loop3A_359 : i32 to vector<16xi32>
        %parallel_loop3A_361 = arith.addi %parallel_loop3A_353, %parallel_loop3A_360 : vector<16xi32>
        %parallel_loop3A_362 = arith.select %parallel_loop3A_358, %parallel_loop3A_361, %parallel_loop3A_353 : vector<16xi1>, vector<16xi32>
        %parallel_loop3A_363 = arith.constant 28 : i32
        %parallel_loop3A_364 = vector.broadcast %parallel_loop3A_363 : i32 to vector<16xi32>
        %parallel_loop3A_365 = tpu.vector_load_idx %arg6[%parallel_loop3A_106, %parallel_loop3A_364] : memref<128x65xf32, #tpu.memory_space<vmem>>[vector<16xi32>, vector<16xi32>], vector<16xf32>,
        %parallel_loop3A_366 = arith.addf %parallel_loop3A_357, %parallel_loop3A_365 : vector<16xf32>
        %parallel_loop3A_367 = arith.cmpf ogt, %parallel_loop3A_102, %parallel_loop3A_366 : vector<16xf32>
        %parallel_loop3A_368 = arith.constant 1 : i32
        %parallel_loop3A_369 = vector.broadcast %parallel_loop3A_368 : i32 to vector<16xi32>
        %parallel_loop3A_370 = arith.addi %parallel_loop3A_362, %parallel_loop3A_369 : vector<16xi32>
        %parallel_loop3A_371 = arith.select %parallel_loop3A_367, %parallel_loop3A_370, %parallel_loop3A_362 : vector<16xi1>, vector<16xi32>
        %parallel_loop3A_372 = arith.constant 29 : i32
        %parallel_loop3A_373 = vector.broadcast %parallel_loop3A_372 : i32 to vector<16xi32>
        %parallel_loop3A_374 = tpu.vector_load_idx %arg6[%parallel_loop3A_106, %parallel_loop3A_373] : memref<128x65xf32, #tpu.memory_space<vmem>>[vector<16xi32>, vector<16xi32>], vector<16xf32>,
        %parallel_loop3A_375 = arith.addf %parallel_loop3A_366, %parallel_loop3A_374 : vector<16xf32>
        %parallel_loop3A_376 = arith.cmpf ogt, %parallel_loop3A_102, %parallel_loop3A_375 : vector<16xf32>
        %parallel_loop3A_377 = arith.constant 1 : i32
        %parallel_loop3A_378 = vector.broadcast %parallel_loop3A_377 : i32 to vector<16xi32>
        %parallel_loop3A_379 = arith.addi %parallel_loop3A_371, %parallel_loop3A_378 : vector<16xi32>
        %parallel_loop3A_380 = arith.select %parallel_loop3A_376, %parallel_loop3A_379, %parallel_loop3A_371 : vector<16xi1>, vector<16xi32>
        %parallel_loop3A_381 = arith.constant 30 : i32
        %parallel_loop3A_382 = vector.broadcast %parallel_loop3A_381 : i32 to vector<16xi32>
        %parallel_loop3A_383 = tpu.vector_load_idx %arg6[%parallel_loop3A_106, %parallel_loop3A_382] : memref<128x65xf32, #tpu.memory_space<vmem>>[vector<16xi32>, vector<16xi32>], vector<16xf32>,
        %parallel_loop3A_384 = arith.addf %parallel_loop3A_375, %parallel_loop3A_383 : vector<16xf32>
        %parallel_loop3A_385 = arith.cmpf ogt, %parallel_loop3A_102, %parallel_loop3A_384 : vector<16xf32>
        %parallel_loop3A_386 = arith.constant 1 : i32
        %parallel_loop3A_387 = vector.broadcast %parallel_loop3A_386 : i32 to vector<16xi32>
        %parallel_loop3A_388 = arith.addi %parallel_loop3A_380, %parallel_loop3A_387 : vector<16xi32>
        %parallel_loop3A_389 = arith.select %parallel_loop3A_385, %parallel_loop3A_388, %parallel_loop3A_380 : vector<16xi1>, vector<16xi32>
        %parallel_loop3A_390 = arith.constant 31 : i32
        %parallel_loop3A_391 = vector.broadcast %parallel_loop3A_390 : i32 to vector<16xi32>
        %parallel_loop3A_392 = tpu.vector_load_idx %arg6[%parallel_loop3A_106, %parallel_loop3A_391] : memref<128x65xf32, #tpu.memory_space<vmem>>[vector<16xi32>, vector<16xi32>], vector<16xf32>,
        %parallel_loop3A_393 = arith.addf %parallel_loop3A_384, %parallel_loop3A_392 : vector<16xf32>
        %parallel_loop3A_394 = arith.cmpf ogt, %parallel_loop3A_102, %parallel_loop3A_393 : vector<16xf32>
        %parallel_loop3A_395 = arith.constant 1 : i32
        %parallel_loop3A_396 = vector.broadcast %parallel_loop3A_395 : i32 to vector<16xi32>
        %parallel_loop3A_397 = arith.addi %parallel_loop3A_389, %parallel_loop3A_396 : vector<16xi32>
        %parallel_loop3A_398 = arith.select %parallel_loop3A_394, %parallel_loop3A_397, %parallel_loop3A_389 : vector<16xi1>, vector<16xi32>
        %parallel_loop3A_399 = arith.constant 32 : i32
        %parallel_loop3A_400 = vector.broadcast %parallel_loop3A_399 : i32 to vector<16xi32>
        %parallel_loop3A_401 = tpu.vector_load_idx %arg6[%parallel_loop3A_106, %parallel_loop3A_400] : memref<128x65xf32, #tpu.memory_space<vmem>>[vector<16xi32>, vector<16xi32>], vector<16xf32>,
        %parallel_loop3A_402 = arith.addf %parallel_loop3A_393, %parallel_loop3A_401 : vector<16xf32>
        %parallel_loop3A_403 = arith.cmpf ogt, %parallel_loop3A_102, %parallel_loop3A_402 : vector<16xf32>
        %parallel_loop3A_404 = arith.constant 1 : i32
        %parallel_loop3A_405 = vector.broadcast %parallel_loop3A_404 : i32 to vector<16xi32>
        %parallel_loop3A_406 = arith.addi %parallel_loop3A_398, %parallel_loop3A_405 : vector<16xi32>
        %parallel_loop3A_407 = arith.select %parallel_loop3A_403, %parallel_loop3A_406, %parallel_loop3A_398 : vector<16xi1>, vector<16xi32>
        %parallel_loop3A_408 = arith.constant 33 : i32
        %parallel_loop3A_409 = vector.broadcast %parallel_loop3A_408 : i32 to vector<16xi32>
        %parallel_loop3A_410 = tpu.vector_load_idx %arg6[%parallel_loop3A_106, %parallel_loop3A_409] : memref<128x65xf32, #tpu.memory_space<vmem>>[vector<16xi32>, vector<16xi32>], vector<16xf32>,
        %parallel_loop3A_411 = arith.addf %parallel_loop3A_402, %parallel_loop3A_410 : vector<16xf32>
        %parallel_loop3A_412 = arith.cmpf ogt, %parallel_loop3A_102, %parallel_loop3A_411 : vector<16xf32>
        %parallel_loop3A_413 = arith.constant 1 : i32
        %parallel_loop3A_414 = vector.broadcast %parallel_loop3A_413 : i32 to vector<16xi32>
        %parallel_loop3A_415 = arith.addi %parallel_loop3A_407, %parallel_loop3A_414 : vector<16xi32>
        %parallel_loop3A_416 = arith.select %parallel_loop3A_412, %parallel_loop3A_415, %parallel_loop3A_407 : vector<16xi1>, vector<16xi32>
        %parallel_loop3A_417 = arith.constant 34 : i32
        %parallel_loop3A_418 = vector.broadcast %parallel_loop3A_417 : i32 to vector<16xi32>
        %parallel_loop3A_419 = tpu.vector_load_idx %arg6[%parallel_loop3A_106, %parallel_loop3A_418] : memref<128x65xf32, #tpu.memory_space<vmem>>[vector<16xi32>, vector<16xi32>], vector<16xf32>,
        %parallel_loop3A_420 = arith.addf %parallel_loop3A_411, %parallel_loop3A_419 : vector<16xf32>
        %parallel_loop3A_421 = arith.cmpf ogt, %parallel_loop3A_102, %parallel_loop3A_420 : vector<16xf32>
        %parallel_loop3A_422 = arith.constant 1 : i32
        %parallel_loop3A_423 = vector.broadcast %parallel_loop3A_422 : i32 to vector<16xi32>
        %parallel_loop3A_424 = arith.addi %parallel_loop3A_416, %parallel_loop3A_423 : vector<16xi32>
        %parallel_loop3A_425 = arith.select %parallel_loop3A_421, %parallel_loop3A_424, %parallel_loop3A_416 : vector<16xi1>, vector<16xi32>
        %parallel_loop3A_426 = arith.constant 35 : i32
        %parallel_loop3A_427 = vector.broadcast %parallel_loop3A_426 : i32 to vector<16xi32>
        %parallel_loop3A_428 = tpu.vector_load_idx %arg6[%parallel_loop3A_106, %parallel_loop3A_427] : memref<128x65xf32, #tpu.memory_space<vmem>>[vector<16xi32>, vector<16xi32>], vector<16xf32>,
        %parallel_loop3A_429 = arith.addf %parallel_loop3A_420, %parallel_loop3A_428 : vector<16xf32>
        %parallel_loop3A_430 = arith.cmpf ogt, %parallel_loop3A_102, %parallel_loop3A_429 : vector<16xf32>
        %parallel_loop3A_431 = arith.constant 1 : i32
        %parallel_loop3A_432 = vector.broadcast %parallel_loop3A_431 : i32 to vector<16xi32>
        %parallel_loop3A_433 = arith.addi %parallel_loop3A_425, %parallel_loop3A_432 : vector<16xi32>
        %parallel_loop3A_434 = arith.select %parallel_loop3A_430, %parallel_loop3A_433, %parallel_loop3A_425 : vector<16xi1>, vector<16xi32>
        %parallel_loop3A_435 = arith.constant 36 : i32
        %parallel_loop3A_436 = vector.broadcast %parallel_loop3A_435 : i32 to vector<16xi32>
        %parallel_loop3A_437 = tpu.vector_load_idx %arg6[%parallel_loop3A_106, %parallel_loop3A_436] : memref<128x65xf32, #tpu.memory_space<vmem>>[vector<16xi32>, vector<16xi32>], vector<16xf32>,
        %parallel_loop3A_438 = arith.addf %parallel_loop3A_429, %parallel_loop3A_437 : vector<16xf32>
        %parallel_loop3A_439 = arith.cmpf ogt, %parallel_loop3A_102, %parallel_loop3A_438 : vector<16xf32>
        %parallel_loop3A_440 = arith.constant 1 : i32
        %parallel_loop3A_441 = vector.broadcast %parallel_loop3A_440 : i32 to vector<16xi32>
        %parallel_loop3A_442 = arith.addi %parallel_loop3A_434, %parallel_loop3A_441 : vector<16xi32>
        %parallel_loop3A_443 = arith.select %parallel_loop3A_439, %parallel_loop3A_442, %parallel_loop3A_434 : vector<16xi1>, vector<16xi32>
        %parallel_loop3A_444 = arith.constant 37 : i32
        %parallel_loop3A_445 = vector.broadcast %parallel_loop3A_444 : i32 to vector<16xi32>
        %parallel_loop3A_446 = tpu.vector_load_idx %arg6[%parallel_loop3A_106, %parallel_loop3A_445] : memref<128x65xf32, #tpu.memory_space<vmem>>[vector<16xi32>, vector<16xi32>], vector<16xf32>,
        %parallel_loop3A_447 = arith.addf %parallel_loop3A_438, %parallel_loop3A_446 : vector<16xf32>
        %parallel_loop3A_448 = arith.cmpf ogt, %parallel_loop3A_102, %parallel_loop3A_447 : vector<16xf32>
        %parallel_loop3A_449 = arith.constant 1 : i32
        %parallel_loop3A_450 = vector.broadcast %parallel_loop3A_449 : i32 to vector<16xi32>
        %parallel_loop3A_451 = arith.addi %parallel_loop3A_443, %parallel_loop3A_450 : vector<16xi32>
        %parallel_loop3A_452 = arith.select %parallel_loop3A_448, %parallel_loop3A_451, %parallel_loop3A_443 : vector<16xi1>, vector<16xi32>
        %parallel_loop3A_453 = arith.constant 38 : i32
        %parallel_loop3A_454 = vector.broadcast %parallel_loop3A_453 : i32 to vector<16xi32>
        %parallel_loop3A_455 = tpu.vector_load_idx %arg6[%parallel_loop3A_106, %parallel_loop3A_454] : memref<128x65xf32, #tpu.memory_space<vmem>>[vector<16xi32>, vector<16xi32>], vector<16xf32>,
        %parallel_loop3A_456 = arith.addf %parallel_loop3A_447, %parallel_loop3A_455 : vector<16xf32>
        %parallel_loop3A_457 = arith.cmpf ogt, %parallel_loop3A_102, %parallel_loop3A_456 : vector<16xf32>
        %parallel_loop3A_458 = arith.constant 1 : i32
        %parallel_loop3A_459 = vector.broadcast %parallel_loop3A_458 : i32 to vector<16xi32>
        %parallel_loop3A_460 = arith.addi %parallel_loop3A_452, %parallel_loop3A_459 : vector<16xi32>
        %parallel_loop3A_461 = arith.select %parallel_loop3A_457, %parallel_loop3A_460, %parallel_loop3A_452 : vector<16xi1>, vector<16xi32>
        %parallel_loop3A_462 = arith.constant 39 : i32
        %parallel_loop3A_463 = vector.broadcast %parallel_loop3A_462 : i32 to vector<16xi32>
        %parallel_loop3A_464 = tpu.vector_load_idx %arg6[%parallel_loop3A_106, %parallel_loop3A_463] : memref<128x65xf32, #tpu.memory_space<vmem>>[vector<16xi32>, vector<16xi32>], vector<16xf32>,
        %parallel_loop3A_465 = arith.addf %parallel_loop3A_456, %parallel_loop3A_464 : vector<16xf32>
        %parallel_loop3A_466 = arith.cmpf ogt, %parallel_loop3A_102, %parallel_loop3A_465 : vector<16xf32>
        %parallel_loop3A_467 = arith.constant 1 : i32
        %parallel_loop3A_468 = vector.broadcast %parallel_loop3A_467 : i32 to vector<16xi32>
        %parallel_loop3A_469 = arith.addi %parallel_loop3A_461, %parallel_loop3A_468 : vector<16xi32>
        %parallel_loop3A_470 = arith.select %parallel_loop3A_466, %parallel_loop3A_469, %parallel_loop3A_461 : vector<16xi1>, vector<16xi32>
        %parallel_loop3A_471 = arith.constant 40 : i32
        %parallel_loop3A_472 = vector.broadcast %parallel_loop3A_471 : i32 to vector<16xi32>
        %parallel_loop3A_473 = tpu.vector_load_idx %arg6[%parallel_loop3A_106, %parallel_loop3A_472] : memref<128x65xf32, #tpu.memory_space<vmem>>[vector<16xi32>, vector<16xi32>], vector<16xf32>,
        %parallel_loop3A_474 = arith.addf %parallel_loop3A_465, %parallel_loop3A_473 : vector<16xf32>
        %parallel_loop3A_475 = arith.cmpf ogt, %parallel_loop3A_102, %parallel_loop3A_474 : vector<16xf32>
        %parallel_loop3A_476 = arith.constant 1 : i32
        %parallel_loop3A_477 = vector.broadcast %parallel_loop3A_476 : i32 to vector<16xi32>
        %parallel_loop3A_478 = arith.addi %parallel_loop3A_470, %parallel_loop3A_477 : vector<16xi32>
        %parallel_loop3A_479 = arith.select %parallel_loop3A_475, %parallel_loop3A_478, %parallel_loop3A_470 : vector<16xi1>, vector<16xi32>
        %parallel_loop3A_480 = arith.constant 41 : i32
        %parallel_loop3A_481 = vector.broadcast %parallel_loop3A_480 : i32 to vector<16xi32>
        %parallel_loop3A_482 = tpu.vector_load_idx %arg6[%parallel_loop3A_106, %parallel_loop3A_481] : memref<128x65xf32, #tpu.memory_space<vmem>>[vector<16xi32>, vector<16xi32>], vector<16xf32>,
        %parallel_loop3A_483 = arith.addf %parallel_loop3A_474, %parallel_loop3A_482 : vector<16xf32>
        %parallel_loop3A_484 = arith.cmpf ogt, %parallel_loop3A_102, %parallel_loop3A_483 : vector<16xf32>
        %parallel_loop3A_485 = arith.constant 1 : i32
        %parallel_loop3A_486 = vector.broadcast %parallel_loop3A_485 : i32 to vector<16xi32>
        %parallel_loop3A_487 = arith.addi %parallel_loop3A_479, %parallel_loop3A_486 : vector<16xi32>
        %parallel_loop3A_488 = arith.select %parallel_loop3A_484, %parallel_loop3A_487, %parallel_loop3A_479 : vector<16xi1>, vector<16xi32>
        %parallel_loop3A_489 = arith.constant 42 : i32
        %parallel_loop3A_490 = vector.broadcast %parallel_loop3A_489 : i32 to vector<16xi32>
        %parallel_loop3A_491 = tpu.vector_load_idx %arg6[%parallel_loop3A_106, %parallel_loop3A_490] : memref<128x65xf32, #tpu.memory_space<vmem>>[vector<16xi32>, vector<16xi32>], vector<16xf32>,
        %parallel_loop3A_492 = arith.addf %parallel_loop3A_483, %parallel_loop3A_491 : vector<16xf32>
        %parallel_loop3A_493 = arith.cmpf ogt, %parallel_loop3A_102, %parallel_loop3A_492 : vector<16xf32>
        %parallel_loop3A_494 = arith.constant 1 : i32
        %parallel_loop3A_495 = vector.broadcast %parallel_loop3A_494 : i32 to vector<16xi32>
        %parallel_loop3A_496 = arith.addi %parallel_loop3A_488, %parallel_loop3A_495 : vector<16xi32>
        %parallel_loop3A_497 = arith.select %parallel_loop3A_493, %parallel_loop3A_496, %parallel_loop3A_488 : vector<16xi1>, vector<16xi32>
        %parallel_loop3A_498 = arith.constant 43 : i32
        %parallel_loop3A_499 = vector.broadcast %parallel_loop3A_498 : i32 to vector<16xi32>
        %parallel_loop3A_500 = tpu.vector_load_idx %arg6[%parallel_loop3A_106, %parallel_loop3A_499] : memref<128x65xf32, #tpu.memory_space<vmem>>[vector<16xi32>, vector<16xi32>], vector<16xf32>,
        %parallel_loop3A_501 = arith.addf %parallel_loop3A_492, %parallel_loop3A_500 : vector<16xf32>
        %parallel_loop3A_502 = arith.cmpf ogt, %parallel_loop3A_102, %parallel_loop3A_501 : vector<16xf32>
        %parallel_loop3A_503 = arith.constant 1 : i32
        %parallel_loop3A_504 = vector.broadcast %parallel_loop3A_503 : i32 to vector<16xi32>
        %parallel_loop3A_505 = arith.addi %parallel_loop3A_497, %parallel_loop3A_504 : vector<16xi32>
        %parallel_loop3A_506 = arith.select %parallel_loop3A_502, %parallel_loop3A_505, %parallel_loop3A_497 : vector<16xi1>, vector<16xi32>
        %parallel_loop3A_507 = arith.constant 44 : i32
        %parallel_loop3A_508 = vector.broadcast %parallel_loop3A_507 : i32 to vector<16xi32>
        %parallel_loop3A_509 = tpu.vector_load_idx %arg6[%parallel_loop3A_106, %parallel_loop3A_508] : memref<128x65xf32, #tpu.memory_space<vmem>>[vector<16xi32>, vector<16xi32>], vector<16xf32>,
        %parallel_loop3A_510 = arith.addf %parallel_loop3A_501, %parallel_loop3A_509 : vector<16xf32>
        %parallel_loop3A_511 = arith.cmpf ogt, %parallel_loop3A_102, %parallel_loop3A_510 : vector<16xf32>
        %parallel_loop3A_512 = arith.constant 1 : i32
        %parallel_loop3A_513 = vector.broadcast %parallel_loop3A_512 : i32 to vector<16xi32>
        %parallel_loop3A_514 = arith.addi %parallel_loop3A_506, %parallel_loop3A_513 : vector<16xi32>
        %parallel_loop3A_515 = arith.select %parallel_loop3A_511, %parallel_loop3A_514, %parallel_loop3A_506 : vector<16xi1>, vector<16xi32>
        %parallel_loop3A_516 = arith.constant 45 : i32
        %parallel_loop3A_517 = vector.broadcast %parallel_loop3A_516 : i32 to vector<16xi32>
        %parallel_loop3A_518 = tpu.vector_load_idx %arg6[%parallel_loop3A_106, %parallel_loop3A_517] : memref<128x65xf32, #tpu.memory_space<vmem>>[vector<16xi32>, vector<16xi32>], vector<16xf32>,
        %parallel_loop3A_519 = arith.addf %parallel_loop3A_510, %parallel_loop3A_518 : vector<16xf32>
        %parallel_loop3A_520 = arith.cmpf ogt, %parallel_loop3A_102, %parallel_loop3A_519 : vector<16xf32>
        %parallel_loop3A_521 = arith.constant 1 : i32
        %parallel_loop3A_522 = vector.broadcast %parallel_loop3A_521 : i32 to vector<16xi32>
        %parallel_loop3A_523 = arith.addi %parallel_loop3A_515, %parallel_loop3A_522 : vector<16xi32>
        %parallel_loop3A_524 = arith.select %parallel_loop3A_520, %parallel_loop3A_523, %parallel_loop3A_515 : vector<16xi1>, vector<16xi32>
        %parallel_loop3A_525 = arith.constant 46 : i32
        %parallel_loop3A_526 = vector.broadcast %parallel_loop3A_525 : i32 to vector<16xi32>
        %parallel_loop3A_527 = tpu.vector_load_idx %arg6[%parallel_loop3A_106, %parallel_loop3A_526] : memref<128x65xf32, #tpu.memory_space<vmem>>[vector<16xi32>, vector<16xi32>], vector<16xf32>,
        %parallel_loop3A_528 = arith.addf %parallel_loop3A_519, %parallel_loop3A_527 : vector<16xf32>
        %parallel_loop3A_529 = arith.cmpf ogt, %parallel_loop3A_102, %parallel_loop3A_528 : vector<16xf32>
        %parallel_loop3A_530 = arith.constant 1 : i32
        %parallel_loop3A_531 = vector.broadcast %parallel_loop3A_530 : i32 to vector<16xi32>
        %parallel_loop3A_532 = arith.addi %parallel_loop3A_524, %parallel_loop3A_531 : vector<16xi32>
        %parallel_loop3A_533 = arith.select %parallel_loop3A_529, %parallel_loop3A_532, %parallel_loop3A_524 : vector<16xi1>, vector<16xi32>
        %parallel_loop3A_534 = arith.constant 47 : i32
        %parallel_loop3A_535 = vector.broadcast %parallel_loop3A_534 : i32 to vector<16xi32>
        %parallel_loop3A_536 = tpu.vector_load_idx %arg6[%parallel_loop3A_106, %parallel_loop3A_535] : memref<128x65xf32, #tpu.memory_space<vmem>>[vector<16xi32>, vector<16xi32>], vector<16xf32>,
        %parallel_loop3A_537 = arith.addf %parallel_loop3A_528, %parallel_loop3A_536 : vector<16xf32>
        %parallel_loop3A_538 = arith.cmpf ogt, %parallel_loop3A_102, %parallel_loop3A_537 : vector<16xf32>
        %parallel_loop3A_539 = arith.constant 1 : i32
        %parallel_loop3A_540 = vector.broadcast %parallel_loop3A_539 : i32 to vector<16xi32>
        %parallel_loop3A_541 = arith.addi %parallel_loop3A_533, %parallel_loop3A_540 : vector<16xi32>
        %parallel_loop3A_542 = arith.select %parallel_loop3A_538, %parallel_loop3A_541, %parallel_loop3A_533 : vector<16xi1>, vector<16xi32>
        %parallel_loop3A_543 = arith.constant 48 : i32
        %parallel_loop3A_544 = vector.broadcast %parallel_loop3A_543 : i32 to vector<16xi32>
        %parallel_loop3A_545 = tpu.vector_load_idx %arg6[%parallel_loop3A_106, %parallel_loop3A_544] : memref<128x65xf32, #tpu.memory_space<vmem>>[vector<16xi32>, vector<16xi32>], vector<16xf32>,
        %parallel_loop3A_546 = arith.addf %parallel_loop3A_537, %parallel_loop3A_545 : vector<16xf32>
        %parallel_loop3A_547 = arith.cmpf ogt, %parallel_loop3A_102, %parallel_loop3A_546 : vector<16xf32>
        %parallel_loop3A_548 = arith.constant 1 : i32
        %parallel_loop3A_549 = vector.broadcast %parallel_loop3A_548 : i32 to vector<16xi32>
        %parallel_loop3A_550 = arith.addi %parallel_loop3A_542, %parallel_loop3A_549 : vector<16xi32>
        %parallel_loop3A_551 = arith.select %parallel_loop3A_547, %parallel_loop3A_550, %parallel_loop3A_542 : vector<16xi1>, vector<16xi32>
        %parallel_loop3A_552 = arith.constant 49 : i32
        %parallel_loop3A_553 = vector.broadcast %parallel_loop3A_552 : i32 to vector<16xi32>
        %parallel_loop3A_554 = tpu.vector_load_idx %arg6[%parallel_loop3A_106, %parallel_loop3A_553] : memref<128x65xf32, #tpu.memory_space<vmem>>[vector<16xi32>, vector<16xi32>], vector<16xf32>,
        %parallel_loop3A_555 = arith.addf %parallel_loop3A_546, %parallel_loop3A_554 : vector<16xf32>
        %parallel_loop3A_556 = arith.cmpf ogt, %parallel_loop3A_102, %parallel_loop3A_555 : vector<16xf32>
        %parallel_loop3A_557 = arith.constant 1 : i32
        %parallel_loop3A_558 = vector.broadcast %parallel_loop3A_557 : i32 to vector<16xi32>
        %parallel_loop3A_559 = arith.addi %parallel_loop3A_551, %parallel_loop3A_558 : vector<16xi32>
        %parallel_loop3A_560 = arith.select %parallel_loop3A_556, %parallel_loop3A_559, %parallel_loop3A_551 : vector<16xi1>, vector<16xi32>
        %parallel_loop3A_561 = arith.constant 50 : i32
        %parallel_loop3A_562 = vector.broadcast %parallel_loop3A_561 : i32 to vector<16xi32>
        %parallel_loop3A_563 = tpu.vector_load_idx %arg6[%parallel_loop3A_106, %parallel_loop3A_562] : memref<128x65xf32, #tpu.memory_space<vmem>>[vector<16xi32>, vector<16xi32>], vector<16xf32>,
        %parallel_loop3A_564 = arith.addf %parallel_loop3A_555, %parallel_loop3A_563 : vector<16xf32>
        %parallel_loop3A_565 = arith.cmpf ogt, %parallel_loop3A_102, %parallel_loop3A_564 : vector<16xf32>
        %parallel_loop3A_566 = arith.constant 1 : i32
        %parallel_loop3A_567 = vector.broadcast %parallel_loop3A_566 : i32 to vector<16xi32>
        %parallel_loop3A_568 = arith.addi %parallel_loop3A_560, %parallel_loop3A_567 : vector<16xi32>
        %parallel_loop3A_569 = arith.select %parallel_loop3A_565, %parallel_loop3A_568, %parallel_loop3A_560 : vector<16xi1>, vector<16xi32>
        %parallel_loop3A_570 = arith.constant 51 : i32
        %parallel_loop3A_571 = vector.broadcast %parallel_loop3A_570 : i32 to vector<16xi32>
        %parallel_loop3A_572 = tpu.vector_load_idx %arg6[%parallel_loop3A_106, %parallel_loop3A_571] : memref<128x65xf32, #tpu.memory_space<vmem>>[vector<16xi32>, vector<16xi32>], vector<16xf32>,
        %parallel_loop3A_573 = arith.addf %parallel_loop3A_564, %parallel_loop3A_572 : vector<16xf32>
        %parallel_loop3A_574 = arith.cmpf ogt, %parallel_loop3A_102, %parallel_loop3A_573 : vector<16xf32>
        %parallel_loop3A_575 = arith.constant 1 : i32
        %parallel_loop3A_576 = vector.broadcast %parallel_loop3A_575 : i32 to vector<16xi32>
        %parallel_loop3A_577 = arith.addi %parallel_loop3A_569, %parallel_loop3A_576 : vector<16xi32>
        %parallel_loop3A_578 = arith.select %parallel_loop3A_574, %parallel_loop3A_577, %parallel_loop3A_569 : vector<16xi1>, vector<16xi32>
        %parallel_loop3A_579 = arith.constant 52 : i32
        %parallel_loop3A_580 = vector.broadcast %parallel_loop3A_579 : i32 to vector<16xi32>
        %parallel_loop3A_581 = tpu.vector_load_idx %arg6[%parallel_loop3A_106, %parallel_loop3A_580] : memref<128x65xf32, #tpu.memory_space<vmem>>[vector<16xi32>, vector<16xi32>], vector<16xf32>,
        %parallel_loop3A_582 = arith.addf %parallel_loop3A_573, %parallel_loop3A_581 : vector<16xf32>
        %parallel_loop3A_583 = arith.cmpf ogt, %parallel_loop3A_102, %parallel_loop3A_582 : vector<16xf32>
        %parallel_loop3A_584 = arith.constant 1 : i32
        %parallel_loop3A_585 = vector.broadcast %parallel_loop3A_584 : i32 to vector<16xi32>
        %parallel_loop3A_586 = arith.addi %parallel_loop3A_578, %parallel_loop3A_585 : vector<16xi32>
        %parallel_loop3A_587 = arith.select %parallel_loop3A_583, %parallel_loop3A_586, %parallel_loop3A_578 : vector<16xi1>, vector<16xi32>
        %parallel_loop3A_588 = arith.constant 53 : i32
        %parallel_loop3A_589 = vector.broadcast %parallel_loop3A_588 : i32 to vector<16xi32>
        %parallel_loop3A_590 = tpu.vector_load_idx %arg6[%parallel_loop3A_106, %parallel_loop3A_589] : memref<128x65xf32, #tpu.memory_space<vmem>>[vector<16xi32>, vector<16xi32>], vector<16xf32>,
        %parallel_loop3A_591 = arith.addf %parallel_loop3A_582, %parallel_loop3A_590 : vector<16xf32>
        %parallel_loop3A_592 = arith.cmpf ogt, %parallel_loop3A_102, %parallel_loop3A_591 : vector<16xf32>
        %parallel_loop3A_593 = arith.constant 1 : i32
        %parallel_loop3A_594 = vector.broadcast %parallel_loop3A_593 : i32 to vector<16xi32>
        %parallel_loop3A_595 = arith.addi %parallel_loop3A_587, %parallel_loop3A_594 : vector<16xi32>
        %parallel_loop3A_596 = arith.select %parallel_loop3A_592, %parallel_loop3A_595, %parallel_loop3A_587 : vector<16xi1>, vector<16xi32>
        %parallel_loop3A_597 = arith.constant 54 : i32
        %parallel_loop3A_598 = vector.broadcast %parallel_loop3A_597 : i32 to vector<16xi32>
        %parallel_loop3A_599 = tpu.vector_load_idx %arg6[%parallel_loop3A_106, %parallel_loop3A_598] : memref<128x65xf32, #tpu.memory_space<vmem>>[vector<16xi32>, vector<16xi32>], vector<16xf32>,
        %parallel_loop3A_600 = arith.addf %parallel_loop3A_591, %parallel_loop3A_599 : vector<16xf32>
        %parallel_loop3A_601 = arith.cmpf ogt, %parallel_loop3A_102, %parallel_loop3A_600 : vector<16xf32>
        %parallel_loop3A_602 = arith.constant 1 : i32
        %parallel_loop3A_603 = vector.broadcast %parallel_loop3A_602 : i32 to vector<16xi32>
        %parallel_loop3A_604 = arith.addi %parallel_loop3A_596, %parallel_loop3A_603 : vector<16xi32>
        %parallel_loop3A_605 = arith.select %parallel_loop3A_601, %parallel_loop3A_604, %parallel_loop3A_596 : vector<16xi1>, vector<16xi32>
        %parallel_loop3A_606 = arith.constant 55 : i32
        %parallel_loop3A_607 = vector.broadcast %parallel_loop3A_606 : i32 to vector<16xi32>
        %parallel_loop3A_608 = tpu.vector_load_idx %arg6[%parallel_loop3A_106, %parallel_loop3A_607] : memref<128x65xf32, #tpu.memory_space<vmem>>[vector<16xi32>, vector<16xi32>], vector<16xf32>,
        %parallel_loop3A_609 = arith.addf %parallel_loop3A_600, %parallel_loop3A_608 : vector<16xf32>
        %parallel_loop3A_610 = arith.cmpf ogt, %parallel_loop3A_102, %parallel_loop3A_609 : vector<16xf32>
        %parallel_loop3A_611 = arith.constant 1 : i32
        %parallel_loop3A_612 = vector.broadcast %parallel_loop3A_611 : i32 to vector<16xi32>
        %parallel_loop3A_613 = arith.addi %parallel_loop3A_605, %parallel_loop3A_612 : vector<16xi32>
        %parallel_loop3A_614 = arith.select %parallel_loop3A_610, %parallel_loop3A_613, %parallel_loop3A_605 : vector<16xi1>, vector<16xi32>
        %parallel_loop3A_615 = arith.constant 56 : i32
        %parallel_loop3A_616 = vector.broadcast %parallel_loop3A_615 : i32 to vector<16xi32>
        %parallel_loop3A_617 = tpu.vector_load_idx %arg6[%parallel_loop3A_106, %parallel_loop3A_616] : memref<128x65xf32, #tpu.memory_space<vmem>>[vector<16xi32>, vector<16xi32>], vector<16xf32>,
        %parallel_loop3A_618 = arith.addf %parallel_loop3A_609, %parallel_loop3A_617 : vector<16xf32>
        %parallel_loop3A_619 = arith.cmpf ogt, %parallel_loop3A_102, %parallel_loop3A_618 : vector<16xf32>
        %parallel_loop3A_620 = arith.constant 1 : i32
        %parallel_loop3A_621 = vector.broadcast %parallel_loop3A_620 : i32 to vector<16xi32>
        %parallel_loop3A_622 = arith.addi %parallel_loop3A_614, %parallel_loop3A_621 : vector<16xi32>
        %parallel_loop3A_623 = arith.select %parallel_loop3A_619, %parallel_loop3A_622, %parallel_loop3A_614 : vector<16xi1>, vector<16xi32>
        %parallel_loop3A_624 = arith.constant 57 : i32
        %parallel_loop3A_625 = vector.broadcast %parallel_loop3A_624 : i32 to vector<16xi32>
        %parallel_loop3A_626 = tpu.vector_load_idx %arg6[%parallel_loop3A_106, %parallel_loop3A_625] : memref<128x65xf32, #tpu.memory_space<vmem>>[vector<16xi32>, vector<16xi32>], vector<16xf32>,
        %parallel_loop3A_627 = arith.addf %parallel_loop3A_618, %parallel_loop3A_626 : vector<16xf32>
        %parallel_loop3A_628 = arith.cmpf ogt, %parallel_loop3A_102, %parallel_loop3A_627 : vector<16xf32>
        %parallel_loop3A_629 = arith.constant 1 : i32
        %parallel_loop3A_630 = vector.broadcast %parallel_loop3A_629 : i32 to vector<16xi32>
        %parallel_loop3A_631 = arith.addi %parallel_loop3A_623, %parallel_loop3A_630 : vector<16xi32>
        %parallel_loop3A_632 = arith.select %parallel_loop3A_628, %parallel_loop3A_631, %parallel_loop3A_623 : vector<16xi1>, vector<16xi32>
        %parallel_loop3A_633 = arith.constant 58 : i32
        %parallel_loop3A_634 = vector.broadcast %parallel_loop3A_633 : i32 to vector<16xi32>
        %parallel_loop3A_635 = tpu.vector_load_idx %arg6[%parallel_loop3A_106, %parallel_loop3A_634] : memref<128x65xf32, #tpu.memory_space<vmem>>[vector<16xi32>, vector<16xi32>], vector<16xf32>,
        %parallel_loop3A_636 = arith.addf %parallel_loop3A_627, %parallel_loop3A_635 : vector<16xf32>
        %parallel_loop3A_637 = arith.cmpf ogt, %parallel_loop3A_102, %parallel_loop3A_636 : vector<16xf32>
        %parallel_loop3A_638 = arith.constant 1 : i32
        %parallel_loop3A_639 = vector.broadcast %parallel_loop3A_638 : i32 to vector<16xi32>
        %parallel_loop3A_640 = arith.addi %parallel_loop3A_632, %parallel_loop3A_639 : vector<16xi32>
        %parallel_loop3A_641 = arith.select %parallel_loop3A_637, %parallel_loop3A_640, %parallel_loop3A_632 : vector<16xi1>, vector<16xi32>
        %parallel_loop3A_642 = arith.constant 59 : i32
        %parallel_loop3A_643 = vector.broadcast %parallel_loop3A_642 : i32 to vector<16xi32>
        %parallel_loop3A_644 = tpu.vector_load_idx %arg6[%parallel_loop3A_106, %parallel_loop3A_643] : memref<128x65xf32, #tpu.memory_space<vmem>>[vector<16xi32>, vector<16xi32>], vector<16xf32>,
        %parallel_loop3A_645 = arith.addf %parallel_loop3A_636, %parallel_loop3A_644 : vector<16xf32>
        %parallel_loop3A_646 = arith.cmpf ogt, %parallel_loop3A_102, %parallel_loop3A_645 : vector<16xf32>
        %parallel_loop3A_647 = arith.constant 1 : i32
        %parallel_loop3A_648 = vector.broadcast %parallel_loop3A_647 : i32 to vector<16xi32>
        %parallel_loop3A_649 = arith.addi %parallel_loop3A_641, %parallel_loop3A_648 : vector<16xi32>
        %parallel_loop3A_650 = arith.select %parallel_loop3A_646, %parallel_loop3A_649, %parallel_loop3A_641 : vector<16xi1>, vector<16xi32>
        %parallel_loop3A_651 = arith.constant 60 : i32
        %parallel_loop3A_652 = vector.broadcast %parallel_loop3A_651 : i32 to vector<16xi32>
        %parallel_loop3A_653 = tpu.vector_load_idx %arg6[%parallel_loop3A_106, %parallel_loop3A_652] : memref<128x65xf32, #tpu.memory_space<vmem>>[vector<16xi32>, vector<16xi32>], vector<16xf32>,
        %parallel_loop3A_654 = arith.addf %parallel_loop3A_645, %parallel_loop3A_653 : vector<16xf32>
        %parallel_loop3A_655 = arith.cmpf ogt, %parallel_loop3A_102, %parallel_loop3A_654 : vector<16xf32>
        %parallel_loop3A_656 = arith.constant 1 : i32
        %parallel_loop3A_657 = vector.broadcast %parallel_loop3A_656 : i32 to vector<16xi32>
        %parallel_loop3A_658 = arith.addi %parallel_loop3A_650, %parallel_loop3A_657 : vector<16xi32>
        %parallel_loop3A_659 = arith.select %parallel_loop3A_655, %parallel_loop3A_658, %parallel_loop3A_650 : vector<16xi1>, vector<16xi32>
        %parallel_loop3A_660 = arith.constant 61 : i32
        %parallel_loop3A_661 = vector.broadcast %parallel_loop3A_660 : i32 to vector<16xi32>
        %parallel_loop3A_662 = tpu.vector_load_idx %arg6[%parallel_loop3A_106, %parallel_loop3A_661] : memref<128x65xf32, #tpu.memory_space<vmem>>[vector<16xi32>, vector<16xi32>], vector<16xf32>,
        %parallel_loop3A_663 = arith.addf %parallel_loop3A_654, %parallel_loop3A_662 : vector<16xf32>
        %parallel_loop3A_664 = arith.cmpf ogt, %parallel_loop3A_102, %parallel_loop3A_663 : vector<16xf32>
        %parallel_loop3A_665 = arith.constant 1 : i32
        %parallel_loop3A_666 = vector.broadcast %parallel_loop3A_665 : i32 to vector<16xi32>
        %parallel_loop3A_667 = arith.addi %parallel_loop3A_659, %parallel_loop3A_666 : vector<16xi32>
        %parallel_loop3A_668 = arith.select %parallel_loop3A_664, %parallel_loop3A_667, %parallel_loop3A_659 : vector<16xi1>, vector<16xi32>
        %parallel_loop3A_669 = arith.constant 62 : i32
        %parallel_loop3A_670 = vector.broadcast %parallel_loop3A_669 : i32 to vector<16xi32>
        %parallel_loop3A_671 = tpu.vector_load_idx %arg6[%parallel_loop3A_106, %parallel_loop3A_670] : memref<128x65xf32, #tpu.memory_space<vmem>>[vector<16xi32>, vector<16xi32>], vector<16xf32>,
        %parallel_loop3A_672 = arith.addf %parallel_loop3A_663, %parallel_loop3A_671 : vector<16xf32>
        %parallel_loop3A_673 = arith.cmpf ogt, %parallel_loop3A_102, %parallel_loop3A_672 : vector<16xf32>
        %parallel_loop3A_674 = arith.constant 1 : i32
        %parallel_loop3A_675 = vector.broadcast %parallel_loop3A_674 : i32 to vector<16xi32>
        %parallel_loop3A_676 = arith.addi %parallel_loop3A_668, %parallel_loop3A_675 : vector<16xi32>
        %parallel_loop3A_677 = arith.select %parallel_loop3A_673, %parallel_loop3A_676, %parallel_loop3A_668 : vector<16xi1>, vector<16xi32>
        %parallel_loop3A_678 = arith.constant 63 : i32
        %parallel_loop3A_679 = vector.broadcast %parallel_loop3A_678 : i32 to vector<16xi32>
        %parallel_loop3A_680 = tpu.vector_load_idx %arg6[%parallel_loop3A_106, %parallel_loop3A_679] : memref<128x65xf32, #tpu.memory_space<vmem>>[vector<16xi32>, vector<16xi32>], vector<16xf32>,
        %parallel_loop3A_681 = arith.addf %parallel_loop3A_672, %parallel_loop3A_680 : vector<16xf32>
        %parallel_loop3A_682 = arith.cmpf ogt, %parallel_loop3A_102, %parallel_loop3A_681 : vector<16xf32>
        %parallel_loop3A_683 = arith.constant 1 : i32
        %parallel_loop3A_684 = vector.broadcast %parallel_loop3A_683 : i32 to vector<16xi32>
        %parallel_loop3A_685 = arith.addi %parallel_loop3A_677, %parallel_loop3A_684 : vector<16xi32>
        %parallel_loop3A_686 = arith.select %parallel_loop3A_682, %parallel_loop3A_685, %parallel_loop3A_677 : vector<16xi1>, vector<16xi32>
        %parallel_loop3A_687 = arith.constant 64 : i32
        %parallel_loop3A_688 = vector.broadcast %parallel_loop3A_687 : i32 to vector<16xi32>
        %parallel_loop3A_689 = tpu.vector_load_idx %arg6[%parallel_loop3A_106, %parallel_loop3A_688] : memref<128x65xf32, #tpu.memory_space<vmem>>[vector<16xi32>, vector<16xi32>], vector<16xf32>,
        %parallel_loop3A_690 = arith.addf %parallel_loop3A_681, %parallel_loop3A_689 : vector<16xf32>
        %parallel_loop3A_691 = arith.cmpf ogt, %parallel_loop3A_102, %parallel_loop3A_690 : vector<16xf32>
        %parallel_loop3A_692 = arith.constant 1 : i32
        %parallel_loop3A_693 = vector.broadcast %parallel_loop3A_692 : i32 to vector<16xi32>
        %parallel_loop3A_694 = arith.addi %parallel_loop3A_686, %parallel_loop3A_693 : vector<16xi32>
        %parallel_loop3A_695 = arith.select %parallel_loop3A_691, %parallel_loop3A_694, %parallel_loop3A_686 : vector<16xi1>, vector<16xi32>
        %parallel_loop3A_696 = arith.index_cast %parallel_loop3A_100 : i32 to index
        %parallel_loop3A_697 = tpu.vector_load %arg8[%parallel_loop3A_696] {strides = array<i32>} : memref<2048xi32, #tpu.memory_space<vmem>>, vector<16xi32>,
        tpu.vector_store %arg8[%parallel_loop3A_696], %parallel_loop3A_695 {strides = array<i32>} : memref<2048xi32, #tpu.memory_space<vmem>>, vector<16xi32>,
      } {sc.loop_unroll_factor = 4 : i64, sc.parallel_access}
    }
    %scan3A_47 = arith.constant 8 : i32
    "tpu.region"() ({
      %run_scoped3A = tpu.sem_alloc : memref<!tpu.dma_semaphore, #tpu.memory_space<semaphore_mem>>
      %dma_start3A_48 = tpu.memref_slice %arg4[%select_n3A, %mul3A_32] : memref<4x16384xi32, #tpu.memory_space<hbm>> -> memref<1x2048xi32, #tpu.memory_space<hbm>>
      %dma_start3A_49 = tpu.memref_squeeze %dma_start3A_48 : memref<1x2048xi32, #tpu.memory_space<hbm>> -> memref<2048xi32, #tpu.memory_space<hbm>>
      %dma_start3A_50 = tpu.memref_slice %arg4[%select_n3A, %mul3A_32] : memref<4x16384xi32, #tpu.memory_space<hbm>> -> memref<1x2048xi32, #tpu.memory_space<hbm>>
      %dma_start3A_51 = tpu.memref_squeeze %dma_start3A_50 : memref<1x2048xi32, #tpu.memory_space<hbm>> -> memref<2048xi32, #tpu.memory_space<hbm>>
      tpu.enqueue_dma source(%arg8 : memref<2048xi32, #tpu.memory_space<vmem>>) target(%dma_start3A_51 : memref<2048xi32, #tpu.memory_space<hbm>>) target_semaphore(%run_scoped3A : memref<!tpu.dma_semaphore, #tpu.memory_space<semaphore_mem>>)
      %dma_wait3A = tpu.memref_slice %arg4[%select_n3A, %mul3A_32] : memref<4x16384xi32, #tpu.memory_space<hbm>> -> memref<1x2048xi32, #tpu.memory_space<hbm>>
      %dma_wait3A_52 = tpu.memref_squeeze %dma_wait3A : memref<1x2048xi32, #tpu.memory_space<hbm>> -> memref<2048xi32, #tpu.memory_space<hbm>>
      %dma_wait3A_53 = tpu.memref_slice %arg4[%select_n3A, %mul3A_32] : memref<4x16384xi32, #tpu.memory_space<hbm>> -> memref<1x2048xi32, #tpu.memory_space<hbm>>
      %dma_wait3A_54 = tpu.memref_squeeze %dma_wait3A_53 : memref<1x2048xi32, #tpu.memory_space<hbm>> -> memref<2048xi32, #tpu.memory_space<hbm>>
      tpu.wait_dma2 semaphore(%run_scoped3A : memref<!tpu.dma_semaphore, #tpu.memory_space<semaphore_mem>>) src(%arg8 : memref<2048xi32, #tpu.memory_space<vmem>>) dst(%dma_wait3A_54 : memref<2048xi32, #tpu.memory_space<hbm>>)
      tpu.yield
    }) : () -> ()
    return
  }
}

module attributes {stable_mosaic.version = 14 : i64} {
  func.func @_tc_body(%arg0: i32, %arg1: memref<4096x65xf32, #tpu.memory_space<vmem>>, %arg2: memref<1x1x4096xf32, #tpu.memory_space<vmem>>, %arg3: memref<1x1x4096xi32, #tpu.memory_space<vmem>>) attributes {dimension_semantics = [#tpu.dimension_semantics<arbitrary>], iteration_bounds = array<i64: 112>, scalar_prefetch = 0 : i64, scratch_operands = 0 : i64, tpu.core_type = #tpu.core_type<tc>, window_params = [{transform_indices = @transform_0, window_bounds = array<i64: 4096, 65>}, {transform_indices = @transform_1, window_bounds = array<i64: 1, 1, 4096>}, {transform_indices = @transform_2, window_bounds = array<i64: 1, 1, 4096>}]} {
    %get3A = arith.constant 0 : index
    %get3A_0 = arith.constant 0 : index
    %get3A_1 = vector.load %arg1[%get3A, %get3A_0] : memref<4096x65xf32, #tpu.memory_space<vmem>>, vector<4096x65xf32>
    %iota3A = tpu.iota {dimensions = array<i32: 0>} : vector<65x65xi32>
    %iota3A_2 = tpu.iota {dimensions = array<i32: 1>} : vector<65x65xi32>
    %le3A = arith.cmpi sle, %iota3A, %iota3A_2 : vector<65x65xi32>
    %convert_element_type3A = arith.extui %le3A : vector<65x65xi1> to vector<65x65xi32>
    %convert_element_type3A_3 = arith.sitofp %convert_element_type3A : vector<65x65xi32> to vector<65x65xf32>
    %dot_general3A = arith.constant dense<0.000000e+00> : vector<4096x65xf32>
    %dot_general3A_4 = tpu.matmul %get3A_1, %convert_element_type3A_3, %dot_general3A {dimension_numbers = #tpu.dot_dimension_numbers<[1], [0], [0], [1], [0, 0, 1, 1], [], []>, transpose_lhs_hint = false} : vector<4096x65xf32>, vector<65x65xf32>, vector<4096x65xf32> -> vector<4096x65xf32>
    %get3A_5 = arith.constant 0 : index
    %get3A_6 = arith.constant 0 : index
    %get3A_7 = arith.constant 0 : index
    %get3A_8 = vector.load %arg2[%get3A_5, %get3A_6, %get3A_7] : memref<1x1x4096xf32, #tpu.memory_space<vmem>>, vector<1x1x4096xf32>
    %get3A_9 = vector.shape_cast %get3A_8 : vector<1x1x4096xf32> to vector<4096xf32>
    %broadcast_in_dim3A = vector.shape_cast %get3A_9 : vector<4096xf32> to vector<4096x1xf32>
    %gt3A = vector.broadcast %broadcast_in_dim3A : vector<4096x1xf32> to vector<4096x65xf32>
    %gt3A_10 = arith.cmpf ogt, %gt3A, %dot_general3A_4 : vector<4096x65xf32>
    %convert_element_type3A_11 = arith.extui %gt3A_10 : vector<4096x65xi1> to vector<4096x65xi32>
    %convert_element_type3A_12 = arith.sitofp %convert_element_type3A_11 : vector<4096x65xi32> to vector<4096x65xf32>
    %broadcast_in_dim3A_13 = arith.constant 1.000000e+00 : f32
    %broadcast_in_dim3A_14 = vector.broadcast %broadcast_in_dim3A_13 : f32 to vector<1x65xf32>
    %dot_general3A_15 = arith.constant dense<0.000000e+00> : vector<1x4096xf32>
    %dot_general3A_16 = tpu.matmul %broadcast_in_dim3A_14, %convert_element_type3A_12, %dot_general3A_15 {dimension_numbers = #tpu.dot_dimension_numbers<[1], [1], [0], [0], [0, 0, 1, 0], [], []>, transpose_lhs_hint = false} : vector<1x65xf32>, vector<4096x65xf32>, vector<1x4096xf32> -> vector<1x4096xf32>
    %squeeze3A = vector.shape_cast %dot_general3A_16 : vector<1x4096xf32> to vector<4096xf32>
    %convert_element_type3A_17 = arith.fptosi %squeeze3A : vector<4096xf32> to vector<4096xi32>
    %swap3A = arith.constant 0 : index
    %swap3A_18 = arith.constant 0 : index
    %swap3A_19 = arith.constant 0 : index
    %swap3A_20 = vector.load %arg3[%swap3A, %swap3A_18, %swap3A_19] : memref<1x1x4096xi32, #tpu.memory_space<vmem>>, vector<1x1x4096xi32>
    %swap3A_21 = vector.shape_cast %swap3A_20 : vector<1x1x4096xi32> to vector<4096xi32>
    %swap3A_22 = vector.shape_cast %convert_element_type3A_17 : vector<4096xi32> to vector<1x1x4096xi32>
    tpu.vector_store %arg3[%swap3A, %swap3A_18, %swap3A_19], %swap3A_22 {strides = array<i32>} : memref<1x1x4096xi32, #tpu.memory_space<vmem>>, vector<1x1x4096xi32>,
    return
  }
  func.func @transform_0(%arg0: i32) -> (i32, i32) {
    %c0_i32 = arith.constant 0 : i32
    %c0_i32_0 = arith.constant 0 : i32
    return %arg0, %c0_i32 : i32, i32
  }
  func.func @transform_1(%arg0: i32) -> (i32, i32, i32) {
    %c0_i32 = arith.constant 0 : i32
    %c0_i32_0 = arith.constant 0 : i32
    %c0_i32_1 = arith.constant 0 : i32
    return %arg0, %c0_i32, %c0_i32_0 : i32, i32, i32
  }
  func.func @transform_2(%arg0: i32) -> (i32, i32, i32) {
    %c0_i32 = arith.constant 0 : i32
    %c0_i32_0 = arith.constant 0 : i32
    %c0_i32_1 = arith.constant 0 : i32
    return %arg0, %c0_i32, %c0_i32_0 : i32, i32, i32
  }
}

</mosaic_0001>

<sc_bundles>
// kernel: kernel.4.cloned.1.call-start
scs
__scs_entry_jumppad:
0x0: {  	(pc) =	sbr.rel $0x88, $3  }
0x1: {  	(tag) =	ssettag $0x0;
	lr =	simm.s32 $0x1  }
0x2: {  	[smem:$0x3FA0] =	sst lr;
	_ =	strace $0xD0000000  }
0x3: {  	_ = 	snop  }
0x4: {  	_ = 	snop  }
0x5: {  	_ = 	snop  }
0x6: {  	_ = 	snop  }
0x7: {  	_ = 	snop  }
__scs_overlays_trampoline_lowered:
0x8: {  	[smem:$0x3FAF] =	sst s0  }
0x9: {  	[smem:$0x3FB0] =	sst s1  }
0xa: {  	[smem:$0x3FB1] =	sst s2  }
0xb: {  	[smem:$0x3FB2] =	sst s3  }
0xc: {  	[smem:$0x3FB3] =	sst s4  }
0xd: {  	[smem:$0x3FB4] =	sst s5  }
0xe: {  	[smem:$0x3FB5] =	sst s6  }
0xf: {  	[smem:$0x3FB6] =	sst s7  }
0x10: {  	[smem:$0x3FB7] =	sst s8  }
0x11: {  	[smem:$0x3FB8] =	sst s9;
	s0 =	simm.s32 @!p0 $0x0  }
0x12: {  	s1 =	sld [smem:$0x3F9E];
	s0 =	simm.s32 @p0 $0x1  }
0x13: {  	[smem:$0x3FB9] =	sst s0;
	s0 =	simm.s32 @!p1 $0x0  }
0x14: {  	s2 =	sld [smem:$0x3F9D];
	s0 =	simm.s32 @p1 $0x1  }
0x15: {  	[smem:$0x3FBA] =	sst s0;
	s0 =	simm.s32 @!p2 $0x0  }
0x16: {  	s3 =	sld [smem:$0x3FDB];
	s0 =	simm.s32 @p2 $0x1  }
0x17: {  	s4 =	simm.s32 $0x1BF5;
	[smem:$0x3FBC] =	sst s0  }
0x18: {  	s0 =	sld [smem:$0x3F9F];
	_ =	swait.ge [sflag:s4], $0x0  }
0x19: {  	s7 =	sld [smem:$0x3FA0]  }
0x1a: {  	s8 =	sadd.s32 $0xFFFFE003, lr  }
0x1b: {  	s9 =	sadd.s32 $0xFFFFFEF7, lr;
	s5 =	simm.s32 $0xFFFFFFFF;
	p2 =	slt.u32 s8, $0xFFFFF086  }
0x1c: {  	p1 =	slt.u32 s9, $0xF7A;
	s5 =	simm.s32 @!p2 $0x0  }
0x1d: {  	s5 =	simm.s32 @p1 $0x1;
	p0 =	seq.s32 s7, s2  }
0x1e: {  	s7 =	smul.u32 @!p0 $0xF7A, s2;
	p2 =	seq.s32 @!p0 s5, $0x0  }
0x1f: {  	s9 =	smul.u32 $0xF7A, s1;
	s8 =	simm.s32 @!p0 $0x1BF5;
	p2 =	por !p2, p0  }
0x20: {  	[sflag:s8] =	ssyncset.s32 @!p0 $0xFFFFF086;
	s6 =	sadd.s32 @!p0 s3, s7;
	s7 =	simm.s32 @!p0 $0x108  }
0x21: {  	s3 =	sadd.s32 s3, s9;
	s6 =	sadd.s32 @!p0 $0x88, s6;
	s7 =	simm.s32 @p2 $0x1082  }
0x22: {  	[simem:s7], [sflag:s8] =	dma.local @!p0 [hbm:s6], $0xF7A  }
0x23: {  	s9 =	sor.u32 $0xD0000000, s2;
	s6 =	simm.s32 $0x108;
	_ =	swait.ge @!p0 [sflag:s8], $0x0  }
0x24: {  	s3 =	sadd.s32 $0x88, s3;
	s6 =	simm.s32 @!p1 $0x1082;
	[sflag:s4] =	ssyncset.s32 $0xFFFFF086  }
0x25: {  	[simem:s6], [sflag:s4] =	dma.local [hbm:s3], $0xF7A  }
0x26: {  	[smem:$0x3FA0] =	sst s1;
	(tag) =	ssettag s2;
	_ =	strace s9  }
0x27: {  	s1 =	sld [smem:$0x3FB0]  }
0x28: {  	s2 =	sld [smem:$0x3FB1]  }
0x29: {  	s4 =	sld [smem:$0x3FB3]  }
0x2a: {  	p0 =	seq.s32 s5, $0x0;
	s5 =	sld [smem:$0x3FB4]  }
0x2b: {  	s6 =	sld [smem:$0x3FB5]  }
0x2c: {  	s7 =	sld [smem:$0x3FB6]  }
0x2d: {  	s3 =	simm.s32 $0x108;
	s8 =	sld [smem:$0x3FB7]  }
0x2e: {  	s3 =	simm.s32 @!p0 $0x1082;
	s9 =	sld [smem:$0x3FB8]  }
0x2f: {  	lr =	sadd.s32 s0, s3;
	s0 =	sld [smem:$0x3FAF]  }
0x30: {  	s3 =	sld [smem:$0x3FB2]  }
0x31: {  	[smem:$0x3FBB] =	sst s10  }
0x32: {  	s10 =	sld [smem:$0x3FB9];
	_ =	sdelay $0x3  }
0x33: {  	p0 =	seq.s32 s10, $0x1;
	s10 =	sld [smem:$0x3FBB];
	_ =	sdelay $0x3  }
0x34: {  	[smem:$0x3FBB] =	sst s10  }
0x35: {  	s10 =	sld [smem:$0x3FBA];
	_ =	sdelay $0x3  }
0x36: {  	p1 =	seq.s32 s10, $0x1;
	s10 =	sld [smem:$0x3FBB];
	_ =	sdelay $0x3  }
0x37: {  	[smem:$0x3FBB] =	sst s10  }
0x38: {  	s10 =	sld [smem:$0x3FBC]  }
0x39: {  	_ = 	snop;
	(pc) =	sbr.ind lr, $3  }
0x3a: {  	_ = 	snop  }
0x3b: {  	_ = 	snop  }
0x3c: {  	p2 =	seq.s32 s10, $0x1;
	s10 =	sld [smem:$0x3FBB]  }
0x3d: {  	_ =	shalt  }
0x3e: {  	_ =	shalt  }
0x3f: {  	_ =	shalt  }
0x40: {  	_ =	shalt  }
0x41: {  	_ =	shalt  }
0x42: {  	_ =	shalt  }
0x43: {  	_ =	shalt  }
0x44: {  	_ =	shalt  }
0x45: {  	_ =	shalt  }
0x46: {  	_ =	shalt  }
0x47: {  	_ =	shalt  }
0x48: {  	_ =	shalt  }
0x49: {  	_ =	shalt  }
0x4a: {  	_ =	shalt  }
0x4b: {  	_ =	shalt  }
0x4c: {  	_ =	shalt  }
0x4d: {  	_ =	shalt  }
0x4e: {  	_ =	shalt  }
0x4f: {  	_ =	shalt  }
0x50: {  	_ =	shalt  }
0x51: {  	_ =	shalt  }
0x52: {  	_ =	shalt  }
0x53: {  	_ =	shalt  }
0x54: {  	_ =	shalt  }
0x55: {  	_ =	shalt  }
0x56: {  	_ =	shalt  }
0x57: {  	_ =	shalt  }
0x58: {  	_ =	shalt  }
0x59: {  	_ =	shalt  }
0x5a: {  	_ =	shalt  }
0x5b: {  	_ =	shalt  }
0x5c: {  	_ =	shalt  }
0x5d: {  	_ =	shalt  }
0x5e: {  	_ =	shalt  }
0x5f: {  	_ =	shalt  }
0x60: {  	_ =	shalt  }
0x61: {  	_ =	shalt  }
0x62: {  	_ =	shalt  }
0x63: {  	_ =	shalt  }
0x64: {  	_ =	shalt  }
0x65: {  	_ =	shalt  }
0x66: {  	_ =	shalt  }
0x67: {  	_ =	shalt  }
0x68: {  	_ =	shalt  }
0x69: {  	_ =	shalt  }
0x6a: {  	_ =	shalt  }
0x6b: {  	_ =	shalt  }
0x6c: {  	_ =	shalt  }
0x6d: {  	_ =	shalt  }
0x6e: {  	_ =	shalt  }
0x6f: {  	_ =	shalt  }
0x70: {  	_ =	shalt  }
0x71: {  	_ =	shalt  }
0x72: {  	_ =	shalt  }
0x73: {  	_ =	shalt  }
0x74: {  	_ =	shalt  }
0x75: {  	_ =	shalt  }
0x76: {  	_ =	shalt  }
0x77: {  	_ =	shalt  }
0x78: {  	_ =	shalt  }
0x79: {  	_ =	shalt  }
0x7a: {  	_ =	shalt  }
0x7b: {  	_ =	shalt  }
0x7c: {  	_ =	shalt  }
0x7d: {  	_ =	shalt  }
0x7e: {  	_ =	shalt  }
0x7f: {  	_ =	shalt  }
0x80: {  	_ =	shalt  }
0x81: {  	_ =	shalt  }
0x82: {  	_ =	shalt  }
0x83: {  	_ =	shalt  }
0x84: {  	_ =	shalt  }
0x85: {  	_ =	shalt  }
0x86: {  	_ =	shalt  }
0x87: {  	_ =	shalt  }
.Lfunc_end0:
.L_simem_size_0:
called_computation_lowered:
.L_overlay_start_0:
0x88: {  	s2 =	sld [smem:$0x3FD9]  }
0x89: {  	s3 =	sld [smem:$0x3FFE];
	_ =	sdelay $0x1  }
0x8a: {  	s1 =	srdreg.scid  }
0x8b: {  	s0 =	sand.u32 $0x1, s1  }
0x8c: {  	s17 =	sshll.u32 s0, $0xA;
	s2 =	sadd.s32 s3, s2  }
0x8d: {  	s2 =	sadd.s32 s2, s17  }
0x8e: {  	[smem:$0x3FC7] =	sst s2  }
0x8f: {  	_ = 	snop  }
0x90: {  	s2 =	sld [smem:$0x3FD0];
	(tm) =	ssettm $0x1  }
0x91: {  	s18 =	sld [smem:$0x3FFB];
	_ =	sdelay $0x3  }
0x92: {  	_ =	strace s18  }
0x93: {  	s3 =	sld [smem:$0x3FFC];
	_ =	sdelay $0x3  }
0x94: {  	_ =	strace s3  }
0x95: {  	s3 =	sld [smem:$0x3FFD];
	_ =	sdelay $0x3  }
0x96: {  	_ =	strace s3  }
0x97: {  	_ =	strace $0x8FFFFFFF  }
0x98: {  	s19 =	sld [smem:$0x3FDB];
	_ =	sdelay $0x1  }
0x99: {  	s4 =	simm.s32 $_scs_section_size  }
0x9a: {  	s5 =	simm.s32 $_size__tile_overlayer_lowered;
	s6 =	simm.s32 $_tile_overlayer_lowered  }
0x9b: {  	s22 =	simm.s32 $0x1BFF;
	s21 =	sshll.u32 s6, $0x1;
	s3 =	sadd.s32 s4, s19  }
0x9c: {  	s7 =	simm.s32 $0x0;
	s20 =	sshll.u32 s5, $0x1;
	s5 =	sadd.s32 s21, s3  }
0x9d: {  	[timem:s7], [sflag:s22] =	dma.local [hbm:s5], s20  }
0x9e: {  	_ =	swait.ge [sflag:s22], s20  }
0x9f: {  	s4 =	ssub.s32 $0x0, s20;
	[sflag:s22] =	ssyncset.done $0x0  }
0xa0: {  	[sflag:s22] =	ssyncadd.s32 s4;
	_ =	sdelay $0x1  }
0xa1: {  	s23 =	simm.s32 $0x1B8B  }
0xa2: {  	_ =	swait.ge [sflag:s23], $0x1  }
0xa3: {  	[sflag:s23] =	ssyncset.done $0x0  }
0xa4: {  	s25 =	simm.s32 $0x1B8E;
	s24 =	sld [smem:$0x3FFE];
	[sflag:s23] =	ssyncadd.s32 $0xFFFFFFFF  }
0xa5: {  	s26 =	simm.s32 $execute0_lowered;
	[smem:$0x3FD2] =	sst s25  }
0xa6: {  	s5 =	sshll.u32 s26, $0x1;
	_ =	strace $0x80000046;
	[dreg:$0x1] =	wrdreg $0xFFFFFFFF  }
0xa7: {  	s28 =	simm.s32 $_size_execute0_lowered;
	s3 =	sadd.s32 s3, s5;
	[dreg:$0x0] =	wrdreg $0x0  }
0xa8: {  	s5 =	sshll.u32 s28, $0x1;
	[dreg:$0x2] =	wrdreg s3  }
0xa9: {  	[dreg:$0x3] =	wrdreg s5  }
0xaa: {  	[dreg:$0x4] =	wrdreg $0xC0  }
0xab: {  	_ =	task [dreg:s7], $0x5FFFF  }
0xac: {  	[dreg:$0x1] =	wrdreg $0xFFFFFFFF  }
0xad: {  	[dreg:$0x0] =	wrdreg $0x60  }
0xae: {  	[dreg:$0x2] =	wrdreg s24  }
0xaf: {  	[dreg:$0x3] =	wrdreg s2  }
0xb0: {  	[dreg:$0x4] =	wrdreg $0x9  }
0xb1: {  	_ =	task.clear_ibuf [dreg:s7], $0x5FFFF;
	_ =	strace $0x90000046  }
0xb2: {  	s29 =	simm.s32 $0x9;
	_ =	strace $0x80000048  }
0xb3: {  	_ =	swait.ge [sflag:s29], $0x1  }
0xb4: {  	[sflag:s29] =	ssyncadd.s32 $0xFFFFFFFF  }
0xb5: {  	_ =	strace $0x90000048  }
0xb6: {  	_ =	sfence  }
0xb7: {  	s30 =	sld [smem:$0x0];
	_ =	sdelay $0x2  }
0xb8: {  	s31 =	sshll.u32 s1, $0xD;
	s1 =	sshrl.u32 s1, $0x2  }
0xb9: {  	s3 =	sand.u32 $0x4000, s31;
	s1 =	sadd.s32 s1, s30  }
0xba: {  	s0 =	sor.u32 s3, s0;
	s1 =	sshll.u32 s1, $0x11  }
0xbb: {  	s0 =	sor.u32 s1, s0  }
0xbc: {  	s0 =	sadd.s32 $0x8F2B, s0  }
0xbd: {  	[sflag:s0] =	ssyncadd.remote.s32 $0x1  }
0xbe: {  	_ =	sfence.sel $0xFFFF  }
0xbf: {  	[dreg:$0x0] =	wrdreg $0xFFFFFFFF;
	(pc) =	sbr.abs _section_cstart, $3  }
0xc0: {  	[dreg:$0x1] =	wrdreg $0xFFFFFFFF  }
0xc1: {  	_ =	task.clear_ibuf [dreg:s7], $0x2FFFF;
	_ =	strace $0x9FFFFFFF  }
0xc2: {  	(tm) =	ssettm $0x7FFFFFFF  }
0xc3: {  	_ =	shalt  }
tec
execute0_lowered:
.L_overlay_start_1:
0x0: {  	(tag) =	ssettag $0x1  }
0x1: {  	s4 =	rddreg [dreg:$0x0]  }
0x2: {  	s5 =	rddreg [dreg:$0x1]  }
0x3: {  	s0 =	rddreg [dreg:$0x2];
	s2 =	simm.s32 $0x0  }
0x4: {  	s1 =	stileid.u32;
	s24 =	srdreg.scid;
	s13 =	simm.s32 $0x3  }
0x5: {  	s14 =	simm.s32 $0x4000;
	s15 =	simm.s32 $0x1;
	s16 =	simm.s32 $0x2  }
0x6: {  	s17 =	simm.s32 $0x200;
	s18 =	simm.s32 $0x8800;
	s19 =	simm.s32 $0x0  }
0x7: {  	[smem:$0x7FF] =	sst s2;
	s6 =	sshrl.u32 s1, $0x2;
	s3 =	sadd.s32 $0xE00, s4  }
0x8: {  	s25 =	sshll.u32 s1, $0x1;
	_ =	strace $0x80000047;
	s7 =	sshll.u32 s6, $0x4  }
0x9: {  	s6 =	sor.u32 $0x1C, s6;
	s8 =	sadd.s32 s7, s4;
	s4 =	sand.u32 $0x1, s24  }
0xa: {  	s7 =	sand.u32 $0x6, s25;
	s26 =	sshll.u32 s6, $0x4;
	s28 =	sshll.u32 s6, $0x15  }
0xb: {  	s9 =	ssub.s32 $0x2, s4;
	s7 =	sor.u32 s4, s7;
	s4 =	sand.u32 $0x70, s26  }
0xc: {  	s10 =	sshrl.u32 s9, $0x1;
	s11 =	sshll.u32 s7, $0x12;
	s12 =	sshll.u32 s7, $0xB  }
0xd: {  	s4 =	sadd.s32 s4, s5;
	s31 =	sshll.u32 s7, $0xA;
	s9 =	ssub.s32 s9, s10  }
0xe: {  	v0 =	vlaneseq.u32;
	s29 =	sadd.s32 s12, s4;
	s4 =	sor.u32 s28, s11;
	s8 =	sadd.s32 s31, s8  }
0xf: {  	v41 =	vmul.u32 $0x80, v0;
	s10 =	simm.s32 $0x80;
	s11 =	simm.s32 $0x400;
	s12 =	simm.s32 $0x8000  }
0x10: {  	s5 =	sadd.s32 $0xC000, s29;
	s30 =	sshrl.u32 s4, $0x3;
	s7 =	sor.u32 $0x8000, s4  }
0x11: {  	v1 =	vimm.s32 $0x0;
	v42 =	vimm.s32 $0x1;
	[tilespmem:$0x1FFF0] =	vst v41;
	s8 =	sadd.s32 $0x800E00, s8;
	s9 =	smax.u32 s9, $0x1;
	s6 =	sadd.s32 s3, s30  }
.LBB2_1:
0x12: {  	[tilespmem:s12], [sflag:$0x3] =	stream.strided.gather [hbm4b:s5+s10], $0x800, s11, s10, $0x38;
	[tilespmem:$0x9000] =	vst v63  }
0x13: {  	_ =	swait.ge [sflag:s13], $0x800  }
0x14: {  	[sflag:s13] =	ssyncset.done $0x0  }
0x15: {  	s20 =	simm.s32 $0x0;
	[sflag:s13] =	ssyncadd.s32 $0xFFFFF800  }
0x16: {  	[tilespmem:s2], [sflag:$0x1] =	stream.linear.gather [hbm4b:s6+s2], $0x4000, $0x38;
	[tilespmem:$0x9000] =	vst v63  }
.LBB2_2:
0x17: {  	s21 =	sshllo.u32 s20, $0x1  }
0x18: {  	s22 =	sshll.u32 s21, $0xE  }
0x19: {  	s22 =	sadd.s32 s4, s22  }
0x1a: {  	s22 =	sshrl.u32 s22, $0x3  }
0x1b: {  	s25 =	simm.s32 $0x0;
	s22 =	sadd.s32 s3, s22  }
0x1c: {  	[tilespmem:s14], [sflag:$0x2] =	stream.linear.gather [hbm4b:s22+s25], $0x4000, $0x38;
	[tilespmem:$0x9000] =	vst v63  }
0x1d: {  	_ =	swait.ge [sflag:s15], $0x4000  }
0x1e: {  	[sflag:s15] =	ssyncset.done $0x0  }
0x1f: {  	p0 =	por $0x1, $0x1;
	s22 =	sshll.u32 s20, $0x8;
	[sflag:s15] =	ssyncadd.s32 $0xFFFFC000  }
.LBB2_3:
0x20: {  	_ =	sdelay $0x1  }
0x21: {  	v0 =	vmov s25  }
0x22: {  	v0 =	vshll.u32 v0, $0x7  }
0x23: {  	v3 =	vor.u32 v41, v0;
	_ =	sdelay $0x1  }
0x24: {  	v0 =	vor.u32 $0x1, v3;
	_ =	sdelay $0x1  }
0x25: {  	v2 =	vor.u32 $0x2, v3  }
0x26: {  	v4 =	vld.idx.msk [tilespmem:v3+s2+$0x0], $0xffff  }
0x27: {  	v5 =	vor.u32 $0x3, v3  }
0x28: {  	v6 =	vld.idx.msk [tilespmem:v0+s2+$0x0], $0xffff  }
0x29: {  	v7 =	vor.u32 $0x4, v3  }
0x2a: {  	v2 =	vld.idx.msk [tilespmem:v2+s2+$0x0], $0xffff  }
0x2b: {  	v9 =	vor.u32 $0x5, v3;
	v8 =	vadd.f32 $0.0e+00, v4  }
0x2c: {  	s23 =	sor.u32 s22, s25;
	v5 =	vld.idx.msk [tilespmem:v5+s2+$0x0], $0xffff  }
0x2d: {  	v32 =	vor.u32 $0x6, v3;
	v0 =	vld [tilespmem:s23+$0x8000];
	v6 =	vadd.f32 v6, v8  }
0x2e: {  	v7 =	vld.idx.msk [tilespmem:v7+s2+$0x0], $0xffff  }
0x2f: {  	v33 =	vor.u32 $0x7, v3;
	v2 =	vadd.f32 v2, v6  }
0x30: {  	v34 =	vld.idx.msk [tilespmem:v9+s2+$0x0], $0xffff  }
0x31: {  	v11 =	vor.u32 $0x8, v3;
	v5 =	vadd.f32 v5, v2  }
0x32: {  	vm6 =	vgt.f32 v0, v2;
	v2 =	vld.idx.msk [tilespmem:v32+s2+$0x0], $0xffff  }
0x33: {  	v37 =	vor.u32 $0x9, v3;
	v7 =	vadd.f32 v7, v5  }
0x34: {  	vm0 =	vgt.f32 v0, v4;
	v4 =	vld.idx.msk [tilespmem:v33+s2+$0x0], $0xffff  }
0x35: {  	v38 =	vor.u32 $0xA, v3;
	vm1 =	vgt.f32 v0, v6;
	v6 =	vadd.f32 v34, v7  }
0x36: {  	v39 =	vld.idx.msk [tilespmem:v11+s2+$0x0], $0xffff  }
0x37: {  	v43 =	vor.u32 $0xB, v3;
	v2 =	vadd.f32 v2, v6  }
0x38: {  	v44 =	vld.idx.msk [tilespmem:v37+s2+$0x0], $0xffff  }
0x39: {  	v46 =	vor.u32 $0xC, v3;
	v4 =	vadd.f32 v4, v2  }
0x3a: {  	vm10 =	vgt.f32 v0, v2;
	v2 =	vld.idx.msk [tilespmem:v38+s2+$0x0], $0xffff  }
0x3b: {  	v48 =	vor.u32 $0xD, v3;
	vm8 =	vgt.f32 v0, v7;
	v7 =	vadd.f32 v39, v4  }
0x3c: {  	v51 =	vor.u32 $0xE, v3;
	v49 =	vld.idx.msk [tilespmem:v43+s2+$0x0], $0xffff  }
0x3d: {  	v54 =	vor.u32 $0xF, v3;
	vm9 =	vgt.f32 v0, v6;
	v6 =	vadd.f32 v44, v7  }
0x3e: {  	v57 =	vor.u32 $0x10, v3;
	v59 =	vor.u32 $0x11, v3;
	v62 =	vor.u32 $0x12, v3;
	v52 =	vld.idx.msk [tilespmem:v46+s2+$0x0], $0xffff  }
0x3f: {  	v10 =	vsel vm0, $0x1, v1;
	v35 =	vsel vm0, $0x2, v42;
	v2 =	vadd.f32 v2, v6  }
0x40: {  	v13 =	vor.u32 $0x13, v3;
	v18 =	vor.u32 $0x15, v3;
	v55 =	vld.idx.msk [tilespmem:v48+s2+$0x0], $0xffff;
	v9 =	vsel vm1, v35, v10  }
0x41: {  	v36 =	vsel vm6, $0x1, v1;
	vm11 =	vgt.f32 v0, v4;
	v4 =	vadd.f32 v49, v2  }
0x42: {  	v8 =	vadd.s32 v36, v9;
	vm7 =	vgt.f32 v0, v5;
	vm14 =	vgt.f32 v0, v2;
	v2 =	vld.idx.msk [tilespmem:v51+s2+$0x0], $0xffff  }
0x43: {  	v5 =	vsel vm7, $0x1, v1;
	vm12 =	vgt.f32 v0, v7;
	v7 =	vadd.f32 v52, v4  }
0x44: {  	v16 =	vor.u32 $0x14, v3;
	v21 =	vor.u32 $0x16, v3;
	v60 =	vld.idx.msk [tilespmem:v54+s2+$0x0], $0xffff;
	v5 =	vadd.s32 v5, v8  }
0x45: {  	v40 =	vsel vm8, $0x1, v1;
	vm13 =	vgt.f32 v0, v6;
	v6 =	vadd.f32 v55, v7  }
0x46: {  	v24 =	vor.u32 $0x17, v3;
	v63 =	vld.idx.msk [tilespmem:v57+s2+$0x0], $0xffff;
	v5 =	vadd.s32 v40, v5;
	v45 =	vsel vm9, $0x1, v1  }
0x47: {  	v14 =	vld.idx.msk [tilespmem:v59+s2+$0x0], $0xffff;
	v5 =	vadd.s32 v45, v5;
	v47 =	vsel vm10, $0x1, v1;
	v2 =	vadd.f32 v2, v6  }
0x48: {  	v27 =	vor.u32 $0x18, v3;
	v25 =	vld.idx.msk [tilespmem:v18+s2+$0x0], $0xffff;
	v18 =	vor.u32 $0x27, v3;
	v5 =	vadd.s32 v47, v5  }
0x49: {  	v50 =	vsel vm11, $0x1, v1;
	vm15 =	vgt.f32 v0, v4;
	v4 =	vadd.f32 v60, v2  }
0x4a: {  	v29 =	vor.u32 $0x19, v3;
	v5 =	vadd.s32 v50, v5;
	vm6 =	vgt.f32 v0, v2;
	v2 =	vld.idx.msk [tilespmem:v62+s2+$0x0], $0xffff  }
0x4b: {  	v19 =	vld.idx.msk [tilespmem:v13+s2+$0x0], $0xffff;
	v53 =	vsel vm12, $0x1, v1;
	vm4 =	vgt.f32 v0, v7;
	v7 =	vadd.f32 v63, v4  }
0x4c: {  	v22 =	vld.idx.msk [tilespmem:v16+s2+$0x0], $0xffff;
	v48 =	vor.u32 $0x1F, v3;
	v59 =	vor.u32 $0x23, v3;
	v5 =	vadd.s32 v53, v5  }
0x4d: {  	v30 =	vld.idx.msk [tilespmem:v24+s2+$0x0], $0xffff;
	v56 =	vsel vm13, $0x1, v1;
	vm5 =	vgt.f32 v0, v6;
	v6 =	vadd.f32 v14, v7  }
0x4e: {  	v24 =	vld.idx.msk [tilespmem:v18+s2+$0x0], $0xffff;
	v18 =	vor.u32 $0x2F, v3;
	v5 =	vadd.s32 v56, v5;
	v58 =	vsel vm14, $0x1, v1  }
0x4f: {  	v5 =	vadd.s32 v58, v5;
	v61 =	vsel vm15, $0x1, v1;
	v2 =	vadd.f32 v2, v6  }
0x50: {  	v35 =	vor.u32 $0x1B, v3;
	v32 =	vor.u32 $0x1A, v3;
	v5 =	vadd.s32 v61, v5  }
0x51: {  	v12 =	vsel vm4, $0x1, v1;
	vm7 =	vgt.f32 v0, v4;
	v4 =	vadd.f32 v19, v2  }
0x52: {  	v40 =	vor.u32 $0x1D, v3;
	v5 =	vadd.s32 v12, v5;
	vm10 =	vgt.f32 v0, v2;
	v2 =	vld.idx.msk [tilespmem:v21+s2+$0x0], $0xffff  }
0x53: {  	v15 =	vsel vm5, $0x1, v1;
	vm8 =	vgt.f32 v0, v7;
	v7 =	vadd.f32 v22, v4  }
0x54: {  	v38 =	vor.u32 $0x1C, v3;
	v45 =	vor.u32 $0x1E, v3;
	v5 =	vadd.s32 v15, v5  }
0x55: {  	v17 =	vsel vm6, $0x1, v1;
	vm9 =	vgt.f32 v0, v6;
	v6 =	vadd.f32 v25, v7  }
0x56: {  	v33 =	vld.idx.msk [tilespmem:v27+s2+$0x0], $0xffff;
	v53 =	vor.u32 $0x21, v3;
	v5 =	vadd.s32 v17, v5;
	v20 =	vsel vm7, $0x1, v1  }
0x57: {  	v5 =	vadd.s32 v20, v5;
	v23 =	vsel vm8, $0x1, v1;
	v2 =	vadd.f32 v2, v6  }
0x58: {  	v36 =	vld.idx.msk [tilespmem:v29+s2+$0x0], $0xffff;
	v51 =	vor.u32 $0x20, v3;
	v62 =	vor.u32 $0x24, v3;
	v5 =	vadd.s32 v23, v5  }
0x59: {  	v26 =	vsel vm9, $0x1, v1;
	vm11 =	vgt.f32 v0, v4;
	v4 =	vadd.f32 v30, v2  }
0x5a: {  	v56 =	vor.u32 $0x22, v3;
	v5 =	vadd.s32 v26, v5;
	vm14 =	vgt.f32 v0, v2;
	v2 =	vld.idx.msk [tilespmem:v32+s2+$0x0], $0xffff  }
0x5b: {  	v28 =	vsel vm10, $0x1, v1;
	vm12 =	vgt.f32 v0, v7;
	v7 =	vadd.f32 v33, v4  }
0x5c: {  	v43 =	vld.idx.msk [tilespmem:v35+s2+$0x0], $0xffff;
	v12 =	vor.u32 $0x25, v3;
	v15 =	vor.u32 $0x26, v3;
	v5 =	vadd.s32 v28, v5  }
0x5d: {  	v46 =	vld.idx.msk [tilespmem:v38+s2+$0x0], $0xffff;
	v31 =	vsel vm11, $0x1, v1;
	vm13 =	vgt.f32 v0, v6;
	v6 =	vadd.f32 v36, v7  }
0x5e: {  	v16 =	vld.idx.msk [tilespmem:v62+s2+$0x0], $0xffff;
	v62 =	vor.u32 $0x35, v3;
	v5 =	vadd.s32 v31, v5;
	v34 =	vsel vm12, $0x1, v1  }
0x5f: {  	v5 =	vadd.s32 v34, v5;
	v37 =	vsel vm13, $0x1, v1;
	v2 =	vadd.f32 v2, v6  }
0x60: {  	v49 =	vld.idx.msk [tilespmem:v40+s2+$0x0], $0xffff;
	v23 =	vor.u32 $0x29, v3;
	v21 =	vor.u32 $0x28, v3;
	v5 =	vadd.s32 v37, v5  }
0x61: {  	v22 =	vld.idx.msk [tilespmem:v15+s2+$0x0], $0xffff;
	v39 =	vsel vm14, $0x1, v1;
	vm15 =	vgt.f32 v0, v4;
	v4 =	vadd.f32 v43, v2  }
0x62: {  	v15 =	vor.u32 $0x2D, v3;
	v5 =	vadd.s32 v39, v5;
	vm6 =	vgt.f32 v0, v2;
	v2 =	vld.idx.msk [tilespmem:v45+s2+$0x0], $0xffff  }
0x63: {  	v44 =	vsel vm15, $0x1, v1;
	vm4 =	vgt.f32 v0, v7;
	v7 =	vadd.f32 v46, v4  }
0x64: {  	v54 =	vld.idx.msk [tilespmem:v48+s2+$0x0], $0xffff;
	v5 =	vadd.s32 v44, v5;
	v47 =	vsel vm4, $0x1, v1;
	vm5 =	vgt.f32 v0, v6  }
0x65: {  	v5 =	vadd.s32 v47, v5;
	v50 =	vsel vm5, $0x1, v1;
	v6 =	vadd.f32 v49, v7  }
0x66: {  	v57 =	vld.idx.msk [tilespmem:v51+s2+$0x0], $0xffff;
	v25 =	vor.u32 $0x2A, v3;
	v31 =	vor.u32 $0x2B, v3;
	v5 =	vadd.s32 v50, v5  }
0x67: {  	v60 =	vld.idx.msk [tilespmem:v53+s2+$0x0], $0xffff;
	v52 =	vsel vm6, $0x1, v1;
	vm7 =	vgt.f32 v0, v4;
	v2 =	vadd.f32 v2, v6  }
0x68: {  	v28 =	vld.idx.msk [tilespmem:v23+s2+$0x0], $0xffff;
	v23 =	vor.u32 $0x33, v3;
	v5 =	vadd.s32 v52, v5;
	v55 =	vsel vm7, $0x1, v1  }
0x69: {  	v13 =	vld.idx.msk [tilespmem:v59+s2+$0x0], $0xffff;
	v5 =	vadd.s32 v55, v5;
	vm8 =	vgt.f32 v0, v7;
	v4 =	vadd.f32 v54, v2  }
0x6a: {  	v58 =	vsel vm8, $0x1, v1;
	vm9 =	vgt.f32 v0, v6;
	vm10 =	vgt.f32 v0, v2;
	v2 =	vld.idx.msk [tilespmem:v56+s2+$0x0], $0xffff  }
0x6b: {  	v32 =	vld.idx.msk [tilespmem:v25+s2+$0x0], $0xffff;
	v5 =	vadd.s32 v58, v5;
	v61 =	vsel vm9, $0x1, v1;
	v7 =	vadd.f32 v57, v4  }
0x6c: {  	v37 =	vld.idx.msk [tilespmem:v31+s2+$0x0], $0xffff;
	v25 =	vor.u32 $0x34, v3;
	v31 =	vor.u32 $0x39, v3;
	v5 =	vadd.s32 v61, v5  }
0x6d: {  	v63 =	vsel vm10, $0x1, v1;
	vm11 =	vgt.f32 v0, v4;
	v6 =	vadd.f32 v60, v7  }
0x6e: {  	v5 =	vadd.s32 v63, v5;
	v14 =	vsel vm11, $0x1, v1;
	vm12 =	vgt.f32 v0, v7  }
0x6f: {  	v5 =	vadd.s32 v14, v5;
	v17 =	vsel vm12, $0x1, v1;
	v2 =	vadd.f32 v2, v6  }
0x70: {  	v19 =	vld.idx.msk [tilespmem:v12+s2+$0x0], $0xffff;
	v47 =	vor.u32 $0x30, v3;
	v5 =	vadd.s32 v17, v5;
	vm13 =	vgt.f32 v0, v6  }
0x71: {  	v20 =	vsel vm13, $0x1, v1;
	v4 =	vadd.f32 v13, v2;
	vm14 =	vgt.f32 v0, v2  }
0x72: {  	v14 =	vor.u32 $0x2C, v3;
	v5 =	vadd.s32 v20, v5;
	v2 =	vsel vm14, $0x1, v1  }
0x73: {  	s24 =	sor.u32 $0x10, s25;
	v20 =	vor.u32 $0x31, v3;
	v7 =	vadd.f32 v16, v4;
	v5 =	vadd.s32 v2, v5  }
0x74: {  	vm15 =	vgt.f32 v0, v4;
	v2 =	vmov s24;
	v16 =	vor.u32 $0x2E, v3  }
0x75: {  	v2 =	vshll.u32 v2, $0x7;
	v12 =	vsel vm15, $0x1, v1;
	v6 =	vadd.f32 v19, v7  }
0x76: {  	vm4 =	vgt.f32 v0, v7;
	v2 =	vor.u32 v41, v2;
	v5 =	vadd.s32 v12, v5  }
0x77: {  	v27 =	vsel vm4, $0x1, v1;
	v29 =	vor.u32 $0x1, v2;
	v33 =	vor.u32 $0x2, v2  }
0x78: {  	v35 =	vor.u32 $0x3, v2;
	v38 =	vor.u32 $0x4, v2;
	v17 =	vor.u32 $0x5, v2  }
0x79: {  	v26 =	vld.idx.msk [tilespmem:v21+s2+$0x0], $0xffff;
	v19 =	vor.u32 $0x6, v2;
	v46 =	vor.u32 $0x7, v2;
	v50 =	vor.u32 $0x8, v2  }
0x7a: {  	v18 =	vld.idx.msk [tilespmem:v18+s2+$0x0], $0xffff;
	v53 =	vor.u32 $0x9, v2;
	v56 =	vor.u32 $0xA, v2;
	v8 =	vadd.f32 v22, v6  }
0x7b: {  	v15 =	vld.idx.msk [tilespmem:v15+s2+$0x0], $0xffff;
	v58 =	vor.u32 $0xB, v2;
	v60 =	vor.u32 $0xC, v2;
	v61 =	vor.u32 $0xD, v2  }
0x7c: {  	v14 =	vld.idx.msk [tilespmem:v14+s2+$0x0], $0xffff;
	v63 =	vor.u32 $0xE, v2;
	vm5 =	vgt.f32 v0, v6;
	v4 =	vadd.f32 v24, v8  }
0x7d: {  	v5 =	vadd.s32 v27, v5;
	v30 =	vsel vm5, $0x1, v1;
	vm6 =	vgt.f32 v0, v8;
	v7 =	vld.idx.msk [tilespmem:v2+s2+$0x0], $0xffff  }
0x7e: {  	v5 =	vadd.s32 v30, v5;
	v34 =	vsel vm6, $0x1, v1;
	v13 =	vadd.f32 v26, v4;
	v9 =	vld.idx.msk [tilespmem:v29+s2+$0x0], $0xffff  }
0x7f: {  	v22 =	vor.u32 $0x32, v3;
	v30 =	vor.u32 $0x11, v2;
	v5 =	vadd.s32 v34, v5;
	v10 =	vld.idx.msk [tilespmem:v33+s2+$0x0], $0xffff  }
0x80: {  	vm7 =	vgt.f32 v0, v4;
	v4 =	vld.idx.msk [tilespmem:v35+s2+$0x0], $0xffff;
	v33 =	vor.u32 $0x36, v3;
	v6 =	vadd.f32 v28, v13  }
0x81: {  	v21 =	vld.idx.msk [tilespmem:v46+s2+$0x0], $0xffff;
	v34 =	vor.u32 $0xF, v2;
	v35 =	vor.u32 $0x37, v3;
	v46 =	vor.u32 $0x15, v2  }
0x82: {  	v55 =	vld.idx.msk [tilespmem:v47+s2+$0x0], $0xffff;
	v36 =	vsel vm7, $0x1, v1;
	vm9 =	vgt.f32 v0, v6;
	v6 =	vadd.f32 v32, v6  }
0x83: {  	v20 =	vld.idx.msk [tilespmem:v20+s2+$0x0], $0xffff;
	v5 =	vadd.s32 v36, v5;
	vm8 =	vgt.f32 v0, v13;
	v39 =	vadd.f32 $0.0e+00, v7  }
0x84: {  	v45 =	vld.idx.msk [tilespmem:v16+s2+$0x0], $0xffff;
	v13 =	vsel vm8, $0x1, v1;
	vm10 =	vgt.f32 v0, v6;
	v6 =	vadd.f32 v37, v6  }
0x85: {  	v44 =	vld.idx.msk [tilespmem:v38+s2+$0x0], $0xffff;
	v28 =	vor.u32 $0x10, v2;
	v5 =	vadd.s32 v13, v5;
	v8 =	vadd.f32 v9, v39  }
0x86: {  	v48 =	vld.idx.msk [tilespmem:v17+s2+$0x0], $0xffff;
	v40 =	vsel vm9, $0x1, v1;
	vm11 =	vgt.f32 v0, v6;
	v6 =	vadd.f32 v14, v6  }
0x87: {  	v51 =	vld.idx.msk [tilespmem:v19+s2+$0x0], $0xffff;
	v36 =	vor.u32 $0x38, v3;
	v5 =	vadd.s32 v40, v5;
	v9 =	vadd.f32 v10, v8  }
0x88: {  	v19 =	vld.idx.msk [tilespmem:v53+s2+$0x0], $0xffff;
	v43 =	vsel vm10, $0x1, v1;
	vm12 =	vgt.f32 v0, v6;
	v6 =	vadd.f32 v15, v6  }
0x89: {  	v26 =	vld.idx.msk [tilespmem:v56+s2+$0x0], $0xffff;
	v5 =	vadd.s32 v43, v5;
	v49 =	vsel vm11, $0x1, v1;
	v10 =	vadd.f32 v4, v9  }
0x8a: {  	v22 =	vld.idx.msk [tilespmem:v22+s2+$0x0], $0xffff;
	v40 =	vor.u32 $0x12, v2;
	v5 =	vadd.s32 v49, v5;
	v54 =	vadd.f32 v45, v6  }
0x8b: {  	v4 =	vld.idx.msk [tilespmem:v50+s2+$0x0], $0xffff;
	v49 =	vor.u32 $0x16, v2;
	v52 =	vsel vm12, $0x1, v1;
	v11 =	vadd.f32 v44, v10  }
0x8c: {  	v5 =	vadd.s32 v52, v5;
	vm13 =	vgt.f32 v0, v6;
	v17 =	vadd.f32 v18, v54;
	v18 =	vld.idx.msk [tilespmem:v58+s2+$0x0], $0xffff  }
0x8d: {  	v57 =	vsel vm13, $0x1, v1;
	v12 =	vadd.f32 v48, v11;
	vm14 =	vgt.f32 v0, v54;
	v23 =	vld.idx.msk [tilespmem:v23+s2+$0x0], $0xffff  }
0x8e: {  	v50 =	vor.u32 $0x3E, v3;
	v5 =	vadd.s32 v57, v5;
	v25 =	vld.idx.msk [tilespmem:v25+s2+$0x0], $0xffff;
	v59 =	vsel vm14, $0x1, v1  }
0x8f: {  	v29 =	vld.idx.msk [tilespmem:v63+s2+$0x0], $0xffff;
	v13 =	vadd.f32 v51, v12;
	vm15 =	vgt.f32 v0, v17;
	v6 =	vadd.f32 v55, v17  }
0x90: {  	v44 =	vor.u32 $0x13, v2;
	v37 =	vld.idx.msk [tilespmem:v33+s2+$0x0], $0xffff;
	v5 =	vadd.s32 v59, v5;
	v24 =	vsel vm15, $0x1, v1  }
0x91: {  	v39 =	vld.idx.msk [tilespmem:v35+s2+$0x0], $0xffff;
	v14 =	vadd.f32 v21, v13;
	vm4 =	vgt.f32 v0, v6;
	v6 =	vadd.f32 v20, v6  }
0x92: {  	v28 =	vld.idx.msk [tilespmem:v28+s2+$0x0], $0xffff;
	v33 =	vor.u32 $0x3B, v3;
	v5 =	vadd.s32 v24, v5;
	v32 =	vsel vm4, $0x1, v1  }
0x93: {  	v30 =	vld.idx.msk [tilespmem:v30+s2+$0x0], $0xffff;
	v15 =	vadd.f32 v4, v14;
	vm5 =	vgt.f32 v0, v6;
	v6 =	vadd.f32 v22, v6  }
0x94: {  	v35 =	vor.u32 $0x3C, v3;
	v24 =	vld.idx.msk [tilespmem:v62+s2+$0x0], $0xffff;
	v5 =	vadd.s32 v32, v5;
	v27 =	vsel vm5, $0x1, v1  }
0x95: {  	v31 =	vld.idx.msk [tilespmem:v31+s2+$0x0], $0xffff;
	v16 =	vadd.f32 v19, v15;
	v23 =	vadd.f32 v23, v6;
	vm6 =	vgt.f32 v0, v6  }
0x96: {  	v21 =	vld.idx.msk [tilespmem:v60+s2+$0x0], $0xffff;
	v32 =	vor.u32 $0x3A, v3;
	v5 =	vadd.s32 v27, v5;
	v38 =	vsel vm6, $0x1, v1  }
0x97: {  	v33 =	vld.idx.msk [tilespmem:v33+s2+$0x0], $0xffff;
	v17 =	vadd.f32 v26, v16;
	vm7 =	vgt.f32 v0, v23;
	v23 =	vadd.f32 v25, v23  }
0x98: {  	v45 =	vor.u32 $0x14, v2;
	v48 =	vor.u32 $0x3D, v3;
	v4 =	vld.idx.msk [tilespmem:v61+s2+$0x0], $0xffff;
	v5 =	vadd.s32 v38, v5  }
0x99: {  	v35 =	vld.idx.msk [tilespmem:v35+s2+$0x0], $0xffff;
	v43 =	vsel vm7, $0x1, v1;
	v18 =	vadd.f32 v18, v17;
	v24 =	vadd.f32 v24, v23  }
0x9a: {  	v52 =	vor.u32 $0x3F, v3;
	v27 =	vld.idx.msk [tilespmem:v36+s2+$0x0], $0xffff;
	v5 =	vadd.s32 v43, v5;
	vm8 =	vgt.f32 v0, v23  }
0x9b: {  	v26 =	vld.idx.msk [tilespmem:v34+s2+$0x0], $0xffff;
	v34 =	vsel vm8, $0x1, v1;
	v19 =	vadd.f32 v21, v18;
	v6 =	vadd.f32 v37, v24  }
0x9c: {  	v32 =	vld.idx.msk [tilespmem:v32+s2+$0x0], $0xffff;
	vm9 =	vgt.f32 v0, v24;
	v5 =	vadd.s32 v34, v5;
	v37 =	vor.u32 $0x17, v2  }
0x9d: {  	v34 =	vld.idx.msk [tilespmem:v48+s2+$0x0], $0xffff;
	v47 =	vsel vm9, $0x1, v1;
	v20 =	vadd.f32 v4, v19;
	v36 =	vadd.f32 v39, v6  }
0x9e: {  	v55 =	vor.u32 $0x1A, v2;
	v4 =	vld.idx.msk [tilespmem:v40+s2+$0x0], $0xffff;
	v5 =	vadd.s32 v47, v5;
	vm10 =	vgt.f32 v0, v6  }
0x9f: {  	v6 =	vld.idx.msk [tilespmem:v50+s2+$0x0], $0xffff;
	v47 =	vor.u32 $0x1D, v2;
	v21 =	vadd.f32 v29, v20;
	v27 =	vadd.f32 v27, v36  }
0xa0: {  	v3 =	vor.u32 $0x40, v3;
	v61 =	vor.u32 $0x1B, v2;
	v38 =	vor.u32 $0x18, v2;
	v29 =	vld.idx.msk [tilespmem:v44+s2+$0x0], $0xffff  }
0xa1: {  	vm11 =	vgt.f32 v0, v36;
	v36 =	vld.idx.msk [tilespmem:v52+s2+$0x0], $0xffff;
	v22 =	vadd.f32 v26, v21;
	v31 =	vadd.f32 v31, v27  }
0xa2: {  	v39 =	vor.u32 $0x19, v2;
	v50 =	vor.u32 $0x1E, v2;
	v51 =	vsel vm10, $0x1, v1;
	v54 =	vld.idx.msk [tilespmem:v37+s2+$0x0], $0xffff  }
0xa3: {  	v44 =	vor.u32 $0x1C, v2;
	v26 =	vld.idx.msk [tilespmem:v45+s2+$0x0], $0xffff;
	v23 =	vadd.f32 v28, v22;
	v32 =	vadd.f32 v32, v31  }
0xa4: {  	v53 =	vsel vm11, $0x1, v1;
	v37 =	vor.u32 $0x2B, v2;
	vm12 =	vgt.f32 v0, v27;
	v58 =	vld.idx.msk [tilespmem:v47+s2+$0x0], $0xffff  }
0xa5: {  	v28 =	vld.idx.msk [tilespmem:v46+s2+$0x0], $0xffff;
	vm13 =	vgt.f32 v0, v31;
	v24 =	vadd.f32 v30, v23;
	v33 =	vadd.f32 v33, v32  }
0xa6: {  	v47 =	vor.u32 $0x24, v2;
	v46 =	vld.idx.msk [tilespmem:v55+s2+$0x0], $0xffff;
	v55 =	vor.u32 $0x1F, v2;
	v57 =	vsel vm13, $0x1, v1  }
0xa7: {  	v30 =	vld.idx.msk [tilespmem:v49+s2+$0x0], $0xffff;
	vm14 =	vgt.f32 v0, v32;
	v25 =	vadd.f32 v4, v24;
	v35 =	vadd.f32 v35, v33  }
0xa8: {  	v49 =	vld.idx.msk [tilespmem:v61+s2+$0x0], $0xffff;
	v61 =	vor.u32 $0x21, v2;
	v40 =	vsel vm14, $0x1, v1;
	v4 =	vadd.s32 v51, v5  }
0xa9: {  	vm15 =	vgt.f32 v0, v33;
	v29 =	vadd.f32 v29, v25;
	v34 =	vadd.f32 v34, v35  }
0xaa: {  	s24 =	sor.u32 s22, s24;
	v3 =	vld.idx.msk [tilespmem:v3+s2+$0x0], $0xffff;
	v5 =	vsel vm12, $0x1, v1;
	v4 =	vadd.s32 v53, v4;
	v45 =	vsel vm15, $0x1, v1  }
0xab: {  	vm4 =	vgt.f32 v0, v35;
	v26 =	vadd.f32 v26, v29;
	v63 =	vadd.f32 v6, v34;
	v6 =	vld [tilespmem:s24+$0x8000]  }
0xac: {  	[tilespmem:$0x1F860] =	vst v45;
	v45 =	vor.u32 $0x23, v2;
	v48 =	vsel vm4, $0x1, v1;
	vm5 =	vgt.f32 v0, v34  }
0xad: {  	v28 =	vadd.f32 v28, v26;
	v36 =	vadd.f32 v36, v63;
	vm6 =	vgt.f32 v0, v63  }
0xae: {  	v51 =	vsel vm5, $0x1, v1;
	v63 =	vld.idx.msk [tilespmem:v55+s2+$0x0], $0xffff;
	v55 =	vor.u32 $0x27, v2;
	v52 =	vsel vm6, $0x1, v1  }
0xaf: {  	v30 =	vadd.f32 v30, v28;
	vm2 =	vgt.f32 v0, v36;
	v3 =	vadd.f32 v3, v36  }
0xb0: {  	v53 =	vsel vm2, $0x1, v1;
	vm7 =	vgt.f32 v6, v7;
	vm8 =	vgt.f32 v6, v8  }
0xb1: {  	v60 =	vld.idx.msk [tilespmem:v38+s2+$0x0], $0xffff;
	vm10 =	vgt.f32 v6, v9;
	vm11 =	vgt.f32 v6, v10;
	vm12 =	vgt.f32 v6, v11  }
0xb2: {  	v62 =	vld.idx.msk [tilespmem:v39+s2+$0x0], $0xffff;
	vm13 =	vgt.f32 v6, v12;
	vm14 =	vgt.f32 v6, v13;
	vm15 =	vgt.f32 v6, v14  }
0xb3: {  	vm4 =	vgt.f32 v6, v15;
	vm5 =	vgt.f32 v6, v16;
	vm6 =	vgt.f32 v6, v17;
	v11 =	vld.idx.msk [tilespmem:v45+s2+$0x0], $0xffff  }
0xb4: {  	v13 =	vld.idx.msk [tilespmem:v47+s2+$0x0], $0xffff;
	v45 =	vor.u32 $0x2C, v2;
	v47 =	vor.u32 $0x2D, v2;
	v27 =	vadd.f32 v54, v30  }
0xb5: {  	v56 =	vsel vm7, $0x1, v1;
	v59 =	vsel vm7, $0x2, v42;
	vm9 =	vgt.f32 v0, v3  }
0xb6: {  	v54 =	vld.idx.msk [tilespmem:v44+s2+$0x0], $0xffff;
	v9 =	vsel vm10, $0x1, v1;
	v35 =	vsel vm11, $0x1, v1;
	v44 =	vor.u32 $0x22, v2  }
0xb7: {  	[tilespmem:$0x1F8D0] =	vst v51;
	v8 =	vsel vm13, $0x1, v1;
	v14 =	vsel vm15, $0x1, v1;
	v31 =	vadd.f32 v60, v27  }
0xb8: {  	[tilespmem:$0x1F900] =	vst v52;
	v3 =	vld.idx.msk [tilespmem:v50+s2+$0x0], $0xffff;
	v50 =	vsel vm4, $0x1, v1;
	v51 =	vsel vm5, $0x1, v1;
	v52 =	vsel vm6, $0x1, v1  }
0xb9: {  	[tilespmem:$0x1F930] =	vst v53;
	vm7 =	vgt.f32 v6, v18;
	v53 =	vor.u32 $0x26, v2;
	v32 =	vadd.f32 v62, v31  }
0xba: {  	vm10 =	vgt.f32 v6, v21;
	vm11 =	vgt.f32 v6, v22;
	vm13 =	vgt.f32 v6, v24  }
0xbb: {  	vm15 =	vgt.f32 v6, v29;
	v29 =	vor.u32 $0x2A, v2;
	v39 =	vadd.f32 v46, v32  }
0xbc: {  	vm4 =	vgt.f32 v6, v26;
	vm5 =	vgt.f32 v6, v28;
	vm6 =	vgt.f32 v6, v30  }
0xbd: {  	v0 =	vsel vm8, v59, v56;
	v60 =	vor.u32 $0x20, v2;
	v33 =	vadd.f32 v49, v39  }
0xbe: {  	vm8 =	vgt.f32 v6, v19;
	v59 =	vsel vm10, $0x1, v1;
	v24 =	vsel vm13, $0x1, v1  }
0xbf: {  	[tilespmem:$0x1F840] =	vst v40;
	v36 =	vsel vm15, $0x1, v1;
	v40 =	vsel vm4, $0x1, v1;
	v34 =	vadd.f32 v54, v33  }
0xc0: {  	[tilespmem:$0x1F8E0] =	vst v52;
	v43 =	vsel vm5, $0x1, v1;
	v52 =	vor.u32 $0x2E, v2;
	v0 =	vadd.s32 v9, v0  }
0xc1: {  	v9 =	vsel vm12, $0x1, v1;
	v56 =	vsel vm8, $0x1, v1;
	v38 =	vadd.f32 v58, v34  }
0xc2: {  	vm12 =	vgt.f32 v6, v23;
	v7 =	vadd.s32 v35, v0;
	v35 =	vsel vm14, $0x1, v1;
	v0 =	vld.idx.msk [tilespmem:v60+s2+$0x0], $0xffff  }
0xc3: {  	vm14 =	vgt.f32 v6, v25;
	v62 =	vsel vm9, $0x1, v1;
	v3 =	vadd.f32 v3, v38  }
0xc4: {  	[tilespmem:$0x1F8A0] =	vst v48;
	vm9 =	vgt.f32 v6, v20;
	v25 =	vsel vm14, $0x1, v1;
	vm8 =	vgt.f32 v6, v31;
	v46 =	vld.idx.msk [tilespmem:v61+s2+$0x0], $0xffff  }
0xc5: {  	[tilespmem:$0x1F960] =	vst v62;
	v48 =	vld.idx.msk [tilespmem:v44+s2+$0x0], $0xffff;
	v62 =	vor.u32 $0x29, v2;
	v44 =	vsel vm6, $0x1, v1;
	v10 =	vadd.f32 v63, v3  }
0xc6: {  	v61 =	vsel vm11, $0x1, v1;
	[tilespmem:$0x1FAA0] =	vst v44;
	v44 =	vor.u32 $0x33, v2;
	v60 =	vor.u32 $0x28, v2  }
0xc7: {  	[tilespmem:$0x1F870] =	vst v50;
	v49 =	vor.u32 $0x25, v2;
	vm10 =	vgt.f32 v6, v39;
	v0 =	vadd.f32 v0, v10  }
0xc8: {  	[tilespmem:$0x1F9C0] =	vst v61;
	v61 =	vor.u32 $0x31, v2;
	v50 =	vsel vm10, $0x1, v1;
	v54 =	vsel vm7, $0x1, v1  }
0xc9: {  	vm7 =	vgt.f32 v6, v27;
	vm11 =	vgt.f32 v6, v33;
	v12 =	vadd.f32 v46, v0  }
0xca: {  	v16 =	vld.idx.msk [tilespmem:v53+s2+$0x0], $0xffff;
	[tilespmem:$0x1F910] =	vst v54;
	v53 =	vsel vm11, $0x1, v1;
	v54 =	vor.u32 $0x2F, v2;
	v58 =	vsel vm9, $0x1, v1  }
0xcb: {  	s28 =	sor.u32 $0x30, s25;
	[tilespmem:$0x1F850] =	vst v14;
	v18 =	vld.idx.msk [tilespmem:v60+s2+$0x0], $0xffff;
	vm9 =	vgt.f32 v6, v32;
	v60 =	vor.u32 $0x30, v2;
	v14 =	vadd.f32 v48, v12  }
0xcc: {  	[tilespmem:$0x1F940] =	vst v56;
	v32 =	vmov s28;
	v15 =	vld.idx.msk [tilespmem:v49+s2+$0x0], $0xffff;
	v49 =	vsel vm9, $0x1, v1;
	vm13 =	vgt.f32 v6, v38  }
0xcd: {  	[tilespmem:$0x1FB00] =	vst v49;
	v49 =	vor.u32 $0x34, v2;
	v56 =	vsel vm13, $0x1, v1;
	v11 =	vadd.f32 v11, v14  }
0xce: {  	s26 =	sor.u32 $0x20, s25;
	v21 =	vld.idx.msk [tilespmem:v37+s2+$0x0], $0xffff;
	v63 =	vsel vm12, $0x1, v1;
	vm12 =	vgt.f32 v6, v34;
	vm14 =	vgt.f32 v6, v3  }
0xcf: {  	v17 =	vld.idx.msk [tilespmem:v55+s2+$0x0], $0xffff;
	[tilespmem:$0x1FA60] =	vst v40;
	vm4 =	vgt.f32 v6, v0;
	v0 =	vmov s26;
	v19 =	vadd.f32 v13, v11  }
0xd0: {  	v22 =	vld.idx.msk [tilespmem:v45+s2+$0x0], $0xffff;
	[tilespmem:$0x1F970] =	vst v58;
	v55 =	vsel vm12, $0x1, v1;
	v58 =	vsel vm14, $0x1, v1;
	v0 =	vshll.u32 v0, $0x7  }
0xd1: {  	[tilespmem:$0x1F9E0] =	vst v63;
	vm15 =	vgt.f32 v6, v10;
	v0 =	vor.u32 v41, v0;
	v15 =	vadd.f32 v15, v19  }
0xd2: {  	v23 =	vld.idx.msk [tilespmem:v47+s2+$0x0], $0xffff;
	[tilespmem:$0x1FB60] =	vst v55;
	v55 =	vor.u32 $0x37, v2;
	v63 =	vsel vm15, $0x1, v1;
	v46 =	vsel vm7, $0x1, v1  }
0xd3: {  	[tilespmem:$0x1FA20] =	vst v25;
	v20 =	vld.idx.msk [tilespmem:v29+s2+$0x0], $0xffff;
	v30 =	vsel vm4, $0x1, v1;
	v38 =	vor.u32 $0x2, v0;
	v16 =	vadd.f32 v16, v15  }
0xd4: {  	[tilespmem:$0x1FB40] =	vst v53;
	v48 =	vsel vm8, $0x1, v1;
	vm9 =	vgt.f32 v6, v12;
	v13 =	vld.idx.msk [tilespmem:v62+s2+$0x0], $0xffff;
	v62 =	vor.u32 $0x32, v2  }
0xd5: {  	v25 =	vld.idx.msk [tilespmem:v61+s2+$0x0], $0xffff;
	[tilespmem:$0x1FB80] =	vst v56;
	v34 =	vor.u32 $0x1, v0;
	v53 =	vor.u32 $0x4, v0;
	v17 =	vadd.f32 v17, v16  }
0xd6: {  	[tilespmem:$0x1FAE0] =	vst v48;
	v48 =	vor.u32 $0x3, v0;
	v56 =	vor.u32 $0x5, v0;
	vm12 =	vgt.f32 v6, v14;
	v40 =	vld.idx.msk [tilespmem:v0+s2+$0x0], $0xffff  }
0xd7: {  	[tilespmem:$0x1FBC0] =	vst v63;
	v12 =	vld.idx.msk [tilespmem:v44+s2+$0x0], $0xffff;
	v61 =	vor.u32 $0x6, v0;
	v44 =	vsel vm12, $0x1, v1;
	v18 =	vadd.f32 v18, v17  }
0xd8: {  	v63 =	vor.u32 $0x7, v0;
	vm14 =	vgt.f32 v6, v11;
	[tilespmem:$0x1FC20] =	vst v44;
	v44 =	vor.u32 $0xF, v0;
	v47 =	vld.idx.msk [tilespmem:v38+s2+$0x0], $0xffff  }
0xd9: {  	[tilespmem:$0x1F8B0] =	vst v51;
	vm15 =	vgt.f32 v6, v19;
	v38 =	vor.u32 $0x8, v0;
	v37 =	vld.idx.msk [tilespmem:v62+s2+$0x0], $0xffff;
	v51 =	vadd.f32 v13, v18  }
0xda: {  	vm13 =	vgt.f32 v6, v15;
	v62 =	vld.idx.msk [tilespmem:v53+s2+$0x0], $0xffff;
	v53 =	vor.u32 $0x3C, v2;
	vm10 =	vgt.f32 v6, v16  }
0xdb: {  	[tilespmem:$0x1FB20] =	vst v50;
	v50 =	vadd.f32 $0.0e+00, v40;
	v16 =	vld.idx.msk [tilespmem:v49+s2+$0x0], $0xffff;
	v49 =	vor.u32 $0x3B, v2;
	v3 =	vadd.f32 v20, v51  }
0xdc: {  	[tilespmem:$0x1F990] =	vst v59;
	vm8 =	vgt.f32 v6, v17;
	v13 =	vld.idx.msk [tilespmem:v52+s2+$0x0], $0xffff;
	vm7 =	vgt.f32 v6, v18;
	v52 =	vor.u32 $0x35, v2  }
0xdd: {  	[tilespmem:$0x1FA80] =	vst v43;
	v43 =	vld.idx.msk [tilespmem:v34+s2+$0x0], $0xffff;
	v59 =	vadd.f32 v21, v3;
	vm5 =	vgt.f32 v6, v3;
	v3 =	vimm.s32 $0x0  }
0xde: {  	vm6 =	vgt.f32 v6, v51;
	v21 =	vld.idx.msk [tilespmem:v48+s2+$0x0], $0xffff;
	v48 =	vsel vm14, $0x1, v1;
	v3 =	vsel vm5, $0xFFFFFFFF, v3  }
0xdf: {  	v22 =	vadd.f32 v22, v59;
	[tilespmem:$0x1F6C0] =	vst v3;
	vm11 =	vgt.f32 v6, v59;
	v3 =	vimm.s32 $0x0  }
0xe0: {  	s30 =	sor.u32 s22, s26;
	v20 =	vld.idx.msk [tilespmem:v54+s2+$0x0], $0xffff;
	v54 =	vor.u32 $0x36, v2;
	[tilespmem:$0x1FC40] =	vst v48;
	v48 =	vsel vm6, $0x1, v1;
	v3 =	vsel vm11, $0xFFFFFFFF, v3  }
0xe1: {  	v19 =	vld [tilespmem:s30+$0x8000];
	v31 =	vadd.f32 v23, v22;
	v23 =	vshll.u32 v32, $0x7;
	vm4 =	vgt.f32 v6, v22  }
0xe2: {  	v33 =	vld.idx.msk [tilespmem:v60+s2+$0x0], $0xffff;
	[tilespmem:$0x1F6D0] =	vst v3;
	v3 =	vimm.s32 $0x0;
	v22 =	vadd.f32 v43, v50;
	v43 =	vor.u32 $0x9, v0  }
0xe3: {  	[tilespmem:$0x1FA40] =	vst v36;
	v32 =	vld.idx.msk [tilespmem:v52+s2+$0x0], $0xffff;
	v52 =	vsel vm15, $0x1, v1;
	v3 =	vsel vm4, $0xFFFFFFFF, v3;
	v36 =	vadd.f32 v13, v31  }
0xe4: {  	v13 =	vor.u32 v41, v23;
	[tilespmem:$0x1F6E0] =	vst v3;
	vm5 =	vgt.f32 v6, v31;
	v3 =	vimm.s32 $0x0;
	v23 =	vld.idx.msk [tilespmem:v63+s2+$0x0], $0xffff  }
0xe5: {  	v18 =	vadd.f32 v47, v22;
	v47 =	vor.u32 $0xA, v0;
	v63 =	vld.idx.msk [tilespmem:v53+s2+$0x0], $0xffff;
	v53 =	vor.u32 $0x11, v0  }
0xe6: {  	v41 =	vor.u32 $0x1, v13;
	v3 =	vsel vm5, $0xFFFFFFFF, v3;
	vm5 =	vgt.f32 v19, v40  }
0xe7: {  	[tilespmem:$0x1FC60] =	vst v52;
	v40 =	vsel vm9, $0x1, v1;
	v39 =	vadd.f32 v20, v36;
	vm11 =	vgt.f32 v6, v36  }
0xe8: {  	v52 =	vld [tilespmem:$0x1F6C0];
	[tilespmem:$0x1F6F0] =	vst v3;
	v3 =	vimm.s32 $0x0;
	v59 =	vsel vm5, $0x1, v1;
	v60 =	vsel vm5, $0x2, v42  }
0xe9: {  	v20 =	vld.idx.msk [tilespmem:v56+s2+$0x0], $0xffff;
	v21 =	vadd.f32 v21, v18;
	[tilespmem:$0x1FC00] =	vst v40;
	v56 =	vsel vm13, $0x1, v1;
	v3 =	vsel vm11, $0xFFFFFFFF, v3  }
0xea: {  	v14 =	vadd.f32 v33, v39;
	[tilespmem:$0x1F700] =	vst v3;
	vm4 =	vgt.f32 v6, v39;
	v3 =	vimm.s32 $0x0;
	v39 =	vld.idx.msk [tilespmem:v61+s2+$0x0], $0xffff  }
0xeb: {  	s31 =	sor.u32 s22, s28;
	v36 =	vor.u32 $0x38, v2;
	v40 =	vor.u32 $0xE, v0;
	[tilespmem:$0x1FC80] =	vst v56;
	v45 =	vld.idx.msk [tilespmem:v13+s2+$0x0], $0xffff;
	v3 =	vsel vm4, $0xFFFFFFFF, v3  }
0xec: {  	vm11 =	vgt.f32 v19, v22;
	v56 =	vimm.s32 $0x0;
	v22 =	vadd.f32 v62, v21;
	[tilespmem:$0x1F710] =	vst v3;
	v3 =	vld [tilespmem:s31+$0x8000]  }
0xed: {  	v28 =	vsel vm11, v60, v59;
	v60 =	vor.u32 $0xD, v0;
	v61 =	vsel vm10, $0x1, v1  }
0xee: {  	[tilespmem:$0x1FAC0] =	vst v46;
	v46 =	vadd.f32 v25, v14;
	v51 =	vld.idx.msk [tilespmem:v41+s2+$0x0], $0xffff;
	v41 =	vor.u32 $0x39, v2;
	v20 =	vadd.f32 v20, v22  }
0xef: {  	v62 =	vor.u32 $0x3E, v2;
	vm9 =	vnez.u8 v52;
	vm11 =	vgt.f32 v6, v14  }
0xf0: {  	v27 =	vld.idx.msk [tilespmem:v43+s2+$0x0], $0xffff;
	v15 =	vadd.f32 v37, v46;
	vm0 =	vgt.f32 v6, v46;
	v26 =	vadd.f32 v39, v20  }
0xf1: {  	[tilespmem:$0x1FBA0] =	vst v58;
	v25 =	vld.idx.msk [tilespmem:v38+s2+$0x0], $0xffff;
	v58 =	vadd.f32 $0.0e+00, v45;
	vm4 =	vgt.f32 v3, v45;
	v45 =	vor.u32 $0x3A, v2  }
0xf2: {  	v37 =	vld.idx.msk [tilespmem:v54+s2+$0x0], $0xffff;
	v39 =	vor.u32 $0x14, v0;
	v12 =	vadd.f32 v12, v15;
	vm1 =	vgt.f32 v6, v15  }
0xf3: {  	v50 =	vld.idx.msk [tilespmem:v41+s2+$0x0], $0xffff;
	v29 =	vadd.f32 v23, v26;
	v41 =	vsel vm8, $0x1, v1;
	v10 =	vadd.f32 v51, v58  }
0xf4: {  	v34 =	vsel vm4, $0x2, v42;
	v16 =	vadd.f32 v16, v12;
	v42 =	vld.idx.msk [tilespmem:v55+s2+$0x0], $0xffff;
	v55 =	vor.u32 $0xC, v0  }
0xf5: {  	[tilespmem:$0x1FD00] =	vst v48;
	v46 =	vld.idx.msk [tilespmem:v36+s2+$0x0], $0xffff;
	v48 =	vsel vm1, $0x1, v1;
	v33 =	vsel vm4, $0x1, v1;
	vm5 =	vgt.f32 v3, v10  }
0xf6: {  	[tilespmem:$0x1FA00] =	vst v24;
	v58 =	vor.u32 $0x3D, v2;
	v17 =	vadd.f32 v32, v16;
	v24 =	vsel vm5, v34, v33;
	v54 =	vld.idx.msk [tilespmem:v45+s2+$0x0], $0xffff  }
0xf7: {  	vm2 =	vgt.f32 v6, v12;
	v51 =	vor.u32 $0xB, v0;
	v25 =	vadd.f32 v25, v29;
	[tilespmem:$0x1F9B0] =	vst v24;
	v24 =	vld.idx.msk [tilespmem:v47+s2+$0x0], $0xffff  }
0xf8: {  	vm1 =	vgt.f32 v19, v21;
	v52 =	vsel vm2, $0x1, v1;
	v14 =	vadd.f32 v37, v17;
	v37 =	vld [tilespmem:$0x1F700]  }
0xf9: {  	vm2 =	vgt.f32 v19, v22;
	vm3 =	vgt.f32 v6, v16;
	v27 =	vadd.f32 v27, v25;
	v23 =	vld.idx.msk [tilespmem:v55+s2+$0x0], $0xffff  }
0xfa: {  	vm4 =	vgt.f32 v6, v17;
	v45 =	vsel vm7, $0x1, v1;
	v55 =	vld [tilespmem:$0x1F6D0];
	v11 =	vadd.f32 v42, v14  }
0xfb: {  	v47 =	vor.u32 $0x10, v0;
	v43 =	vld.idx.msk [tilespmem:v58+s2+$0x0], $0xffff;
	[tilespmem:$0x1FCE0] =	vst v45;
	v58 =	vor.u32 $0x12, v0;
	v45 =	vor.u32 $0x16, v0  }
0xfc: {  	[tilespmem:$0x1F880] =	vst v28;
	v28 =	vld.idx.msk [tilespmem:v51+s2+$0x0], $0xffff;
	vm5 =	vgt.f32 v6, v14;
	v42 =	vor.u32 $0x3F, v2;
	v15 =	vadd.f32 v46, v11  }
0xfd: {  	v59 =	vld.idx.msk [tilespmem:v49+s2+$0x0], $0xffff;
	v2 =	vor.u32 $0x40, v2;
	vm15 =	vgt.f32 v6, v11;
	v32 =	vadd.f32 v24, v27  }
0xfe: {  	vm6 =	vnez.u8 v37;
	v37 =	vor.u32 $0x1E, v0;
	v12 =	vadd.f32 v50, v15;
	v50 =	vld.idx.msk [tilespmem:v40+s2+$0x0], $0xffff  }
0xff: {  	[tilespmem:$0x1FBE0] =	vst v30;
	vm13 =	vgt.f32 v6, v15;
	vm10 =	vnez.u8 v55;
	v40 =	vld [tilespmem:$0x1F710];
	v55 =	vor.u32 $0x18, v0  }
0x100: {  	[tilespmem:$0x1FCC0] =	vst v41;
	v41 =	vld.idx.msk [tilespmem:v58+s2+$0x0], $0xffff;
	v58 =	vsel vm5, $0x1, v1;
	vm5 =	vgt.f32 v19, v25;
	v25 =	vor.u32 $0x1B, v0  }
0x101: {  	[tilespmem:$0x1FCA0] =	vst v61;
	v28 =	vadd.f32 v28, v32;
	v51 =	vld.idx.msk [tilespmem:v42+s2+$0x0], $0xffff;
	v24 =	vsel vm10, $0x1, v1;
	v42 =	vsel vm11, $0x1, v1  }
0x102: {  	v46 =	vld.idx.msk [tilespmem:v62+s2+$0x0], $0xffff;
	[tilespmem:$0x1FF10] =	vst v58;
	v58 =	vor.u32 $0x22, v0;
	v16 =	vadd.f32 v54, v12;
	vm14 =	vgt.f32 v6, v12  }
0x103: {  	v62 =	vld [tilespmem:$0x1F6F0];
	[tilespmem:$0x1FE50] =	vst v42;
	v42 =	vor.u32 $0x1F, v0;
	v34 =	vadd.f32 v23, v28;
	v23 =	vsel vm9, $0x1, v1  }
0x104: {  	v17 =	vadd.f32 v59, v16;
	[tilespmem:$0x1FD20] =	vst v23;
	vm12 =	vgt.f32 v6, v16;
	v23 =	vsel vm6, $0x1, v1  }
0x105: {  	v30 =	vld.idx.msk [tilespmem:v60+s2+$0x0], $0xffff;
	[tilespmem:$0x1FD40] =	vst v24;
	vm6 =	vnez.u8 v40;
	v24 =	vsel vm12, $0x1, v1;
	v40 =	vsel vm1, $0x1, v1  }
0x106: {  	[tilespmem:$0x1FE10] =	vst v23;
	v49 =	vadd.f32 v63, v17;
	vm9 =	vgt.f32 v6, v17;
	v63 =	vor.u32 $0x13, v0  }
0x107: {  	v59 =	vld [tilespmem:$0x1F6E0];
	v23 =	vsel vm6, $0x1, v1;
	vm6 =	vgt.f32 v19, v29;
	[tilespmem:$0x1FF80] =	vst v24;
	v24 =	vor.u32 $0x5, v13  }
0x108: {  	v17 =	vsel vm9, $0xFFFFFFFF, v56;
	vm9 =	vnez.u8 v62;
	[tilespmem:$0x1FE30] =	vst v23;
	v23 =	vadd.s32 v5, v4  }
0x109: {  	[tilespmem:$0x1FEB0] =	vst v52;
	v54 =	vld.idx.msk [tilespmem:v44+s2+$0x0], $0xffff;
	v56 =	vsel vm4, $0x1, v1;
	vm4 =	vgt.f32 v19, v26;
	v11 =	vadd.f32 v43, v49  }
0x10a: {  	v2 =	vld.idx.msk [tilespmem:v2+s2+$0x0], $0xffff;
	v62 =	vor.u32 $0x1A, v0;
	v52 =	vsel vm6, $0x1, v1;
	[tilespmem:$0x1F720] =	vst v17;
	v17 =	vadd.f32 v30, v34  }
0x10b: {  	[tilespmem:$0x1FE90] =	vst v48;
	v61 =	vld.idx.msk [tilespmem:v47+s2+$0x0], $0xffff;
	v43 =	vor.u32 $0x15, v0;
	v48 =	vsel vm4, $0x1, v1;
	v60 =	vadd.f32 v46, v11  }
0x10c: {  	[tilespmem:$0x1FEF0] =	vst v56;
	v56 =	vor.u32 $0x3, v13;
	vm10 =	vnez.u8 v59;
	v14 =	vadd.f32 v50, v17  }
0x10d: {  	v36 =	vld.idx.msk [tilespmem:v53+s2+$0x0], $0xffff;
	v59 =	vor.u32 $0x19, v0;
	[tilespmem:$0x1F950] =	vst v48;
	v48 =	vor.u32 $0x28, v0;
	v33 =	vadd.f32 v51, v60  }
0x10e: {  	v30 =	vsel vm10, $0x1, v1;
	vm10 =	vgt.f32 v6, v49;
	v38 =	vadd.f32 v54, v14  }
0x10f: {  	v46 =	vsel vm0, $0x1, v1;
	vm0 =	vgt.f32 v19, v18;
	v2 =	vadd.f32 v2, v33  }
0x110: {  	[tilespmem:$0x1FD60] =	vst v30;
	v30 =	vsel vm9, $0x1, v1;
	vm9 =	vgt.f32 v6, v11;
	v15 =	vadd.f32 v61, v38  }
0x111: {  	v44 =	vld.idx.msk [tilespmem:v63+s2+$0x0], $0xffff;
	v63 =	vsel vm14, $0x1, v1;
	vm11 =	vgt.f32 v6, v2;
	v2 =	vadd.s32 v9, v7  }
0x112: {  	v47 =	vld.idx.msk [tilespmem:v39+s2+$0x0], $0xffff;
	vm14 =	vgt.f32 v19, v28;
	v50 =	vadd.s32 v8, v2;
	v2 =	vadd.f32 v36, v15  }
0x113: {  	v11 =	vld.idx.msk [tilespmem:v55+s2+$0x0], $0xffff;
	v28 =	vor.u32 $0x1C, v0;
	v55 =	vsel vm5, $0x1, v1;
	vm8 =	vgt.f32 v6, v60  }
0x114: {  	v5 =	vld.idx.msk [tilespmem:v45+s2+$0x0], $0xffff;
	v51 =	vor.u32 $0x17, v0;
	v54 =	vsel vm3, $0x1, v1;
	v49 =	vadd.f32 v41, v2  }
0x115: {  	vm3 =	vgt.f32 v19, v20;
	v60 =	vsel vm15, $0x1, v1;
	vm15 =	vgt.f32 v19, v32;
	v53 =	vld.idx.msk [tilespmem:v43+s2+$0x0], $0xffff  }
0x116: {  	v26 =	vld [tilespmem:$0x1F720];
	v29 =	vsel vm9, $0x1, v1;
	vm9 =	vgt.f32 v19, v14;
	v4 =	vadd.f32 v44, v49  }
0x117: {  	[tilespmem:$0x1FD80] =	vst v30;
	v30 =	vld.idx.msk [tilespmem:v62+s2+$0x0], $0xffff;
	v32 =	vor.u32 $0x1D, v0;
	v62 =	vor.u32 $0x23, v0;
	v22 =	vsel vm14, $0x1, v1  }
0x118: {  	v14 =	vor.u32 $0x35, v0;
	[tilespmem:$0x1FED0] =	vst v54;
	vm7 =	vgt.f32 v6, v33;
	v6 =	vadd.f32 v47, v4  }
0x119: {  	[tilespmem:$0x1FF30] =	vst v60;
	v31 =	vsel vm8, $0x1, v1;
	v43 =	vsel vm2, $0x1, v1;
	v45 =	vsel vm3, $0x1, v1;
	v8 =	vld.idx.msk [tilespmem:v51+s2+$0x0], $0xffff  }
0x11a: {  	[tilespmem:$0x1FFB0] =	vst v29;
	v54 =	vld.idx.msk [tilespmem:v42+s2+$0x0], $0xffff;
	v60 =	vor.u32 $0x4, v13;
	v29 =	vor.u32 $0x6, v13;
	v9 =	vadd.f32 v53, v6  }
0x11b: {  	v61 =	vsel vm13, $0x1, v1;
	vm13 =	vgt.f32 v19, v27;
	vm12 =	vnez.u8 v26;
	v16 =	vld.idx.msk [tilespmem:v59+s2+$0x0], $0xffff  }
0x11c: {  	[tilespmem:$0x1F8C0] =	vst v40;
	v21 =	vsel vm12, $0x1, v1;
	vm12 =	vgt.f32 v19, v34;
	v34 =	vld.idx.msk [tilespmem:v25+s2+$0x0], $0xffff;
	v5 =	vadd.f32 v5, v9  }
0x11d: {  	v27 =	vsel vm10, $0x1, v1;
	vm10 =	vgt.f32 v19, v17;
	[tilespmem:$0x1FFC0] =	vst v31;
	v26 =	vor.u32 $0x24, v0;
	v25 =	vld.idx.msk [tilespmem:v56+s2+$0x0], $0xffff  }
0x11e: {  	vm8 =	vgt.f32 v19, v38;
	[tilespmem:$0x1F8F0] =	vst v43;
	v39 =	vld.idx.msk [tilespmem:v28+s2+$0x0], $0xffff;
	v51 =	vor.u32 $0x2, v13;
	v8 =	vadd.f32 v8, v5  }
0x11f: {  	v38 =	vsel vm0, $0x1, v1;
	v31 =	vor.u32 $0x25, v0;
	v43 =	vor.u32 $0x27, v0;
	[tilespmem:$0x1FF50] =	vst v61;
	v28 =	vld.idx.msk [tilespmem:v58+s2+$0x0], $0xffff  }
0x120: {  	v33 =	vsel vm7, $0x1, v1;
	[tilespmem:$0x1F890] =	vst v38;
	v36 =	vsel vm11, $0x1, v1;
	v12 =	vld.idx.msk [tilespmem:v60+s2+$0x0], $0xffff;
	v11 =	vadd.f32 v11, v8  }
0x121: {  	v59 =	vsel vm13, $0x1, v1;
	v61 =	vsel vm15, $0x1, v1;
	v38 =	vor.u32 $0x26, v0;
	[tilespmem:$0x1FFE0] =	vst v36;
	v36 =	vld.idx.msk [tilespmem:v24+s2+$0x0], $0xffff  }
0x122: {  	[tilespmem:$0x1F920] =	vst v45;
	v42 =	vsel vm8, $0x1, v1;
	vm11 =	vgt.f32 v19, v2;
	v40 =	vld.idx.msk [tilespmem:v26+s2+$0x0], $0xffff;
	v2 =	vadd.f32 v16, v11  }
0x123: {  	[tilespmem:$0x1FFA0] =	vst v27;
	vm7 =	vgt.f32 v19, v15;
	v27 =	vsel vm12, $0x1, v1;
	v58 =	vor.u32 $0x29, v0;
	v15 =	vld.idx.msk [tilespmem:v51+s2+$0x0], $0xffff  }
0x124: {  	[tilespmem:$0x1F9D0] =	vst v59;
	v59 =	vimm.s32 $0x0;
	v45 =	vld.idx.msk [tilespmem:v31+s2+$0x0], $0xffff;
	v53 =	vor.u32 $0x21, v0;
	v41 =	vadd.f32 v30, v2  }
0x125: {  	[tilespmem:$0x1F9F0] =	vst v61;
	v61 =	vor.u32 $0xB, v13;
	v24 =	vimm.s32 $0x0;
	v26 =	vor.u32 $0xC, v13;
	v44 =	vld.idx.msk [tilespmem:v32+s2+$0x0], $0xffff  }
0x126: {  	[tilespmem:$0x1FE70] =	vst v46;
	v60 =	vld.idx.msk [tilespmem:v43+s2+$0x0], $0xffff;
	v31 =	vor.u32 $0xD, v13;
	v47 =	vor.u32 $0x20, v0;
	v46 =	vadd.f32 v34, v41  }
0x127: {  	v43 =	vor.u32 $0x2E, v0;
	v56 =	vsel vm11, $0x1, v1;
	vm0 =	vgt.f32 v19, v49;
	v49 =	vld.idx.msk [tilespmem:v37+s2+$0x0], $0xffff  }
0x128: {  	[tilespmem:$0x1FFD0] =	vst v33;
	v33 =	vld.idx.msk [tilespmem:v62+s2+$0x0], $0xffff;
	v32 =	vimm.s32 $0x0;
	v20 =	vadd.f32 v15, v10;
	v7 =	vadd.f32 v39, v46  }
0x129: {  	[tilespmem:$0x1FF70] =	vst v63;
	v37 =	vsel vm9, $0x1, v1;
	v62 =	vsel vm0, $0x1, v1;
	vm2 =	vgt.f32 v19, v6;
	v63 =	vld.idx.msk [tilespmem:v53+s2+$0x0], $0xffff  }
0x12a: {  	v53 =	vadd.f32 v25, v20;
	vm5 =	vgt.f32 v19, v11;
	v11 =	vld.idx.msk [tilespmem:v29+s2+$0x0], $0xffff;
	v6 =	vadd.f32 v44, v7  }
0x12b: {  	[tilespmem:$0x1FA70] =	vst v37;
	v37 =	vor.u32 $0xE, v13;
	vm4 =	vgt.f32 v19, v5;
	vm13 =	vgt.f32 v19, v2;
	v2 =	vld.idx.msk [tilespmem:v47+s2+$0x0], $0xffff  }
0x12c: {  	[tilespmem:$0x1F9A0] =	vst v55;
	v55 =	vadd.f32 v12, v53;
	v34 =	vor.u32 $0x7, v13;
	v5 =	vadd.f32 v49, v6  }
0x12d: {  	vm6 =	vgt.f32 v19, v8;
	vm15 =	vgt.f32 v19, v41;
	v41 =	vor.u32 $0x8, v13  }
0x12e: {  	[tilespmem:$0x1F980] =	vst v52;
	v25 =	vld.idx.msk [tilespmem:v48+s2+$0x0], $0xffff;
	v29 =	vadd.f32 v36, v55;
	v30 =	vsel vm10, $0x1, v1;
	v8 =	vadd.f32 v54, v5  }
0x12f: {  	v51 =	vor.u32 $0x11, v13;
	[tilespmem:$0x1FA50] =	vst v30;
	v30 =	vld.idx.msk [tilespmem:v58+s2+$0x0], $0xffff;
	vm14 =	vgt.f32 v19, v46;
	v46 =	vor.u32 $0x9, v13  }
0x130: {  	vm1 =	vgt.f32 v19, v4;
	v52 =	vadd.f32 v11, v29;
	v11 =	vld.idx.msk [tilespmem:v61+s2+$0x0], $0xffff;
	v2 =	vadd.f32 v2, v8  }
0x131: {  	[tilespmem:$0x1FF90] =	vst v21;
	vm3 =	vgt.f32 v19, v9;
	v39 =	vimm.s32 $0x0;
	vm12 =	vgt.f32 v19, v7;
	v10 =	vld.idx.msk [tilespmem:v34+s2+$0x0], $0xffff  }
0x132: {  	[tilespmem:$0x1FA90] =	vst v42;
	v9 =	vld.idx.msk [tilespmem:v41+s2+$0x0], $0xffff;
	v41 =	vor.u32 $0xF, v13;
	vm10 =	vgt.f32 v19, v6;
	v4 =	vadd.f32 v63, v2  }
0x133: {  	[tilespmem:$0x1FA30] =	vst v27;
	v61 =	vld.idx.msk [tilespmem:v43+s2+$0x0], $0xffff;
	v49 =	vor.u32 $0xA, v13;
	v6 =	vsel vm10, $0xFFFFFFFF, v32;
	vm9 =	vgt.f32 v19, v5  }
0x134: {  	[tilespmem:$0x1FAF0] =	vst v62;
	v12 =	vld.idx.msk [tilespmem:v46+s2+$0x0], $0xffff;
	v32 =	vsel vm2, $0x1, v1;
	v5 =	vsel vm9, $0xFFFFFFFF, v39;
	v7 =	vadd.f32 v28, v4  }
0x135: {  	[tilespmem:$0x1FB30] =	vst v32;
	v32 =	vld.idx.msk [tilespmem:v14+s2+$0x0], $0xffff;
	v39 =	vor.u32 $0x2D, v0;
	vm10 =	vgt.f32 v19, v2;
	v2 =	vimm.s32 $0x0  }
0x136: {  	[tilespmem:$0x1F730] =	vst v6;
	v21 =	vadd.f32 v10, v52;
	v10 =	vld.idx.msk [tilespmem:v26+s2+$0x0], $0xffff;
	v2 =	vsel vm10, $0xFFFFFFFF, v2;
	v6 =	vadd.f32 v33, v7  }
0x137: {  	v62 =	vor.u32 $0x12, v13;
	v27 =	vsel vm1, $0x1, v1;
	v44 =	vimm.s32 $0x0;
	[tilespmem:$0x1F760] =	vst v2;
	v2 =	vld.idx.msk [tilespmem:v38+s2+$0x0], $0xffff  }
0x138: {  	[tilespmem:$0x1F740] =	vst v5;
	vm8 =	vgt.f32 v19, v8;
	v18 =	vld.idx.msk [tilespmem:v41+s2+$0x0], $0xffff;
	v63 =	vor.u32 $0x2A, v0;
	v5 =	vadd.f32 v40, v6  }
0x139: {  	[tilespmem:$0x1FAD0] =	vst v56;
	v42 =	vsel vm4, $0x1, v1;
	v8 =	vsel vm8, $0xFFFFFFFF, v44;
	v15 =	vld.idx.msk [tilespmem:v49+s2+$0x0], $0xffff;
	v44 =	vor.u32 $0x10, v13  }
0x13a: {  	v47 =	vsel vm7, $0x1, v1;
	[tilespmem:$0x1F750] =	vst v8;
	v54 =	vadd.f32 v9, v21;
	v9 =	vld.idx.msk [tilespmem:v31+s2+$0x0], $0xffff;
	v8 =	vadd.f32 v45, v5  }
0x13b: {  	v48 =	vimm.s32 $0x0;
	[tilespmem:$0x1FAB0] =	vst v47;
	v47 =	vor.u32 $0x2F, v0;
	v28 =	vor.u32 $0x2B, v0;
	v49 =	vld.idx.msk [tilespmem:v39+s2+$0x0], $0xffff  }
0x13c: {  	vm11 =	vgt.f32 v19, v4;
	v17 =	vadd.f32 v12, v54;
	v39 =	vld.idx.msk [tilespmem:v51+s2+$0x0], $0xffff;
	v2 =	vadd.f32 v2, v8  }
0x13d: {  	[tilespmem:$0x1FB10] =	vst v27;
	v38 =	vsel vm3, $0x1, v1;
	v4 =	vsel vm11, $0xFFFFFFFF, v59;
	vm7 =	vgt.f32 v19, v7;
	v36 =	vld.idx.msk [tilespmem:v63+s2+$0x0], $0xffff  }
0x13e: {  	[tilespmem:$0x1F770] =	vst v4;
	v33 =	vor.u32 $0x2C, v0;
	v27 =	vadd.f32 v15, v17;
	v63 =	vld.idx.msk [tilespmem:v44+s2+$0x0], $0xffff;
	v4 =	vadd.f32 v60, v2  }
0x13f: {  	v43 =	vor.u32 $0x14, v13;
	[tilespmem:$0x1FB50] =	vst v38;
	v59 =	vor.u32 $0x30, v0;
	v7 =	vsel vm7, $0xFFFFFFFF, v24;
	v44 =	vld.idx.msk [tilespmem:v62+s2+$0x0], $0xffff  }
0x140: {  	v38 =	vor.u32 $0x13, v13;
	[tilespmem:$0x1F780] =	vst v7;
	v56 =	vadd.f32 v11, v27;
	v40 =	vld.idx.msk [tilespmem:v28+s2+$0x0], $0xffff;
	v7 =	vadd.f32 v25, v4  }
0x141: {  	[tilespmem:$0x1FA10] =	vst v22;
	v34 =	vimm.s32 $0x0;
	v62 =	vor.u32 $0x16, v13;
	vm7 =	vgt.f32 v19, v6;
	v45 =	vld.idx.msk [tilespmem:v37+s2+$0x0], $0xffff  }
0x142: {  	vm8 =	vgt.f32 v19, v5;
	v22 =	vadd.f32 v10, v56;
	v37 =	vld.idx.msk [tilespmem:v47+s2+$0x0], $0xffff;
	v6 =	vadd.f32 v30, v7  }
0x143: {  	[tilespmem:$0x1FB70] =	vst v42;
	v46 =	vsel vm6, $0x1, v1;
	v5 =	vsel vm8, $0xFFFFFFFF, v34;
	vm10 =	vgt.f32 v19, v2;
	v2 =	vld.idx.msk [tilespmem:v33+s2+$0x0], $0xffff  }
0x144: {  	v42 =	vld.idx.msk [tilespmem:v59+s2+$0x0], $0xffff;
	v47 =	vor.u32 $0x15, v13;
	[tilespmem:$0x1F790] =	vst v5;
	v12 =	vadd.f32 v9, v22;
	v5 =	vadd.f32 v36, v6  }
0x145: {  	v58 =	vsel vm5, $0x1, v1;
	[tilespmem:$0x1FB90] =	vst v46;
	v46 =	vor.u32 $0x33, v0;
	v59 =	vld.idx.msk [tilespmem:v38+s2+$0x0], $0xffff;
	vm2 =	vgt.f32 v19, v8  }
0x146: {  	v28 =	vld.idx.msk [tilespmem:v62+s2+$0x0], $0xffff;
	v15 =	vadd.f32 v45, v12;
	vm9 =	vgt.f32 v19, v4;
	v8 =	vadd.f32 v40, v5  }
0x147: {  	v41 =	vor.u32 $0x32, v0;
	v62 =	vld [tilespmem:$0x1F770];
	v4 =	vsel vm9, $0xFFFFFFFF, v48;
	v36 =	vor.u32 $0x31, v0  }
0x148: {  	v10 =	vadd.f32 v18, v15;
	v18 =	vld.idx.msk [tilespmem:v43+s2+$0x0], $0xffff;
	v43 =	vor.u32 $0x36, v0;
	v2 =	vadd.f32 v2, v8  }
0x149: {  	v11 =	vor.u32 $0x1B, v13;
	v34 =	vsel vm13, $0x1, v1;
	v26 =	vld.idx.msk [tilespmem:v47+s2+$0x0], $0xffff;
	[tilespmem:$0x1F7A0] =	vst v4;
	v40 =	vsel vm15, $0x1, v1  }
0x14a: {  	v60 =	vimm.s32 $0x0;
	v45 =	vsel vm14, $0x1, v1;
	[tilespmem:$0x1FBF0] =	vst v40;
	v40 =	vld.idx.msk [tilespmem:v46+s2+$0x0], $0xffff;
	v4 =	vadd.f32 v49, v2  }
0x14b: {  	v47 =	vor.u32 $0x37, v0;
	vm11 =	vgt.f32 v19, v7;
	v46 =	vld [tilespmem:$0x1F750];
	v49 =	vadd.f32 v63, v10  }
0x14c: {  	[tilespmem:$0x1FBB0] =	vst v58;
	v7 =	vsel vm11, $0xFFFFFFFF, v60;
	v60 =	vsel vm12, $0x1, v1;
	v31 =	vld.idx.msk [tilespmem:v36+s2+$0x0], $0xffff;
	v30 =	vadd.f32 v61, v4  }
0x14d: {  	[tilespmem:$0x1FC30] =	vst v60;
	v60 =	vor.u32 $0x38, v0;
	vm6 =	vgt.f32 v19, v8;
	v36 =	vld.idx.msk [tilespmem:v43+s2+$0x0], $0xffff;
	v8 =	vadd.f32 v39, v49  }
0x14e: {  	[tilespmem:$0x1FC10] =	vst v45;
	v45 =	vor.u32 $0x18, v13;
	v48 =	vor.u32 $0x19, v13;
	v63 =	vld [tilespmem:$0x1F730];
	v58 =	vadd.f32 v37, v30  }
0x14f: {  	vm9 =	vgt.f32 v19, v2;
	v2 =	vld.idx.msk [tilespmem:v41+s2+$0x0], $0xffff;
	v61 =	vor.u32 $0x34, v0;
	v51 =	vadd.f32 v44, v8  }
0x150: {  	vm8 =	vgt.f32 v19, v6;
	vm15 =	vgt.f32 v19, v5;
	v5 =	vadd.f32 v42, v58;
	v42 =	vld [tilespmem:$0x1F740]  }
0x151: {  	v43 =	vor.u32 $0x3C, v0;
	v41 =	vor.u32 $0x17, v13;
	v6 =	vadd.f32 v59, v51;
	v59 =	vld [tilespmem:$0x1F760]  }
0x152: {  	vm5 =	vgt.f32 v19, v4;
	vm14 =	vnez.u8 v46;
	v39 =	vld.idx.msk [tilespmem:v60+s2+$0x0], $0xffff;
	v31 =	vadd.f32 v31, v5  }
0x153: {  	v46 =	vor.u32 $0x1C, v13;
	v60 =	vor.u32 $0x3B, v0;
	v37 =	vld.idx.msk [tilespmem:v45+s2+$0x0], $0xffff;
	vm12 =	vnez.u8 v63  }
0x154: {  	v45 =	vor.u32 $0x3A, v0;
	v9 =	vsel vm12, $0x1, v1;
	v44 =	vld.idx.msk [tilespmem:v61+s2+$0x0], $0xffff;
	v2 =	vadd.f32 v2, v31  }
0x155: {  	v25 =	vld [tilespmem:$0x1F7A0];
	vm12 =	vgt.f32 v19, v58;
	v61 =	vor.u32 $0x1A, v13;
	v16 =	vadd.f32 v18, v6  }
0x156: {  	v33 =	vld.idx.msk [tilespmem:v41+s2+$0x0], $0xffff;
	vm13 =	vnez.u8 v42;
	vm4 =	vnez.u8 v59;
	v58 =	vadd.f32 v40, v2  }
0x157: {  	[tilespmem:$0x1FC50] =	vst v9;
	v9 =	vld.idx.msk [tilespmem:v47+s2+$0x0], $0xffff;
	v4 =	vsel vm4, $0x1, v1;
	vm4 =	vgt.f32 v19, v5;
	v5 =	vadd.f32 v26, v16  }
0x158: {  	[tilespmem:$0x1F7B0] =	vst v7;
	vm11 =	vgt.f32 v19, v30;
	v63 =	vor.u32 $0x39, v0;
	v47 =	vld [tilespmem:$0x1F790];
	v7 =	vsel vm13, $0x1, v1  }
0x159: {  	v18 =	vld.idx.msk [tilespmem:v48+s2+$0x0], $0xffff;
	vm13 =	vnez.u8 v62;
	v30 =	vadd.f32 v44, v58;
	v14 =	vadd.f32 v28, v5  }
0x15a: {  	v41 =	vld.idx.msk [tilespmem:v45+s2+$0x0], $0xffff;
	v45 =	vor.u32 $0x3E, v0;
	vm0 =	vgt.f32 v19, v31;
	[tilespmem:$0x1FCB0] =	vst v4;
	v4 =	vsel vm13, $0x1, v1  }
0x15b: {  	vm13 =	vgt.f32 v19, v2;
	v44 =	vld [tilespmem:$0x1F780];
	v32 =	vadd.f32 v32, v30;
	v2 =	vadd.f32 v33, v14  }
0x15c: {  	v31 =	vor.u32 $0x21, v13;
	v59 =	vsel vm7, $0x1, v1;
	v26 =	vld.idx.msk [tilespmem:v61+s2+$0x0], $0xffff;
	v62 =	vor.u32 $0x1D, v13  }
0x15d: {  	v61 =	vld.idx.msk [tilespmem:v63+s2+$0x0], $0xffff;
	vm7 =	vnez.u8 v47;
	v36 =	vadd.f32 v36, v32;
	v48 =	vadd.f32 v37, v2  }
0x15e: {  	v63 =	vld.idx.msk [tilespmem:v11+s2+$0x0], $0xffff;
	v47 =	vor.u32 $0x40, v0;
	[tilespmem:$0x1FC70] =	vst v7;
	v7 =	vsel vm14, $0x1, v1;
	vm1 =	vgt.f32 v19, v58  }
0x15f: {  	v58 =	vor.u32 $0x1E, v13;
	v33 =	vld.idx.msk [tilespmem:v46+s2+$0x0], $0xffff;
	v40 =	vadd.f32 v9, v36;
	v9 =	vadd.f32 v18, v48  }
0x160: {  	v46 =	vor.u32 $0x3F, v0;
	vm14 =	vnez.u8 v44;
	v44 =	vor.u32 $0x3D, v0;
	v0 =	vld [tilespmem:$0x1F7B0]  }
0x161: {  	v42 =	vld.idx.msk [tilespmem:v60+s2+$0x0], $0xffff;
	v60 =	vor.u32 $0x1F, v13;
	[tilespmem:$0x1FD10] =	vst v59;
	v59 =	vsel vm2, $0x1, v1;
	v18 =	vadd.f32 v26, v9  }
0x162: {  	[tilespmem:$0x1FCD0] =	vst v4;
	vm2 =	vgt.f32 v19, v32;
	v37 =	vld.idx.msk [tilespmem:v62+s2+$0x0], $0xffff;
	v4 =	vsel vm14, $0x1, v1;
	v39 =	vadd.f32 v39, v40  }
0x163: {  	[tilespmem:$0x1FCF0] =	vst v4;
	v4 =	vsel vm7, $0x1, v1;
	v11 =	vadd.f32 v63, v18;
	v63 =	vor.u32 $0x20, v13  }
0x164: {  	[tilespmem:$0x1FBD0] =	vst v34;
	v38 =	vld.idx.msk [tilespmem:v58+s2+$0x0], $0xffff;
	v34 =	vadd.f32 v61, v39;
	v61 =	vsel vm10, $0x1, v1;
	vm10 =	vnez.u8 v25  }
0x165: {  	v62 =	vld.idx.msk [tilespmem:v43+s2+$0x0], $0xffff;
	[tilespmem:$0x1FD30] =	vst v4;
	v4 =	vsel vm10, $0x1, v1;
	vm10 =	vnez.u8 v0;
	v32 =	vadd.f32 v33, v11  }
0x166: {  	[tilespmem:$0x1FD50] =	vst v59;
	v26 =	vld.idx.msk [tilespmem:v60+s2+$0x0], $0xffff;
	v0 =	vsel vm10, $0x1, v1  }
0x167: {  	v59 =	vor.u32 $0x22, v13;
	v28 =	vld.idx.msk [tilespmem:v44+s2+$0x0], $0xffff;
	v41 =	vadd.f32 v41, v34;
	[tilespmem:$0x1FDC0] =	vst v0;
	v0 =	vadd.f32 v37, v32  }
0x168: {  	v43 =	vld.idx.msk [tilespmem:v63+s2+$0x0], $0xffff  }
0x169: {  	v24 =	vld.idx.msk [tilespmem:v31+s2+$0x0], $0xffff;
	v42 =	vadd.f32 v42, v41;
	v63 =	vor.u32 $0x23, v13;
	v33 =	vadd.f32 v38, v0  }
0x16a: {  	v31 =	vor.u32 $0x24, v13;
	v58 =	vld.idx.msk [tilespmem:v45+s2+$0x0], $0xffff;
	vm7 =	vgt.f32 v19, v36;
	v60 =	vsel vm8, $0x1, v1;
	[tilespmem:$0x1FD70] =	vst v61  }
0x16b: {  	v61 =	vld.idx.msk [tilespmem:v46+s2+$0x0], $0xffff;
	vm8 =	vgt.f32 v19, v34;
	v36 =	vadd.f32 v62, v42;
	v34 =	vadd.f32 v26, v33  }
0x16c: {  	[tilespmem:$0x1FC90] =	vst v7;
	vm14 =	vgt.f32 v19, v30;
	vm3 =	vgt.f32 v19, v40;
	v37 =	vld.idx.msk [tilespmem:v59+s2+$0x0], $0xffff  }
0x16d: {  	v30 =	vld.idx.msk [tilespmem:v47+s2+$0x0], $0xffff;
	[tilespmem:$0x1FDE0] =	vst v60;
	v60 =	vor.u32 $0x25, v13;
	v40 =	vadd.f32 v28, v36;
	v7 =	vadd.f32 v43, v34  }
0x16e: {  	v47 =	vsel vm9, $0x1, v1;
	v38 =	vld.idx.msk [tilespmem:v63+s2+$0x0], $0xffff  }
0x16f: {  	v58 =	vadd.f32 v58, v40;
	v63 =	vor.u32 $0x26, v13;
	v24 =	vadd.f32 v24, v7  }
0x170: {  	v57 =	vadd.s32 v57, v23;
	[tilespmem:$0x1FE20] =	vst v47;
	v47 =	vor.u32 $0x28, v13;
	v25 =	vsel vm6, $0x1, v1;
	v26 =	vld.idx.msk [tilespmem:v31+s2+$0x0], $0xffff  }
0x171: {  	v44 =	vor.u32 $0x27, v13;
	v61 =	vadd.f32 v61, v58;
	v31 =	vadd.f32 v37, v24  }
0x172: {  	[tilespmem:$0x1FE00] =	vst v25;
	v25 =	vsel vm12, $0x1, v1;
	v46 =	vsel vm0, $0x1, v1;
	v59 =	vsel vm5, $0x1, v1;
	v45 =	vld.idx.msk [tilespmem:v60+s2+$0x0], $0xffff  }
0x173: {  	vm5 =	vgt.f32 v19, v40;
	v40 =	vadd.f32 v30, v61;
	v30 =	vadd.f32 v38, v31  }
0x174: {  	[tilespmem:$0x1FD90] =	vst v4;
	vm6 =	vgt.f32 v19, v42;
	v28 =	vimm.s32 $0x0;
	vm9 =	vgt.f32 v19, v36;
	v36 =	vld.idx.msk [tilespmem:v63+s2+$0x0], $0xffff  }
0x175: {  	[tilespmem:$0x1FE40] =	vst v59;
	v59 =	vor.u32 $0x29, v13;
	v4 =	vsel vm6, $0xFFFFFFFF, v28;
	v28 =	vadd.f32 v26, v30  }
0x176: {  	[tilespmem:$0x1FEC0] =	vst v46;
	v62 =	vsel vm15, $0x1, v1;
	vm15 =	vgt.f32 v19, v41;
	v41 =	vld.idx.msk [tilespmem:v44+s2+$0x0], $0xffff;
	v43 =	vsel vm4, $0x1, v1  }
0x177: {  	vm0 =	vgt.f32 v3, v20;
	[tilespmem:$0x1FEA0] =	vst v43;
	v43 =	vor.u32 $0x2A, v13;
	v20 =	vadd.f32 v45, v28  }
0x178: {  	v46 =	vor.u32 $0x2B, v13;
	[tilespmem:$0x1FDF0] =	vst v62;
	v62 =	vsel vm11, $0x1, v1;
	vm11 =	vgt.f32 v19, v58;
	v45 =	vld.idx.msk [tilespmem:v47+s2+$0x0], $0xffff  }
0x179: {  	[tilespmem:$0x1FE80] =	vst v25;
	v58 =	vadd.s32 v35, v50;
	v50 =	vsel vm13, $0x1, v1;
	v25 =	vadd.f32 v36, v20  }
0x17a: {  	vm10 =	vgt.f32 v19, v39;
	v60 =	vsel vm8, $0x1, v1;
	[tilespmem:$0x1FEE0] =	vst v50;
	v50 =	vor.u32 $0x2C, v13;
	v47 =	vld.idx.msk [tilespmem:v59+s2+$0x0], $0xffff  }
0x17b: {  	vm6 =	vgt.f32 v19, v61;
	vm12 =	vgt.f32 v19, v40;
	v19 =	vadd.f32 v41, v25  }
0x17c: {  	vm8 =	vgt.f32 v3, v12;
	v42 =	vsel vm2, $0x1, v1;
	v44 =	vsel vm7, $0x1, v1;
	[tilespmem:$0x1F7C0] =	vst v4;
	v41 =	vld.idx.msk [tilespmem:v43+s2+$0x0], $0xffff  }
0x17d: {  	vm7 =	vgt.f32 v3, v21;
	[tilespmem:$0x1FF40] =	vst v42;
	v42 =	vld [tilespmem:$0x1F7C0];
	v43 =	vor.u32 $0x2D, v13;
	v26 =	vadd.f32 v45, v19  }
0x17e: {  	[tilespmem:$0x1FF60] =	vst v44;
	v44 =	vimm.s32 $0x0;
	vm4 =	vgt.f32 v3, v27;
	vm13 =	vgt.f32 v3, v53;
	v45 =	vld.idx.msk [tilespmem:v46+s2+$0x0], $0xffff  }
0x17f: {  	v53 =	vsel vm1, $0x1, v1;
	v46 =	vor.u32 $0x2E, v13;
	v21 =	vadd.f32 v47, v26  }
0x180: {  	v35 =	vor.u32 $0x2F, v13;
	v61 =	vsel vm15, $0x1, v1;
	v40 =	vsel vm14, $0x1, v1;
	v47 =	vld.idx.msk [tilespmem:v50+s2+$0x0], $0xffff  }
0x181: {  	vm15 =	vgt.f32 v3, v56;
	[tilespmem:$0x1FF20] =	vst v40;
	v40 =	vimm.s32 $0x0;
	v23 =	vadd.f32 v41, v21  }
0x182: {  	v37 =	vor.u32 $0x30, v13;
	v4 =	vsel vm15, $0xFFFFFFFF, v40;
	vm15 =	vnez.u8 v42;
	v36 =	vld.idx.msk [tilespmem:v43+s2+$0x0], $0xffff  }
0x183: {  	v56 =	vsel vm15, $0x1, v1;
	vm15 =	vgt.f32 v3, v22;
	v22 =	vadd.f32 v45, v23  }
0x184: {  	vm1 =	vgt.f32 v3, v55;
	v55 =	vsel vm5, $0x1, v1;
	vm5 =	vgt.f32 v3, v15;
	v38 =	vld.idx.msk [tilespmem:v46+s2+$0x0], $0xffff  }
0x185: {  	v63 =	vsel vm10, $0x1, v1;
	[tilespmem:$0x1F7D0] =	vst v4;
	v4 =	vsel vm8, $0xFFFFFFFF, v44;
	v15 =	vadd.f32 v47, v22  }
0x186: {  	v27 =	vld.idx.msk [tilespmem:v35+s2+$0x0], $0xffff;
	v59 =	vsel vm9, $0x1, v1;
	vm9 =	vgt.f32 v3, v2;
	v2 =	vimm.s32 $0x0  }
0x187: {  	vm10 =	vgt.f32 v3, v17;
	[tilespmem:$0x1F7E0] =	vst v4;
	v17 =	vld [tilespmem:$0x1F7D0];
	v2 =	vsel vm9, $0xFFFFFFFF, v2;
	v4 =	vadd.f32 v36, v15  }
0x188: {  	v39 =	vor.u32 $0x31, v13;
	vm2 =	vgt.f32 v3, v52;
	[tilespmem:$0x1F7F0] =	vst v2;
	v2 =	vld.idx.msk [tilespmem:v37+s2+$0x0], $0xffff  }
0x189: {  	[tilespmem:$0x1FE60] =	vst v62;
	v62 =	vsel vm3, $0x1, v1;
	vm8 =	vgt.f32 v3, v14;
	v14 =	vadd.f32 v38, v4  }
0x18a: {  	vm3 =	vgt.f32 v3, v54;
	v54 =	vsel vm11, $0x1, v1;
	vm11 =	vgt.f32 v3, v10  }
0x18b: {  	v44 =	vsel vm10, $0x1, v1;
	vm10 =	vgt.f32 v3, v9;
	v9 =	vadd.f32 v27, v14  }
0x18c: {  	v52 =	vsel vm6, $0x1, v1;
	v46 =	vsel vm7, $0x1, v1;
	vm7 =	vnez.u8 v17  }
0x18d: {  	v42 =	vsel vm7, $0x1, v1;
	vm7 =	vgt.f32 v3, v11;
	v11 =	vadd.f32 v2, v9;
	v2 =	vld [tilespmem:$0x1F7E0]  }
0x18e: {  	vm6 =	vgt.f32 v3, v49;
	vm14 =	vgt.f32 v3, v29;
	v29 =	vor.u32 $0x32, v13  }
0x18f: {  	v49 =	vsel vm14, $0x1, v1;
	vm14 =	vgt.f32 v3, v5;
	v35 =	vor.u32 $0x33, v13  }
0x190: {  	vm9 =	vgt.f32 v3, v18;
	v18 =	vimm.s32 $0x0;
	v45 =	vsel vm2, $0x1, v1  }
0x191: {  	v10 =	vld.idx.msk [tilespmem:v39+s2+$0x0], $0xffff;
	vm2 =	vgt.f32 v3, v48;
	v48 =	vor.u32 $0x34, v13;
	v5 =	vsel vm7, $0xFFFFFFFF, v18  }
0x192: {  	v47 =	vsel vm1, $0x1, v1;
	vm1 =	vgt.f32 v3, v16;
	vm7 =	vnez.u8 v2  }
0x193: {  	v16 =	vld.idx.msk [tilespmem:v29+s2+$0x0], $0xffff;
	v40 =	vsel vm7, $0x1, v1;
	vm7 =	vgt.f32 v3, v0;
	v0 =	vimm.s32 $0x0  }
0x194: {  	v27 =	vor.u32 $0x35, v13;
	v0 =	vsel vm7, $0xFFFFFFFF, v0  }
0x195: {  	v50 =	vsel vm0, $0x1, v1;
	vm0 =	vgt.f32 v3, v51;
	v51 =	vsel vm13, $0x1, v1;
	[tilespmem:$0x1F810] =	vst v0;
	v0 =	vld.idx.msk [tilespmem:v35+s2+$0x0], $0xffff  }
0x196: {  	vm13 =	vgt.f32 v3, v6;
	v29 =	vor.u32 $0x36, v13;
	v6 =	vadd.f32 v10, v11  }
0x197: {  	[tilespmem:$0x1FF00] =	vst v53;
	v53 =	vsel vm12, $0x1, v1;
	v12 =	vld.idx.msk [tilespmem:v48+s2+$0x0], $0xffff  }
0x198: {  	v41 =	vsel vm4, $0x1, v1;
	v48 =	vor.u32 $0x37, v13;
	v16 =	vadd.f32 v16, v6  }
0x199: {  	vm4 =	vgt.f32 v3, v31;
	[tilespmem:$0x1F800] =	vst v5;
	v5 =	vor.u32 $0x38, v13;
	v17 =	vld.idx.msk [tilespmem:v27+s2+$0x0], $0xffff;
	v35 =	vsel vm6, $0x1, v1  }
0x19a: {  	vm6 =	vgt.f32 v3, v7;
	v7 =	vadd.f32 v0, v16;
	v0 =	vimm.s32 $0x0  }
0x19b: {  	vm12 =	vgt.f32 v3, v8;
	v10 =	vld.idx.msk [tilespmem:v29+s2+$0x0], $0xffff;
	vm7 =	vgt.f32 v3, v30;
	v0 =	vsel vm4, $0xFFFFFFFF, v0  }
0x19c: {  	[tilespmem:$0x1F820] =	vst v0;
	v0 =	vimm.s32 $0x0;
	v8 =	vadd.f32 v12, v7;
	v12 =	vor.u32 $0x39, v13  }
0x19d: {  	v39 =	vsel vm15, $0x1, v1;
	v18 =	vld.idx.msk [tilespmem:v48+s2+$0x0], $0xffff;
	v0 =	vsel vm7, $0xFFFFFFFF, v0  }
0x19e: {  	v48 =	vor.u32 $0x3A, v13;
	vm7 =	vgt.f32 v3, v20;
	[tilespmem:$0x1F830] =	vst v0;
	v20 =	vadd.f32 v17, v8;
	v0 =	vld [tilespmem:$0x1F7F0]  }
0x19f: {  	vm15 =	vgt.f32 v3, v32;
	v32 =	vsel vm14, $0x1, v1;
	vm14 =	vgt.f32 v3, v25;
	v5 =	vld.idx.msk [tilespmem:v5+s2+$0x0], $0xffff  }
0x1a0: {  	v25 =	vor.u32 $0x3B, v13;
	v43 =	vsel vm3, $0x1, v1;
	v2 =	vld [tilespmem:$0x1F800];
	v10 =	vadd.f32 v10, v20  }
0x1a1: {  	vm3 =	vgt.f32 v3, v26;
	v38 =	vsel vm11, $0x1, v1;
	vm4 =	vgt.f32 v3, v28;
	v12 =	vld.idx.msk [tilespmem:v12+s2+$0x0], $0xffff  }
0x1a2: {  	v28 =	vsel vm10, $0x1, v1;
	vm10 =	vgt.f32 v3, v21;
	v21 =	vadd.f32 v18, v10  }
0x1a3: {  	vm11 =	vgt.f32 v3, v34;
	v34 =	vsel vm13, $0x1, v1;
	v48 =	vld.idx.msk [tilespmem:v48+s2+$0x0], $0xffff;
	vm13 =	vnez.u8 v0  }
0x1a4: {  	v30 =	vsel vm13, $0x1, v1;
	vm13 =	vgt.f32 v3, v19;
	v19 =	vadd.f32 v5, v21  }
0x1a5: {  	v29 =	vsel vm8, $0x1, v1;
	v27 =	vsel vm2, $0x1, v1;
	vm8 =	vnez.u8 v2;
	v2 =	vld [tilespmem:$0x1F810]  }
0x1a6: {  	v26 =	vsel vm8, $0x1, v1;
	vm8 =	vgt.f32 v3, v22;
	v22 =	vld.idx.msk [tilespmem:v25+s2+$0x0], $0xffff;
	v25 =	vadd.f32 v12, v19  }
0x1a7: {  	vm2 =	vgt.f32 v3, v23;
	v23 =	vsel vm15, $0x1, v1;
	vm15 =	vgt.f32 v3, v15  }
0x1a8: {  	v15 =	vsel vm11, $0x1, v1;
	vm11 =	vgt.f32 v3, v9;
	v9 =	vadd.f32 v48, v25;
	v48 =	vld [tilespmem:$0x1F820]  }
0x1a9: {  	v36 =	vsel vm12, $0x1, v1  }
0x1aa: {  	vm12 =	vgt.f32 v3, v24;
	v24 =	vsel vm9, $0x1, v1;
	vm9 =	vnez.u8 v2  }
0x1ab: {  	v18 =	vsel vm9, $0x1, v1;
	vm9 =	vgt.f32 v3, v11;
	v11 =	vimm.s32 $0x0  }
0x1ac: {  	v0 =	vor.u32 $0x3C, v13;
	v12 =	vsel vm12, $0x1, v1;
	vm12 =	vgt.f32 v3, v6  }
0x1ad: {  	v6 =	vsel vm12, $0xFFFFFFFF, v11;
	vm12 =	vnez.u8 v48;
	v48 =	vld [tilespmem:$0x1F830]  }
0x1ae: {  	v5 =	vor.u32 $0x3D, v13  }
0x1af: {  	v31 =	vsel vm1, $0x1, v1;
	vm1 =	vgt.f32 v3, v4  }
0x1b0: {  	v4 =	vor.u32 $0x3E, v13;
	v2 =	vor.u32 $0x3F, v13;
	v11 =	vadd.f32 v22, v9  }
0x1b1: {  	v0 =	vld.idx.msk [tilespmem:v0+s2+$0x0], $0xffff;
	v22 =	vsel vm12, $0x1, v1;
	vm12 =	vgt.f32 v3, v16;
	v16 =	vimm.s32 $0x0  }
0x1b2: {  	[tilespmem:$0x1FDA0] =	vst v6;
	v6 =	vor.u32 $0x40, v13;
	v13 =	vsel vm12, $0xFFFFFFFF, v16;
	vm12 =	vnez.u8 v48  }
0x1b3: {  	v5 =	vld.idx.msk [tilespmem:v5+s2+$0x0], $0xffff;
	v16 =	vimm.s32 $0x0;
	[tilespmem:$0x1FDB0] =	vst v13;
	v13 =	vsel vm12, $0x1, v1;
	vm12 =	vgt.f32 v3, v7  }
0x1b4: {  	v7 =	vsel vm12, $0xFFFFFFFF, v16  }
0x1b5: {  	v37 =	vsel vm5, $0x1, v1;
	vm5 =	vgt.f32 v3, v33;
	[tilespmem:$0x1FDD0] =	vst v7;
	v7 =	vld.idx.msk [tilespmem:v4+s2+$0x0], $0xffff  }
0x1b6: {  	v33 =	vsel vm0, $0x1, v1;
	vm0 =	vgt.f32 v3, v14;
	v0 =	vadd.f32 v0, v11  }
0x1b7: {  	v14 =	vsel vm6, $0x1, v1;
	v17 =	vsel vm5, $0x1, v1;
	vm6 =	vgt.f32 v3, v20;
	v20 =	vld.idx.msk [tilespmem:v2+s2+$0x0], $0xffff  }
0x1b8: {  	vm5 =	vgt.f32 v3, v8;
	v8 =	vsel vm7, $0x1, v1;
	v16 =	vadd.f32 v5, v0  }
0x1b9: {  	vm7 =	vgt.f32 v3, v10;
	v48 =	vsel vm4, $0x1, v1;
	vm4 =	vgt.f32 v3, v21;
	v21 =	vld.idx.msk [tilespmem:v6+s2+$0x0], $0xffff  }
0x1ba: {  	v10 =	vsel vm10, $0x1, v1;
	vm10 =	vgt.f32 v3, v25;
	v25 =	vadd.f32 v7, v16  }
0x1bb: {  	v2 =	vsel vm14, $0x1, v1;
	v6 =	vsel vm2, $0x1, v1  }
0x1bc: {  	vm2 =	vgt.f32 v3, v9;
	vm12 =	vgt.f32 v3, v11;
	v11 =	vadd.f32 v20, v25  }
0x1bd: {  	v5 =	vsel vm3, $0x1, v1;
	vm3 =	vgt.f32 v3, v19;
	v19 =	vsel vm1, $0x1, v1  }
0x1be: {  	v7 =	vsel vm15, $0x1, v1;
	vm15 =	vgt.f32 v3, v25;
	v25 =	vadd.f32 v21, v11  }
0x1bf: {  	v4 =	vsel vm13, $0x1, v1;
	vm13 =	vgt.f32 v3, v0;
	vm14 =	vgt.f32 v3, v16  }
0x1c0: {  	v20 =	vsel vm0, $0x1, v1;
	vm1 =	vgt.f32 v3, v11;
	vm0 =	vgt.f32 v3, v25;
	v3 =	vld [tilespmem:$0x1F840];
	_ =	sdelay $0x4  }
0x1c1: {  	v3 =	vadd.s32 v3, v57;
	v57 =	vld [tilespmem:$0x1F850];
	_ =	sdelay $0x4  }
0x1c2: {  	v11 =	vadd.s32 v57, v58;
	v58 =	vld [tilespmem:$0x1F860];
	_ =	sdelay $0x3  }
0x1c3: {  	v57 =	vld [tilespmem:$0x1F880]  }
0x1c4: {  	v3 =	vadd.s32 v58, v3;
	v58 =	vld [tilespmem:$0x1F890];
	_ =	sdelay $0x3  }
0x1c5: {  	v25 =	vld [tilespmem:$0x1F870]  }
0x1c6: {  	v16 =	vadd.s32 v58, v57;
	v57 =	vld [tilespmem:$0x1F8A0]  }
0x1c7: {  	v58 =	vld [tilespmem:$0x1F8B0];
	_ =	sdelay $0x3  }
0x1c8: {  	v11 =	vadd.s32 v25, v11;
	v3 =	vadd.s32 v57, v3;
	v57 =	vld [tilespmem:$0x1F8C0]  }
0x1c9: {  	v11 =	vadd.s32 v58, v11;
	v58 =	vld [tilespmem:$0x1F8D0];
	_ =	sdelay $0x3  }
0x1ca: {  	v16 =	vadd.s32 v57, v16;
	v57 =	vld [tilespmem:$0x1F8E0]  }
0x1cb: {  	v3 =	vadd.s32 v58, v3;
	v58 =	vld [tilespmem:$0x1F8F0];
	_ =	sdelay $0x3  }
0x1cc: {  	v11 =	vadd.s32 v57, v11;
	v57 =	vld [tilespmem:$0x1F900]  }
0x1cd: {  	v16 =	vadd.s32 v58, v16;
	v58 =	vld [tilespmem:$0x1F910];
	_ =	sdelay $0x3  }
0x1ce: {  	v3 =	vadd.s32 v57, v3;
	v57 =	vld [tilespmem:$0x1F920]  }
0x1cf: {  	v11 =	vadd.s32 v58, v11;
	v58 =	vld [tilespmem:$0x1F930];
	_ =	sdelay $0x3  }
0x1d0: {  	v16 =	vadd.s32 v57, v16;
	v57 =	vld [tilespmem:$0x1F940]  }
0x1d1: {  	v3 =	vadd.s32 v58, v3;
	v58 =	vld [tilespmem:$0x1F950];
	_ =	sdelay $0x3  }
0x1d2: {  	v11 =	vadd.s32 v57, v11;
	v57 =	vld [tilespmem:$0x1F960]  }
0x1d3: {  	v16 =	vadd.s32 v58, v16;
	v58 =	vld [tilespmem:$0x1F970];
	_ =	sdelay $0x3  }
0x1d4: {  	v3 =	vadd.s32 v57, v3;
	v57 =	vld [tilespmem:$0x1F980]  }
0x1d5: {  	v11 =	vadd.s32 v58, v11;
	v58 =	vld [tilespmem:$0x1F990];
	_ =	sdelay $0x3  }
0x1d6: {  	v16 =	vadd.s32 v57, v16;
	v57 =	vld [tilespmem:$0x1F9A0]  }
0x1d7: {  	v11 =	vadd.s32 v58, v11;
	v58 =	vld [tilespmem:$0x1F9B0];
	_ =	sdelay $0x3  }
0x1d8: {  	v16 =	vadd.s32 v57, v16;
	v57 =	vld [tilespmem:$0x1F9C0]  }
0x1d9: {  	v25 =	vadd.s32 v50, v58;
	v58 =	vld [tilespmem:$0x1F9D0]  }
0x1da: {  	v50 =	vld [tilespmem:$0x1FA30]  }
0x1db: {  	v25 =	vadd.s32 v51, v25;
	v51 =	vld [tilespmem:$0x1FA40]  }
0x1dc: {  	v25 =	vadd.s32 v47, v25;
	v47 =	vld [tilespmem:$0x1FAE0]  }
0x1dd: {  	v25 =	vadd.s32 v49, v25;
	v49 =	vld [tilespmem:$0x1FA20]  }
0x1de: {  	v25 =	vadd.s32 v45, v25;
	v45 =	vld [tilespmem:$0x1FAC0]  }
0x1df: {  	v11 =	vadd.s32 v57, v11;
	v57 =	vld [tilespmem:$0x1F9E0]  }
0x1e0: {  	v16 =	vadd.s32 v58, v16;
	v58 =	vld [tilespmem:$0x1F9F0]  }
0x1e1: {  	v25 =	vadd.s32 v46, v25;
	v46 =	vld [tilespmem:$0x1FAD0]  }
0x1e2: {  	v25 =	vadd.s32 v43, v25;
	v43 =	vld [tilespmem:$0x1FB40]  }
0x1e3: {  	v25 =	vadd.s32 v44, v25;
	v44 =	vld [tilespmem:$0x1FB50]  }
0x1e4: {  	v25 =	vadd.s32 v41, v25;
	v11 =	vadd.s32 v57, v11;
	v57 =	vld [tilespmem:$0x1FA00]  }
0x1e5: {  	v25 =	vadd.s32 v42, v25;
	v16 =	vadd.s32 v58, v16;
	v58 =	vld [tilespmem:$0x1FA10]  }
0x1e6: {  	v25 =	vadd.s32 v39, v25;
	v39 =	vld [tilespmem:$0x1FC10]  }
0x1e7: {  	v25 =	vadd.s32 v40, v25;
	v40 =	vld [tilespmem:$0x1FC20]  }
0x1e8: {  	v25 =	vadd.s32 v37, v25;
	v37 =	vld [tilespmem:$0x1FBF0]  }
0x1e9: {  	v25 =	vadd.s32 v38, v25;
	v38 =	vld [tilespmem:$0x1FC00]  }
0x1ea: {  	v25 =	vadd.s32 v35, v25;
	v35 =	vld [tilespmem:$0x1FD40]  }
0x1eb: {  	v11 =	vadd.s32 v57, v11;
	v57 =	vld [tilespmem:$0x1FA50]  }
0x1ec: {  	v16 =	vadd.s32 v58, v16;
	v58 =	vld [tilespmem:$0x1FA60]  }
0x1ed: {  	v25 =	vadd.s32 v36, v25;
	v36 =	vld [tilespmem:$0x1FBE0]  }
0x1ee: {  	v11 =	vadd.s32 v49, v11;
	v49 =	vld [tilespmem:$0x1FA70]  }
0x1ef: {  	v16 =	vadd.s32 v50, v16;
	v50 =	vld [tilespmem:$0x1FA80]  }
0x1f0: {  	v25 =	vadd.s32 v33, v25;
	v33 =	vld [tilespmem:$0x1FD20]  }
0x1f1: {  	v11 =	vadd.s32 v51, v11;
	v51 =	vld [tilespmem:$0x1FA90]  }
0x1f2: {  	v25 =	vadd.s32 v34, v25;
	v34 =	vld [tilespmem:$0x1FD30]  }
0x1f3: {  	v25 =	vadd.s32 v31, v25;
	v31 =	vld [tilespmem:$0x1FD00]  }
0x1f4: {  	v25 =	vadd.s32 v32, v25;
	v32 =	vld [tilespmem:$0x1FD10]  }
0x1f5: {  	v16 =	vadd.s32 v57, v16;
	v57 =	vld [tilespmem:$0x1FAA0]  }
0x1f6: {  	v11 =	vadd.s32 v58, v11;
	v58 =	vld [tilespmem:$0x1FAB0]  }
0x1f7: {  	v25 =	vadd.s32 v29, v25;
	v29 =	vld [tilespmem:$0x1FCE0]  }
0x1f8: {  	v16 =	vadd.s32 v49, v16;
	v49 =	vld [tilespmem:$0x1FAF0]  }
0x1f9: {  	v11 =	vadd.s32 v50, v11;
	v50 =	vld [tilespmem:$0x1FB00]  }
0x1fa: {  	v25 =	vadd.s32 v30, v25;
	v30 =	vld [tilespmem:$0x1FCF0]  }
0x1fb: {  	v16 =	vadd.s32 v51, v16;
	v51 =	vld [tilespmem:$0x1FB10]  }
0x1fc: {  	v25 =	vadd.s32 v27, v25;
	v27 =	vld [tilespmem:$0x1FE30]  }
0x1fd: {  	v25 =	vadd.s32 v28, v25;
	v28 =	vld [tilespmem:$0x1FCD0]  }
0x1fe: {  	v11 =	vadd.s32 v57, v11;
	v57 =	vld [tilespmem:$0x1FB20]  }
0x1ff: {  	v16 =	vadd.s32 v58, v16;
	v58 =	vld [tilespmem:$0x1FB30]  }
0x200: {  	v11 =	vadd.s32 v45, v11;
	v45 =	vld [tilespmem:$0x1FB60]  }
0x201: {  	v16 =	vadd.s32 v46, v16;
	v46 =	vld [tilespmem:$0x1FB70]  }
0x202: {  	v11 =	vadd.s32 v47, v11;
	v47 =	vld [tilespmem:$0x1FB80]  }
0x203: {  	v16 =	vadd.s32 v49, v16;
	v49 =	vld [tilespmem:$0x1FB90]  }
0x204: {  	v11 =	vadd.s32 v50, v11;
	v50 =	vld [tilespmem:$0x1FBA0]  }
0x205: {  	v16 =	vadd.s32 v51, v16;
	v51 =	vld [tilespmem:$0x1FBB0]  }
0x206: {  	v24 =	vadd.s32 v24, v25;
	v11 =	vadd.s32 v57, v11;
	v57 =	vld [tilespmem:$0x1FBC0]  }
0x207: {  	v24 =	vadd.s32 v26, v24;
	v16 =	vadd.s32 v58, v16;
	v58 =	vld [tilespmem:$0x1FBD0]  }
0x208: {  	v23 =	vadd.s32 v23, v24;
	v11 =	vadd.s32 v43, v11;
	v43 =	vld [tilespmem:$0x1FC30]  }
0x209: {  	v18 =	vadd.s32 v18, v23;
	v16 =	vadd.s32 v44, v16;
	v44 =	vld [tilespmem:$0x1FC40]  }
0x20a: {  	v17 =	vadd.s32 v17, v18;
	v11 =	vadd.s32 v45, v11;
	v45 =	vld [tilespmem:$0x1FC50]  }
0x20b: {  	v15 =	vadd.s32 v15, v17;
	v16 =	vadd.s32 v46, v16;
	v46 =	vld [tilespmem:$0x1FC60]  }
0x20c: {  	v14 =	vadd.s32 v14, v15;
	v11 =	vadd.s32 v47, v11;
	v47 =	vld [tilespmem:$0x1FC70]  }
0x20d: {  	v12 =	vadd.s32 v12, v14;
	v16 =	vadd.s32 v49, v16;
	v49 =	vld [tilespmem:$0x1FC80]  }
0x20e: {  	v12 =	vadd.s32 v22, v12;
	v11 =	vadd.s32 v50, v11;
	v50 =	vld [tilespmem:$0x1FC90]  }
0x20f: {  	v12 =	vadd.s32 v13, v12;
	v16 =	vadd.s32 v51, v16;
	v51 =	vld [tilespmem:$0x1FCA0]  }
0x210: {  	v12 =	vadd.s32 v48, v12;
	v48 =	vld [tilespmem:$0x1FDE0]  }
0x211: {  	v11 =	vadd.s32 v57, v11;
	v57 =	vld [tilespmem:$0x1FCB0]  }
0x212: {  	v16 =	vadd.s32 v58, v16;
	v58 =	vld [tilespmem:$0x1FCC0]  }
0x213: {  	v11 =	vadd.s32 v36, v11;
	v36 =	vld [tilespmem:$0x1FD50]  }
0x214: {  	v16 =	vadd.s32 v37, v16;
	v37 =	vld [tilespmem:$0x1FD60]  }
0x215: {  	v11 =	vadd.s32 v38, v11;
	v38 =	vld [tilespmem:$0x1FD70]  }
0x216: {  	v16 =	vadd.s32 v39, v16;
	v39 =	vld [tilespmem:$0x1FD80]  }
0x217: {  	v11 =	vadd.s32 v40, v11;
	v40 =	vld [tilespmem:$0x1FD90]  }
0x218: {  	v16 =	vadd.s32 v43, v16;
	v43 =	vld [tilespmem:$0x1FDA0]  }
0x219: {  	v11 =	vadd.s32 v44, v11;
	v44 =	vld [tilespmem:$0x1FDB0]  }
0x21a: {  	v16 =	vadd.s32 v45, v16;
	v45 =	vld [tilespmem:$0x1FDC0]  }
0x21b: {  	v11 =	vadd.s32 v46, v11;
	v16 =	vadd.s32 v47, v16;
	v46 =	vld [tilespmem:$0x1FDD0]  }
0x21c: {  	v9 =	vsel vm8, $0x1, v1;
	v11 =	vadd.s32 v49, v11;
	v16 =	vadd.s32 v50, v16;
	v50 =	vld [tilespmem:$0x1FDF0]  }
0x21d: {  	v0 =	vsel vm9, $0x1, v1;
	v8 =	vadd.s32 v8, v12;
	v11 =	vadd.s32 v51, v11;
	v51 =	vld [tilespmem:$0x1FE00]  }
0x21e: {  	v21 =	vsel vm11, $0x1, v1;
	v2 =	vadd.s32 v2, v8;
	v16 =	vadd.s32 v57, v16;
	v57 =	vld [tilespmem:$0x1FE10]  }
0x21f: {  	v24 =	vsel vm13, $0x1, v1;
	v2 =	vadd.s32 v4, v2;
	v11 =	vadd.s32 v58, v11;
	v58 =	vld [tilespmem:$0x1FE20]  }
0x220: {  	v23 =	vsel vm10, $0x1, v1;
	v2 =	vadd.s32 v5, v2;
	v16 =	vadd.s32 v28, v16;
	v28 =	vld [tilespmem:$0x1FE40]  }
0x221: {  	v2 =	vadd.s32 v10, v2;
	vm8 =	vnez.u8 v43;
	v43 =	vld [tilespmem:$0x1FF20];
	v16 =	vadd.s32 v30, v16  }
0x222: {  	v2 =	vadd.s32 v6, v2;
	v11 =	vadd.s32 v29, v11;
	v29 =	vld [tilespmem:$0x1FE50];
	v16 =	vadd.s32 v32, v16  }
0x223: {  	v18 =	vsel vm6, $0x1, v1;
	v2 =	vadd.s32 v9, v2;
	v30 =	vld [tilespmem:$0x1FE60];
	v16 =	vadd.s32 v34, v16  }
0x224: {  	v2 =	vadd.s32 v7, v2;
	v11 =	vadd.s32 v31, v11;
	v31 =	vld [tilespmem:$0x1FE70];
	v16 =	vadd.s32 v36, v16  }
0x225: {  	v47 =	vsel vm5, $0x1, v1;
	v2 =	vadd.s32 v19, v2;
	v32 =	vld [tilespmem:$0x1FE80];
	v16 =	vadd.s32 v38, v16  }
0x226: {  	v2 =	vadd.s32 v20, v2;
	v11 =	vadd.s32 v33, v11;
	v33 =	vld [tilespmem:$0x1FE90];
	v15 =	vadd.s32 v40, v16  }
0x227: {  	v14 =	vsel vm8, $0x1, v1;
	v2 =	vadd.s32 v21, v2;
	v34 =	vld [tilespmem:$0x1FEA0];
	v15 =	vadd.s32 v45, v15  }
0x228: {  	v0 =	vadd.s32 v0, v2;
	v2 =	vld [tilespmem:$0x1FED0];
	v11 =	vadd.s32 v35, v11;
	v15 =	vadd.s32 v48, v15  }
0x229: {  	vm8 =	vnez.u8 v44;
	v35 =	vld [tilespmem:$0x1FEB0];
	v11 =	vadd.s32 v37, v11;
	v15 =	vadd.s32 v50, v15  }
0x22a: {  	v36 =	vld [tilespmem:$0x1FEC0];
	v0 =	vadd.s32 v14, v0;
	v11 =	vadd.s32 v39, v11;
	v15 =	vadd.s32 v51, v15  }
0x22b: {  	v37 =	vld [tilespmem:$0x1FEE0];
	v16 =	vsel vm8, $0x1, v1;
	v11 =	vadd.s32 v57, v11;
	v15 =	vadd.s32 v58, v15  }
0x22c: {  	v38 =	vld [tilespmem:$0x1FEF0];
	vm8 =	vnez.u8 v46;
	v9 =	vadd.s32 v27, v11;
	v11 =	vadd.s32 v28, v15  }
0x22d: {  	v39 =	vld [tilespmem:$0x1FF00];
	v17 =	vsel vm8, $0x1, v1;
	v7 =	vadd.s32 v29, v9;
	v9 =	vadd.s32 v30, v11  }
0x22e: {  	v40 =	vld [tilespmem:$0x1FF10];
	v0 =	vadd.s32 v16, v0;
	v7 =	vadd.s32 v31, v7;
	v9 =	vadd.s32 v32, v9  }
0x22f: {  	v45 =	vld [tilespmem:$0x1FF40];
	v0 =	vadd.s32 v17, v0;
	v7 =	vadd.s32 v33, v7;
	v9 =	vadd.s32 v34, v9  }
0x230: {  	v0 =	vadd.s32 v47, v0;
	v47 =	vld [tilespmem:$0x1FF60];
	v7 =	vadd.s32 v35, v7;
	v9 =	vadd.s32 v36, v9  }
0x231: {  	v12 =	vsel vm4, $0x1, v1;
	v44 =	vld [tilespmem:$0x1FF30];
	v2 =	vadd.s32 v2, v7;
	v7 =	vadd.s32 v37, v9  }
0x232: {  	v8 =	vsel vm3, $0x1, v1;
	v4 =	vsel vm2, $0x1, v1;
	v46 =	vld [tilespmem:$0x1FF50];
	v7 =	vadd.s32 v39, v7  }
0x233: {  	v49 =	vsel vm7, $0x1, v1;
	v48 =	vld [tilespmem:$0x1FF70];
	v0 =	vadd.s32 v18, v0;
	v7 =	vadd.s32 v43, v7  }
0x234: {  	v0 =	vadd.s32 v49, v0;
	v49 =	vld [tilespmem:$0x1FF80];
	v2 =	vadd.s32 v38, v2;
	v7 =	vadd.s32 v45, v7  }
0x235: {  	v5 =	vsel vm12, $0x1, v1;
	v50 =	vld [tilespmem:$0x1FF90];
	v2 =	vadd.s32 v40, v2;
	v7 =	vadd.s32 v47, v7  }
0x236: {  	v10 =	vsel vm14, $0x1, v1;
	v51 =	vld [tilespmem:$0x1FFA0];
	v2 =	vadd.s32 v44, v2;
	v7 =	vadd.s32 v62, v7  }
0x237: {  	v57 =	vld [tilespmem:$0x1FFB0];
	v0 =	vadd.s32 v12, v0;
	v2 =	vadd.s32 v46, v2;
	v7 =	vadd.s32 v63, v7  }
0x238: {  	v58 =	vld [tilespmem:$0x1FFC0];
	v0 =	vadd.s32 v8, v0;
	v2 =	vadd.s32 v48, v2;
	v7 =	vadd.s32 v60, v7  }
0x239: {  	v0 =	vadd.s32 v23, v0;
	v2 =	vadd.s32 v49, v2;
	v7 =	vadd.s32 v61, v7;
	v61 =	vld [tilespmem:$0x1FFD0]  }
0x23a: {  	v6 =	vsel vm15, $0x1, v1;
	v0 =	vadd.s32 v4, v0;
	v2 =	vadd.s32 v50, v2;
	v62 =	vld [tilespmem:$0x1FFE0]  }
0x23b: {  	v0 =	vadd.s32 v5, v0;
	v2 =	vadd.s32 v51, v2;
	v7 =	vadd.s32 v56, v7  }
0x23c: {  	v0 =	vadd.s32 v24, v0;
	v2 =	vadd.s32 v57, v2;
	v60 =	vadd.s32 v59, v7  }
0x23d: {  	p1 =	por p0, p0;
	v0 =	vadd.s32 v10, v0;
	v2 =	vadd.s32 v58, v2;
	v4 =	vadd.s32 v55, v60  }
.Ltmp0:
0x23e: {  	v0 =	vadd.s32 v6, v0;
	v4 =	vadd.s32 v54, v4;
	v2 =	vadd.s32 v61, v2;
	(pc) =	sbr.rel @p1 .LBB2_3-.Ltmp0, $4  }
0x23f: {  	[tilespmem:s23+$0x8800] =	vst v3;
	v63 =	vsel vm1, $0x1, v1;
	v3 =	vadd.s32 v52, v4;
	v2 =	vadd.s32 v62, v2  }
0x240: {  	v0 =	vadd.s32 v63, v0;
	[tilespmem:s24+$0x8800] =	vst v2;
	v2 =	vadd.s32 v53, v3;
	v3 =	vsel vm0, $0x1, v1  }
0x241: {  	[tilespmem:s30+$0x8800] =	vst v2;
	v0 =	vadd.s32 v3, v0  }
0x242: {  	s25 =	simm.s32 $0x40;
	p0 =	por $0x0, $0x0;
	v41 =	vld [tilespmem:$0x1FFF0];
	v42 =	vimm.s32 $0x1;
	[tilespmem:s31+$0x8800] =	vst v0  }
0x243: {  	p0 =	seq.s32 s20, $0x7  }
0x244: {  	s22 =	sshll.u32 @!p0 s20, $0xF  }
0x245: {  	s22 =	sadd.s32 @!p0 s22, s7  }
0x246: {  	s22 =	sshrl.u32 @!p0 s22, $0x3  }
0x247: {  	s23 =	simm.s32 @!p0 $0x0;
	s22 =	sadd.s32 @!p0 s3, s22  }
0x248: {  	[tilespmem:s23], [sflag:$0x1] =	stream.linear.gather @!p0 [hbm4b:s22+s23], $0x4000, $0x38;
	[tilespmem:$0x9000] =	vst v63  }
0x249: {  	_ =	swait.ge [sflag:s16], $0x4000  }
0x24a: {  	s21 =	sshll.u32 s21, $0x7;
	[sflag:s16] =	ssyncset.done $0x0  }
0x24b: {  	s24 =	simm.s32 $0x0;
	p0 =	por $0x1, $0x1;
	[sflag:s16] =	ssyncadd.s32 $0xFFFFC000  }
.LBB2_5:
0x24c: {  	_ =	sdelay $0x1  }
0x24d: {  	v0 =	vmov s24  }
0x24e: {  	v0 =	vshll.u32 v0, $0x7  }
0x24f: {  	v3 =	vor.u32 v41, v0;
	_ =	sdelay $0x1  }
0x250: {  	v0 =	vor.u32 $0x1, v3;
	_ =	sdelay $0x1  }
0x251: {  	v2 =	vor.u32 $0x2, v3  }
0x252: {  	v4 =	vld.idx.msk [tilespmem:v3+s14+$0x0], $0xffff  }
0x253: {  	v5 =	vor.u32 $0x3, v3  }
0x254: {  	v6 =	vld.idx.msk [tilespmem:v0+s14+$0x0], $0xffff  }
0x255: {  	v7 =	vor.u32 $0x4, v3  }
0x256: {  	v2 =	vld.idx.msk [tilespmem:v2+s14+$0x0], $0xffff  }
0x257: {  	v9 =	vor.u32 $0x5, v3;
	v8 =	vadd.f32 $0.0e+00, v4  }
0x258: {  	s22 =	sor.u32 s21, s24;
	v5 =	vld.idx.msk [tilespmem:v5+s14+$0x0], $0xffff  }
0x259: {  	v58 =	vor.u32 $0x6, v3;
	v0 =	vld [tilespmem:s22+$0x8000];
	v6 =	vadd.f32 v6, v8  }
0x25a: {  	v7 =	vld.idx.msk [tilespmem:v7+s14+$0x0], $0xffff  }
0x25b: {  	v59 =	vor.u32 $0x7, v3;
	v2 =	vadd.f32 v2, v6  }
0x25c: {  	v60 =	vld.idx.msk [tilespmem:v9+s14+$0x0], $0xffff  }
0x25d: {  	v11 =	vor.u32 $0x8, v3;
	v5 =	vadd.f32 v5, v2  }
0x25e: {  	vm6 =	vgt.f32 v0, v2;
	v2 =	vld.idx.msk [tilespmem:v58+s14+$0x0], $0xffff  }
0x25f: {  	v63 =	vor.u32 $0x9, v3;
	v7 =	vadd.f32 v7, v5  }
0x260: {  	vm0 =	vgt.f32 v0, v4;
	v4 =	vld.idx.msk [tilespmem:v59+s14+$0x0], $0xffff  }
0x261: {  	v12 =	vor.u32 $0xA, v3;
	vm1 =	vgt.f32 v0, v6;
	v6 =	vadd.f32 v60, v7  }
0x262: {  	v13 =	vld.idx.msk [tilespmem:v11+s14+$0x0], $0xffff  }
0x263: {  	v15 =	vor.u32 $0xB, v3;
	v2 =	vadd.f32 v2, v6  }
0x264: {  	v16 =	vld.idx.msk [tilespmem:v63+s14+$0x0], $0xffff  }
0x265: {  	v18 =	vor.u32 $0xC, v3;
	v4 =	vadd.f32 v4, v2  }
0x266: {  	vm10 =	vgt.f32 v0, v2;
	v2 =	vld.idx.msk [tilespmem:v12+s14+$0x0], $0xffff  }
0x267: {  	v20 =	vor.u32 $0xD, v3;
	vm8 =	vgt.f32 v0, v7;
	v7 =	vadd.f32 v13, v4  }
0x268: {  	v23 =	vor.u32 $0xE, v3;
	v21 =	vld.idx.msk [tilespmem:v15+s14+$0x0], $0xffff  }
0x269: {  	v26 =	vor.u32 $0xF, v3;
	vm9 =	vgt.f32 v0, v6;
	v6 =	vadd.f32 v16, v7  }
0x26a: {  	v29 =	vor.u32 $0x10, v3;
	v31 =	vor.u32 $0x11, v3;
	v34 =	vor.u32 $0x12, v3;
	v24 =	vld.idx.msk [tilespmem:v18+s14+$0x0], $0xffff  }
0x26b: {  	v10 =	vsel vm0, $0x1, v1;
	v61 =	vsel vm0, $0x2, v42;
	v2 =	vadd.f32 v2, v6  }
0x26c: {  	v37 =	vor.u32 $0x13, v3;
	v40 =	vor.u32 $0x14, v3;
	v27 =	vld.idx.msk [tilespmem:v20+s14+$0x0], $0xffff;
	v9 =	vsel vm1, v61, v10  }
0x26d: {  	v62 =	vsel vm6, $0x1, v1;
	vm11 =	vgt.f32 v0, v4;
	v4 =	vadd.f32 v21, v2  }
0x26e: {  	v8 =	vadd.s32 v62, v9;
	vm7 =	vgt.f32 v0, v5;
	vm14 =	vgt.f32 v0, v2;
	v2 =	vld.idx.msk [tilespmem:v23+s14+$0x0], $0xffff  }
0x26f: {  	v5 =	vsel vm7, $0x1, v1;
	vm12 =	vgt.f32 v0, v7;
	v7 =	vadd.f32 v24, v4  }
0x270: {  	v44 =	vor.u32 $0x15, v3;
	v47 =	vor.u32 $0x16, v3;
	v32 =	vld.idx.msk [tilespmem:v26+s14+$0x0], $0xffff;
	v5 =	vadd.s32 v5, v8  }
0x271: {  	v14 =	vsel vm8, $0x1, v1;
	vm13 =	vgt.f32 v0, v6;
	v6 =	vadd.f32 v27, v7  }
0x272: {  	v50 =	vor.u32 $0x17, v3;
	v35 =	vld.idx.msk [tilespmem:v29+s14+$0x0], $0xffff;
	v5 =	vadd.s32 v14, v5;
	v17 =	vsel vm9, $0x1, v1  }
0x273: {  	v5 =	vadd.s32 v17, v5;
	v19 =	vsel vm10, $0x1, v1;
	v2 =	vadd.f32 v2, v6  }
0x274: {  	v53 =	vor.u32 $0x18, v3;
	v55 =	vor.u32 $0x19, v3;
	v38 =	vld.idx.msk [tilespmem:v31+s14+$0x0], $0xffff;
	v5 =	vadd.s32 v19, v5  }
0x275: {  	v22 =	vsel vm11, $0x1, v1;
	vm15 =	vgt.f32 v0, v4;
	v4 =	vadd.f32 v32, v2  }
0x276: {  	v20 =	vor.u32 $0x1F, v3;
	v5 =	vadd.s32 v22, v5;
	vm6 =	vgt.f32 v0, v2;
	v2 =	vld.idx.msk [tilespmem:v34+s14+$0x0], $0xffff  }
0x277: {  	v45 =	vld.idx.msk [tilespmem:v37+s14+$0x0], $0xffff;
	v25 =	vsel vm12, $0x1, v1;
	vm4 =	vgt.f32 v0, v7;
	v7 =	vadd.f32 v35, v4  }
0x278: {  	v51 =	vld.idx.msk [tilespmem:v44+s14+$0x0], $0xffff;
	v31 =	vor.u32 $0x23, v3;
	v44 =	vor.u32 $0x27, v3;
	v5 =	vadd.s32 v25, v5  }
0x279: {  	v28 =	vsel vm13, $0x1, v1;
	vm5 =	vgt.f32 v0, v6;
	v6 =	vadd.f32 v38, v7  }
0x27a: {  	v48 =	vld.idx.msk [tilespmem:v40+s14+$0x0], $0xffff;
	v61 =	vor.u32 $0x1B, v3;
	v5 =	vadd.s32 v28, v5;
	v30 =	vsel vm14, $0x1, v1  }
0x27b: {  	v5 =	vadd.s32 v30, v5;
	v33 =	vsel vm15, $0x1, v1;
	v2 =	vadd.f32 v2, v6  }
0x27c: {  	v58 =	vor.u32 $0x1A, v3;
	v14 =	vor.u32 $0x1D, v3;
	v5 =	vadd.s32 v33, v5  }
0x27d: {  	v36 =	vsel vm4, $0x1, v1;
	vm7 =	vgt.f32 v0, v4;
	v4 =	vadd.f32 v45, v2  }
0x27e: {  	v12 =	vor.u32 $0x1C, v3;
	v5 =	vadd.s32 v36, v5;
	vm10 =	vgt.f32 v0, v2;
	v2 =	vld.idx.msk [tilespmem:v47+s14+$0x0], $0xffff  }
0x27f: {  	v39 =	vsel vm5, $0x1, v1;
	vm8 =	vgt.f32 v0, v7;
	v7 =	vadd.f32 v48, v4  }
0x280: {  	v56 =	vld.idx.msk [tilespmem:v50+s14+$0x0], $0xffff;
	v17 =	vor.u32 $0x1E, v3;
	v25 =	vor.u32 $0x21, v3;
	v5 =	vadd.s32 v39, v5  }
0x281: {  	v43 =	vsel vm6, $0x1, v1;
	vm9 =	vgt.f32 v0, v6;
	v6 =	vadd.f32 v51, v7  }
0x282: {  	v59 =	vld.idx.msk [tilespmem:v53+s14+$0x0], $0xffff;
	v23 =	vor.u32 $0x20, v3;
	v5 =	vadd.s32 v43, v5;
	v46 =	vsel vm7, $0x1, v1  }
0x283: {  	v62 =	vld.idx.msk [tilespmem:v55+s14+$0x0], $0xffff;
	v5 =	vadd.s32 v46, v5;
	v49 =	vsel vm8, $0x1, v1;
	v2 =	vadd.f32 v2, v6  }
0x284: {  	v21 =	vld.idx.msk [tilespmem:v14+s14+$0x0], $0xffff;
	v28 =	vor.u32 $0x22, v3;
	v14 =	vor.u32 $0x2C, v3;
	v5 =	vadd.s32 v49, v5  }
0x285: {  	v52 =	vsel vm9, $0x1, v1;
	vm11 =	vgt.f32 v0, v4;
	v4 =	vadd.f32 v56, v2  }
0x286: {  	v36 =	vor.u32 $0x25, v3;
	v5 =	vadd.s32 v52, v5;
	vm14 =	vgt.f32 v0, v2;
	v2 =	vld.idx.msk [tilespmem:v58+s14+$0x0], $0xffff  }
0x287: {  	v54 =	vsel vm10, $0x1, v1;
	vm12 =	vgt.f32 v0, v7;
	v7 =	vadd.f32 v59, v4  }
0x288: {  	v15 =	vld.idx.msk [tilespmem:v61+s14+$0x0], $0xffff;
	v34 =	vor.u32 $0x24, v3;
	v39 =	vor.u32 $0x26, v3;
	v5 =	vadd.s32 v54, v5  }
0x289: {  	v57 =	vsel vm11, $0x1, v1;
	vm13 =	vgt.f32 v0, v6;
	v6 =	vadd.f32 v62, v7  }
0x28a: {  	v18 =	vld.idx.msk [tilespmem:v12+s14+$0x0], $0xffff;
	v49 =	vor.u32 $0x29, v3;
	v5 =	vadd.s32 v57, v5;
	v60 =	vsel vm12, $0x1, v1  }
0x28b: {  	v5 =	vadd.s32 v60, v5;
	v63 =	vsel vm13, $0x1, v1;
	v2 =	vadd.f32 v2, v6  }
0x28c: {  	v47 =	vor.u32 $0x28, v3;
	v51 =	vor.u32 $0x2A, v3;
	v5 =	vadd.s32 v63, v5  }
0x28d: {  	v45 =	vld.idx.msk [tilespmem:v36+s14+$0x0], $0xffff;
	v13 =	vsel vm14, $0x1, v1;
	vm15 =	vgt.f32 v0, v4;
	v4 =	vadd.f32 v15, v2  }
0x28e: {  	v36 =	vor.u32 $0x31, v3;
	v5 =	vadd.s32 v13, v5;
	vm6 =	vgt.f32 v0, v2;
	v2 =	vld.idx.msk [tilespmem:v17+s14+$0x0], $0xffff  }
0x28f: {  	v16 =	vsel vm15, $0x1, v1;
	vm4 =	vgt.f32 v0, v7;
	v7 =	vadd.f32 v18, v4  }
0x290: {  	v26 =	vld.idx.msk [tilespmem:v20+s14+$0x0], $0xffff;
	v5 =	vadd.s32 v16, v5;
	v19 =	vsel vm4, $0x1, v1;
	vm5 =	vgt.f32 v0, v6  }
0x291: {  	v29 =	vld.idx.msk [tilespmem:v23+s14+$0x0], $0xffff;
	v5 =	vadd.s32 v19, v5;
	v22 =	vsel vm5, $0x1, v1;
	v6 =	vadd.f32 v21, v7  }
0x292: {  	v58 =	vld.idx.msk [tilespmem:v51+s14+$0x0], $0xffff;
	v51 =	vor.u32 $0x36, v3;
	v13 =	vor.u32 $0x2B, v3;
	v5 =	vadd.s32 v22, v5  }
0x293: {  	v24 =	vsel vm6, $0x1, v1;
	vm7 =	vgt.f32 v0, v4;
	v2 =	vadd.f32 v2, v6  }
0x294: {  	v32 =	vld.idx.msk [tilespmem:v25+s14+$0x0], $0xffff;
	v16 =	vor.u32 $0x2E, v3;
	v5 =	vadd.s32 v24, v5;
	v27 =	vsel vm7, $0x1, v1  }
0x295: {  	v5 =	vadd.s32 v27, v5;
	vm8 =	vgt.f32 v0, v7;
	v4 =	vadd.f32 v26, v2  }
0x296: {  	v30 =	vsel vm8, $0x1, v1;
	vm9 =	vgt.f32 v0, v6;
	vm10 =	vgt.f32 v0, v2;
	v2 =	vld.idx.msk [tilespmem:v28+s14+$0x0], $0xffff  }
0x297: {  	v5 =	vadd.s32 v30, v5;
	v33 =	vsel vm9, $0x1, v1;
	v7 =	vadd.f32 v29, v4  }
0x298: {  	v37 =	vld.idx.msk [tilespmem:v31+s14+$0x0], $0xffff;
	v19 =	vor.u32 $0x2F, v3;
	v15 =	vor.u32 $0x2D, v3;
	v5 =	vadd.s32 v33, v5  }
0x299: {  	v35 =	vsel vm10, $0x1, v1;
	vm11 =	vgt.f32 v0, v4;
	v6 =	vadd.f32 v32, v7  }
0x29a: {  	v40 =	vld.idx.msk [tilespmem:v34+s14+$0x0], $0xffff;
	v5 =	vadd.s32 v35, v5;
	v38 =	vsel vm11, $0x1, v1;
	vm12 =	vgt.f32 v0, v7  }
0x29b: {  	v5 =	vadd.s32 v38, v5;
	v43 =	vsel vm12, $0x1, v1;
	v2 =	vadd.f32 v2, v6  }
0x29c: {  	v22 =	vor.u32 $0x33, v3;
	v5 =	vadd.s32 v43, v5;
	vm13 =	vgt.f32 v0, v6  }
0x29d: {  	v46 =	vsel vm13, $0x1, v1;
	v4 =	vadd.f32 v37, v2;
	vm14 =	vgt.f32 v0, v2  }
0x29e: {  	s23 =	sor.u32 $0x10, s24;
	v21 =	vor.u32 $0x32, v3;
	v5 =	vadd.s32 v46, v5;
	v2 =	vsel vm14, $0x1, v1  }
0x29f: {  	v50 =	vld.idx.msk [tilespmem:v44+s14+$0x0], $0xffff;
	v7 =	vadd.f32 v40, v4;
	v5 =	vadd.s32 v2, v5;
	v2 =	vmov s23  }
0x2a0: {  	v14 =	vld.idx.msk [tilespmem:v14+s14+$0x0], $0xffff;
	v28 =	vor.u32 $0x30, v3;
	vm15 =	vgt.f32 v0, v4;
	v2 =	vshll.u32 v2, $0x7  }
0x2a1: {  	v48 =	vld.idx.msk [tilespmem:v39+s14+$0x0], $0xffff;
	v12 =	vsel vm15, $0x1, v1;
	v6 =	vadd.f32 v45, v7;
	vm4 =	vgt.f32 v0, v7  }
0x2a2: {  	v54 =	vld.idx.msk [tilespmem:v49+s14+$0x0], $0xffff;
	v2 =	vor.u32 v41, v2;
	v5 =	vadd.s32 v12, v5;
	v53 =	vsel vm4, $0x1, v1  }
0x2a3: {  	v52 =	vld.idx.msk [tilespmem:v47+s14+$0x0], $0xffff;
	v55 =	vor.u32 $0x1, v2;
	v59 =	vor.u32 $0x2, v2;
	v61 =	vor.u32 $0x3, v2  }
0x2a4: {  	v62 =	vld.idx.msk [tilespmem:v13+s14+$0x0], $0xffff;
	v63 =	vor.u32 $0x4, v2;
	v17 =	vor.u32 $0x5, v2;
	v20 =	vor.u32 $0x6, v2  }
0x2a5: {  	v15 =	vld.idx.msk [tilespmem:v15+s14+$0x0], $0xffff;
	v27 =	vor.u32 $0x7, v2;
	v31 =	vor.u32 $0x8, v2;
	v34 =	vor.u32 $0x9, v2  }
0x2a6: {  	v22 =	vld.idx.msk [tilespmem:v22+s14+$0x0], $0xffff;
	v38 =	vor.u32 $0xA, v2;
	v40 =	vor.u32 $0xB, v2;
	v44 =	vor.u32 $0xC, v2  }
0x2a7: {  	v30 =	vld.idx.msk [tilespmem:v19+s14+$0x0], $0xffff;
	v47 =	vor.u32 $0xD, v2;
	v8 =	vadd.f32 v48, v6;
	v5 =	vadd.s32 v53, v5  }
0x2a8: {  	v26 =	vld.idx.msk [tilespmem:v16+s14+$0x0], $0xffff;
	vm5 =	vgt.f32 v0, v6;
	v48 =	vor.u32 $0x35, v3;
	v53 =	vor.u32 $0x37, v3  }
0x2a9: {  	v56 =	vsel vm5, $0x1, v1;
	v57 =	vadd.f32 v50, v8;
	vm6 =	vgt.f32 v0, v8;
	v4 =	vld.idx.msk [tilespmem:v2+s14+$0x0], $0xffff  }
0x2aa: {  	v5 =	vadd.s32 v56, v5;
	v50 =	vor.u32 $0xE, v2;
	v60 =	vsel vm6, $0x1, v1;
	v9 =	vld.idx.msk [tilespmem:v55+s14+$0x0], $0xffff  }
0x2ab: {  	v7 =	vadd.f32 v52, v57;
	v5 =	vadd.s32 v60, v5;
	vm7 =	vgt.f32 v0, v57;
	v10 =	vld.idx.msk [tilespmem:v59+s14+$0x0], $0xffff  }
0x2ac: {  	v25 =	vld.idx.msk [tilespmem:v63+s14+$0x0], $0xffff;
	v52 =	vor.u32 $0xF, v2;
	v55 =	vor.u32 $0x10, v2;
	v57 =	vor.u32 $0x11, v2  }
0x2ad: {  	v19 =	vld.idx.msk [tilespmem:v31+s14+$0x0], $0xffff;
	v60 =	vor.u32 $0x12, v2;
	v31 =	vor.u32 $0x3A, v3;
	v63 =	vor.u32 $0x14, v2  }
0x2ae: {  	v49 =	vld.idx.msk [tilespmem:v40+s14+$0x0], $0xffff;
	v40 =	vor.u32 $0x3C, v3;
	v12 =	vsel vm7, $0x1, v1;
	v6 =	vadd.f32 v54, v7  }
0x2af: {  	v37 =	vld.idx.msk [tilespmem:v28+s14+$0x0], $0xffff;
	v5 =	vadd.s32 v12, v5;
	vm8 =	vgt.f32 v0, v7;
	v23 =	vadd.f32 $0.0e+00, v4  }
0x2b0: {  	v11 =	vld.idx.msk [tilespmem:v61+s14+$0x0], $0xffff;
	v7 =	vsel vm8, $0x1, v1;
	vm9 =	vgt.f32 v0, v6;
	v6 =	vadd.f32 v58, v6  }
0x2b1: {  	v46 =	vld.idx.msk [tilespmem:v21+s14+$0x0], $0xffff;
	v5 =	vadd.s32 v7, v5;
	v18 =	vsel vm9, $0x1, v1;
	v7 =	vadd.f32 v9, v23  }
0x2b2: {  	v17 =	vld.idx.msk [tilespmem:v17+s14+$0x0], $0xffff;
	vm10 =	vgt.f32 v0, v6;
	v5 =	vadd.s32 v18, v5;
	v6 =	vadd.f32 v62, v6  }
0x2b3: {  	v23 =	vld.idx.msk [tilespmem:v36+s14+$0x0], $0xffff;
	v62 =	vor.u32 $0x3B, v3;
	v36 =	vor.u32 $0x16, v2;
	v8 =	vadd.f32 v10, v7  }
0x2b4: {  	v32 =	vld.idx.msk [tilespmem:v20+s14+$0x0], $0xffff;
	v24 =	vsel vm10, $0x1, v1;
	vm11 =	vgt.f32 v0, v6;
	v6 =	vadd.f32 v14, v6  }
0x2b5: {  	v16 =	vld.idx.msk [tilespmem:v27+s14+$0x0], $0xffff;
	v5 =	vadd.s32 v24, v5;
	v24 =	vor.u32 $0x34, v3;
	v9 =	vadd.f32 v11, v8  }
0x2b6: {  	v20 =	vld.idx.msk [tilespmem:v34+s14+$0x0], $0xffff;
	v29 =	vsel vm11, $0x1, v1;
	vm12 =	vgt.f32 v0, v6;
	v6 =	vadd.f32 v15, v6  }
0x2b7: {  	v5 =	vadd.s32 v29, v5;
	v33 =	vsel vm12, $0x1, v1;
	v10 =	vadd.f32 v25, v9;
	v25 =	vld.idx.msk [tilespmem:v38+s14+$0x0], $0xffff  }
0x2b8: {  	v29 =	vor.u32 $0x38, v3;
	v5 =	vadd.s32 v33, v5;
	v35 =	vadd.f32 v26, v6;
	v27 =	vld.idx.msk [tilespmem:v44+s14+$0x0], $0xffff  }
0x2b9: {  	vm13 =	vgt.f32 v0, v6;
	v28 =	vld.idx.msk [tilespmem:v48+s14+$0x0], $0xffff;
	v33 =	vor.u32 $0x13, v2;
	v48 =	vor.u32 $0x3F, v3  }
0x2ba: {  	v56 =	vld.idx.msk [tilespmem:v51+s14+$0x0], $0xffff;
	v38 =	vor.u32 $0x18, v2;
	v51 =	vor.u32 $0x1A, v2;
	v39 =	vsel vm13, $0x1, v1  }
0x2bb: {  	v11 =	vadd.f32 v17, v10;
	vm14 =	vgt.f32 v0, v35;
	v18 =	vadd.f32 v30, v35  }
0x2bc: {  	v5 =	vadd.s32 v39, v5;
	v30 =	vor.u32 $0x39, v3;
	v43 =	vsel vm14, $0x1, v1  }
0x2bd: {  	v12 =	vadd.f32 v32, v11;
	vm15 =	vgt.f32 v0, v18;
	v5 =	vadd.s32 v43, v5  }
0x2be: {  	v6 =	vadd.f32 v37, v18;
	v43 =	vor.u32 $0x15, v2;
	v45 =	vsel vm15, $0x1, v1  }
0x2bf: {  	v32 =	vld.idx.msk [tilespmem:v55+s14+$0x0], $0xffff;
	v55 =	vor.u32 $0x1F, v2;
	v13 =	vadd.f32 v16, v12;
	v5 =	vadd.s32 v45, v5  }
0x2c0: {  	v24 =	vld.idx.msk [tilespmem:v24+s14+$0x0], $0xffff;
	vm4 =	vgt.f32 v0, v6;
	v6 =	vadd.f32 v23, v6;
	v45 =	vor.u32 $0x3D, v3  }
0x2c1: {  	s23 =	sor.u32 s21, s23;
	v23 =	vld.idx.msk [tilespmem:v57+s14+$0x0], $0xffff;
	v57 =	vor.u32 $0x40, v3;
	v26 =	vsel vm4, $0x1, v1;
	v14 =	vadd.f32 v19, v13  }
0x2c2: {  	vm5 =	vgt.f32 v0, v6;
	v6 =	vadd.f32 v46, v6;
	v46 =	vor.u32 $0x3E, v3;
	v3 =	vld [tilespmem:s23+$0x8000]  }
0x2c3: {  	v5 =	vadd.s32 v26, v5;
	v19 =	vld.idx.msk [tilespmem:v47+s14+$0x0], $0xffff;
	v47 =	vor.u32 $0x17, v2;
	v15 =	vadd.f32 v20, v14  }
0x2c4: {  	v54 =	vsel vm5, $0x1, v1;
	v22 =	vadd.f32 v22, v6;
	vm6 =	vgt.f32 v0, v6  }
0x2c5: {  	v59 =	vld.idx.msk [tilespmem:v53+s14+$0x0], $0xffff;
	v5 =	vadd.s32 v54, v5;
	v58 =	vsel vm6, $0x1, v1;
	v16 =	vadd.f32 v25, v15  }
0x2c6: {  	v31 =	vld.idx.msk [tilespmem:v31+s14+$0x0], $0xffff;
	vm7 =	vgt.f32 v0, v22;
	v22 =	vadd.f32 v24, v22;
	v5 =	vadd.s32 v58, v5  }
0x2c7: {  	v61 =	vsel vm7, $0x1, v1;
	v39 =	vld.idx.msk [tilespmem:v46+s14+$0x0], $0xffff;
	v46 =	vor.u32 $0x1D, v2;
	vm7 =	vgt.f32 v3, v4  }
0x2c8: {  	v29 =	vld.idx.msk [tilespmem:v29+s14+$0x0], $0xffff;
	v17 =	vadd.f32 v49, v16;
	v28 =	vadd.f32 v28, v22;
	vm8 =	vgt.f32 v0, v22  }
0x2c9: {  	v20 =	vld.idx.msk [tilespmem:v50+s14+$0x0], $0xffff;
	v5 =	vadd.s32 v61, v5;
	v34 =	vsel vm8, $0x1, v1;
	vm8 =	vgt.f32 v3, v7  }
0x2ca: {  	v18 =	vadd.f32 v27, v17;
	v6 =	vadd.f32 v56, v28;
	vm9 =	vgt.f32 v0, v28;
	v27 =	vld.idx.msk [tilespmem:v62+s14+$0x0], $0xffff  }
0x2cb: {  	v5 =	vadd.s32 v34, v5;
	v28 =	vld.idx.msk [tilespmem:v40+s14+$0x0], $0xffff;
	v40 =	vor.u32 $0x19, v2;
	v62 =	vor.u32 $0x1C, v2  }
0x2cc: {  	v25 =	vld.idx.msk [tilespmem:v52+s14+$0x0], $0xffff;
	v56 =	vsel vm7, $0x1, v1;
	v44 =	vsel vm9, $0x1, v1;
	v19 =	vadd.f32 v19, v18  }
0x2cd: {  	v30 =	vld.idx.msk [tilespmem:v30+s14+$0x0], $0xffff;
	v35 =	vadd.f32 v59, v6;
	v5 =	vadd.s32 v44, v5;
	vm10 =	vgt.f32 v0, v6  }
0x2ce: {  	v33 =	vld.idx.msk [tilespmem:v33+s14+$0x0], $0xffff;
	v59 =	vor.u32 $0x1B, v2;
	v37 =	vsel vm10, $0x1, v1;
	vm10 =	vgt.f32 v3, v8  }
0x2cf: {  	v26 =	vld.idx.msk [tilespmem:v60+s14+$0x0], $0xffff;
	v20 =	vadd.f32 v20, v19;
	v29 =	vadd.f32 v29, v35;
	vm11 =	vgt.f32 v0, v35  }
0x2d0: {  	v5 =	vadd.s32 v37, v5;
	v49 =	vsel vm11, $0x1, v1;
	v53 =	vld.idx.msk [tilespmem:v62+s14+$0x0], $0xffff;
	v62 =	vor.u32 $0x21, v2  }
0x2d1: {  	v60 =	vld.idx.msk [tilespmem:v40+s14+$0x0], $0xffff;
	vm11 =	vgt.f32 v3, v9;
	v40 =	vor.u32 $0x22, v2;
	v21 =	vadd.f32 v25, v20  }
0x2d2: {  	v50 =	vld.idx.msk [tilespmem:v48+s14+$0x0], $0xffff;
	v30 =	vadd.f32 v30, v29;
	v5 =	vadd.s32 v49, v5;
	vm12 =	vgt.f32 v0, v29  }
0x2d3: {  	v34 =	vld.idx.msk [tilespmem:v45+s14+$0x0], $0xffff;
	v49 =	vor.u32 $0x1E, v2;
	v9 =	vsel vm11, $0x1, v1;
	v22 =	vadd.f32 v32, v21  }
0x2d4: {  	v6 =	vsel vm12, $0x1, v1;
	v48 =	vld.idx.msk [tilespmem:v59+s14+$0x0], $0xffff;
	v59 =	vor.u32 $0x20, v2;
	vm12 =	vgt.f32 v3, v10  }
0x2d5: {  	v25 =	vld.idx.msk [tilespmem:v63+s14+$0x0], $0xffff;
	v31 =	vadd.f32 v31, v30;
	vm13 =	vgt.f32 v0, v30;
	v23 =	vadd.f32 v23, v22  }
0x2d6: {  	v32 =	vld.idx.msk [tilespmem:v43+s14+$0x0], $0xffff;
	v43 =	vor.u32 $0x23, v2;
	v54 =	vsel vm13, $0x1, v1;
	vm13 =	vgt.f32 v3, v11  }
0x2d7: {  	v27 =	vadd.f32 v27, v31;
	vm14 =	vgt.f32 v0, v31;
	v24 =	vadd.f32 v26, v23  }
0x2d8: {  	v36 =	vld.idx.msk [tilespmem:v36+s14+$0x0], $0xffff;
	vm11 =	vgt.f32 v3, v21;
	v8 =	vsel vm13, $0x1, v1;
	v63 =	vsel vm14, $0x1, v1  }
0x2d9: {  	v30 =	vld.idx.msk [tilespmem:v57+s14+$0x0], $0xffff;
	v28 =	vadd.f32 v28, v27;
	vm15 =	vgt.f32 v0, v27;
	v33 =	vadd.f32 v33, v24  }
0x2da: {  	v57 =	vld.idx.msk [tilespmem:v46+s14+$0x0], $0xffff;
	vm14 =	vgt.f32 v3, v12;
	vm13 =	vgt.f32 v3, v23;
	v44 =	vsel vm15, $0x1, v1  }
0x2db: {  	v26 =	vld.idx.msk [tilespmem:v47+s14+$0x0], $0xffff;
	vm15 =	vgt.f32 v3, v13;
	v34 =	vadd.f32 v34, v28;
	v25 =	vadd.f32 v25, v33  }
0x2dc: {  	vm4 =	vgt.f32 v0, v28;
	v28 =	vld.idx.msk [tilespmem:v55+s14+$0x0], $0xffff;
	v46 =	vsel vm15, $0x1, v1;
	v55 =	vor.u32 $0x27, v2  }
0x2dd: {  	[tilespmem:$0x1EF20] =	vst v44;
	v44 =	vld.idx.msk [tilespmem:v62+s14+$0x0], $0xffff;
	v62 =	vor.u32 $0x29, v2;
	v47 =	vsel vm4, $0x1, v1;
	v32 =	vadd.f32 v32, v25  }
0x2de: {  	v58 =	vld.idx.msk [tilespmem:v38+s14+$0x0], $0xffff;
	vm4 =	vgt.f32 v3, v14;
	v61 =	vadd.f32 v39, v34;
	vm5 =	vgt.f32 v0, v34  }
0x2df: {  	vm15 =	vgt.f32 v3, v33;
	v33 =	vor.u32 $0x2A, v2;
	v36 =	vadd.f32 v36, v32  }
0x2e0: {  	[tilespmem:$0x1EF60] =	vst v47;
	v47 =	vld.idx.msk [tilespmem:v40+s14+$0x0], $0xffff;
	v40 =	vor.u32 $0x2C, v2;
	v34 =	vsel vm15, $0x1, v1;
	v29 =	vadd.f32 v50, v61  }
0x2e1: {  	vm6 =	vgt.f32 v0, v61;
	v50 =	vsel vm5, $0x1, v1;
	v26 =	vadd.f32 v26, v36  }
0x2e2: {  	v45 =	vld.idx.msk [tilespmem:v51+s14+$0x0], $0xffff;
	v61 =	vsel vm10, $0x1, v1;
	vm5 =	vgt.f32 v3, v15;
	vm10 =	vgt.f32 v3, v20  }
0x2e3: {  	v51 =	vsel vm6, $0x1, v1;
	vm6 =	vgt.f32 v3, v16;
	v35 =	vadd.f32 v58, v26  }
0x2e4: {  	[tilespmem:$0x1EF90] =	vst v50;
	v50 =	vsel vm5, $0x1, v1;
	vm2 =	vgt.f32 v0, v29;
	v29 =	vadd.f32 v30, v29  }
0x2e5: {  	[tilespmem:$0x1EFC0] =	vst v51;
	v51 =	vsel vm6, $0x1, v1;
	vm5 =	vgt.f32 v3, v32;
	v27 =	vadd.f32 v60, v35  }
0x2e6: {  	v52 =	vsel vm2, $0x1, v1;
	v38 =	vsel vm5, $0x1, v1;
	vm9 =	vgt.f32 v0, v29  }
0x2e7: {  	[tilespmem:$0x1EFF0] =	vst v52;
	v52 =	vor.u32 $0x26, v2;
	vm6 =	vgt.f32 v3, v36;
	v4 =	vadd.f32 v45, v27  }
0x2e8: {  	[tilespmem:$0x1EF00] =	vst v63;
	v36 =	vor.u32 $0x2B, v2;
	v63 =	vsel vm9, $0x1, v1;
	vm9 =	vgt.f32 v3, v19  }
0x2e9: {  	v58 =	vsel vm7, $0x2, v42;
	vm7 =	vgt.f32 v3, v17;
	v31 =	vadd.f32 v48, v4  }
0x2ea: {  	v39 =	vsel vm6, $0x1, v1;
	v0 =	vsel vm8, v58, v56;
	v17 =	vsel vm7, $0x1, v1;
	v60 =	vld.idx.msk [tilespmem:v49+s14+$0x0], $0xffff  }
0x2eb: {  	vm8 =	vgt.f32 v3, v18;
	v58 =	vsel vm9, $0x1, v1;
	v30 =	vadd.f32 v53, v31  }
0x2ec: {  	vm7 =	vgt.f32 v3, v26;
	v0 =	vadd.s32 v61, v0;
	v49 =	vsel vm4, $0x1, v1  }
0x2ed: {  	v11 =	vld.idx.msk [tilespmem:v43+s14+$0x0], $0xffff;
	v56 =	vsel vm8, $0x1, v1;
	v61 =	vsel vm11, $0x1, v1;
	v29 =	vadd.f32 v57, v30  }
0x2ee: {  	vm4 =	vgt.f32 v3, v25;
	v43 =	vsel vm7, $0x1, v1;
	v7 =	vadd.s32 v9, v0;
	v0 =	vld.idx.msk [tilespmem:v59+s14+$0x0], $0xffff  }
0x2ef: {  	[tilespmem:$0x1EF10] =	vst v46;
	vm8 =	vgt.f32 v3, v35;
	v9 =	vsel vm12, $0x1, v1;
	v10 =	vadd.f32 v60, v29  }
0x2f0: {  	v59 =	vsel vm10, $0x1, v1;
	[tilespmem:$0x1F080] =	vst v61;
	vm12 =	vgt.f32 v3, v22;
	v61 =	vor.u32 $0x32, v2  }
0x2f1: {  	[tilespmem:$0x1F020] =	vst v63;
	v37 =	vsel vm4, $0x1, v1;
	v45 =	vor.u32 $0x24, v2;
	v13 =	vadd.f32 v28, v10  }
0x2f2: {  	[tilespmem:$0x1EF30] =	vst v49;
	v16 =	vld.idx.msk [tilespmem:v52+s14+$0x0], $0xffff;
	v46 =	vsel vm8, $0x1, v1;
	v49 =	vor.u32 $0x2E, v2;
	v52 =	vor.u32 $0x2F, v2  }
0x2f3: {  	[tilespmem:$0x1F180] =	vst v43;
	v43 =	vimm.s32 $0x0;
	v48 =	vor.u32 $0x25, v2;
	v0 =	vadd.f32 v0, v13  }
0x2f4: {  	v22 =	vld.idx.msk [tilespmem:v36+s14+$0x0], $0xffff;
	[tilespmem:$0x1F050] =	vst v59;
	v63 =	vsel vm12, $0x1, v1;
	vm9 =	vgt.f32 v3, v27;
	v59 =	vor.u32 $0x30, v2  }
0x2f5: {  	s26 =	sor.u32 $0x30, s24;
	[tilespmem:$0x1F1A0] =	vst v46;
	v46 =	vimm.s32 $0x0;
	vm10 =	vgt.f32 v3, v4;
	v36 =	vld.idx.msk [tilespmem:v61+s14+$0x0], $0xffff;
	v12 =	vadd.f32 v44, v0  }
0x2f6: {  	vm11 =	vgt.f32 v3, v31;
	v31 =	vmov s26;
	v61 =	vor.u32 $0x36, v2;
	v53 =	vld.idx.msk [tilespmem:v45+s14+$0x0], $0xffff  }
0x2f7: {  	[tilespmem:$0x1EF70] =	vst v50;
	v21 =	vld.idx.msk [tilespmem:v33+s14+$0x0], $0xffff;
	v45 =	vor.u32 $0x2D, v2;
	v50 =	vsel vm11, $0x1, v1;
	v14 =	vadd.f32 v47, v12  }
0x2f8: {  	v33 =	vshll.u32 v31, $0x7;
	v57 =	vsel vm14, $0x1, v1;
	v15 =	vld.idx.msk [tilespmem:v48+s14+$0x0], $0xffff;
	v60 =	vor.u32 $0x28, v2  }
0x2f9: {  	vm14 =	vgt.f32 v3, v24;
	v24 =	vsel vm13, $0x1, v1;
	v11 =	vadd.f32 v11, v14  }
0x2fa: {  	[tilespmem:$0x1EFD0] =	vst v17;
	vm12 =	vgt.f32 v3, v30;
	v48 =	vsel vm10, $0x1, v1;
	vm13 =	vgt.f32 v3, v29  }
0x2fb: {  	s25 =	sor.u32 $0x20, s24;
	v18 =	vld.idx.msk [tilespmem:v55+s14+$0x0], $0xffff;
	[tilespmem:$0x1F1E0] =	vst v48;
	v48 =	vor.u32 $0x33, v2;
	v55 =	vsel vm13, $0x1, v1;
	v17 =	vadd.f32 v53, v11  }
0x2fc: {  	[tilespmem:$0x1F160] =	vst v39;
	v28 =	vsel vm14, $0x1, v1;
	vm4 =	vgt.f32 v3, v0;
	v0 =	vmov s25  }
0x2fd: {  	[tilespmem:$0x1F000] =	vst v56;
	v19 =	vld.idx.msk [tilespmem:v60+s14+$0x0], $0xffff;
	v60 =	vor.u32 $0x31, v2;
	v0 =	vshll.u32 v0, $0x7;
	v15 =	vadd.f32 v15, v17  }
0x2fe: {  	v20 =	vld.idx.msk [tilespmem:v62+s14+$0x0], $0xffff;
	vm14 =	vgt.f32 v3, v10;
	[tilespmem:$0x1F240] =	vst v55;
	v55 =	vor.u32 $0x34, v2;
	v0 =	vor.u32 v41, v0  }
0x2ff: {  	v23 =	vld.idx.msk [tilespmem:v40+s14+$0x0], $0xffff;
	[tilespmem:$0x1F120] =	vst v37;
	vm15 =	vgt.f32 v3, v13;
	v37 =	vor.u32 $0x2, v0;
	v16 =	vadd.f32 v16, v15  }
0x300: {  	[tilespmem:$0x1F0C0] =	vst v24;
	v24 =	vld.idx.msk [tilespmem:v49+s14+$0x0], $0xffff;
	v53 =	vsel vm12, $0x1, v1;
	vm12 =	vgt.f32 v3, v14;
	v14 =	vor.u32 v41, v33  }
0x301: {  	[tilespmem:$0x1F0A0] =	vst v63;
	v47 =	vsel vm9, $0x1, v1;
	vm9 =	vgt.f32 v3, v12;
	v12 =	vld.idx.msk [tilespmem:v48+s14+$0x0], $0xffff;
	v18 =	vadd.f32 v18, v16  }
0x302: {  	[tilespmem:$0x1F200] =	vst v50;
	v50 =	vimm.s32 $0x0;
	v56 =	vsel vm14, $0x1, v1;
	v62 =	vsel vm15, $0x1, v1;
	v35 =	vld.idx.msk [tilespmem:v60+s14+$0x0], $0xffff  }
0x303: {  	[tilespmem:$0x1F280] =	vst v62;
	v62 =	vor.u32 $0x37, v2;
	v32 =	vor.u32 $0x1, v0;
	v39 =	vld.idx.msk [tilespmem:v0+s14+$0x0], $0xffff;
	v44 =	vadd.f32 v19, v18  }
0x304: {  	v63 =	vsel vm4, $0x1, v1;
	[tilespmem:$0x1F1C0] =	vst v47;
	v47 =	vimm.s32 $0x0;
	vm15 =	vgt.f32 v3, v17;
	v17 =	vld.idx.msk [tilespmem:v37+s14+$0x0], $0xffff  }
0x305: {  	[tilespmem:$0x1F2A0] =	vst v63;
	v63 =	vor.u32 $0x5, v0;
	v48 =	vor.u32 $0x9, v0;
	v49 =	vld.idx.msk [tilespmem:v14+s14+$0x0], $0xffff;
	v20 =	vadd.f32 v20, v44  }
0x306: {  	[tilespmem:$0x1EFA0] =	vst v51;
	v60 =	vor.u32 $0x4, v0;
	vm14 =	vgt.f32 v3, v11;
	vm10 =	vgt.f32 v3, v16;
	v16 =	vld.idx.msk [tilespmem:v55+s14+$0x0], $0xffff  }
0x307: {  	[tilespmem:$0x1F030] =	vst v58;
	v41 =	vimm.s32 $0x0;
	v40 =	vor.u32 $0x1, v14;
	v19 =	vld.idx.msk [tilespmem:v45+s14+$0x0], $0xffff;
	v51 =	vadd.f32 v21, v20  }
0x308: {  	[tilespmem:$0x1F220] =	vst v53;
	v53 =	vimm.s32 $0x0;
	v37 =	vor.u32 $0x7, v0;
	vm13 =	vgt.f32 v3, v15;
	v45 =	vld.idx.msk [tilespmem:v32+s14+$0x0], $0xffff  }
0x309: {  	s30 =	sor.u32 s21, s25;
	[tilespmem:$0x1F260] =	vst v56;
	v56 =	vadd.f32 $0.0e+00, v39;
	v21 =	vld.idx.msk [tilespmem:v52+s14+$0x0], $0xffff;
	v52 =	vor.u32 $0x3, v0;
	v58 =	vadd.f32 v22, v51  }
0x30a: {  	v55 =	vor.u32 $0x3B, v2;
	vm8 =	vgt.f32 v3, v18;
	vm6 =	vgt.f32 v3, v20;
	v20 =	vld [tilespmem:s30+$0x8000]  }
0x30b: {  	vm7 =	vgt.f32 v3, v44;
	v32 =	vadd.f32 $0.0e+00, v49;
	v22 =	vld.idx.msk [tilespmem:v59+s14+$0x0], $0xffff;
	v23 =	vadd.f32 v23, v58  }
0x30c: {  	vm5 =	vgt.f32 v3, v51;
	v59 =	vor.u32 $0x35, v2;
	vm11 =	vgt.f32 v3, v58;
	v58 =	vld.idx.msk [tilespmem:v40+s14+$0x0], $0xffff  }
0x30d: {  	[tilespmem:$0x1F100] =	vst v34;
	v4 =	vsel vm5, $0xFFFFFFFF, v41;
	v41 =	vor.u32 $0x38, v2;
	v30 =	vadd.f32 v19, v23  }
0x30e: {  	[tilespmem:$0x1ED80] =	vst v4;
	v4 =	vsel vm11, $0xFFFFFFFF, v43;
	v43 =	vor.u32 $0x8, v0;
	vm4 =	vgt.f32 v3, v23;
	v19 =	vld.idx.msk [tilespmem:v52+s14+$0x0], $0xffff  }
0x30f: {  	[tilespmem:$0x1ED90] =	vst v4;
	v23 =	vld.idx.msk [tilespmem:v37+s14+$0x0], $0xffff;
	v52 =	vor.u32 $0xA, v0;
	v4 =	vsel vm4, $0xFFFFFFFF, v46;
	vm5 =	vgt.f32 v3, v30  }
0x310: {  	v37 =	vld.idx.msk [tilespmem:v55+s14+$0x0], $0xffff;
	v46 =	vor.u32 $0x39, v2;
	v34 =	vadd.f32 v24, v30;
	[tilespmem:$0x1EDA0] =	vst v4;
	v4 =	vsel vm5, $0xFFFFFFFF, v47  }
0x311: {  	v55 =	vld [tilespmem:$0x1ED80];
	vm5 =	vgt.f32 v20, v39;
	v10 =	vadd.f32 v58, v32;
	v58 =	vor.u32 $0xB, v0  }
0x312: {  	[tilespmem:$0x1F140] =	vst v38;
	v47 =	vld.idx.msk [tilespmem:v62+s14+$0x0], $0xffff;
	v62 =	vor.u32 $0xC, v0;
	v38 =	vadd.f32 v21, v34;
	vm11 =	vgt.f32 v3, v34  }
0x313: {  	v33 =	vsel vm5, $0x1, v1;
	v34 =	vsel vm5, $0x2, v42;
	v21 =	vld.idx.msk [tilespmem:v63+s14+$0x0], $0xffff;
	v63 =	vsel vm13, $0x1, v1  }
0x314: {  	[tilespmem:$0x1EDB0] =	vst v4;
	v25 =	vld.idx.msk [tilespmem:v43+s14+$0x0], $0xffff;
	v43 =	vsel vm8, $0x1, v1;
	v4 =	vsel vm11, $0xFFFFFFFF, v50;
	v50 =	vor.u32 $0x3A, v2  }
0x315: {  	v44 =	vadd.f32 v22, v38;
	vm4 =	vgt.f32 v3, v38;
	v22 =	vadd.f32 v45, v56;
	v38 =	vld.idx.msk [tilespmem:v59+s14+$0x0], $0xffff  }
0x316: {  	s31 =	sor.u32 s21, s26;
	[tilespmem:$0x1EDC0] =	vst v4;
	v45 =	vsel vm9, $0x1, v1;
	v56 =	vld.idx.msk [tilespmem:v46+s14+$0x0], $0xffff;
	v59 =	vsel vm15, $0x1, v1;
	v4 =	vsel vm4, $0xFFFFFFFF, v53  }
0x317: {  	v46 =	vor.u32 $0xF, v0;
	vm9 =	vnez.u8 v55;
	v51 =	vadd.f32 v35, v44;
	[tilespmem:$0x1EDD0] =	vst v4;
	v4 =	vld [tilespmem:s31+$0x8000]  }
0x318: {  	v55 =	vor.u32 $0x17, v0;
	v53 =	vsel vm14, $0x1, v1;
	v17 =	vadd.f32 v17, v22  }
0x319: {  	[tilespmem:$0x1F0E0] =	vst v28;
	vm11 =	vgt.f32 v20, v22;
	v35 =	vor.u32 $0x6, v0;
	v15 =	vadd.f32 v36, v51  }
0x31a: {  	v28 =	vsel vm11, v34, v33;
	vm11 =	vgt.f32 v3, v44;
	v36 =	vld.idx.msk [tilespmem:v60+s14+$0x0], $0xffff;
	v19 =	vadd.f32 v19, v17  }
0x31b: {  	v27 =	vld.idx.msk [tilespmem:v48+s14+$0x0], $0xffff;
	vm0 =	vgt.f32 v3, v51;
	v60 =	vor.u32 $0x3C, v2;
	v12 =	vadd.f32 v12, v15  }
0x31c: {  	[tilespmem:$0x1F320] =	vst v59;
	v59 =	vld [tilespmem:$0x1ED90];
	vm1 =	vgt.f32 v3, v15;
	vm4 =	vgt.f32 v4, v49;
	vm5 =	vgt.f32 v4, v10  }
0x31d: {  	v49 =	vsel vm12, $0x1, v1;
	v39 =	vsel vm4, $0x1, v1;
	v40 =	vsel vm4, $0x2, v42;
	v42 =	vld.idx.msk [tilespmem:v61+s14+$0x0], $0xffff  }
0x31e: {  	v44 =	vld.idx.msk [tilespmem:v35+s14+$0x0], $0xffff;
	v16 =	vadd.f32 v16, v12;
	[tilespmem:$0x1F2E0] =	vst v49;
	vm2 =	vgt.f32 v3, v12;
	v49 =	vor.u32 $0x10, v0  }
0x31f: {  	v61 =	vld.idx.msk [tilespmem:v50+s14+$0x0], $0xffff;
	v50 =	vsel vm6, $0x1, v1;
	v24 =	vsel vm5, v40, v39;
	v22 =	vadd.f32 v36, v19  }
0x320: {  	v51 =	vld.idx.msk [tilespmem:v41+s14+$0x0], $0xffff;
	v36 =	vor.u32 $0x3D, v2;
	v39 =	vsel vm10, $0x1, v1;
	v18 =	vadd.f32 v38, v16  }
0x321: {  	[tilespmem:$0x1EF40] =	vst v28;
	v28 =	vld.idx.msk [tilespmem:v58+s14+$0x0], $0xffff;
	v40 =	vor.u32 $0x3E, v2;
	vm10 =	vnez.u8 v59;
	v21 =	vadd.f32 v21, v22  }
0x322: {  	v41 =	vld.idx.msk [tilespmem:v60+s14+$0x0], $0xffff;
	[tilespmem:$0x1F3C0] =	vst v50;
	v60 =	vimm.s32 $0x0;
	v50 =	vsel vm0, $0x1, v1;
	v13 =	vadd.f32 v42, v18  }
0x323: {  	vm0 =	vgt.f32 v20, v17;
	[tilespmem:$0x1F070] =	vst v24;
	vm3 =	vgt.f32 v3, v16;
	v26 =	vadd.f32 v44, v21  }
0x324: {  	v24 =	vld.idx.msk [tilespmem:v52+s14+$0x0], $0xffff;
	v38 =	vor.u32 $0xD, v0;
	[tilespmem:$0x1F530] =	vst v50;
	v50 =	vor.u32 $0x20, v0;
	v11 =	vadd.f32 v47, v13  }
0x325: {  	[tilespmem:$0x1F360] =	vst v39;
	v39 =	vld [tilespmem:$0x1EDC0];
	v59 =	vsel vm3, $0x1, v1;
	vm4 =	vgt.f32 v3, v18;
	v29 =	vadd.f32 v23, v26  }
0x326: {  	v42 =	vor.u32 $0xE, v0;
	v44 =	vor.u32 $0x3F, v2;
	v33 =	vld.idx.msk [tilespmem:v49+s14+$0x0], $0xffff;
	v15 =	vadd.f32 v51, v11  }
0x327: {  	[tilespmem:$0x1F2C0] =	vst v45;
	v2 =	vor.u32 $0x40, v2;
	v49 =	vor.u32 $0x16, v0;
	v45 =	vld.idx.msk [tilespmem:v36+s14+$0x0], $0xffff;
	v25 =	vadd.f32 v25, v29  }
0x328: {  	vm3 =	vgt.f32 v20, v21;
	v36 =	vor.u32 $0x13, v0;
	v23 =	vld.idx.msk [tilespmem:v62+s14+$0x0], $0xffff;
	v12 =	vadd.f32 v56, v15  }
0x329: {  	vm5 =	vgt.f32 v3, v13;
	v47 =	vsel vm7, $0x1, v1;
	v62 =	vld [tilespmem:$0x1EDA0];
	v27 =	vadd.f32 v27, v25  }
0x32a: {  	vm6 =	vnez.u8 v39;
	[tilespmem:$0x1F3A0] =	vst v47;
	v47 =	vsel vm11, $0x1, v1;
	v16 =	vadd.f32 v61, v12  }
0x32b: {  	[tilespmem:$0x1F300] =	vst v53;
	vm15 =	vgt.f32 v3, v11;
	v53 =	vld.idx.msk [tilespmem:v44+s14+$0x0], $0xffff;
	v44 =	vor.u32 $0x1F, v0;
	v32 =	vadd.f32 v24, v27  }
0x32c: {  	v30 =	vld.idx.msk [tilespmem:v38+s14+$0x0], $0xffff;
	vm13 =	vgt.f32 v3, v15;
	v56 =	vor.u32 $0x11, v0;
	v18 =	vadd.f32 v37, v16  }
0x32d: {  	v48 =	vld.idx.msk [tilespmem:v40+s14+$0x0], $0xffff;
	vm14 =	vgt.f32 v3, v12;
	v24 =	vsel vm10, $0x1, v1;
	v28 =	vadd.f32 v28, v32  }
0x32e: {  	v52 =	vld.idx.msk [tilespmem:v42+s14+$0x0], $0xffff;
	v61 =	vor.u32 $0x12, v0;
	vm10 =	vnez.u8 v62;
	v51 =	vadd.f32 v41, v18  }
0x32f: {  	v35 =	vld [tilespmem:$0x1EDB0];
	v34 =	vadd.f32 v23, v28;
	v23 =	vsel vm9, $0x1, v1;
	vm9 =	vgt.f32 v3, v18  }
0x330: {  	[tilespmem:$0x1F340] =	vst v63;
	v58 =	vld.idx.msk [tilespmem:v46+s14+$0x0], $0xffff;
	v62 =	vsel vm5, $0x1, v1;
	v18 =	vsel vm9, $0xFFFFFFFF, v60;
	v11 =	vadd.f32 v45, v51  }
0x331: {  	v2 =	vld.idx.msk [tilespmem:v2+s14+$0x0], $0xffff;
	vm5 =	vgt.f32 v20, v25;
	v25 =	vor.u32 $0x1A, v0;
	[tilespmem:$0x1EDE0] =	vst v18;
	v18 =	vadd.f32 v30, v34  }
0x332: {  	[tilespmem:$0x1F400] =	vst v24;
	v24 =	vsel vm13, $0x1, v1;
	vm12 =	vgt.f32 v3, v16;
	v63 =	vadd.f32 v48, v11  }
0x333: {  	[tilespmem:$0x1F380] =	vst v43;
	v38 =	vld.idx.msk [tilespmem:v56+s14+$0x0], $0xffff;
	v56 =	vsel vm2, $0x1, v1;
	vm2 =	vgt.f32 v20, v22;
	v13 =	vadd.f32 v52, v18  }
0x334: {  	[tilespmem:$0x1F590] =	vst v59;
	v41 =	vor.u32 $0x14, v0;
	vm9 =	vnez.u8 v35;
	v37 =	vadd.f32 v53, v63  }
0x335: {  	[tilespmem:$0x1F510] =	vst v47;
	v30 =	vsel vm10, $0x1, v1;
	vm10 =	vgt.f32 v3, v51;
	v40 =	vadd.f32 v58, v13  }
0x336: {  	v43 =	vld.idx.msk [tilespmem:v61+s14+$0x0], $0xffff;
	[tilespmem:$0x1F420] =	vst v30;
	v30 =	vsel vm9, $0x1, v1;
	vm9 =	vgt.f32 v3, v11;
	v2 =	vadd.f32 v2, v37  }
0x337: {  	v42 =	vld [tilespmem:$0x1EDD0];
	[tilespmem:$0x1F5D0] =	vst v62;
	v48 =	vor.u32 $0x15, v0;
	vm8 =	vgt.f32 v3, v63;
	v15 =	vadd.f32 v33, v40  }
0x338: {  	vm7 =	vgt.f32 v3, v37;
	vm11 =	vgt.f32 v3, v2;
	v2 =	vadd.s32 v9, v7;
	v3 =	vld.idx.msk [tilespmem:v36+s14+$0x0], $0xffff  }
0x339: {  	v22 =	vsel vm15, $0x1, v1;
	[tilespmem:$0x1F570] =	vst v56;
	v47 =	vadd.s32 v8, v2;
	v2 =	vadd.f32 v38, v15  }
0x33a: {  	vm13 =	vgt.f32 v20, v27;
	v59 =	vsel vm5, $0x1, v1;
	v27 =	vsel vm12, $0x1, v1;
	[tilespmem:$0x1F5F0] =	vst v22;
	v51 =	vld.idx.msk [tilespmem:v41+s14+$0x0], $0xffff  }
0x33b: {  	v62 =	vsel vm13, $0x1, v1;
	vm15 =	vgt.f32 v20, v32;
	[tilespmem:$0x1F650] =	vst v27;
	v53 =	vadd.f32 v43, v2  }
0x33c: {  	v32 =	vor.u32 $0x1C, v0;
	[tilespmem:$0x1F3E0] =	vst v23;
	v23 =	vsel vm6, $0x1, v1;
	vm6 =	vnez.u8 v42;
	v58 =	vld.idx.msk [tilespmem:v48+s14+$0x0], $0xffff  }
0x33d: {  	v60 =	vor.u32 $0x18, v0;
	[tilespmem:$0x1F4D0] =	vst v23;
	v23 =	vsel vm6, $0x1, v1;
	v3 =	vadd.f32 v3, v53  }
0x33e: {  	v56 =	vor.u32 $0x21, v0;
	v22 =	vor.u32 $0x23, v0;
	[tilespmem:$0x1F4F0] =	vst v23;
	v23 =	vadd.s32 v6, v5;
	v5 =	vld.idx.msk [tilespmem:v49+s14+$0x0], $0xffff  }
0x33f: {  	v27 =	vor.u32 $0x24, v0;
	[tilespmem:$0x1F440] =	vst v30;
	v30 =	vld [tilespmem:$0x1EDE0];
	v63 =	vor.u32 $0x19, v0;
	v6 =	vadd.f32 v51, v3  }
0x340: {  	v61 =	vsel vm4, $0x1, v1;
	vm4 =	vgt.f32 v20, v26;
	v26 =	vsel vm14, $0x1, v1;
	v8 =	vld.idx.msk [tilespmem:v55+s14+$0x0], $0xffff  }
0x341: {  	vm14 =	vgt.f32 v20, v28;
	vm6 =	vgt.f32 v20, v29;
	v9 =	vadd.f32 v58, v6  }
0x342: {  	[tilespmem:$0x1F5B0] =	vst v61;
	v29 =	vor.u32 $0x1B, v0;
	v45 =	vsel vm2, $0x1, v1;
	v61 =	vor.u32 $0x22, v0;
	v11 =	vld.idx.msk [tilespmem:v60+s14+$0x0], $0xffff  }
0x343: {  	[tilespmem:$0x1F610] =	vst v24;
	v24 =	vsel vm14, $0x1, v1;
	v31 =	vsel vm10, $0x1, v1;
	v5 =	vadd.f32 v5, v9  }
0x344: {  	[tilespmem:$0x1F0D0] =	vst v24;
	v24 =	vimm.s32 $0x0;
	v52 =	vsel vm1, $0x1, v1;
	vm1 =	vgt.f32 v20, v19;
	v16 =	vld.idx.msk [tilespmem:v63+s14+$0x0], $0xffff  }
0x345: {  	vm10 =	vgt.f32 v20, v18;
	v42 =	vld.idx.msk [tilespmem:v32+s14+$0x0], $0xffff;
	vm12 =	vnez.u8 v30;
	v8 =	vadd.f32 v8, v5  }
0x346: {  	v32 =	vor.u32 $0x25, v0;
	v21 =	vsel vm12, $0x1, v1;
	vm12 =	vgt.f32 v20, v34;
	v34 =	vld.idx.msk [tilespmem:v25+s14+$0x0], $0xffff  }
0x347: {  	v60 =	vor.u32 $0x3, v14;
	v36 =	vor.u32 $0x1D, v0;
	v11 =	vadd.f32 v11, v8  }
0x348: {  	v35 =	vsel vm8, $0x1, v1;
	vm8 =	vgt.f32 v20, v40;
	v40 =	vor.u32 $0x1E, v0;
	v38 =	vld.idx.msk [tilespmem:v29+s14+$0x0], $0xffff  }
0x349: {  	v39 =	vsel vm11, $0x1, v1;
	vm11 =	vgt.f32 v20, v2;
	v2 =	vadd.f32 v16, v11  }
0x34a: {  	[tilespmem:$0x1F630] =	vst v26;
	v41 =	vsel vm0, $0x1, v1;
	vm0 =	vgt.f32 v20, v53;
	v53 =	vor.u32 $0x2, v14  }
0x34b: {  	[tilespmem:$0x1F670] =	vst v31;
	v43 =	vsel vm1, $0x1, v1;
	vm1 =	vgt.f32 v20, v3;
	v3 =	vadd.f32 v34, v2  }
0x34c: {  	v31 =	vsel vm10, $0x1, v1;
	[tilespmem:$0x1EF50] =	vst v41;
	v41 =	vor.u32 $0x8, v14;
	v33 =	vsel vm9, $0x1, v1;
	v46 =	vld.idx.msk [tilespmem:v36+s14+$0x0], $0xffff  }
0x34d: {  	vm9 =	vgt.f32 v20, v13;
	[tilespmem:$0x1F690] =	vst v35;
	v35 =	vor.u32 $0x7, v14;
	v26 =	vld.idx.msk [tilespmem:v60+s14+$0x0], $0xffff;
	v49 =	vadd.f32 v38, v3  }
0x34e: {  	[tilespmem:$0x1F550] =	vst v52;
	v37 =	vsel vm7, $0x1, v1;
	v48 =	vsel vm3, $0x1, v1;
	v63 =	vor.u32 $0x4, v14;
	v52 =	vld.idx.msk [tilespmem:v40+s14+$0x0], $0xffff  }
0x34f: {  	[tilespmem:$0x1F680] =	vst v33;
	v30 =	vor.u32 $0x6, v14;
	vm7 =	vgt.f32 v20, v15;
	v15 =	vld.idx.msk [tilespmem:v53+s14+$0x0], $0xffff;
	v7 =	vadd.f32 v42, v49  }
0x350: {  	v33 =	vimm.s32 $0x0;
	[tilespmem:$0x1F6A0] =	vst v37;
	v25 =	vor.u32 $0x5, v14;
	v37 =	vsel vm9, $0x1, v1;
	v58 =	vld.idx.msk [tilespmem:v44+s14+$0x0], $0xffff  }
0x351: {  	v55 =	vsel vm6, $0x1, v1;
	v29 =	vld.idx.msk [tilespmem:v61+s14+$0x0], $0xffff;
	vm2 =	vgt.f32 v20, v6;
	v6 =	vadd.f32 v46, v7  }
0x352: {  	[tilespmem:$0x1F660] =	vst v21;
	v21 =	vsel vm15, $0x1, v1;
	v28 =	vsel vm12, $0x1, v1;
	vm13 =	vgt.f32 v20, v2;
	v2 =	vld.idx.msk [tilespmem:v50+s14+$0x0], $0xffff  }
0x353: {  	[tilespmem:$0x1F060] =	vst v59;
	v12 =	vld.idx.msk [tilespmem:v63+s14+$0x0], $0xffff;
	v51 =	vsel vm4, $0x1, v1;
	vm4 =	vgt.f32 v20, v5;
	v5 =	vadd.f32 v52, v6  }
0x354: {  	[tilespmem:$0x1EFE0] =	vst v48;
	v60 =	vor.u32 $0x29, v0;
	v48 =	vadd.f32 v15, v10;
	vm15 =	vgt.f32 v20, v3;
	v3 =	vld.idx.msk [tilespmem:v56+s14+$0x0], $0xffff  }
0x355: {  	v61 =	vor.u32 $0xB, v14;
	[tilespmem:$0x1F6B0] =	vst v39;
	v36 =	vld.idx.msk [tilespmem:v25+s14+$0x0], $0xffff;
	vm6 =	vgt.f32 v20, v8;
	v8 =	vadd.f32 v58, v5  }
0x356: {  	v39 =	vimm.s32 $0x0;
	[tilespmem:$0x1EF80] =	vst v43;
	v43 =	vor.u32 $0x27, v0;
	v53 =	vadd.f32 v26, v48  }
0x357: {  	[tilespmem:$0x1F040] =	vst v55;
	v59 =	vsel vm11, $0x1, v1;
	v44 =	vimm.s32 $0x0;
	v2 =	vadd.f32 v2, v8  }
0x358: {  	vm3 =	vgt.f32 v20, v9;
	vm5 =	vgt.f32 v20, v11;
	v34 =	vld.idx.msk [tilespmem:v22+s14+$0x0], $0xffff;
	v55 =	vadd.f32 v12, v53  }
0x359: {  	v38 =	vor.u32 $0x26, v0;
	v56 =	vor.u32 $0x28, v0;
	v3 =	vadd.f32 v3, v2  }
0x35a: {  	v40 =	vld.idx.msk [tilespmem:v27+s14+$0x0], $0xffff;
	[tilespmem:$0x1F010] =	vst v51;
	v51 =	vadd.f32 v36, v55;
	v42 =	vsel vm8, $0x1, v1;
	vm12 =	vgt.f32 v20, v7  }
0x35b: {  	[tilespmem:$0x1EFB0] =	vst v45;
	v45 =	vld.idx.msk [tilespmem:v32+s14+$0x0], $0xffff;
	v46 =	vor.u32 $0x9, v14;
	vm10 =	vgt.f32 v20, v6;
	v7 =	vadd.f32 v29, v3  }
0x35c: {  	[tilespmem:$0x1F130] =	vst v37;
	v11 =	vld.idx.msk [tilespmem:v30+s14+$0x0], $0xffff;
	v6 =	vsel vm10, $0xFFFFFFFF, v33;
	vm10 =	vgt.f32 v20, v2;
	v2 =	vimm.s32 $0x0  }
0x35d: {  	v9 =	vld.idx.msk [tilespmem:v41+s14+$0x0], $0xffff;
	[tilespmem:$0x1EDF0] =	vst v6;
	vm9 =	vgt.f32 v20, v5;
	v2 =	vsel vm10, $0xFFFFFFFF, v2;
	v6 =	vadd.f32 v34, v7  }
0x35e: {  	v5 =	vsel vm9, $0xFFFFFFFF, v39;
	[tilespmem:$0x1EE20] =	vst v2;
	v2 =	vld.idx.msk [tilespmem:v38+s14+$0x0], $0xffff;
	vm11 =	vgt.f32 v20, v3;
	v3 =	vimm.s32 $0x0  }
0x35f: {  	v10 =	vld.idx.msk [tilespmem:v35+s14+$0x0], $0xffff;
	[tilespmem:$0x1EE00] =	vst v5;
	vm8 =	vgt.f32 v20, v8;
	v3 =	vsel vm11, $0xFFFFFFFF, v3;
	v5 =	vadd.f32 v40, v6  }
0x360: {  	v37 =	vor.u32 $0x2C, v0;
	v26 =	vor.u32 $0xC, v14;
	v8 =	vsel vm8, $0xFFFFFFFF, v44;
	[tilespmem:$0x1EE30] =	vst v3;
	v3 =	vld.idx.msk [tilespmem:v43+s14+$0x0], $0xffff  }
0x361: {  	v63 =	vor.u32 $0x2A, v0;
	v22 =	vadd.f32 v11, v51;
	v11 =	vld.idx.msk [tilespmem:v61+s14+$0x0], $0xffff;
	[tilespmem:$0x1EE10] =	vst v8;
	v8 =	vadd.f32 v45, v5  }
0x362: {  	v32 =	vsel vm1, $0x1, v1;
	v35 =	vor.u32 $0xD, v14;
	v25 =	vld.idx.msk [tilespmem:v56+s14+$0x0], $0xffff;
	v58 =	vor.u32 $0xA, v14  }
0x363: {  	v36 =	vsel vm2, $0x1, v1;
	v33 =	vor.u32 $0x2B, v0;
	v12 =	vld.idx.msk [tilespmem:v46+s14+$0x0], $0xffff;
	v2 =	vadd.f32 v2, v8  }
0x364: {  	[tilespmem:$0x1F1F0] =	vst v36;
	v36 =	vor.u32 $0x31, v0;
	vm14 =	vgt.f32 v20, v49;
	v19 =	vadd.f32 v10, v22;
	v34 =	vld.idx.msk [tilespmem:v60+s14+$0x0], $0xffff  }
0x365: {  	v10 =	vld.idx.msk [tilespmem:v26+s14+$0x0], $0xffff;
	v52 =	vsel vm7, $0x1, v1;
	vm7 =	vgt.f32 v20, v7;
	v3 =	vadd.f32 v3, v2  }
0x366: {  	v49 =	vor.u32 $0x10, v14;
	[tilespmem:$0x1F150] =	vst v42;
	v17 =	vadd.f32 v9, v19;
	v39 =	vld.idx.msk [tilespmem:v63+s14+$0x0], $0xffff;
	v7 =	vsel vm7, $0xFFFFFFFF, v24  }
0x367: {  	v42 =	vor.u32 $0x2D, v0;
	v46 =	vor.u32 $0x2E, v0;
	v15 =	vld.idx.msk [tilespmem:v58+s14+$0x0], $0xffff;
	[tilespmem:$0x1EE40] =	vst v7;
	v7 =	vadd.f32 v25, v3  }
0x368: {  	v38 =	vimm.s32 $0x0;
	v29 =	vadd.f32 v12, v17;
	v43 =	vld.idx.msk [tilespmem:v33+s14+$0x0], $0xffff;
	vm8 =	vgt.f32 v20, v5  }
0x369: {  	[tilespmem:$0x1F090] =	vst v62;
	v9 =	vld.idx.msk [tilespmem:v35+s14+$0x0], $0xffff;
	vm7 =	vgt.f32 v20, v6;
	v5 =	vsel vm8, $0xFFFFFFFF, v38;
	v6 =	vadd.f32 v34, v7  }
0x36a: {  	[tilespmem:$0x1F1D0] =	vst v32;
	vm10 =	vgt.f32 v20, v2;
	v2 =	vld.idx.msk [tilespmem:v37+s14+$0x0], $0xffff;
	vm9 =	vgt.f32 v20, v3;
	v3 =	vimm.s32 $0x0  }
0x36b: {  	v32 =	vld.idx.msk [tilespmem:v36+s14+$0x0], $0xffff;
	v40 =	vor.u32 $0xE, v14;
	[tilespmem:$0x1EE50] =	vst v5;
	v3 =	vsel vm9, $0xFFFFFFFF, v3;
	v5 =	vadd.f32 v39, v6  }
0x36c: {  	v62 =	vsel vm0, $0x1, v1;
	v63 =	vor.u32 $0x12, v14;
	v44 =	vor.u32 $0xF, v14;
	[tilespmem:$0x1EE60] =	vst v3;
	v3 =	vld.idx.msk [tilespmem:v42+s14+$0x0], $0xffff  }
0x36d: {  	[tilespmem:$0x1F170] =	vst v52;
	v52 =	vadd.f32 v15, v29;
	vm2 =	vgt.f32 v20, v8;
	v8 =	vadd.f32 v43, v5  }
0x36e: {  	[tilespmem:$0x1F1B0] =	vst v62;
	v62 =	vld.idx.msk [tilespmem:v46+s14+$0x0], $0xffff  }
0x36f: {  	v16 =	vld.idx.msk [tilespmem:v49+s14+$0x0], $0xffff;
	v60 =	vor.u32 $0x30, v0;
	v13 =	vadd.f32 v11, v52;
	v2 =	vadd.f32 v2, v8  }
0x370: {  	[tilespmem:$0x1F0B0] =	vst v21;
	v56 =	vor.u32 $0x2F, v0;
	v12 =	vld.idx.msk [tilespmem:v40+s14+$0x0], $0xffff  }
0x371: {  	[tilespmem:$0x1F0F0] =	vst v28;
	v58 =	vor.u32 $0x11, v14;
	v28 =	vld.idx.msk [tilespmem:v63+s14+$0x0], $0xffff;
	v26 =	vadd.f32 v10, v13;
	v3 =	vadd.f32 v3, v2  }
0x372: {  	[tilespmem:$0x1F190] =	vst v59;
	v41 =	vsel vm3, $0x1, v1;
	v59 =	vsel vm5, $0x1, v1;
	v21 =	vld.idx.msk [tilespmem:v44+s14+$0x0], $0xffff;
	v24 =	vor.u32 $0x1C, v14  }
0x373: {  	v11 =	vadd.f32 v9, v26;
	v43 =	vadd.f32 v62, v3;
	vm5 =	vgt.f32 v20, v3;
	v3 =	vld [tilespmem:$0x1EE00]  }
0x374: {  	[tilespmem:$0x1F210] =	vst v41;
	v50 =	vsel vm6, $0x1, v1;
	v38 =	vor.u32 $0x13, v14;
	v41 =	vld.idx.msk [tilespmem:v60+s14+$0x0], $0xffff  }
0x375: {  	[tilespmem:$0x1F270] =	vst v59;
	v59 =	vor.u32 $0x34, v0;
	v61 =	vimm.s32 $0x0;
	v37 =	vld.idx.msk [tilespmem:v56+s14+$0x0], $0xffff;
	v18 =	vadd.f32 v12, v11  }
0x376: {  	v35 =	vsel vm13, $0x1, v1;
	v46 =	vor.u32 $0x15, v14;
	v40 =	vor.u32 $0x32, v0;
	v25 =	vld.idx.msk [tilespmem:v58+s14+$0x0], $0xffff  }
0x377: {  	v63 =	vor.u32 $0x35, v0;
	v24 =	vld.idx.msk [tilespmem:v24+s14+$0x0], $0xffff;
	v42 =	vor.u32 $0x14, v14;
	v9 =	vadd.f32 v21, v18  }
0x378: {  	v44 =	vsel vm14, $0x1, v1;
	v45 =	vsel vm4, $0x1, v1;
	v62 =	vld [tilespmem:$0x1EDF0];
	vm13 =	vnez.u8 v3  }
0x379: {  	[tilespmem:$0x1F230] =	vst v45;
	vm11 =	vgt.f32 v20, v7;
	v12 =	vld.idx.msk [tilespmem:v38+s14+$0x0], $0xffff;
	v49 =	vadd.f32 v16, v9;
	v3 =	vsel vm13, $0x1, v1  }
0x37a: {  	v45 =	vor.u32 $0x33, v0;
	v7 =	vsel vm11, $0xFFFFFFFF, v61;
	v56 =	vadd.f32 v37, v43;
	[tilespmem:$0x1F330] =	vst v3;
	v3 =	vld [tilespmem:$0x1EE10]  }
0x37b: {  	v60 =	vor.u32 $0x16, v14;
	[tilespmem:$0x1EE70] =	vst v7;
	v7 =	vadd.f32 v25, v49;
	vm9 =	vgt.f32 v20, v2;
	v2 =	vld.idx.msk [tilespmem:v40+s14+$0x0], $0xffff  }
0x37c: {  	[tilespmem:$0x1F250] =	vst v50;
	v58 =	vsel vm12, $0x1, v1;
	v39 =	vsel vm15, $0x1, v1;
	v21 =	vld.idx.msk [tilespmem:v42+s14+$0x0], $0xffff;
	v61 =	vadd.f32 v41, v56  }
0x37d: {  	[tilespmem:$0x1F2F0] =	vst v58;
	v58 =	vld [tilespmem:$0x1EE20];
	vm15 =	vgt.f32 v20, v5;
	v50 =	vadd.f32 v28, v7;
	vm12 =	vnez.u8 v62  }
0x37e: {  	v16 =	vld.idx.msk [tilespmem:v46+s14+$0x0], $0xffff;
	v42 =	vor.u32 $0x37, v0;
	v5 =	vsel vm12, $0x1, v1;
	v32 =	vadd.f32 v32, v61  }
0x37f: {  	vm11 =	vgt.f32 v20, v43;
	v43 =	vld.idx.msk [tilespmem:v63+s14+$0x0], $0xffff;
	[tilespmem:$0x1F310] =	vst v5;
	v5 =	vadd.f32 v12, v50;
	vm14 =	vnez.u8 v3  }
0x380: {  	[tilespmem:$0x1F290] =	vst v35;
	v35 =	vadd.f32 v2, v32;
	v2 =	vld.idx.msk [tilespmem:v60+s14+$0x0], $0xffff;
	v3 =	vsel vm14, $0x1, v1  }
0x381: {  	vm6 =	vgt.f32 v20, v8;
	v8 =	vor.u32 $0x17, v14;
	v63 =	vld [tilespmem:$0x1EE30];
	[tilespmem:$0x1F350] =	vst v3;
	v3 =	vadd.f32 v21, v5  }
0x382: {  	v10 =	vor.u32 $0x36, v0;
	v33 =	vld.idx.msk [tilespmem:v45+s14+$0x0], $0xffff  }
0x383: {  	v40 =	vld.idx.msk [tilespmem:v59+s14+$0x0], $0xffff;
	v59 =	vor.u32 $0x38, v0;
	v46 =	vadd.f32 v16, v3  }
0x384: {  	vm8 =	vgt.f32 v20, v6;
	vm4 =	vnez.u8 v58;
	v25 =	vld.idx.msk [tilespmem:v42+s14+$0x0], $0xffff;
	v41 =	vor.u32 $0x18, v14  }
0x385: {  	vm12 =	vgt.f32 v20, v56;
	v56 =	vor.u32 $0x19, v14;
	v15 =	vadd.f32 v2, v46;
	v2 =	vld [tilespmem:$0x1EE40]  }
0x386: {  	v6 =	vsel vm4, $0x1, v1;
	v28 =	vld.idx.msk [tilespmem:v8+s14+$0x0], $0xffff;
	vm13 =	vnez.u8 v63;
	v12 =	vor.u32 $0x1B, v14  }
0x387: {  	[tilespmem:$0x1F370] =	vst v6;
	v60 =	vld.idx.msk [tilespmem:v10+s14+$0x0], $0xffff;
	v6 =	vsel vm13, $0x1, v1;
	v10 =	vor.u32 $0x39, v0  }
0x388: {  	v33 =	vadd.f32 v33, v35;
	vm13 =	vgt.f32 v20, v35;
	v35 =	vld.idx.msk [tilespmem:v59+s14+$0x0], $0xffff;
	v59 =	vor.u32 $0x1D, v14  }
0x389: {  	v62 =	vld.idx.msk [tilespmem:v41+s14+$0x0], $0xffff  }
0x38a: {  	vm4 =	vgt.f32 v20, v61;
	v61 =	vor.u32 $0x1A, v14;
	v36 =	vld.idx.msk [tilespmem:v56+s14+$0x0], $0xffff;
	vm14 =	vnez.u8 v2  }
0x38b: {  	[tilespmem:$0x1F110] =	vst v31;
	vm0 =	vgt.f32 v20, v32;
	v32 =	vld.idx.msk [tilespmem:v12+s14+$0x0], $0xffff;
	v2 =	vsel vm14, $0x1, v1  }
0x38c: {  	v56 =	vor.u32 $0x3B, v0;
	v31 =	vadd.f32 v40, v33;
	v58 =	vld.idx.msk [tilespmem:v10+s14+$0x0], $0xffff;
	[tilespmem:$0x1F3B0] =	vst v2;
	v2 =	vadd.f32 v28, v15  }
0x38d: {  	v21 =	vor.u32 $0x3A, v0;
	v37 =	vld.idx.msk [tilespmem:v59+s14+$0x0], $0xffff  }
0x38e: {  	v34 =	vadd.f32 v43, v31;
	v59 =	vld [tilespmem:$0x1EE60];
	v10 =	vadd.f32 v62, v2;
	v62 =	vor.u32 $0x3C, v0  }
0x38f: {  	v16 =	vld.idx.msk [tilespmem:v61+s14+$0x0], $0xffff  }
0x390: {  	v45 =	vsel vm7, $0x1, v1;
	v30 =	vadd.f32 v60, v34;
	v61 =	vld [tilespmem:$0x1EE50]  }
0x391: {  	[tilespmem:$0x1F3D0] =	vst v45;
	v45 =	vsel vm10, $0x1, v1;
	v27 =	vld.idx.msk [tilespmem:v56+s14+$0x0], $0xffff  }
0x392: {  	[tilespmem:$0x1F430] =	vst v45;
	v45 =	vor.u32 $0x3F, v0;
	v60 =	vadd.f32 v25, v30;
	v63 =	vld.idx.msk [tilespmem:v21+s14+$0x0], $0xffff  }
0x393: {  	v43 =	vor.u32 $0x3D, v0;
	v21 =	vor.u32 $0x1E, v14;
	v12 =	vadd.f32 v36, v10;
	v42 =	vld.idx.msk [tilespmem:v62+s14+$0x0], $0xffff  }
0x394: {  	v56 =	vor.u32 $0x3E, v0;
	v35 =	vadd.f32 v35, v60;
	v62 =	vor.u32 $0x40, v0;
	v0 =	vld [tilespmem:$0x1EE70]  }
0x395: {  	vm7 =	vnez.u8 v61;
	v28 =	vor.u32 $0x1F, v14;
	v8 =	vadd.f32 v16, v12  }
0x396: {  	[tilespmem:$0x1F390] =	vst v6;
	vm1 =	vgt.f32 v20, v33;
	vm10 =	vnez.u8 v59;
	v6 =	vsel vm7, $0x1, v1  }
0x397: {  	v33 =	vadd.f32 v58, v35;
	v58 =	vor.u32 $0x20, v14;
	v16 =	vadd.f32 v32, v8  }
0x398: {  	vm3 =	vgt.f32 v20, v60;
	v61 =	vor.u32 $0x21, v14;
	[tilespmem:$0x1F3F0] =	vst v6;
	v6 =	vsel vm10, $0x1, v1;
	v36 =	vld.idx.msk [tilespmem:v21+s14+$0x0], $0xffff  }
0x399: {  	[tilespmem:$0x1F2D0] =	vst v44;
	v60 =	vld.idx.msk [tilespmem:v43+s14+$0x0], $0xffff;
	v44 =	vadd.f32 v63, v33;
	v21 =	vadd.f32 v24, v16;
	vm10 =	vnez.u8 v0  }
0x39a: {  	v25 =	vsel vm2, $0x1, v1;
	vm2 =	vgt.f32 v20, v34;
	v38 =	vld.idx.msk [tilespmem:v28+s14+$0x0], $0xffff;
	v0 =	vsel vm10, $0x1, v1  }
0x39b: {  	v63 =	vld.idx.msk [tilespmem:v56+s14+$0x0], $0xffff;
	v34 =	vadd.f32 v27, v44;
	v24 =	vor.u32 $0x22, v14;
	[tilespmem:$0x1F480] =	vst v0;
	v0 =	vadd.f32 v37, v21  }
0x39c: {  	vm14 =	vgt.f32 v20, v31;
	v28 =	vld.idx.msk [tilespmem:v58+s14+$0x0], $0xffff  }
0x39d: {  	v45 =	vld.idx.msk [tilespmem:v45+s14+$0x0], $0xffff;
	v31 =	vor.u32 $0x23, v14;
	v27 =	vadd.f32 v42, v34;
	v32 =	vadd.f32 v36, v0  }
0x39e: {  	[tilespmem:$0x1F410] =	vst v25;
	v25 =	vsel vm8, $0x1, v1;
	v59 =	vor.u32 $0x24, v14;
	v40 =	vld.idx.msk [tilespmem:v61+s14+$0x0], $0xffff  }
0x39f: {  	[tilespmem:$0x1F2B0] =	vst v39;
	vm8 =	vgt.f32 v20, v33;
	v39 =	vadd.f32 v60, v27;
	v33 =	vadd.f32 v38, v32  }
0x3a0: {  	v56 =	vsel vm6, $0x1, v1;
	vm6 =	vgt.f32 v20, v34;
	vm10 =	vgt.f32 v20, v35;
	v37 =	vld.idx.msk [tilespmem:v24+s14+$0x0], $0xffff  }
0x3a1: {  	v35 =	vadd.f32 v63, v39;
	v63 =	vor.u32 $0x25, v14;
	v34 =	vadd.f32 v28, v33  }
0x3a2: {  	v41 =	vsel vm13, $0x1, v1;
	vm7 =	vgt.f32 v20, v30;
	v30 =	vsel vm15, $0x1, v1;
	v36 =	vld.idx.msk [tilespmem:v31+s14+$0x0], $0xffff  }
0x3a3: {  	[tilespmem:$0x1F4A0] =	vst v25;
	v43 =	vld.idx.msk [tilespmem:v62+s14+$0x0], $0xffff;
	v42 =	vadd.f32 v45, v35;
	v45 =	vor.u32 $0x26, v14;
	v25 =	vadd.f32 v40, v34  }
0x3a4: {  	[tilespmem:$0x1F4C0] =	vst v56;
	v56 =	vadd.s32 v54, v23;
	v54 =	vadd.s32 v57, v47;
	v62 =	vsel vm5, $0x1, v1;
	v38 =	vld.idx.msk [tilespmem:v59+s14+$0x0], $0xffff  }
0x3a5: {  	v23 =	vsel vm0, $0x1, v1;
	[tilespmem:$0x1F500] =	vst v62;
	v62 =	vor.u32 $0x27, v14;
	v31 =	vadd.f32 v37, v25  }
0x3a6: {  	v47 =	vor.u32 $0x2A, v14;
	vm15 =	vgt.f32 v20, v44;
	v61 =	vsel vm9, $0x1, v1;
	v63 =	vld.idx.msk [tilespmem:v63+s14+$0x0], $0xffff  }
0x3a7: {  	[tilespmem:$0x1F4B0] =	vst v30;
	v44 =	vsel vm11, $0x1, v1;
	v24 =	vor.u32 $0x28, v14;
	v30 =	vadd.f32 v36, v31  }
0x3a8: {  	v58 =	vimm.s32 $0x0;
	vm5 =	vgt.f32 v20, v39;
	vm11 =	vgt.f32 v20, v35;
	v35 =	vld.idx.msk [tilespmem:v45+s14+$0x0], $0xffff  }
0x3a9: {  	v39 =	vadd.f32 v43, v42;
	v43 =	vor.u32 $0x29, v14;
	v28 =	vadd.f32 v38, v30  }
0x3aa: {  	[tilespmem:$0x1F450] =	vst v6;
	v6 =	vsel vm6, $0xFFFFFFFF, v58;
	vm9 =	vgt.f32 v20, v27;
	v60 =	vsel vm12, $0x1, v1;
	v37 =	vld.idx.msk [tilespmem:v62+s14+$0x0], $0xffff  }
0x3ab: {  	[tilespmem:$0x1F5A0] =	vst v41;
	vm6 =	vgt.f32 v20, v42;
	vm12 =	vgt.f32 v20, v39;
	v20 =	vadd.f32 v63, v28  }
0x3ac: {  	[tilespmem:$0x1F520] =	vst v44;
	v44 =	vsel vm14, $0x1, v1;
	vm14 =	vgt.f32 v4, v51;
	v42 =	vsel vm1, $0x1, v1;
	v51 =	vld.idx.msk [tilespmem:v24+s14+$0x0], $0xffff  }
0x3ad: {  	[tilespmem:$0x1F580] =	vst v23;
	vm1 =	vgt.f32 v4, v55;
	v55 =	vor.u32 $0x2B, v14;
	v27 =	vadd.f32 v35, v20  }
0x3ae: {  	vm13 =	vgt.f32 v4, v53;
	[tilespmem:$0x1F4E0] =	vst v61;
	v45 =	vsel vm2, $0x1, v1;
	vm2 =	vgt.f32 v4, v22;
	v22 =	vld.idx.msk [tilespmem:v43+s14+$0x0], $0xffff  }
0x3af: {  	v53 =	vsel vm3, $0x1, v1;
	v23 =	vor.u32 $0x2C, v14;
	[tilespmem:$0x1EE80] =	vst v6;
	v6 =	vadd.f32 v37, v27  }
0x3b0: {  	vm3 =	vgt.f32 v4, v17;
	v17 =	vor.u32 $0x2F, v14;
	vm0 =	vgt.f32 v4, v48;
	[tilespmem:$0x1F5E0] =	vst v44;
	v40 =	vld.idx.msk [tilespmem:v47+s14+$0x0], $0xffff  }
0x3b1: {  	v48 =	vsel vm7, $0x1, v1;
	[tilespmem:$0x1F5C0] =	vst v42;
	v42 =	vor.u32 $0x2D, v14;
	v24 =	vadd.f32 v51, v6  }
0x3b2: {  	vm7 =	vgt.f32 v4, v19;
	v61 =	vsel vm4, $0x1, v1;
	vm4 =	vgt.f32 v4, v52;
	[tilespmem:$0x1F540] =	vst v60;
	v44 =	vld.idx.msk [tilespmem:v55+s14+$0x0], $0xffff  }
0x3b3: {  	v41 =	vld [tilespmem:$0x1EE80];
	v60 =	vsel vm9, $0x1, v1;
	[tilespmem:$0x1F600] =	vst v45;
	v45 =	vor.u32 $0x2E, v14;
	v19 =	vadd.f32 v22, v24  }
0x3b4: {  	vm9 =	vgt.f32 v4, v2;
	v2 =	vimm.s32 $0x0;
	v47 =	vld.idx.msk [tilespmem:v23+s14+$0x0], $0xffff;
	v62 =	vsel vm15, $0x1, v1  }
0x3b5: {  	vm15 =	vgt.f32 v4, v13;
	v55 =	vsel vm5, $0x1, v1;
	v23 =	vadd.f32 v40, v19  }
0x3b6: {  	vm5 =	vgt.f32 v4, v18;
	v18 =	vld.idx.msk [tilespmem:v42+s14+$0x0], $0xffff;
	v38 =	vimm.s32 $0x0;
	v63 =	vsel vm10, $0x1, v1  }
0x3b7: {  	vm10 =	vgt.f32 v4, v29;
	v29 =	vor.u32 $0x30, v14;
	v22 =	vadd.f32 v44, v23  }
0x3b8: {  	v52 =	vsel vm6, $0x1, v1;
	v13 =	vsel vm15, $0xFFFFFFFF, v38;
	vm15 =	vnez.u8 v41;
	v35 =	vld.idx.msk [tilespmem:v45+s14+$0x0], $0xffff  }
0x3b9: {  	v59 =	vsel vm15, $0x1, v1;
	vm15 =	vgt.f32 v4, v26;
	v26 =	vadd.f32 v47, v22  }
0x3ba: {  	vm6 =	vgt.f32 v4, v49;
	v49 =	vsel vm1, $0x1, v1;
	vm1 =	vgt.f32 v4, v3;
	v3 =	vld.idx.msk [tilespmem:v17+s14+$0x0], $0xffff  }
0x3bb: {  	[tilespmem:$0x1F560] =	vst v61;
	v2 =	vsel vm9, $0xFFFFFFFF, v2;
	v17 =	vadd.f32 v18, v26  }
0x3bc: {  	v61 =	vsel vm8, $0x1, v1;
	vm8 =	vgt.f32 v4, v11;
	[tilespmem:$0x1EEB0] =	vst v2;
	v43 =	vimm.s32 $0x0;
	v2 =	vld.idx.msk [tilespmem:v29+s14+$0x0], $0xffff  }
0x3bd: {  	v11 =	vsel vm8, $0xFFFFFFFF, v43;
	vm8 =	vgt.f32 v4, v15;
	v15 =	vadd.f32 v35, v17  }
0x3be: {  	[tilespmem:$0x1EE90] =	vst v13  }
0x3bf: {  	[tilespmem:$0x1F620] =	vst v48;
	v48 =	vsel vm2, $0x1, v1;
	vm2 =	vgt.f32 v4, v10;
	v10 =	vadd.f32 v3, v15;
	v3 =	vld [tilespmem:$0x1EE90]  }
0x3c0: {  	v36 =	vor.u32 $0x31, v14;
	[tilespmem:$0x1EEA0] =	vst v11  }
0x3c1: {  	vm9 =	vgt.f32 v4, v8;
	v8 =	vadd.f32 v2, v10;
	v2 =	vld [tilespmem:$0x1EEA0]  }
0x3c2: {  	v37 =	vor.u32 $0x32, v14  }
0x3c3: {  	v57 =	vsel vm11, $0x1, v1;
	vm11 =	vgt.f32 v4, v9  }
0x3c4: {  	v38 =	vor.u32 $0x33, v14;
	v47 =	vsel vm7, $0x1, v1;
	vm7 =	vnez.u8 v3  }
0x3c5: {  	v9 =	vld.idx.msk [tilespmem:v36+s14+$0x0], $0xffff;
	v3 =	vimm.s32 $0x0;
	v44 =	vsel vm7, $0x1, v1;
	vm7 =	vgt.f32 v4, v16  }
0x3c6: {  	v29 =	vor.u32 $0x34, v14;
	v3 =	vsel vm7, $0xFFFFFFFF, v3;
	vm7 =	vnez.u8 v2  }
0x3c7: {  	v13 =	vld.idx.msk [tilespmem:v37+s14+$0x0], $0xffff;
	v42 =	vsel vm7, $0x1, v1;
	vm7 =	vgt.f32 v4, v0;
	v0 =	vimm.s32 $0x0  }
0x3c8: {  	[tilespmem:$0x1F640] =	vst v53;
	v35 =	vor.u32 $0x35, v14;
	v0 =	vsel vm7, $0xFFFFFFFF, v0  }
0x3c9: {  	v53 =	vsel vm13, $0x1, v1;
	vm13 =	vgt.f32 v4, v5;
	[tilespmem:$0x1EED0] =	vst v0;
	v0 =	vld.idx.msk [tilespmem:v38+s14+$0x0], $0xffff  }
0x3ca: {  	v5 =	vor.u32 $0x36, v14;
	v58 =	vsel vm12, $0x1, v1;
	v9 =	vadd.f32 v9, v8  }
0x3cb: {  	vm12 =	vgt.f32 v4, v7;
	v45 =	vsel vm10, $0x1, v1;
	vm10 =	vgt.f32 v4, v12;
	v12 =	vld.idx.msk [tilespmem:v29+s14+$0x0], $0xffff  }
0x3cc: {  	v7 =	vor.u32 $0x37, v14;
	v43 =	vsel vm4, $0x1, v1;
	v18 =	vadd.f32 v13, v9  }
0x3cd: {  	vm4 =	vgt.f32 v4, v31;
	v16 =	vld.idx.msk [tilespmem:v35+s14+$0x0], $0xffff;
	v2 =	vimm.s32 $0x0;
	v38 =	vsel vm12, $0x1, v1  }
0x3ce: {  	vm12 =	vgt.f32 v4, v25;
	v25 =	vadd.f32 v0, v18;
	v0 =	vor.u32 $0x38, v14  }
0x3cf: {  	v11 =	vld.idx.msk [tilespmem:v5+s14+$0x0], $0xffff;
	v2 =	vsel vm4, $0xFFFFFFFF, v2  }
0x3d0: {  	[tilespmem:$0x1EEE0] =	vst v2;
	vm7 =	vgt.f32 v4, v30;
	v2 =	vimm.s32 $0x0;
	v13 =	vadd.f32 v12, v25  }
0x3d1: {  	v2 =	vsel vm7, $0xFFFFFFFF, v2;
	vm7 =	vgt.f32 v4, v20;
	v20 =	vld.idx.msk [tilespmem:v7+s14+$0x0], $0xffff  }
0x3d2: {  	v41 =	vsel vm15, $0x1, v1;
	vm15 =	vgt.f32 v4, v21;
	[tilespmem:$0x1EEF0] =	vst v2;
	v2 =	vld [tilespmem:$0x1EEB0];
	v21 =	vadd.f32 v16, v13  }
0x3d3: {  	v0 =	vld.idx.msk [tilespmem:v0+s14+$0x0], $0xffff  }
0x3d4: {  	v12 =	vor.u32 $0x39, v14;
	v7 =	vadd.f32 v11, v21;
	_ =	sdelay $0x1  }
0x3d5: {  	v29 =	vsel vm10, $0x1, v1;
	vm10 =	vgt.f32 v4, v19;
	[tilespmem:$0x1EEC0] =	vst v3;
	v19 =	vadd.f32 v20, v7  }
0x3d6: {  	v39 =	vsel vm5, $0x1, v1;
	v36 =	vsel vm13, $0x1, v1;
	vm13 =	vnez.u8 v2;
	v2 =	vld [tilespmem:$0x1EEC0]  }
0x3d7: {  	vm5 =	vgt.f32 v4, v32;
	v16 =	vor.u32 $0x3A, v14;
	v5 =	vadd.f32 v0, v19;
	v0 =	vld [tilespmem:$0x1EED0]  }
0x3d8: {  	v31 =	vsel vm8, $0x1, v1;
	v51 =	vsel vm0, $0x1, v1;
	v3 =	vor.u32 $0x3D, v14;
	v12 =	vld.idx.msk [tilespmem:v12+s14+$0x0], $0xffff  }
0x3d9: {  	vm0 =	vgt.f32 v4, v50;
	v50 =	vsel vm14, $0x1, v1;
	vm14 =	vgt.f32 v4, v46  }
0x3da: {  	v37 =	vsel vm6, $0x1, v1;
	vm6 =	vgt.f32 v4, v34;
	v34 =	vsel vm14, $0x1, v1  }
0x3db: {  	vm14 =	vgt.f32 v4, v27;
	v27 =	vsel vm9, $0x1, v1;
	v11 =	vor.u32 $0x3B, v14  }
0x3dc: {  	vm8 =	vnez.u8 v2;
	v20 =	vor.u32 $0x3C, v14;
	v2 =	vld.idx.msk [tilespmem:v16+s14+$0x0], $0xffff;
	vm9 =	vnez.u8 v0  }
0x3dd: {  	v0 =	vadd.f32 v12, v5;
	v12 =	vsel vm12, $0x1, v1;
	vm12 =	vgt.f32 v4, v9;
	v9 =	vld.idx.msk [tilespmem:v3+s14+$0x0], $0xffff  }
0x3de: {  	v40 =	vsel vm11, $0x1, v1;
	vm11 =	vgt.f32 v4, v33;
	v33 =	vsel vm1, $0x1, v1;
	v3 =	vld [tilespmem:$0x1EEE0]  }
0x3df: {  	vm1 =	vgt.f32 v4, v17;
	vm4 =	vgt.f32 v4, v28;
	v32 =	vsel vm13, $0x1, v1  }
0x3e0: {  	vm13 =	vgt.f32 v4, v6;
	v28 =	vsel vm8, $0x1, v1;
	vm8 =	vgt.f32 v4, v22  }
0x3e1: {  	v22 =	vsel vm11, $0x1, v1;
	vm11 =	vgt.f32 v4, v10;
	v17 =	vld.idx.msk [tilespmem:v11+s14+$0x0], $0xffff;
	v11 =	vimm.s32 $0x0  }
0x3e2: {  	v16 =	vor.u32 $0x3E, v14;
	v10 =	vld.idx.msk [tilespmem:v20+s14+$0x0], $0xffff;
	v6 =	vsel vm12, $0xFFFFFFFF, v11;
	v20 =	vadd.f32 v2, v0  }
0x3e3: {  	v2 =	vor.u32 $0x3F, v14;
	[tilespmem:$0x1F460] =	vst v6;
	v6 =	vor.u32 $0x40, v14;
	vm12 =	vnez.u8 v3  }
0x3e4: {  	v3 =	vimm.s32 $0x0;
	v14 =	vsel vm12, $0x1, v1;
	vm12 =	vgt.f32 v4, v18  }
0x3e5: {  	v3 =	vsel vm12, $0xFFFFFFFF, v3  }
0x3e6: {  	[tilespmem:$0x1F470] =	vst v3;
	v3 =	vld [tilespmem:$0x1EEF0];
	_ =	sdelay $0x3  }
0x3e7: {  	v46 =	vsel vm3, $0x1, v1;
	vm3 =	vgt.f32 v4, v24;
	v24 =	vsel vm15, $0x1, v1  }
0x3e8: {  	vm15 =	vgt.f32 v4, v26;
	v26 =	vsel vm9, $0x1, v1;
	vm12 =	vnez.u8 v3  }
0x3e9: {  	v3 =	vimm.s32 $0x0;
	v11 =	vsel vm12, $0x1, v1;
	vm12 =	vgt.f32 v4, v25  }
0x3ea: {  	vm9 =	vgt.f32 v4, v8;
	v8 =	vadd.f32 v17, v20;
	v3 =	vsel vm12, $0xFFFFFFFF, v3  }
0x3eb: {  	v30 =	vsel vm2, $0x1, v1;
	vm2 =	vgt.f32 v4, v23;
	[tilespmem:$0x1F490] =	vst v3;
	v3 =	vld.idx.msk [tilespmem:v16+s14+$0x0], $0xffff  }
0x3ec: {  	v23 =	vsel vm5, $0x1, v1;
	vm5 =	vgt.f32 v4, v13;
	v13 =	vadd.f32 v10, v8  }
0x3ed: {  	v35 =	vsel vm0, $0x1, v1;
	vm0 =	vgt.f32 v4, v15;
	v15 =	vsel vm6, $0x1, v1;
	v18 =	vld.idx.msk [tilespmem:v2+s14+$0x0], $0xffff  }
0x3ee: {  	vm6 =	vgt.f32 v4, v21;
	v17 =	vsel vm3, $0x1, v1;
	v21 =	vadd.f32 v9, v13  }
0x3ef: {  	vm3 =	vgt.f32 v4, v5;
	v10 =	vsel vm7, $0x1, v1;
	vm7 =	vgt.f32 v4, v7;
	v5 =	vld.idx.msk [tilespmem:v6+s14+$0x0], $0xffff  }
0x3f0: {  	v7 =	vsel vm10, $0x1, v1;
	vm10 =	vgt.f32 v4, v0;
	v0 =	vadd.f32 v3, v21  }
0x3f1: {  	v9 =	vsel vm13, $0x1, v1;
	vm13 =	vgt.f32 v4, v13;
	v13 =	vld [tilespmem:$0x1EF10]  }
0x3f2: {  	v6 =	vsel vm2, $0x1, v1;
	vm2 =	vgt.f32 v4, v20;
	v20 =	vld [tilespmem:$0x1EF00];
	v18 =	vadd.f32 v18, v0  }
0x3f3: {  	v25 =	vsel vm14, $0x1, v1;
	vm14 =	vgt.f32 v4, v21  }
0x3f4: {  	vm12 =	vgt.f32 v4, v8;
	v8 =	vsel vm0, $0x1, v1;
	v5 =	vadd.f32 v5, v18  }
0x3f5: {  	v16 =	vsel vm4, $0x1, v1;
	vm4 =	vgt.f32 v4, v19;
	v19 =	vsel vm1, $0x1, v1  }
0x3f6: {  	v3 =	vsel vm15, $0x1, v1;
	vm0 =	vgt.f32 v4, v5;
	v5 =	vadd.s32 v13, v54;
	v54 =	vld [tilespmem:$0x1EF40]  }
0x3f7: {  	vm15 =	vgt.f32 v4, v0;
	vm1 =	vgt.f32 v4, v18;
	v4 =	vadd.s32 v20, v56;
	v56 =	vld [tilespmem:$0x1EF50];
	_ =	sdelay $0x2  }
0x3f8: {  	v18 =	vld [tilespmem:$0x1EF20]  }
0x3f9: {  	v20 =	vld [tilespmem:$0x1EF30]  }
0x3fa: {  	v13 =	vadd.s32 v56, v54;
	v54 =	vld [tilespmem:$0x1EF60]  }
0x3fb: {  	v56 =	vld [tilespmem:$0x1EF70];
	_ =	sdelay $0x2  }
0x3fc: {  	v4 =	vadd.s32 v18, v4  }
0x3fd: {  	v5 =	vadd.s32 v20, v5;
	v4 =	vadd.s32 v54, v4;
	v54 =	vld [tilespmem:$0x1EF80]  }
0x3fe: {  	v5 =	vadd.s32 v56, v5;
	v56 =	vld [tilespmem:$0x1EF90];
	_ =	sdelay $0x3  }
0x3ff: {  	v13 =	vadd.s32 v54, v13;
	v54 =	vld [tilespmem:$0x1EFA0]  }
0x400: {  	v4 =	vadd.s32 v56, v4;
	v56 =	vld [tilespmem:$0x1EFB0];
	_ =	sdelay $0x3  }
0x401: {  	v5 =	vadd.s32 v54, v5;
	v54 =	vld [tilespmem:$0x1EFC0]  }
0x402: {  	v13 =	vadd.s32 v56, v13;
	v56 =	vld [tilespmem:$0x1EFD0];
	_ =	sdelay $0x3  }
0x403: {  	v4 =	vadd.s32 v54, v4;
	v54 =	vld [tilespmem:$0x1EFE0]  }
0x404: {  	v5 =	vadd.s32 v56, v5;
	v56 =	vld [tilespmem:$0x1EFF0];
	_ =	sdelay $0x3  }
0x405: {  	v13 =	vadd.s32 v54, v13;
	v54 =	vld [tilespmem:$0x1F000]  }
0x406: {  	v4 =	vadd.s32 v56, v4;
	v56 =	vld [tilespmem:$0x1F010];
	_ =	sdelay $0x3  }
0x407: {  	v5 =	vadd.s32 v54, v5;
	v54 =	vld [tilespmem:$0x1F020]  }
0x408: {  	v13 =	vadd.s32 v56, v13;
	v56 =	vld [tilespmem:$0x1F030];
	_ =	sdelay $0x3  }
0x409: {  	v4 =	vadd.s32 v54, v4;
	v54 =	vld [tilespmem:$0x1F040]  }
0x40a: {  	v5 =	vadd.s32 v56, v5;
	v56 =	vld [tilespmem:$0x1F050];
	_ =	sdelay $0x3  }
0x40b: {  	v13 =	vadd.s32 v54, v13;
	v54 =	vld [tilespmem:$0x1F060]  }
0x40c: {  	v5 =	vadd.s32 v56, v5;
	v56 =	vld [tilespmem:$0x1F070];
	_ =	sdelay $0x3  }
0x40d: {  	v13 =	vadd.s32 v54, v13;
	v54 =	vld [tilespmem:$0x1F080]  }
0x40e: {  	v18 =	vadd.s32 v51, v56;
	v56 =	vld [tilespmem:$0x1F090]  }
0x40f: {  	v51 =	vld [tilespmem:$0x1F0A0]  }
0x410: {  	v18 =	vadd.s32 v53, v18;
	v53 =	vld [tilespmem:$0x1F0B0]  }
0x411: {  	v18 =	vadd.s32 v49, v18;
	v49 =	vld [tilespmem:$0x1F0E0]  }
0x412: {  	v18 =	vadd.s32 v50, v18;
	v50 =	vld [tilespmem:$0x1F0F0]  }
0x413: {  	v18 =	vadd.s32 v48, v18;
	v48 =	vld [tilespmem:$0x1F150]  }
0x414: {  	v5 =	vadd.s32 v54, v5;
	v54 =	vld [tilespmem:$0x1F0C0]  }
0x415: {  	v13 =	vadd.s32 v56, v13;
	v56 =	vld [tilespmem:$0x1F0D0]  }
0x416: {  	v18 =	vadd.s32 v47, v18;
	v47 =	vld [tilespmem:$0x1F140]  }
0x417: {  	v5 =	vadd.s32 v51, v5;
	v51 =	vld [tilespmem:$0x1F100]  }
0x418: {  	v13 =	vadd.s32 v53, v13;
	v53 =	vld [tilespmem:$0x1F110]  }
0x419: {  	v18 =	vadd.s32 v46, v18;
	v46 =	vld [tilespmem:$0x1F1F0]  }
0x41a: {  	v18 =	vadd.s32 v45, v18;
	v45 =	vld [tilespmem:$0x1F1E0]  }
0x41b: {  	v18 =	vadd.s32 v43, v18;
	v43 =	vld [tilespmem:$0x1F1C0]  }
0x41c: {  	v18 =	vadd.s32 v44, v18;
	v44 =	vld [tilespmem:$0x1F1D0]  }
0x41d: {  	v5 =	vadd.s32 v54, v5;
	v54 =	vld [tilespmem:$0x1F120]  }
0x41e: {  	v13 =	vadd.s32 v56, v13;
	v56 =	vld [tilespmem:$0x1F130]  }
0x41f: {  	v5 =	vadd.s32 v49, v5;
	v49 =	vld [tilespmem:$0x1F160]  }
0x420: {  	v13 =	vadd.s32 v50, v13;
	v50 =	vld [tilespmem:$0x1F170]  }
0x421: {  	v18 =	vadd.s32 v41, v18;
	v5 =	vadd.s32 v51, v5;
	v51 =	vld [tilespmem:$0x1F180]  }
0x422: {  	v18 =	vadd.s32 v42, v18;
	v13 =	vadd.s32 v53, v13;
	v53 =	vld [tilespmem:$0x1F190]  }
0x423: {  	v18 =	vadd.s32 v39, v18;
	v39 =	vld [tilespmem:$0x1F2A0]  }
0x424: {  	v18 =	vadd.s32 v40, v18;
	v40 =	vld [tilespmem:$0x1F2B0]  }
0x425: {  	v18 =	vadd.s32 v37, v18;
	v37 =	vld [tilespmem:$0x1F280]  }
0x426: {  	v5 =	vadd.s32 v54, v5;
	v54 =	vld [tilespmem:$0x1F1A0]  }
0x427: {  	v13 =	vadd.s32 v56, v13;
	v56 =	vld [tilespmem:$0x1F1B0]  }
0x428: {  	v18 =	vadd.s32 v38, v18;
	v38 =	vld [tilespmem:$0x1F290]  }
0x429: {  	v5 =	vadd.s32 v47, v5;
	v47 =	vld [tilespmem:$0x1F200]  }
0x42a: {  	v13 =	vadd.s32 v48, v13;
	v48 =	vld [tilespmem:$0x1F210]  }
0x42b: {  	v18 =	vadd.s32 v35, v18;
	v35 =	vld [tilespmem:$0x1F3F0]  }
0x42c: {  	v5 =	vadd.s32 v49, v5;
	v49 =	vld [tilespmem:$0x1F220]  }
0x42d: {  	v13 =	vadd.s32 v50, v13;
	v50 =	vld [tilespmem:$0x1F230]  }
0x42e: {  	v18 =	vadd.s32 v36, v18;
	v36 =	vld [tilespmem:$0x1F400]  }
0x42f: {  	v5 =	vadd.s32 v51, v5;
	v51 =	vld [tilespmem:$0x1F240]  }
0x430: {  	v13 =	vadd.s32 v53, v13;
	v53 =	vld [tilespmem:$0x1F250]  }
0x431: {  	v18 =	vadd.s32 v33, v18;
	v33 =	vld [tilespmem:$0x1F3D0]  }
0x432: {  	v18 =	vadd.s32 v34, v18;
	v34 =	vld [tilespmem:$0x1F3E0]  }
0x433: {  	v5 =	vadd.s32 v54, v5;
	v54 =	vld [tilespmem:$0x1F260]  }
0x434: {  	v13 =	vadd.s32 v56, v13;
	v56 =	vld [tilespmem:$0x1F270]  }
0x435: {  	v18 =	vadd.s32 v31, v18;
	v31 =	vld [tilespmem:$0x1F3B0]  }
0x436: {  	v5 =	vadd.s32 v43, v5;
	v43 =	vld [tilespmem:$0x1F2C0]  }
0x437: {  	v13 =	vadd.s32 v44, v13;
	v44 =	vld [tilespmem:$0x1F2D0]  }
0x438: {  	v18 =	vadd.s32 v32, v18;
	v32 =	vld [tilespmem:$0x1F3C0]  }
0x439: {  	v5 =	vadd.s32 v45, v5;
	v45 =	vld [tilespmem:$0x1F2E0]  }
0x43a: {  	v13 =	vadd.s32 v46, v13;
	v46 =	vld [tilespmem:$0x1F2F0]  }
0x43b: {  	v18 =	vadd.s32 v30, v18;
	v30 =	vld [tilespmem:$0x1F3A0]  }
0x43c: {  	v5 =	vadd.s32 v47, v5;
	v47 =	vld [tilespmem:$0x1F300]  }
0x43d: {  	v13 =	vadd.s32 v48, v13;
	v48 =	vld [tilespmem:$0x1F310]  }
0x43e: {  	v18 =	vadd.s32 v29, v18;
	v29 =	vld [tilespmem:$0x1F390]  }
0x43f: {  	v5 =	vadd.s32 v49, v5;
	v49 =	vld [tilespmem:$0x1F320]  }
0x440: {  	v13 =	vadd.s32 v50, v13;
	v50 =	vld [tilespmem:$0x1F330]  }
0x441: {  	v18 =	vadd.s32 v27, v18;
	v27 =	vld [tilespmem:$0x1F380]  }
0x442: {  	v5 =	vadd.s32 v51, v5;
	v51 =	vld [tilespmem:$0x1F340]  }
0x443: {  	v13 =	vadd.s32 v53, v13;
	v53 =	vld [tilespmem:$0x1F350]  }
0x444: {  	v18 =	vadd.s32 v28, v18;
	v28 =	vld [tilespmem:$0x1F4D0]  }
0x445: {  	v5 =	vadd.s32 v54, v5;
	v54 =	vld [tilespmem:$0x1F360]  }
0x446: {  	v13 =	vadd.s32 v56, v13;
	v56 =	vld [tilespmem:$0x1F370]  }
0x447: {  	v18 =	vadd.s32 v24, v18;
	v5 =	vadd.s32 v37, v5;
	v37 =	vld [tilespmem:$0x1F410]  }
0x448: {  	v13 =	vadd.s32 v38, v13;
	v18 =	vadd.s32 v26, v18;
	v38 =	vld [tilespmem:$0x1F420]  }
0x449: {  	v5 =	vadd.s32 v39, v5;
	v18 =	vadd.s32 v23, v18;
	v39 =	vld [tilespmem:$0x1F430]  }
0x44a: {  	v13 =	vadd.s32 v40, v13;
	v40 =	vld [tilespmem:$0x1F440];
	v18 =	vadd.s32 v22, v18  }
0x44b: {  	v5 =	vadd.s32 v43, v5;
	v43 =	vld [tilespmem:$0x1F450];
	v15 =	vadd.s32 v15, v18  }
0x44c: {  	v2 =	vsel vm8, $0x1, v1;
	v13 =	vadd.s32 v44, v13;
	v44 =	vld [tilespmem:$0x1F460];
	v12 =	vadd.s32 v12, v15  }
0x44d: {  	v21 =	vsel vm11, $0x1, v1;
	v5 =	vadd.s32 v45, v5;
	v45 =	vld [tilespmem:$0x1F470];
	v12 =	vadd.s32 v14, v12  }
0x44e: {  	v13 =	vadd.s32 v46, v13;
	v46 =	vld [tilespmem:$0x1F480];
	v5 =	vadd.s32 v47, v5;
	v11 =	vadd.s32 v11, v12  }
0x44f: {  	v13 =	vadd.s32 v48, v13;
	v47 =	vld [tilespmem:$0x1F490];
	v5 =	vadd.s32 v49, v5;
	v11 =	vadd.s32 v16, v11  }
0x450: {  	v13 =	vadd.s32 v50, v13;
	v50 =	vld [tilespmem:$0x1F4A0];
	v5 =	vadd.s32 v51, v5;
	v10 =	vadd.s32 v10, v11  }
0x451: {  	v13 =	vadd.s32 v53, v13;
	v5 =	vadd.s32 v54, v5;
	v54 =	vld [tilespmem:$0x1F4B0];
	v10 =	vadd.s32 v25, v10  }
0x452: {  	v0 =	vsel vm9, $0x1, v1;
	v13 =	vadd.s32 v56, v13;
	v56 =	vld [tilespmem:$0x1F4C0];
	v9 =	vadd.s32 v9, v10  }
0x453: {  	vm8 =	vnez.u8 v44;
	v44 =	vld [tilespmem:$0x1F5E0];
	v5 =	vadd.s32 v27, v5;
	v9 =	vadd.s32 v17, v9  }
0x454: {  	v13 =	vadd.s32 v29, v13;
	v29 =	vld [tilespmem:$0x1F4E0];
	v5 =	vadd.s32 v30, v5;
	v7 =	vadd.s32 v7, v9  }
0x455: {  	v13 =	vadd.s32 v31, v13;
	v30 =	vld [tilespmem:$0x1F4F0];
	v5 =	vadd.s32 v32, v5;
	v6 =	vadd.s32 v6, v7  }
0x456: {  	v31 =	vld [tilespmem:$0x1F500];
	v13 =	vadd.s32 v33, v13;
	v5 =	vadd.s32 v34, v5;
	v2 =	vadd.s32 v2, v6  }
0x457: {  	v13 =	vadd.s32 v35, v13;
	v5 =	vadd.s32 v36, v5;
	v2 =	vadd.s32 v3, v2;
	v3 =	vld [tilespmem:$0x1F510]  }
0x458: {  	v33 =	vld [tilespmem:$0x1F530];
	v13 =	vadd.s32 v37, v13;
	v5 =	vadd.s32 v38, v5;
	v2 =	vadd.s32 v19, v2  }
0x459: {  	v35 =	vld [tilespmem:$0x1F550];
	v13 =	vadd.s32 v39, v13;
	v5 =	vadd.s32 v40, v5;
	v2 =	vadd.s32 v8, v2  }
0x45a: {  	v37 =	vld [tilespmem:$0x1F570];
	v13 =	vadd.s32 v43, v13;
	v5 =	vadd.s32 v28, v5;
	v2 =	vadd.s32 v21, v2  }
0x45b: {  	v13 =	vadd.s32 v46, v13;
	v5 =	vadd.s32 v30, v5;
	v0 =	vadd.s32 v0, v2;
	v2 =	vld [tilespmem:$0x1F590]  }
0x45c: {  	v32 =	vld [tilespmem:$0x1F520];
	v13 =	vadd.s32 v50, v13;
	v3 =	vadd.s32 v3, v5  }
0x45d: {  	v34 =	vld [tilespmem:$0x1F540];
	v13 =	vadd.s32 v54, v13;
	v3 =	vadd.s32 v33, v3  }
0x45e: {  	v15 =	vsel vm8, $0x1, v1;
	v36 =	vld [tilespmem:$0x1F560];
	v13 =	vadd.s32 v56, v13;
	v3 =	vadd.s32 v35, v3  }
0x45f: {  	vm8 =	vnez.u8 v45;
	v38 =	vld [tilespmem:$0x1F580];
	v13 =	vadd.s32 v29, v13;
	v3 =	vadd.s32 v37, v3  }
0x460: {  	v14 =	vsel vm8, $0x1, v1;
	v6 =	vadd.s32 v31, v13;
	v2 =	vadd.s32 v2, v3;
	v3 =	vld [tilespmem:$0x1F5A0]  }
0x461: {  	vm8 =	vnez.u8 v47;
	v40 =	vld [tilespmem:$0x1F5C0];
	v0 =	vadd.s32 v15, v0;
	v5 =	vadd.s32 v32, v6  }
0x462: {  	v18 =	vsel vm8, $0x1, v1;
	v39 =	vld [tilespmem:$0x1F5B0];
	v0 =	vadd.s32 v14, v0;
	v5 =	vadd.s32 v34, v5  }
0x463: {  	v48 =	vsel vm5, $0x1, v1;
	v46 =	vld [tilespmem:$0x1F600];
	v0 =	vadd.s32 v18, v0;
	v5 =	vadd.s32 v36, v5  }
0x464: {  	v0 =	vadd.s32 v48, v0;
	v48 =	vld [tilespmem:$0x1F620];
	v5 =	vadd.s32 v38, v5  }
0x465: {  	v50 =	vld [tilespmem:$0x1F640];
	v3 =	vadd.s32 v3, v5  }
0x466: {  	v43 =	vld [tilespmem:$0x1F5D0];
	v3 =	vadd.s32 v40, v3  }
0x467: {  	v24 =	vsel vm13, $0x1, v1;
	v23 =	vsel vm10, $0x1, v1;
	v45 =	vld [tilespmem:$0x1F5F0];
	v3 =	vadd.s32 v44, v3  }
0x468: {  	v49 =	vsel vm6, $0x1, v1;
	v51 =	vsel vm7, $0x1, v1;
	v47 =	vld [tilespmem:$0x1F610];
	v3 =	vadd.s32 v46, v3  }
0x469: {  	v53 =	vsel vm4, $0x1, v1;
	v0 =	vadd.s32 v49, v0;
	v49 =	vld [tilespmem:$0x1F630];
	v3 =	vadd.s32 v48, v3  }
0x46a: {  	v2 =	vadd.s32 v39, v2;
	v0 =	vadd.s32 v51, v0;
	v51 =	vld [tilespmem:$0x1F650];
	v3 =	vadd.s32 v50, v3  }
0x46b: {  	v2 =	vadd.s32 v43, v2;
	v0 =	vadd.s32 v53, v0;
	v53 =	vld [tilespmem:$0x1F660];
	v3 =	vadd.s32 v63, v3  }
0x46c: {  	v22 =	vsel vm3, $0x1, v1;
	v54 =	vld [tilespmem:$0x1F670];
	v2 =	vadd.s32 v45, v2;
	v3 =	vadd.s32 v61, v3  }
0x46d: {  	v10 =	vsel vm2, $0x1, v1;
	v56 =	vld [tilespmem:$0x1F680];
	v2 =	vadd.s32 v47, v2;
	v3 =	vadd.s32 v62, v3  }
0x46e: {  	v0 =	vadd.s32 v22, v0;
	v2 =	vadd.s32 v49, v2;
	v3 =	vadd.s32 v59, v3;
	v59 =	vld [tilespmem:$0x1F690]  }
0x46f: {  	v17 =	vsel vm12, $0x1, v1;
	v0 =	vadd.s32 v23, v0;
	v2 =	vadd.s32 v51, v2;
	v61 =	vld [tilespmem:$0x1F6A0]  }
0x470: {  	v9 =	vsel vm14, $0x1, v1;
	v0 =	vadd.s32 v10, v0;
	v2 =	vadd.s32 v53, v2;
	v62 =	vld [tilespmem:$0x1F6B0]  }
0x471: {  	v7 =	vsel vm15, $0x1, v1;
	v0 =	vadd.s32 v17, v0;
	v2 =	vadd.s32 v54, v2  }
0x472: {  	v0 =	vadd.s32 v24, v0;
	v2 =	vadd.s32 v56, v2;
	v3 =	vadd.s32 v60, v3  }
0x473: {  	p1 =	por p0, p0;
	v0 =	vadd.s32 v9, v0;
	v3 =	vadd.s32 v55, v3;
	v2 =	vadd.s32 v59, v2  }
.Ltmp1:
0x474: {  	v0 =	vadd.s32 v7, v0;
	v3 =	vadd.s32 v57, v3;
	v2 =	vadd.s32 v61, v2;
	(pc) =	sbr.rel @p1 .LBB2_5-.Ltmp1, $4  }
0x475: {  	[tilespmem:s22+$0x8800] =	vst v4;
	v63 =	vsel vm1, $0x1, v1;
	v3 =	vadd.s32 v52, v3;
	v2 =	vadd.s32 v62, v2  }
0x476: {  	v0 =	vadd.s32 v63, v0;
	[tilespmem:s23+$0x8800] =	vst v2;
	v2 =	vadd.s32 v58, v3;
	v3 =	vsel vm0, $0x1, v1  }
0x477: {  	[tilespmem:s30+$0x8800] =	vst v2;
	v0 =	vadd.s32 v3, v0  }
0x478: {  	s24 =	simm.s32 $0x40;
	p0 =	por $0x0, $0x0;
	v41 =	vld [tilespmem:$0x1FFF0];
	v42 =	vimm.s32 $0x1;
	[tilespmem:s31+$0x8800] =	vst v0  }
0x479: {  	s20 =	sadd.s32 $0x1, s20  }
0x47a: {  	p0 =	sne.s32 s20, $0x8  }
.Ltmp2:
0x47b: {  	_ = 	snop;
	(pc) =	sbr.rel @p0 .LBB2_2-.Ltmp2, $1  }
0x47c: {  	_ =	sdelay $0x3  }
0x47d: {  	s19 =	sadd.s32 $0x1, s19  }
0x47e: {  	p0 =	sne.s32 s19, s9  }
.Ltmp3:
0x47f: {  	_ = 	snop;
	(pc) =	sbr.rel @p0 .LBB2_1-.Ltmp3, $4  }
0x480: {  	[hbm4b:s8+s10] =	stream.strided.scatter [tilespmem:s18], [sflag:$0x3], $0x800, s17, s10, $0x38;
	[tilespmem:$0x9000] =	vst v63  }
0x481: {  	_ =	swait.ge [sflag:s13], $0x800  }
0x482: {  	[sflag:s13] =	ssyncset.done $0x0  }
0x483: {  	[sflag:s13] =	ssyncadd.s32 $0xFFFFF800  }
0x484: {  	_ =	sfence.sel $0x180000  }
0x485: {  	[bflag:$0x0] =	sbarrier.arrive $0xFFFF  }
0x486: {  	p0 =	sne.s32 s1, $0x0;
	_ =	strace $0x90000047  }
0x487: {  	s0 =	sadd.s32 @!p0 $0x100000, s0;
	[bflag:$0x2] =	sbarrier.arrive $0xFFFF  }
0x488: {  	[sflag:s0] =	ssyncadd.tile.s32 @!p0 $0x1;
	_ =	shalt  }
.Lfunc_end2:
_tile_overlayer_lowered:
.L_overlay_start_2:
0x489: {  	(tag) =	ssettag $0x2  }
0x48a: {  	s0 =	rddreg [dreg:$0x0];
	s2 =	stileid.u32  }
0x48b: {  	s1 =	rddreg [dreg:$0x1];
	p0 =	sne.s32 s2, $0x0  }
0x48c: {  	s3 =	rddreg [dreg:$0x2];
	[bflag:$0x3] =	sbarrier.arrive $0xFFFF;
	s2 =	simm.s32 @!p0 $0x1C03  }
0x48d: {  	[timem:s3], [sflag:s2] =	dma.local @!p0 [hbm:s0], s1  }
0x48e: {  	s0 =	simm.s32 @!p0 $0x3  }
0x48f: {  	_ =	swait.ge @!p0 [sflag:s0], s1  }
0x490: {  	s1 =	ssub.s32 @!p0 $0x0, s1;
	[sflag:s0] =	ssyncset.done @!p0 $0x0  }
0x491: {  	[sflag:s0] =	ssyncadd.s32 @!p0 s1  }
0x492: {  	[bflag:$0x3] =	sbarrier.arrive $0xFFFF  }
0x493: {  	_ =	shalt  }

</sc_bundles>
